<compile_context>
chip_gen: v7x
topology: tpu7x:2x2x1
jax: 0.10.2.dev20260603
libtpu: 0.0.44.dev20260713+nightly
codegen_flags: <defaults>
</compile_context>

<pallas_src>
import functools

import jax
import jax.numpy as jnp
from jax import lax
from jax.experimental import pallas as pl
from jax.experimental.pallas import tpu as pltpu
from jax.experimental.pallas import tpu_sc as plsc

LANES = 128
S0 = 512
S1 = 256
NB = 32
N0 = 16384
N1 = 4096
NW = 16
NROW = 2 * NB
COLS = NROW * 16 // NW


def _kl(x, y):
    mx = jnp.max(x, axis=0, keepdims=True)
    ex = jnp.exp(x - mx)
    sx = jnp.sum(ex, axis=0, keepdims=True)
    my = jnp.max(y, axis=0, keepdims=True)
    ey = jnp.exp(y - my)
    sy = jnp.sum(ey, axis=0, keepdims=True)
    t = jnp.sum(ex * (x - y), axis=0, keepdims=True) / sx
    return t - (mx + jnp.log(sx)) + (my + jnp.log(sy))


def _scale_body(x0_ref, x1_ref, x2_ref, x3_ref, y0_ref, y1_ref, y2_ref, y3_ref, out_ref):
    s = x0_ref.shape[2]
    xs = [x0_ref, x1_ref, x2_ref, x3_ref]
    ys = [y0_ref, y1_ref, y2_ref, y3_ref]
    for k in range(4):
        out_ref[0, 0, k * s:(k + 1) * s] = _kl(xs[k][0], ys[k][0])[0]


def _kl_call(x, y, s_blk):
    b, c, hw = x.shape
    nb = hw // (4 * s_blk)
    def fk(k):
        return pl.BlockSpec((1, c, s_blk), lambda i, k=k: (i // nb, 0, 4 * (i % nb) + k))
    return pl.pallas_call(
        _scale_body,
        grid=(b * nb,),
        in_specs=[fk(0), fk(1), fk(2), fk(3)] * 2,
        out_specs=pl.BlockSpec((1, 1, 4 * s_blk), lambda i: (i // nb, 0, i % nb)),
        out_shape=jax.ShapeDtypeStruct((b, 1, hw), jnp.float32),
    )(x, x, x, x, y, y, y, y)


def _mesh():
    return plsc.VectorSubcoreMesh(
        core_axis_name="c", subcore_axis_name="s", num_cores=1)


def _bin_and_reduce(n_pix, kl_hbm, lab_hbm, kl_v, lab_v, bins_v, strip_v,
                    sem, shared, wid):
    cpw = n_pix // NW
    ones16 = jnp.ones((16,), jnp.float32)

    cps = [
        pltpu.async_copy(kl_hbm.at[pl.ds(wid * cpw, cpw)], kl_v, sem),
        pltpu.async_copy(lab_hbm.at[pl.ds(wid * cpw, cpw)], lab_v, sem),
    ]
    for cp in cps:
        cp.wait()

    def step(j, carry):
        accs = list(carry)
        labv = lab_v[pl.ds(j * 16, 16)]
        klv = kl_v[pl.ds(j * 16, 16)]
        for cl in range(21):
            mask = labv == cl
            accs[cl] = accs[cl] + jnp.where(mask, klv, jnp.float32(0.0))
            accs[21 + cl] = accs[21 + cl] + jnp.where(mask, ones16, jnp.float32(0.0))
        return tuple(accs)

    init = tuple(jnp.zeros((16,), jnp.float32) for _ in range(42))
    accs = lax.fori_loop(0, cpw // 16, step, init)
    zeros16 = jnp.zeros((16,), jnp.float32)
    for j in range(NROW):
        bins_v[pl.ds(j * 16, 16)] = zeros16
    for cl in range(21):
        bins_v[pl.ds(cl * 16, 16)] = accs[cl]
        bins_v[pl.ds((NB + cl) * 16, 16)] = accs[21 + cl]

    pltpu.sync_copy(bins_v, shared.at[wid])
    plsc.subcore_barrier()

    base = wid * COLS
    for r in range(NW):
        pltpu.sync_copy(shared.at[r, pl.ds(base, COLS)],
                        strip_v.at[pl.ds(r * COLS, COLS)])
    acc = [jnp.zeros((16,), jnp.float32) for _ in range(COLS // 16)]
    for r in range(NW):
        for k in range(COLS // 16):
            acc[k] = acc[k] + strip_v[pl.ds(r * COLS + k * 16, 16)]
    for k in range(COLS // 16):
        strip_v[pl.ds(k * 16, 16)] = acc[k]


def _sc_bin0(kl0, lab0):
    cpw = N0 // NW

    @functools.partial(
        pl.kernel,
        mesh=_mesh(),
        out_type=jax.ShapeDtypeStruct((NROW * 16,), jnp.float32),
        compiler_params=pltpu.CompilerParams(needs_layout_passes=False),
        scratch_types=[
            pltpu.VMEM((cpw,), jnp.float32),
            pltpu.VMEM((cpw,), jnp.int32),
            pltpu.VMEM((NROW * 16,), jnp.float32),
            pltpu.VMEM((NW * COLS,), jnp.float32),
            pltpu.SemaphoreType.DMA,
            pltpu.VMEM_SHARED((NW, NROW * 16), jnp.float32),
        ],
    )
    def body(kl_hbm, lab_hbm, out_hbm, kl_v, lab_v, bins_v, strip_v, sem,
             shared):
        wid = lax.axis_index("s")
        _bin_and_reduce(N0, kl_hbm, lab_hbm, kl_v, lab_v, bins_v, strip_v,
                        sem, shared, wid)
        pltpu.sync_copy(strip_v.at[pl.ds(0, COLS)],
                        out_hbm.at[pl.ds(wid * COLS, COLS)])

    return body(kl0, lab0)


def _sc_bin1_combine(kl1, lab1, tot0, gate):
    cpw = N1 // NW

    @functools.partial(
        pl.kernel,
        mesh=_mesh(),
        out_type=jax.ShapeDtypeStruct((16,), jnp.float32),
        compiler_params=pltpu.CompilerParams(needs_layout_passes=False),
        scratch_types=[
            pltpu.VMEM((cpw,), jnp.float32),
            pltpu.VMEM((cpw,), jnp.int32),
            pltpu.VMEM((NROW * 16,), jnp.float32),
            pltpu.VMEM((NW * COLS,), jnp.float32),
            pltpu.VMEM((NROW * 16,), jnp.float32),
            pltpu.VMEM((NROW * 16,), jnp.float32),
            pltpu.VMEM((2 * NB,), jnp.float32),
            pltpu.VMEM((16,), jnp.float32),
            pltpu.SemaphoreType.DMA,
            pltpu.VMEM_SHARED((NW, NROW * 16), jnp.float32),
            pltpu.VMEM_SHARED((NROW * 16,), jnp.float32),
        ],
    )
    def body(kl_hbm, lab_hbm, tot0_hbm, gate_hbm, out_hbm, kl_v, lab_v,
             bins_v, strip_v, tot0_v, tot1_v, gate_v, loss_v, sem, shared,
             shared2):
        wid = lax.axis_index("s")
        lane = lax.iota(jnp.int32, 16)
        _bin_and_reduce(N1, kl_hbm, lab_hbm, kl_v, lab_v, bins_v, strip_v,
                        sem, shared, wid)
        pltpu.sync_copy(strip_v.at[pl.ds(0, COLS)],
                        shared2.at[pl.ds(wid * COLS, COLS)])
        plsc.subcore_barrier()

        @pl.when(wid == 0)
        def _combine():
            pltpu.sync_copy(gate_hbm, gate_v)
            pltpu.sync_copy(tot0_hbm, tot0_v)
            pltpu.sync_copy(shared2, tot1_v)

            def totals(tv, qbase):
                lo = jnp.zeros((16,), jnp.float32)
                hi = jnp.zeros((16,), jnp.float32)
                for cl in range(21):
                    s = jnp.sum(tv[pl.ds((qbase + cl) * 16, 16)])
                    vec = jnp.full((16,), s, jnp.float32)
                    if cl < 16:
                        lo = jnp.where(lane == cl, vec, lo)
                    else:
                        hi = jnp.where(lane == cl - 16, vec, hi)
                return lo, hi

            def term(tv):
                s_lo, s_hi = totals(tv, 0)
                c_lo, c_hi = totals(tv, NB)
                t = jnp.float32(0.0)
                for s, c, g_off in ((s_lo, c_lo, 0), (s_hi, c_hi, 16)):
                    g = gate_v[pl.ds(g_off, 16)]
                    klc = s / jnp.maximum(c, jnp.float32(1.0))
                    contrib = g * jnp.where(c > jnp.float32(0.0), klc, jnp.float32(0.0))
                    t = t + jnp.sum(contrib)
                return t

            loss = term(tot0_v) + jnp.float32(2.0) * term(tot1_v)
            loss_v[...] = jnp.full((16,), loss, jnp.float32)
            pltpu.sync_copy(loss_v, out_hbm)

    return body(kl1, lab1, tot0, gate)


def kernel(pseudo_labels, feat_old_0, feat_0, feat_old_1, feat_1, num_class, num_old_class):
    b = pseudo_labels.shape[0]

    lab0 = pseudo_labels[:, 0, ::8, ::8].reshape(N0)
    lab1 = pseudo_labels[:, 0, ::16, ::16].reshape(N1)

    x0 = feat_0.reshape(b, 384, 4096)
    y0 = feat_old_0.reshape(b, 384, 4096)
    x1 = feat_1.reshape(b, 768, 1024)
    y1 = feat_old_1.reshape(b, 768, 1024)

    kl0 = _kl_call(x0, y0, S0).reshape(N0)
    tot0 = _sc_bin0(kl0, lab0)
    kl1 = _kl_call(x1, y1, S1).reshape(N1)

    cls = jnp.arange(2 * NB, dtype=jnp.float32)
    noc = jnp.asarray(num_old_class, jnp.float32)
    nc = jnp.asarray(num_class, jnp.float32)
    gate = jnp.where(
        cls == 0,
        noc / nc,
        jnp.where((cls <= noc) & (cls < 21), jnp.float32(1.0), jnp.float32(0.0)),
    )

    out = _sc_bin1_combine(kl1, lab1, tot0, gate)
    return out[0]

# --- scband reference (transcript-rebuilt; emitter-appended) ---
"""Pipeline reference for scband-multi-scale-region-distillation-loss-3-33414845562966 (READ-ONLY COPY).

The authoritative reference and input builder live on the scoring server;
editing this copy changes nothing except your own understanding.
"""

import jax, jax.numpy as jnp
import numpy as np


def _nearest_resize(x, H, W):
    B, C, Hp, Wp = x.shape
    r = jnp.floor(jnp.arange(H) * (Hp / float(H))).astype(jnp.int32)
    c = jnp.floor(jnp.arange(W) * (Wp / float(W))).astype(jnp.int32)
    return x[:, :, r, :][:, :, :, c]


def _kl_rows(inputs, targets):
    p = jax.nn.softmax(inputs, axis=1)
    logp = jax.nn.log_softmax(inputs, axis=1)
    logq = jax.nn.log_softmax(targets, axis=1)
    return jnp.sum(p * (logp - logq), axis=1)


def setup_inputs(seed: int = 0):
    key = jax.random.key(seed)
    k1, k2, k3, k4, k5 = jax.random.split(key, 5)
    pseudo_labels = jax.random.randint(k1, (4, 1, 512, 512), 0, 21, dtype=jnp.int32)
    feat_old_0 = jax.random.normal(k2, (4, 384, 64, 64), dtype=jnp.float32)
    feat_0 = jax.random.normal(k3, (4, 384, 64, 64), dtype=jnp.float32)
    feat_old_1 = jax.random.normal(k4, (4, 768, 32, 32), dtype=jnp.float32)
    feat_1 = jax.random.normal(k5, (4, 768, 32, 32), dtype=jnp.float32)
    return {
        "pseudo_labels": pseudo_labels,
        "feat_old_0": feat_old_0,
        "feat_0": feat_0,
        "feat_old_1": feat_old_1,
        "feat_1": feat_1,
        "num_class": 21,
        "num_old_class": 15,
    }


def reference(pseudo_labels, feat_old_0, feat_0, feat_old_1, feat_1, num_class, num_old_class):
    weight = jnp.array([1, 2, 3, 4, 5, 1], dtype=jnp.float32)
    feats = [feat_0, feat_1]
    feats_old = [feat_old_0, feat_old_1]
    loss = jnp.float32(0.0)
    for idx in range(len(feats)):
        B, C, H, W = feats[idx].shape
        pl_map = _nearest_resize(pseudo_labels, H, W)
        pl_flat = pl_map.reshape(-1)
        feat = jnp.transpose(feats[idx], (0, 2, 3, 1)).reshape(-1, C)
        feat_old = jnp.transpose(feats_old[idx], (0, 2, 3, 1)).reshape(-1, C)
        kl_row = _kl_rows(feat, feat_old)
        for cl in range(21):
            mask = pl_flat == cl
            cnt = jnp.sum(mask.astype(jnp.float32))
            present = cnt > 0
            kl_cl = jnp.sum(jnp.where(mask, kl_row, jnp.float32(0.0))) / jnp.maximum(cnt, 1.0)
            if cl == 0:
                dis = (num_old_class / num_class) * kl_cl
            else:
                dis = jnp.where(cl <= num_old_class, kl_cl, jnp.float32(0.0))
            loss = loss + weight[idx] * jnp.where(present, dis, jnp.float32(0.0))
    return loss

if __name__ == "__main__":
    import jax
    _d = setup_inputs()
    print(jax.jit(kernel)(*tuple(_d.values())))

</pallas_src>

<mosaic_0001>
#map = affine_map<(d0, d1) -> (0)>
module attributes {stable_mosaic.version = 14 : i64} {
  func.func @body(%arg0: i32, %arg1: i32, %arg2: memref<16384xf32, #tpu.memory_space<hbm>>, %arg3: memref<16384xi32, #tpu.memory_space<hbm>>, %arg4: memref<1024xf32, #tpu.memory_space<hbm>>, %arg5: memref<1024xf32, #tpu.memory_space<vmem>>, %arg6: memref<1024xi32, #tpu.memory_space<vmem>>, %arg7: memref<1024xf32, #tpu.memory_space<vmem>>, %arg8: memref<1024xf32, #tpu.memory_space<vmem>>, %arg9: memref<!tpu.dma_semaphore, #tpu.memory_space<semaphore_mem>>, %arg10: memref<16x1024xf32, #tpu.memory_space<vmem_shared>>) attributes {dimension_semantics = [#tpu.dimension_semantics<core_parallel>, #tpu.dimension_semantics<subcore_parallel>], iteration_bounds = array<i64: 1, 16>, scalar_prefetch = 0 : i64, scratch_operands = 6 : i64, tpu.core_type = #tpu.core_type<sc_vector_subcore>, window_params = [{transform_indices = #map}, {transform_indices = #map}, {transform_indices = #map}]} {
    %broadcast_in_dim3A = arith.constant 1.000000e+00 : f32
    %broadcast_in_dim3A_0 = vector.broadcast %broadcast_in_dim3A : f32 to vector<16xf32>
    %mul3A = arith.constant 1024 : i32
    %mul3A_1 = arith.muli %arg1, %mul3A : i32
    %dma_start3A = tpu.memref_slice %arg2[%mul3A_1] : memref<16384xf32, #tpu.memory_space<hbm>> -> memref<1024xf32, #tpu.memory_space<hbm>>
    %dma_start3A_2 = tpu.memref_slice %arg2[%mul3A_1] : memref<16384xf32, #tpu.memory_space<hbm>> -> memref<1024xf32, #tpu.memory_space<hbm>>
    tpu.enqueue_dma source(%dma_start3A_2 : memref<1024xf32, #tpu.memory_space<hbm>>) target(%arg5 : memref<1024xf32, #tpu.memory_space<vmem>>) target_semaphore(%arg9 : memref<!tpu.dma_semaphore, #tpu.memory_space<semaphore_mem>>)
    %mul3A_3 = arith.constant 1024 : i32
    %mul3A_4 = arith.muli %arg1, %mul3A_3 : i32
    %dma_start3A_5 = tpu.memref_slice %arg3[%mul3A_4] : memref<16384xi32, #tpu.memory_space<hbm>> -> memref<1024xi32, #tpu.memory_space<hbm>>
    %dma_start3A_6 = tpu.memref_slice %arg3[%mul3A_4] : memref<16384xi32, #tpu.memory_space<hbm>> -> memref<1024xi32, #tpu.memory_space<hbm>>
    tpu.enqueue_dma source(%dma_start3A_6 : memref<1024xi32, #tpu.memory_space<hbm>>) target(%arg6 : memref<1024xi32, #tpu.memory_space<vmem>>) target_semaphore(%arg9 : memref<!tpu.dma_semaphore, #tpu.memory_space<semaphore_mem>>)
    %dma_wait3A = tpu.memref_slice %arg2[%mul3A_1] : memref<16384xf32, #tpu.memory_space<hbm>> -> memref<1024xf32, #tpu.memory_space<hbm>>
    %dma_wait3A_7 = tpu.memref_slice %arg2[%mul3A_1] : memref<16384xf32, #tpu.memory_space<hbm>> -> memref<1024xf32, #tpu.memory_space<hbm>>
    tpu.wait_dma2 semaphore(%arg9 : memref<!tpu.dma_semaphore, #tpu.memory_space<semaphore_mem>>) src(%dma_wait3A_7 : memref<1024xf32, #tpu.memory_space<hbm>>) dst(%arg5 : memref<1024xf32, #tpu.memory_space<vmem>>)
    %dma_wait3A_8 = tpu.memref_slice %arg3[%mul3A_4] : memref<16384xi32, #tpu.memory_space<hbm>> -> memref<1024xi32, #tpu.memory_space<hbm>>
    %dma_wait3A_9 = tpu.memref_slice %arg3[%mul3A_4] : memref<16384xi32, #tpu.memory_space<hbm>> -> memref<1024xi32, #tpu.memory_space<hbm>>
    tpu.wait_dma2 semaphore(%arg9 : memref<!tpu.dma_semaphore, #tpu.memory_space<semaphore_mem>>) src(%dma_wait3A_9 : memref<1024xi32, #tpu.memory_space<hbm>>) dst(%arg6 : memref<1024xi32, #tpu.memory_space<vmem>>)
    %broadcast_in_dim3A_10 = arith.constant 0.000000e+00 : f32
    %broadcast_in_dim3A_11 = vector.broadcast %broadcast_in_dim3A_10 : f32 to vector<16xf32>
    %broadcast_in_dim3A_12 = arith.constant 0.000000e+00 : f32
    %broadcast_in_dim3A_13 = vector.broadcast %broadcast_in_dim3A_12 : f32 to vector<16xf32>
    %broadcast_in_dim3A_14 = arith.constant 0.000000e+00 : f32
    %broadcast_in_dim3A_15 = vector.broadcast %broadcast_in_dim3A_14 : f32 to vector<16xf32>
    %broadcast_in_dim3A_16 = arith.constant 0.000000e+00 : f32
    %broadcast_in_dim3A_17 = vector.broadcast %broadcast_in_dim3A_16 : f32 to vector<16xf32>
    %broadcast_in_dim3A_18 = arith.constant 0.000000e+00 : f32
    %broadcast_in_dim3A_19 = vector.broadcast %broadcast_in_dim3A_18 : f32 to vector<16xf32>
    %broadcast_in_dim3A_20 = arith.constant 0.000000e+00 : f32
    %broadcast_in_dim3A_21 = vector.broadcast %broadcast_in_dim3A_20 : f32 to vector<16xf32>
    %broadcast_in_dim3A_22 = arith.constant 0.000000e+00 : f32
    %broadcast_in_dim3A_23 = vector.broadcast %broadcast_in_dim3A_22 : f32 to vector<16xf32>
    %broadcast_in_dim3A_24 = arith.constant 0.000000e+00 : f32
    %broadcast_in_dim3A_25 = vector.broadcast %broadcast_in_dim3A_24 : f32 to vector<16xf32>
    %broadcast_in_dim3A_26 = arith.constant 0.000000e+00 : f32
    %broadcast_in_dim3A_27 = vector.broadcast %broadcast_in_dim3A_26 : f32 to vector<16xf32>
    %broadcast_in_dim3A_28 = arith.constant 0.000000e+00 : f32
    %broadcast_in_dim3A_29 = vector.broadcast %broadcast_in_dim3A_28 : f32 to vector<16xf32>
    %broadcast_in_dim3A_30 = arith.constant 0.000000e+00 : f32
    %broadcast_in_dim3A_31 = vector.broadcast %broadcast_in_dim3A_30 : f32 to vector<16xf32>
    %broadcast_in_dim3A_32 = arith.constant 0.000000e+00 : f32
    %broadcast_in_dim3A_33 = vector.broadcast %broadcast_in_dim3A_32 : f32 to vector<16xf32>
    %broadcast_in_dim3A_34 = arith.constant 0.000000e+00 : f32
    %broadcast_in_dim3A_35 = vector.broadcast %broadcast_in_dim3A_34 : f32 to vector<16xf32>
    %broadcast_in_dim3A_36 = arith.constant 0.000000e+00 : f32
    %broadcast_in_dim3A_37 = vector.broadcast %broadcast_in_dim3A_36 : f32 to vector<16xf32>
    %broadcast_in_dim3A_38 = arith.constant 0.000000e+00 : f32
    %broadcast_in_dim3A_39 = vector.broadcast %broadcast_in_dim3A_38 : f32 to vector<16xf32>
    %broadcast_in_dim3A_40 = arith.constant 0.000000e+00 : f32
    %broadcast_in_dim3A_41 = vector.broadcast %broadcast_in_dim3A_40 : f32 to vector<16xf32>
    %broadcast_in_dim3A_42 = arith.constant 0.000000e+00 : f32
    %broadcast_in_dim3A_43 = vector.broadcast %broadcast_in_dim3A_42 : f32 to vector<16xf32>
    %broadcast_in_dim3A_44 = arith.constant 0.000000e+00 : f32
    %broadcast_in_dim3A_45 = vector.broadcast %broadcast_in_dim3A_44 : f32 to vector<16xf32>
    %broadcast_in_dim3A_46 = arith.constant 0.000000e+00 : f32
    %broadcast_in_dim3A_47 = vector.broadcast %broadcast_in_dim3A_46 : f32 to vector<16xf32>
    %broadcast_in_dim3A_48 = arith.constant 0.000000e+00 : f32
    %broadcast_in_dim3A_49 = vector.broadcast %broadcast_in_dim3A_48 : f32 to vector<16xf32>
    %broadcast_in_dim3A_50 = arith.constant 0.000000e+00 : f32
    %broadcast_in_dim3A_51 = vector.broadcast %broadcast_in_dim3A_50 : f32 to vector<16xf32>
    %broadcast_in_dim3A_52 = arith.constant 0.000000e+00 : f32
    %broadcast_in_dim3A_53 = vector.broadcast %broadcast_in_dim3A_52 : f32 to vector<16xf32>
    %broadcast_in_dim3A_54 = arith.constant 0.000000e+00 : f32
    %broadcast_in_dim3A_55 = vector.broadcast %broadcast_in_dim3A_54 : f32 to vector<16xf32>
    %broadcast_in_dim3A_56 = arith.constant 0.000000e+00 : f32
    %broadcast_in_dim3A_57 = vector.broadcast %broadcast_in_dim3A_56 : f32 to vector<16xf32>
    %broadcast_in_dim3A_58 = arith.constant 0.000000e+00 : f32
    %broadcast_in_dim3A_59 = vector.broadcast %broadcast_in_dim3A_58 : f32 to vector<16xf32>
    %broadcast_in_dim3A_60 = arith.constant 0.000000e+00 : f32
    %broadcast_in_dim3A_61 = vector.broadcast %broadcast_in_dim3A_60 : f32 to vector<16xf32>
    %broadcast_in_dim3A_62 = arith.constant 0.000000e+00 : f32
    %broadcast_in_dim3A_63 = vector.broadcast %broadcast_in_dim3A_62 : f32 to vector<16xf32>
    %broadcast_in_dim3A_64 = arith.constant 0.000000e+00 : f32
    %broadcast_in_dim3A_65 = vector.broadcast %broadcast_in_dim3A_64 : f32 to vector<16xf32>
    %broadcast_in_dim3A_66 = arith.constant 0.000000e+00 : f32
    %broadcast_in_dim3A_67 = vector.broadcast %broadcast_in_dim3A_66 : f32 to vector<16xf32>
    %broadcast_in_dim3A_68 = arith.constant 0.000000e+00 : f32
    %broadcast_in_dim3A_69 = vector.broadcast %broadcast_in_dim3A_68 : f32 to vector<16xf32>
    %broadcast_in_dim3A_70 = arith.constant 0.000000e+00 : f32
    %broadcast_in_dim3A_71 = vector.broadcast %broadcast_in_dim3A_70 : f32 to vector<16xf32>
    %broadcast_in_dim3A_72 = arith.constant 0.000000e+00 : f32
    %broadcast_in_dim3A_73 = vector.broadcast %broadcast_in_dim3A_72 : f32 to vector<16xf32>
    %broadcast_in_dim3A_74 = arith.constant 0.000000e+00 : f32
    %broadcast_in_dim3A_75 = vector.broadcast %broadcast_in_dim3A_74 : f32 to vector<16xf32>
    %broadcast_in_dim3A_76 = arith.constant 0.000000e+00 : f32
    %broadcast_in_dim3A_77 = vector.broadcast %broadcast_in_dim3A_76 : f32 to vector<16xf32>
    %broadcast_in_dim3A_78 = arith.constant 0.000000e+00 : f32
    %broadcast_in_dim3A_79 = vector.broadcast %broadcast_in_dim3A_78 : f32 to vector<16xf32>
    %broadcast_in_dim3A_80 = arith.constant 0.000000e+00 : f32
    %broadcast_in_dim3A_81 = vector.broadcast %broadcast_in_dim3A_80 : f32 to vector<16xf32>
    %broadcast_in_dim3A_82 = arith.constant 0.000000e+00 : f32
    %broadcast_in_dim3A_83 = vector.broadcast %broadcast_in_dim3A_82 : f32 to vector<16xf32>
    %broadcast_in_dim3A_84 = arith.constant 0.000000e+00 : f32
    %broadcast_in_dim3A_85 = vector.broadcast %broadcast_in_dim3A_84 : f32 to vector<16xf32>
    %broadcast_in_dim3A_86 = arith.constant 0.000000e+00 : f32
    %broadcast_in_dim3A_87 = vector.broadcast %broadcast_in_dim3A_86 : f32 to vector<16xf32>
    %broadcast_in_dim3A_88 = arith.constant 0.000000e+00 : f32
    %broadcast_in_dim3A_89 = vector.broadcast %broadcast_in_dim3A_88 : f32 to vector<16xf32>
    %broadcast_in_dim3A_90 = arith.constant 0.000000e+00 : f32
    %broadcast_in_dim3A_91 = vector.broadcast %broadcast_in_dim3A_90 : f32 to vector<16xf32>
    %broadcast_in_dim3A_92 = arith.constant 0.000000e+00 : f32
    %broadcast_in_dim3A_93 = vector.broadcast %broadcast_in_dim3A_92 : f32 to vector<16xf32>
    %scan3A = arith.constant 0 : i32
    %scan3A_94 = arith.constant 64 : i32
    %scan3A_95 = arith.addi %scan3A, %scan3A_94 : i32
    %scan3A_96 = arith.constant 1 : i32
    %scan3A_97:42 = scf.for %scan3A_537 = %scan3A to %scan3A_95 step %scan3A_96 iter_args(%scan3A_538 = %broadcast_in_dim3A_11, %scan3A_539 = %broadcast_in_dim3A_13, %scan3A_540 = %broadcast_in_dim3A_15, %scan3A_541 = %broadcast_in_dim3A_17, %scan3A_542 = %broadcast_in_dim3A_19, %scan3A_543 = %broadcast_in_dim3A_21, %scan3A_544 = %broadcast_in_dim3A_23, %scan3A_545 = %broadcast_in_dim3A_25, %scan3A_546 = %broadcast_in_dim3A_27, %scan3A_547 = %broadcast_in_dim3A_29, %scan3A_548 = %broadcast_in_dim3A_31, %scan3A_549 = %broadcast_in_dim3A_33, %scan3A_550 = %broadcast_in_dim3A_35, %scan3A_551 = %broadcast_in_dim3A_37, %scan3A_552 = %broadcast_in_dim3A_39, %scan3A_553 = %broadcast_in_dim3A_41, %scan3A_554 = %broadcast_in_dim3A_43, %scan3A_555 = %broadcast_in_dim3A_45, %scan3A_556 = %broadcast_in_dim3A_47, %scan3A_557 = %broadcast_in_dim3A_49, %scan3A_558 = %broadcast_in_dim3A_51, %scan3A_559 = %broadcast_in_dim3A_53, %scan3A_560 = %broadcast_in_dim3A_55, %scan3A_561 = %broadcast_in_dim3A_57, %scan3A_562 = %broadcast_in_dim3A_59, %scan3A_563 = %broadcast_in_dim3A_61, %scan3A_564 = %broadcast_in_dim3A_63, %scan3A_565 = %broadcast_in_dim3A_65, %scan3A_566 = %broadcast_in_dim3A_67, %scan3A_567 = %broadcast_in_dim3A_69, %scan3A_568 = %broadcast_in_dim3A_71, %scan3A_569 = %broadcast_in_dim3A_73, %scan3A_570 = %broadcast_in_dim3A_75, %scan3A_571 = %broadcast_in_dim3A_77, %scan3A_572 = %broadcast_in_dim3A_79, %scan3A_573 = %broadcast_in_dim3A_81, %scan3A_574 = %broadcast_in_dim3A_83, %scan3A_575 = %broadcast_in_dim3A_85, %scan3A_576 = %broadcast_in_dim3A_87, %scan3A_577 = %broadcast_in_dim3A_89, %scan3A_578 = %broadcast_in_dim3A_91, %scan3A_579 = %broadcast_in_dim3A_93) -> (vector<16xf32>, vector<16xf32>, vector<16xf32>, vector<16xf32>, vector<16xf32>, vector<16xf32>, vector<16xf32>, vector<16xf32>, vector<16xf32>, vector<16xf32>, vector<16xf32>, vector<16xf32>, vector<16xf32>, vector<16xf32>, vector<16xf32>, vector<16xf32>, vector<16xf32>, vector<16xf32>, vector<16xf32>, vector<16xf32>, vector<16xf32>, vector<16xf32>, vector<16xf32>, vector<16xf32>, vector<16xf32>, vector<16xf32>, vector<16xf32>, vector<16xf32>, vector<16xf32>, vector<16xf32>, vector<16xf32>, vector<16xf32>, vector<16xf32>, vector<16xf32>, vector<16xf32>, vector<16xf32>, vector<16xf32>, vector<16xf32>, vector<16xf32>, vector<16xf32>, vector<16xf32>, vector<16xf32>)  : i32 {
      %mul3A_580 = arith.constant 16 : i32
      %mul3A_581 = arith.muli %scan3A_537, %mul3A_580 : i32
      %get3A_582 = arith.index_cast %mul3A_581 : i32 to index
      %get3A_583 = tpu.vector_load %arg6[%get3A_582] {strides = array<i32>} : memref<1024xi32, #tpu.memory_space<vmem>>, vector<16xi32>,
      %mul3A_584 = arith.constant 16 : i32
      %mul3A_585 = arith.muli %scan3A_537, %mul3A_584 : i32
      %get3A_586 = arith.index_cast %mul3A_585 : i32 to index
      %get3A_587 = tpu.vector_load %arg5[%get3A_586] {strides = array<i32>} : memref<1024xf32, #tpu.memory_space<vmem>>, vector<16xf32>,
      %eq3A = arith.constant 0 : i32
      %eq3A_588 = vector.broadcast %eq3A : i32 to vector<16xi32>
      %eq3A_589 = arith.cmpi eq, %get3A_583, %eq3A_588 : vector<16xi32>
      %jit3A = arith.constant 0.000000e+00 : f32
      %broadcast_in_dim3A_590 = vector.broadcast %jit3A : f32 to vector<16xf32>
      %select_n3A = arith.select %eq3A_589, %get3A_587, %broadcast_in_dim3A_590 : vector<16xi1>, vector<16xf32>
      %add3A_591 = arith.addf %scan3A_538, %select_n3A : vector<16xf32>
      %jit3A_592 = arith.constant 0.000000e+00 : f32
      %broadcast_in_dim3A_593 = vector.broadcast %jit3A_592 : f32 to vector<16xf32>
      %select_n3A_594 = arith.select %eq3A_589, %broadcast_in_dim3A_0, %broadcast_in_dim3A_593 : vector<16xi1>, vector<16xf32>
      %add3A_595 = arith.addf %scan3A_559, %select_n3A_594 : vector<16xf32>
      %eq3A_596 = arith.constant 1 : i32
      %eq3A_597 = vector.broadcast %eq3A_596 : i32 to vector<16xi32>
      %eq3A_598 = arith.cmpi eq, %get3A_583, %eq3A_597 : vector<16xi32>
      %jit3A_599 = arith.constant 0.000000e+00 : f32
      %broadcast_in_dim3A_600 = vector.broadcast %jit3A_599 : f32 to vector<16xf32>
      %select_n3A_601 = arith.select %eq3A_598, %get3A_587, %broadcast_in_dim3A_600 : vector<16xi1>, vector<16xf32>
      %add3A_602 = arith.addf %scan3A_539, %select_n3A_601 : vector<16xf32>
      %jit3A_603 = arith.constant 0.000000e+00 : f32
      %broadcast_in_dim3A_604 = vector.broadcast %jit3A_603 : f32 to vector<16xf32>
      %select_n3A_605 = arith.select %eq3A_598, %broadcast_in_dim3A_0, %broadcast_in_dim3A_604 : vector<16xi1>, vector<16xf32>
      %add3A_606 = arith.addf %scan3A_560, %select_n3A_605 : vector<16xf32>
      %eq3A_607 = arith.constant 2 : i32
      %eq3A_608 = vector.broadcast %eq3A_607 : i32 to vector<16xi32>
      %eq3A_609 = arith.cmpi eq, %get3A_583, %eq3A_608 : vector<16xi32>
      %jit3A_610 = arith.constant 0.000000e+00 : f32
      %broadcast_in_dim3A_611 = vector.broadcast %jit3A_610 : f32 to vector<16xf32>
      %select_n3A_612 = arith.select %eq3A_609, %get3A_587, %broadcast_in_dim3A_611 : vector<16xi1>, vector<16xf32>
      %add3A_613 = arith.addf %scan3A_540, %select_n3A_612 : vector<16xf32>
      %jit3A_614 = arith.constant 0.000000e+00 : f32
      %broadcast_in_dim3A_615 = vector.broadcast %jit3A_614 : f32 to vector<16xf32>
      %select_n3A_616 = arith.select %eq3A_609, %broadcast_in_dim3A_0, %broadcast_in_dim3A_615 : vector<16xi1>, vector<16xf32>
      %add3A_617 = arith.addf %scan3A_561, %select_n3A_616 : vector<16xf32>
      %eq3A_618 = arith.constant 3 : i32
      %eq3A_619 = vector.broadcast %eq3A_618 : i32 to vector<16xi32>
      %eq3A_620 = arith.cmpi eq, %get3A_583, %eq3A_619 : vector<16xi32>
      %jit3A_621 = arith.constant 0.000000e+00 : f32
      %broadcast_in_dim3A_622 = vector.broadcast %jit3A_621 : f32 to vector<16xf32>
      %select_n3A_623 = arith.select %eq3A_620, %get3A_587, %broadcast_in_dim3A_622 : vector<16xi1>, vector<16xf32>
      %add3A_624 = arith.addf %scan3A_541, %select_n3A_623 : vector<16xf32>
      %jit3A_625 = arith.constant 0.000000e+00 : f32
      %broadcast_in_dim3A_626 = vector.broadcast %jit3A_625 : f32 to vector<16xf32>
      %select_n3A_627 = arith.select %eq3A_620, %broadcast_in_dim3A_0, %broadcast_in_dim3A_626 : vector<16xi1>, vector<16xf32>
      %add3A_628 = arith.addf %scan3A_562, %select_n3A_627 : vector<16xf32>
      %eq3A_629 = arith.constant 4 : i32
      %eq3A_630 = vector.broadcast %eq3A_629 : i32 to vector<16xi32>
      %eq3A_631 = arith.cmpi eq, %get3A_583, %eq3A_630 : vector<16xi32>
      %jit3A_632 = arith.constant 0.000000e+00 : f32
      %broadcast_in_dim3A_633 = vector.broadcast %jit3A_632 : f32 to vector<16xf32>
      %select_n3A_634 = arith.select %eq3A_631, %get3A_587, %broadcast_in_dim3A_633 : vector<16xi1>, vector<16xf32>
      %add3A_635 = arith.addf %scan3A_542, %select_n3A_634 : vector<16xf32>
      %jit3A_636 = arith.constant 0.000000e+00 : f32
      %broadcast_in_dim3A_637 = vector.broadcast %jit3A_636 : f32 to vector<16xf32>
      %select_n3A_638 = arith.select %eq3A_631, %broadcast_in_dim3A_0, %broadcast_in_dim3A_637 : vector<16xi1>, vector<16xf32>
      %add3A_639 = arith.addf %scan3A_563, %select_n3A_638 : vector<16xf32>
      %eq3A_640 = arith.constant 5 : i32
      %eq3A_641 = vector.broadcast %eq3A_640 : i32 to vector<16xi32>
      %eq3A_642 = arith.cmpi eq, %get3A_583, %eq3A_641 : vector<16xi32>
      %jit3A_643 = arith.constant 0.000000e+00 : f32
      %broadcast_in_dim3A_644 = vector.broadcast %jit3A_643 : f32 to vector<16xf32>
      %select_n3A_645 = arith.select %eq3A_642, %get3A_587, %broadcast_in_dim3A_644 : vector<16xi1>, vector<16xf32>
      %add3A_646 = arith.addf %scan3A_543, %select_n3A_645 : vector<16xf32>
      %jit3A_647 = arith.constant 0.000000e+00 : f32
      %broadcast_in_dim3A_648 = vector.broadcast %jit3A_647 : f32 to vector<16xf32>
      %select_n3A_649 = arith.select %eq3A_642, %broadcast_in_dim3A_0, %broadcast_in_dim3A_648 : vector<16xi1>, vector<16xf32>
      %add3A_650 = arith.addf %scan3A_564, %select_n3A_649 : vector<16xf32>
      %eq3A_651 = arith.constant 6 : i32
      %eq3A_652 = vector.broadcast %eq3A_651 : i32 to vector<16xi32>
      %eq3A_653 = arith.cmpi eq, %get3A_583, %eq3A_652 : vector<16xi32>
      %jit3A_654 = arith.constant 0.000000e+00 : f32
      %broadcast_in_dim3A_655 = vector.broadcast %jit3A_654 : f32 to vector<16xf32>
      %select_n3A_656 = arith.select %eq3A_653, %get3A_587, %broadcast_in_dim3A_655 : vector<16xi1>, vector<16xf32>
      %add3A_657 = arith.addf %scan3A_544, %select_n3A_656 : vector<16xf32>
      %jit3A_658 = arith.constant 0.000000e+00 : f32
      %broadcast_in_dim3A_659 = vector.broadcast %jit3A_658 : f32 to vector<16xf32>
      %select_n3A_660 = arith.select %eq3A_653, %broadcast_in_dim3A_0, %broadcast_in_dim3A_659 : vector<16xi1>, vector<16xf32>
      %add3A_661 = arith.addf %scan3A_565, %select_n3A_660 : vector<16xf32>
      %eq3A_662 = arith.constant 7 : i32
      %eq3A_663 = vector.broadcast %eq3A_662 : i32 to vector<16xi32>
      %eq3A_664 = arith.cmpi eq, %get3A_583, %eq3A_663 : vector<16xi32>
      %jit3A_665 = arith.constant 0.000000e+00 : f32
      %broadcast_in_dim3A_666 = vector.broadcast %jit3A_665 : f32 to vector<16xf32>
      %select_n3A_667 = arith.select %eq3A_664, %get3A_587, %broadcast_in_dim3A_666 : vector<16xi1>, vector<16xf32>
      %add3A_668 = arith.addf %scan3A_545, %select_n3A_667 : vector<16xf32>
      %jit3A_669 = arith.constant 0.000000e+00 : f32
      %broadcast_in_dim3A_670 = vector.broadcast %jit3A_669 : f32 to vector<16xf32>
      %select_n3A_671 = arith.select %eq3A_664, %broadcast_in_dim3A_0, %broadcast_in_dim3A_670 : vector<16xi1>, vector<16xf32>
      %add3A_672 = arith.addf %scan3A_566, %select_n3A_671 : vector<16xf32>
      %eq3A_673 = arith.constant 8 : i32
      %eq3A_674 = vector.broadcast %eq3A_673 : i32 to vector<16xi32>
      %eq3A_675 = arith.cmpi eq, %get3A_583, %eq3A_674 : vector<16xi32>
      %jit3A_676 = arith.constant 0.000000e+00 : f32
      %broadcast_in_dim3A_677 = vector.broadcast %jit3A_676 : f32 to vector<16xf32>
      %select_n3A_678 = arith.select %eq3A_675, %get3A_587, %broadcast_in_dim3A_677 : vector<16xi1>, vector<16xf32>
      %add3A_679 = arith.addf %scan3A_546, %select_n3A_678 : vector<16xf32>
      %jit3A_680 = arith.constant 0.000000e+00 : f32
      %broadcast_in_dim3A_681 = vector.broadcast %jit3A_680 : f32 to vector<16xf32>
      %select_n3A_682 = arith.select %eq3A_675, %broadcast_in_dim3A_0, %broadcast_in_dim3A_681 : vector<16xi1>, vector<16xf32>
      %add3A_683 = arith.addf %scan3A_567, %select_n3A_682 : vector<16xf32>
      %eq3A_684 = arith.constant 9 : i32
      %eq3A_685 = vector.broadcast %eq3A_684 : i32 to vector<16xi32>
      %eq3A_686 = arith.cmpi eq, %get3A_583, %eq3A_685 : vector<16xi32>
      %jit3A_687 = arith.constant 0.000000e+00 : f32
      %broadcast_in_dim3A_688 = vector.broadcast %jit3A_687 : f32 to vector<16xf32>
      %select_n3A_689 = arith.select %eq3A_686, %get3A_587, %broadcast_in_dim3A_688 : vector<16xi1>, vector<16xf32>
      %add3A_690 = arith.addf %scan3A_547, %select_n3A_689 : vector<16xf32>
      %jit3A_691 = arith.constant 0.000000e+00 : f32
      %broadcast_in_dim3A_692 = vector.broadcast %jit3A_691 : f32 to vector<16xf32>
      %select_n3A_693 = arith.select %eq3A_686, %broadcast_in_dim3A_0, %broadcast_in_dim3A_692 : vector<16xi1>, vector<16xf32>
      %add3A_694 = arith.addf %scan3A_568, %select_n3A_693 : vector<16xf32>
      %eq3A_695 = arith.constant 10 : i32
      %eq3A_696 = vector.broadcast %eq3A_695 : i32 to vector<16xi32>
      %eq3A_697 = arith.cmpi eq, %get3A_583, %eq3A_696 : vector<16xi32>
      %jit3A_698 = arith.constant 0.000000e+00 : f32
      %broadcast_in_dim3A_699 = vector.broadcast %jit3A_698 : f32 to vector<16xf32>
      %select_n3A_700 = arith.select %eq3A_697, %get3A_587, %broadcast_in_dim3A_699 : vector<16xi1>, vector<16xf32>
      %add3A_701 = arith.addf %scan3A_548, %select_n3A_700 : vector<16xf32>
      %jit3A_702 = arith.constant 0.000000e+00 : f32
      %broadcast_in_dim3A_703 = vector.broadcast %jit3A_702 : f32 to vector<16xf32>
      %select_n3A_704 = arith.select %eq3A_697, %broadcast_in_dim3A_0, %broadcast_in_dim3A_703 : vector<16xi1>, vector<16xf32>
      %add3A_705 = arith.addf %scan3A_569, %select_n3A_704 : vector<16xf32>
      %eq3A_706 = arith.constant 11 : i32
      %eq3A_707 = vector.broadcast %eq3A_706 : i32 to vector<16xi32>
      %eq3A_708 = arith.cmpi eq, %get3A_583, %eq3A_707 : vector<16xi32>
      %jit3A_709 = arith.constant 0.000000e+00 : f32
      %broadcast_in_dim3A_710 = vector.broadcast %jit3A_709 : f32 to vector<16xf32>
      %select_n3A_711 = arith.select %eq3A_708, %get3A_587, %broadcast_in_dim3A_710 : vector<16xi1>, vector<16xf32>
      %add3A_712 = arith.addf %scan3A_549, %select_n3A_711 : vector<16xf32>
      %jit3A_713 = arith.constant 0.000000e+00 : f32
      %broadcast_in_dim3A_714 = vector.broadcast %jit3A_713 : f32 to vector<16xf32>
      %select_n3A_715 = arith.select %eq3A_708, %broadcast_in_dim3A_0, %broadcast_in_dim3A_714 : vector<16xi1>, vector<16xf32>
      %add3A_716 = arith.addf %scan3A_570, %select_n3A_715 : vector<16xf32>
      %eq3A_717 = arith.constant 12 : i32
      %eq3A_718 = vector.broadcast %eq3A_717 : i32 to vector<16xi32>
      %eq3A_719 = arith.cmpi eq, %get3A_583, %eq3A_718 : vector<16xi32>
      %jit3A_720 = arith.constant 0.000000e+00 : f32
      %broadcast_in_dim3A_721 = vector.broadcast %jit3A_720 : f32 to vector<16xf32>
      %select_n3A_722 = arith.select %eq3A_719, %get3A_587, %broadcast_in_dim3A_721 : vector<16xi1>, vector<16xf32>
      %add3A_723 = arith.addf %scan3A_550, %select_n3A_722 : vector<16xf32>
      %jit3A_724 = arith.constant 0.000000e+00 : f32
      %broadcast_in_dim3A_725 = vector.broadcast %jit3A_724 : f32 to vector<16xf32>
      %select_n3A_726 = arith.select %eq3A_719, %broadcast_in_dim3A_0, %broadcast_in_dim3A_725 : vector<16xi1>, vector<16xf32>
      %add3A_727 = arith.addf %scan3A_571, %select_n3A_726 : vector<16xf32>
      %eq3A_728 = arith.constant 13 : i32
      %eq3A_729 = vector.broadcast %eq3A_728 : i32 to vector<16xi32>
      %eq3A_730 = arith.cmpi eq, %get3A_583, %eq3A_729 : vector<16xi32>
      %jit3A_731 = arith.constant 0.000000e+00 : f32
      %broadcast_in_dim3A_732 = vector.broadcast %jit3A_731 : f32 to vector<16xf32>
      %select_n3A_733 = arith.select %eq3A_730, %get3A_587, %broadcast_in_dim3A_732 : vector<16xi1>, vector<16xf32>
      %add3A_734 = arith.addf %scan3A_551, %select_n3A_733 : vector<16xf32>
      %jit3A_735 = arith.constant 0.000000e+00 : f32
      %broadcast_in_dim3A_736 = vector.broadcast %jit3A_735 : f32 to vector<16xf32>
      %select_n3A_737 = arith.select %eq3A_730, %broadcast_in_dim3A_0, %broadcast_in_dim3A_736 : vector<16xi1>, vector<16xf32>
      %add3A_738 = arith.addf %scan3A_572, %select_n3A_737 : vector<16xf32>
      %eq3A_739 = arith.constant 14 : i32
      %eq3A_740 = vector.broadcast %eq3A_739 : i32 to vector<16xi32>
      %eq3A_741 = arith.cmpi eq, %get3A_583, %eq3A_740 : vector<16xi32>
      %jit3A_742 = arith.constant 0.000000e+00 : f32
      %broadcast_in_dim3A_743 = vector.broadcast %jit3A_742 : f32 to vector<16xf32>
      %select_n3A_744 = arith.select %eq3A_741, %get3A_587, %broadcast_in_dim3A_743 : vector<16xi1>, vector<16xf32>
      %add3A_745 = arith.addf %scan3A_552, %select_n3A_744 : vector<16xf32>
      %jit3A_746 = arith.constant 0.000000e+00 : f32
      %broadcast_in_dim3A_747 = vector.broadcast %jit3A_746 : f32 to vector<16xf32>
      %select_n3A_748 = arith.select %eq3A_741, %broadcast_in_dim3A_0, %broadcast_in_dim3A_747 : vector<16xi1>, vector<16xf32>
      %add3A_749 = arith.addf %scan3A_573, %select_n3A_748 : vector<16xf32>
      %eq3A_750 = arith.constant 15 : i32
      %eq3A_751 = vector.broadcast %eq3A_750 : i32 to vector<16xi32>
      %eq3A_752 = arith.cmpi eq, %get3A_583, %eq3A_751 : vector<16xi32>
      %jit3A_753 = arith.constant 0.000000e+00 : f32
      %broadcast_in_dim3A_754 = vector.broadcast %jit3A_753 : f32 to vector<16xf32>
      %select_n3A_755 = arith.select %eq3A_752, %get3A_587, %broadcast_in_dim3A_754 : vector<16xi1>, vector<16xf32>
      %add3A_756 = arith.addf %scan3A_553, %select_n3A_755 : vector<16xf32>
      %jit3A_757 = arith.constant 0.000000e+00 : f32
      %broadcast_in_dim3A_758 = vector.broadcast %jit3A_757 : f32 to vector<16xf32>
      %select_n3A_759 = arith.select %eq3A_752, %broadcast_in_dim3A_0, %broadcast_in_dim3A_758 : vector<16xi1>, vector<16xf32>
      %add3A_760 = arith.addf %scan3A_574, %select_n3A_759 : vector<16xf32>
      %eq3A_761 = arith.constant 16 : i32
      %eq3A_762 = vector.broadcast %eq3A_761 : i32 to vector<16xi32>
      %eq3A_763 = arith.cmpi eq, %get3A_583, %eq3A_762 : vector<16xi32>
      %jit3A_764 = arith.constant 0.000000e+00 : f32
      %broadcast_in_dim3A_765 = vector.broadcast %jit3A_764 : f32 to vector<16xf32>
      %select_n3A_766 = arith.select %eq3A_763, %get3A_587, %broadcast_in_dim3A_765 : vector<16xi1>, vector<16xf32>
      %add3A_767 = arith.addf %scan3A_554, %select_n3A_766 : vector<16xf32>
      %jit3A_768 = arith.constant 0.000000e+00 : f32
      %broadcast_in_dim3A_769 = vector.broadcast %jit3A_768 : f32 to vector<16xf32>
      %select_n3A_770 = arith.select %eq3A_763, %broadcast_in_dim3A_0, %broadcast_in_dim3A_769 : vector<16xi1>, vector<16xf32>
      %add3A_771 = arith.addf %scan3A_575, %select_n3A_770 : vector<16xf32>
      %eq3A_772 = arith.constant 17 : i32
      %eq3A_773 = vector.broadcast %eq3A_772 : i32 to vector<16xi32>
      %eq3A_774 = arith.cmpi eq, %get3A_583, %eq3A_773 : vector<16xi32>
      %jit3A_775 = arith.constant 0.000000e+00 : f32
      %broadcast_in_dim3A_776 = vector.broadcast %jit3A_775 : f32 to vector<16xf32>
      %select_n3A_777 = arith.select %eq3A_774, %get3A_587, %broadcast_in_dim3A_776 : vector<16xi1>, vector<16xf32>
      %add3A_778 = arith.addf %scan3A_555, %select_n3A_777 : vector<16xf32>
      %jit3A_779 = arith.constant 0.000000e+00 : f32
      %broadcast_in_dim3A_780 = vector.broadcast %jit3A_779 : f32 to vector<16xf32>
      %select_n3A_781 = arith.select %eq3A_774, %broadcast_in_dim3A_0, %broadcast_in_dim3A_780 : vector<16xi1>, vector<16xf32>
      %add3A_782 = arith.addf %scan3A_576, %select_n3A_781 : vector<16xf32>
      %eq3A_783 = arith.constant 18 : i32
      %eq3A_784 = vector.broadcast %eq3A_783 : i32 to vector<16xi32>
      %eq3A_785 = arith.cmpi eq, %get3A_583, %eq3A_784 : vector<16xi32>
      %jit3A_786 = arith.constant 0.000000e+00 : f32
      %broadcast_in_dim3A_787 = vector.broadcast %jit3A_786 : f32 to vector<16xf32>
      %select_n3A_788 = arith.select %eq3A_785, %get3A_587, %broadcast_in_dim3A_787 : vector<16xi1>, vector<16xf32>
      %add3A_789 = arith.addf %scan3A_556, %select_n3A_788 : vector<16xf32>
      %jit3A_790 = arith.constant 0.000000e+00 : f32
      %broadcast_in_dim3A_791 = vector.broadcast %jit3A_790 : f32 to vector<16xf32>
      %select_n3A_792 = arith.select %eq3A_785, %broadcast_in_dim3A_0, %broadcast_in_dim3A_791 : vector<16xi1>, vector<16xf32>
      %add3A_793 = arith.addf %scan3A_577, %select_n3A_792 : vector<16xf32>
      %eq3A_794 = arith.constant 19 : i32
      %eq3A_795 = vector.broadcast %eq3A_794 : i32 to vector<16xi32>
      %eq3A_796 = arith.cmpi eq, %get3A_583, %eq3A_795 : vector<16xi32>
      %jit3A_797 = arith.constant 0.000000e+00 : f32
      %broadcast_in_dim3A_798 = vector.broadcast %jit3A_797 : f32 to vector<16xf32>
      %select_n3A_799 = arith.select %eq3A_796, %get3A_587, %broadcast_in_dim3A_798 : vector<16xi1>, vector<16xf32>
      %add3A_800 = arith.addf %scan3A_557, %select_n3A_799 : vector<16xf32>
      %jit3A_801 = arith.constant 0.000000e+00 : f32
      %broadcast_in_dim3A_802 = vector.broadcast %jit3A_801 : f32 to vector<16xf32>
      %select_n3A_803 = arith.select %eq3A_796, %broadcast_in_dim3A_0, %broadcast_in_dim3A_802 : vector<16xi1>, vector<16xf32>
      %add3A_804 = arith.addf %scan3A_578, %select_n3A_803 : vector<16xf32>
      %eq3A_805 = arith.constant 20 : i32
      %eq3A_806 = vector.broadcast %eq3A_805 : i32 to vector<16xi32>
      %eq3A_807 = arith.cmpi eq, %get3A_583, %eq3A_806 : vector<16xi32>
      %jit3A_808 = arith.constant 0.000000e+00 : f32
      %broadcast_in_dim3A_809 = vector.broadcast %jit3A_808 : f32 to vector<16xf32>
      %select_n3A_810 = arith.select %eq3A_807, %get3A_587, %broadcast_in_dim3A_809 : vector<16xi1>, vector<16xf32>
      %add3A_811 = arith.addf %scan3A_558, %select_n3A_810 : vector<16xf32>
      %jit3A_812 = arith.constant 0.000000e+00 : f32
      %broadcast_in_dim3A_813 = vector.broadcast %jit3A_812 : f32 to vector<16xf32>
      %select_n3A_814 = arith.select %eq3A_807, %broadcast_in_dim3A_0, %broadcast_in_dim3A_813 : vector<16xi1>, vector<16xf32>
      %add3A_815 = arith.addf %scan3A_579, %select_n3A_814 : vector<16xf32>
      scf.yield %add3A_591, %add3A_602, %add3A_613, %add3A_624, %add3A_635, %add3A_646, %add3A_657, %add3A_668, %add3A_679, %add3A_690, %add3A_701, %add3A_712, %add3A_723, %add3A_734, %add3A_745, %add3A_756, %add3A_767, %add3A_778, %add3A_789, %add3A_800, %add3A_811, %add3A_595, %add3A_606, %add3A_617, %add3A_628, %add3A_639, %add3A_650, %add3A_661, %add3A_672, %add3A_683, %add3A_694, %add3A_705, %add3A_716, %add3A_727, %add3A_738, %add3A_749, %add3A_760, %add3A_771, %add3A_782, %add3A_793, %add3A_804, %add3A_815 : vector<16xf32>, vector<16xf32>, vector<16xf32>, vector<16xf32>, vector<16xf32>, vector<16xf32>, vector<16xf32>, vector<16xf32>, vector<16xf32>, vector<16xf32>, vector<16xf32>, vector<16xf32>, vector<16xf32>, vector<16xf32>, vector<16xf32>, vector<16xf32>, vector<16xf32>, vector<16xf32>, vector<16xf32>, vector<16xf32>, vector<16xf32>, vector<16xf32>, vector<16xf32>, vector<16xf32>, vector<16xf32>, vector<16xf32>, vector<16xf32>, vector<16xf32>, vector<16xf32>, vector<16xf32>, vector<16xf32>, vector<16xf32>, vector<16xf32>, vector<16xf32>, vector<16xf32>, vector<16xf32>, vector<16xf32>, vector<16xf32>, vector<16xf32>, vector<16xf32>, vector<16xf32>, vector<16xf32>
    }
    %scan3A_98 = arith.constant 64 : i32
    %broadcast_in_dim3A_99 = arith.constant 0.000000e+00 : f32
    %broadcast_in_dim3A_100 = vector.broadcast %broadcast_in_dim3A_99 : f32 to vector<16xf32>
    %swap3A = arith.constant 0 : index
    %swap3A_101 = tpu.vector_load %arg7[%swap3A] {strides = array<i32>} : memref<1024xf32, #tpu.memory_space<vmem>>, vector<16xf32>,
    tpu.vector_store %arg7[%swap3A], %broadcast_in_dim3A_100 {strides = array<i32>} : memref<1024xf32, #tpu.memory_space<vmem>>, vector<16xf32>,
    %swap3A_102 = arith.constant 16 : index
    %swap3A_103 = tpu.vector_load %arg7[%swap3A_102] {strides = array<i32>} : memref<1024xf32, #tpu.memory_space<vmem>>, vector<16xf32>,
    tpu.vector_store %arg7[%swap3A_102], %broadcast_in_dim3A_100 {strides = array<i32>} : memref<1024xf32, #tpu.memory_space<vmem>>, vector<16xf32>,
    %swap3A_104 = arith.constant 32 : index
    %swap3A_105 = tpu.vector_load %arg7[%swap3A_104] {strides = array<i32>} : memref<1024xf32, #tpu.memory_space<vmem>>, vector<16xf32>,
    tpu.vector_store %arg7[%swap3A_104], %broadcast_in_dim3A_100 {strides = array<i32>} : memref<1024xf32, #tpu.memory_space<vmem>>, vector<16xf32>,
    %swap3A_106 = arith.constant 48 : index
    %swap3A_107 = tpu.vector_load %arg7[%swap3A_106] {strides = array<i32>} : memref<1024xf32, #tpu.memory_space<vmem>>, vector<16xf32>,
    tpu.vector_store %arg7[%swap3A_106], %broadcast_in_dim3A_100 {strides = array<i32>} : memref<1024xf32, #tpu.memory_space<vmem>>, vector<16xf32>,
    %swap3A_108 = arith.constant 64 : index
    %swap3A_109 = tpu.vector_load %arg7[%swap3A_108] {strides = array<i32>} : memref<1024xf32, #tpu.memory_space<vmem>>, vector<16xf32>,
    tpu.vector_store %arg7[%swap3A_108], %broadcast_in_dim3A_100 {strides = array<i32>} : memref<1024xf32, #tpu.memory_space<vmem>>, vector<16xf32>,
    %swap3A_110 = arith.constant 80 : index
    %swap3A_111 = tpu.vector_load %arg7[%swap3A_110] {strides = array<i32>} : memref<1024xf32, #tpu.memory_space<vmem>>, vector<16xf32>,
    tpu.vector_store %arg7[%swap3A_110], %broadcast_in_dim3A_100 {strides = array<i32>} : memref<1024xf32, #tpu.memory_space<vmem>>, vector<16xf32>,
    %swap3A_112 = arith.constant 96 : index
    %swap3A_113 = tpu.vector_load %arg7[%swap3A_112] {strides = array<i32>} : memref<1024xf32, #tpu.memory_space<vmem>>, vector<16xf32>,
    tpu.vector_store %arg7[%swap3A_112], %broadcast_in_dim3A_100 {strides = array<i32>} : memref<1024xf32, #tpu.memory_space<vmem>>, vector<16xf32>,
    %swap3A_114 = arith.constant 112 : index
    %swap3A_115 = tpu.vector_load %arg7[%swap3A_114] {strides = array<i32>} : memref<1024xf32, #tpu.memory_space<vmem>>, vector<16xf32>,
    tpu.vector_store %arg7[%swap3A_114], %broadcast_in_dim3A_100 {strides = array<i32>} : memref<1024xf32, #tpu.memory_space<vmem>>, vector<16xf32>,
    %swap3A_116 = arith.constant 128 : index
    %swap3A_117 = tpu.vector_load %arg7[%swap3A_116] {strides = array<i32>} : memref<1024xf32, #tpu.memory_space<vmem>>, vector<16xf32>,
    tpu.vector_store %arg7[%swap3A_116], %broadcast_in_dim3A_100 {strides = array<i32>} : memref<1024xf32, #tpu.memory_space<vmem>>, vector<16xf32>,
    %swap3A_118 = arith.constant 144 : index
    %swap3A_119 = tpu.vector_load %arg7[%swap3A_118] {strides = array<i32>} : memref<1024xf32, #tpu.memory_space<vmem>>, vector<16xf32>,
    tpu.vector_store %arg7[%swap3A_118], %broadcast_in_dim3A_100 {strides = array<i32>} : memref<1024xf32, #tpu.memory_space<vmem>>, vector<16xf32>,
    %swap3A_120 = arith.constant 160 : index
    %swap3A_121 = tpu.vector_load %arg7[%swap3A_120] {strides = array<i32>} : memref<1024xf32, #tpu.memory_space<vmem>>, vector<16xf32>,
    tpu.vector_store %arg7[%swap3A_120], %broadcast_in_dim3A_100 {strides = array<i32>} : memref<1024xf32, #tpu.memory_space<vmem>>, vector<16xf32>,
    %swap3A_122 = arith.constant 176 : index
    %swap3A_123 = tpu.vector_load %arg7[%swap3A_122] {strides = array<i32>} : memref<1024xf32, #tpu.memory_space<vmem>>, vector<16xf32>,
    tpu.vector_store %arg7[%swap3A_122], %broadcast_in_dim3A_100 {strides = array<i32>} : memref<1024xf32, #tpu.memory_space<vmem>>, vector<16xf32>,
    %swap3A_124 = arith.constant 192 : index
    %swap3A_125 = tpu.vector_load %arg7[%swap3A_124] {strides = array<i32>} : memref<1024xf32, #tpu.memory_space<vmem>>, vector<16xf32>,
    tpu.vector_store %arg7[%swap3A_124], %broadcast_in_dim3A_100 {strides = array<i32>} : memref<1024xf32, #tpu.memory_space<vmem>>, vector<16xf32>,
    %swap3A_126 = arith.constant 208 : index
    %swap3A_127 = tpu.vector_load %arg7[%swap3A_126] {strides = array<i32>} : memref<1024xf32, #tpu.memory_space<vmem>>, vector<16xf32>,
    tpu.vector_store %arg7[%swap3A_126], %broadcast_in_dim3A_100 {strides = array<i32>} : memref<1024xf32, #tpu.memory_space<vmem>>, vector<16xf32>,
    %swap3A_128 = arith.constant 224 : index
    %swap3A_129 = tpu.vector_load %arg7[%swap3A_128] {strides = array<i32>} : memref<1024xf32, #tpu.memory_space<vmem>>, vector<16xf32>,
    tpu.vector_store %arg7[%swap3A_128], %broadcast_in_dim3A_100 {strides = array<i32>} : memref<1024xf32, #tpu.memory_space<vmem>>, vector<16xf32>,
    %swap3A_130 = arith.constant 240 : index
    %swap3A_131 = tpu.vector_load %arg7[%swap3A_130] {strides = array<i32>} : memref<1024xf32, #tpu.memory_space<vmem>>, vector<16xf32>,
    tpu.vector_store %arg7[%swap3A_130], %broadcast_in_dim3A_100 {strides = array<i32>} : memref<1024xf32, #tpu.memory_space<vmem>>, vector<16xf32>,
    %swap3A_132 = arith.constant 256 : index
    %swap3A_133 = tpu.vector_load %arg7[%swap3A_132] {strides = array<i32>} : memref<1024xf32, #tpu.memory_space<vmem>>, vector<16xf32>,
    tpu.vector_store %arg7[%swap3A_132], %broadcast_in_dim3A_100 {strides = array<i32>} : memref<1024xf32, #tpu.memory_space<vmem>>, vector<16xf32>,
    %swap3A_134 = arith.constant 272 : index
    %swap3A_135 = tpu.vector_load %arg7[%swap3A_134] {strides = array<i32>} : memref<1024xf32, #tpu.memory_space<vmem>>, vector<16xf32>,
    tpu.vector_store %arg7[%swap3A_134], %broadcast_in_dim3A_100 {strides = array<i32>} : memref<1024xf32, #tpu.memory_space<vmem>>, vector<16xf32>,
    %swap3A_136 = arith.constant 288 : index
    %swap3A_137 = tpu.vector_load %arg7[%swap3A_136] {strides = array<i32>} : memref<1024xf32, #tpu.memory_space<vmem>>, vector<16xf32>,
    tpu.vector_store %arg7[%swap3A_136], %broadcast_in_dim3A_100 {strides = array<i32>} : memref<1024xf32, #tpu.memory_space<vmem>>, vector<16xf32>,
    %swap3A_138 = arith.constant 304 : index
    %swap3A_139 = tpu.vector_load %arg7[%swap3A_138] {strides = array<i32>} : memref<1024xf32, #tpu.memory_space<vmem>>, vector<16xf32>,
    tpu.vector_store %arg7[%swap3A_138], %broadcast_in_dim3A_100 {strides = array<i32>} : memref<1024xf32, #tpu.memory_space<vmem>>, vector<16xf32>,
    %swap3A_140 = arith.constant 320 : index
    %swap3A_141 = tpu.vector_load %arg7[%swap3A_140] {strides = array<i32>} : memref<1024xf32, #tpu.memory_space<vmem>>, vector<16xf32>,
    tpu.vector_store %arg7[%swap3A_140], %broadcast_in_dim3A_100 {strides = array<i32>} : memref<1024xf32, #tpu.memory_space<vmem>>, vector<16xf32>,
    %swap3A_142 = arith.constant 336 : index
    %swap3A_143 = tpu.vector_load %arg7[%swap3A_142] {strides = array<i32>} : memref<1024xf32, #tpu.memory_space<vmem>>, vector<16xf32>,
    tpu.vector_store %arg7[%swap3A_142], %broadcast_in_dim3A_100 {strides = array<i32>} : memref<1024xf32, #tpu.memory_space<vmem>>, vector<16xf32>,
    %swap3A_144 = arith.constant 352 : index
    %swap3A_145 = tpu.vector_load %arg7[%swap3A_144] {strides = array<i32>} : memref<1024xf32, #tpu.memory_space<vmem>>, vector<16xf32>,
    tpu.vector_store %arg7[%swap3A_144], %broadcast_in_dim3A_100 {strides = array<i32>} : memref<1024xf32, #tpu.memory_space<vmem>>, vector<16xf32>,
    %swap3A_146 = arith.constant 368 : index
    %swap3A_147 = tpu.vector_load %arg7[%swap3A_146] {strides = array<i32>} : memref<1024xf32, #tpu.memory_space<vmem>>, vector<16xf32>,
    tpu.vector_store %arg7[%swap3A_146], %broadcast_in_dim3A_100 {strides = array<i32>} : memref<1024xf32, #tpu.memory_space<vmem>>, vector<16xf32>,
    %swap3A_148 = arith.constant 384 : index
    %swap3A_149 = tpu.vector_load %arg7[%swap3A_148] {strides = array<i32>} : memref<1024xf32, #tpu.memory_space<vmem>>, vector<16xf32>,
    tpu.vector_store %arg7[%swap3A_148], %broadcast_in_dim3A_100 {strides = array<i32>} : memref<1024xf32, #tpu.memory_space<vmem>>, vector<16xf32>,
    %swap3A_150 = arith.constant 400 : index
    %swap3A_151 = tpu.vector_load %arg7[%swap3A_150] {strides = array<i32>} : memref<1024xf32, #tpu.memory_space<vmem>>, vector<16xf32>,
    tpu.vector_store %arg7[%swap3A_150], %broadcast_in_dim3A_100 {strides = array<i32>} : memref<1024xf32, #tpu.memory_space<vmem>>, vector<16xf32>,
    %swap3A_152 = arith.constant 416 : index
    %swap3A_153 = tpu.vector_load %arg7[%swap3A_152] {strides = array<i32>} : memref<1024xf32, #tpu.memory_space<vmem>>, vector<16xf32>,
    tpu.vector_store %arg7[%swap3A_152], %broadcast_in_dim3A_100 {strides = array<i32>} : memref<1024xf32, #tpu.memory_space<vmem>>, vector<16xf32>,
    %swap3A_154 = arith.constant 432 : index
    %swap3A_155 = tpu.vector_load %arg7[%swap3A_154] {strides = array<i32>} : memref<1024xf32, #tpu.memory_space<vmem>>, vector<16xf32>,
    tpu.vector_store %arg7[%swap3A_154], %broadcast_in_dim3A_100 {strides = array<i32>} : memref<1024xf32, #tpu.memory_space<vmem>>, vector<16xf32>,
    %swap3A_156 = arith.constant 448 : index
    %swap3A_157 = tpu.vector_load %arg7[%swap3A_156] {strides = array<i32>} : memref<1024xf32, #tpu.memory_space<vmem>>, vector<16xf32>,
    tpu.vector_store %arg7[%swap3A_156], %broadcast_in_dim3A_100 {strides = array<i32>} : memref<1024xf32, #tpu.memory_space<vmem>>, vector<16xf32>,
    %swap3A_158 = arith.constant 464 : index
    %swap3A_159 = tpu.vector_load %arg7[%swap3A_158] {strides = array<i32>} : memref<1024xf32, #tpu.memory_space<vmem>>, vector<16xf32>,
    tpu.vector_store %arg7[%swap3A_158], %broadcast_in_dim3A_100 {strides = array<i32>} : memref<1024xf32, #tpu.memory_space<vmem>>, vector<16xf32>,
    %swap3A_160 = arith.constant 480 : index
    %swap3A_161 = tpu.vector_load %arg7[%swap3A_160] {strides = array<i32>} : memref<1024xf32, #tpu.memory_space<vmem>>, vector<16xf32>,
    tpu.vector_store %arg7[%swap3A_160], %broadcast_in_dim3A_100 {strides = array<i32>} : memref<1024xf32, #tpu.memory_space<vmem>>, vector<16xf32>,
    %swap3A_162 = arith.constant 496 : index
    %swap3A_163 = tpu.vector_load %arg7[%swap3A_162] {strides = array<i32>} : memref<1024xf32, #tpu.memory_space<vmem>>, vector<16xf32>,
    tpu.vector_store %arg7[%swap3A_162], %broadcast_in_dim3A_100 {strides = array<i32>} : memref<1024xf32, #tpu.memory_space<vmem>>, vector<16xf32>,
    %swap3A_164 = arith.constant 512 : index
    %swap3A_165 = tpu.vector_load %arg7[%swap3A_164] {strides = array<i32>} : memref<1024xf32, #tpu.memory_space<vmem>>, vector<16xf32>,
    tpu.vector_store %arg7[%swap3A_164], %broadcast_in_dim3A_100 {strides = array<i32>} : memref<1024xf32, #tpu.memory_space<vmem>>, vector<16xf32>,
    %swap3A_166 = arith.constant 528 : index
    %swap3A_167 = tpu.vector_load %arg7[%swap3A_166] {strides = array<i32>} : memref<1024xf32, #tpu.memory_space<vmem>>, vector<16xf32>,
    tpu.vector_store %arg7[%swap3A_166], %broadcast_in_dim3A_100 {strides = array<i32>} : memref<1024xf32, #tpu.memory_space<vmem>>, vector<16xf32>,
    %swap3A_168 = arith.constant 544 : index
    %swap3A_169 = tpu.vector_load %arg7[%swap3A_168] {strides = array<i32>} : memref<1024xf32, #tpu.memory_space<vmem>>, vector<16xf32>,
    tpu.vector_store %arg7[%swap3A_168], %broadcast_in_dim3A_100 {strides = array<i32>} : memref<1024xf32, #tpu.memory_space<vmem>>, vector<16xf32>,
    %swap3A_170 = arith.constant 560 : index
    %swap3A_171 = tpu.vector_load %arg7[%swap3A_170] {strides = array<i32>} : memref<1024xf32, #tpu.memory_space<vmem>>, vector<16xf32>,
    tpu.vector_store %arg7[%swap3A_170], %broadcast_in_dim3A_100 {strides = array<i32>} : memref<1024xf32, #tpu.memory_space<vmem>>, vector<16xf32>,
    %swap3A_172 = arith.constant 576 : index
    %swap3A_173 = tpu.vector_load %arg7[%swap3A_172] {strides = array<i32>} : memref<1024xf32, #tpu.memory_space<vmem>>, vector<16xf32>,
    tpu.vector_store %arg7[%swap3A_172], %broadcast_in_dim3A_100 {strides = array<i32>} : memref<1024xf32, #tpu.memory_space<vmem>>, vector<16xf32>,
    %swap3A_174 = arith.constant 592 : index
    %swap3A_175 = tpu.vector_load %arg7[%swap3A_174] {strides = array<i32>} : memref<1024xf32, #tpu.memory_space<vmem>>, vector<16xf32>,
    tpu.vector_store %arg7[%swap3A_174], %broadcast_in_dim3A_100 {strides = array<i32>} : memref<1024xf32, #tpu.memory_space<vmem>>, vector<16xf32>,
    %swap3A_176 = arith.constant 608 : index
    %swap3A_177 = tpu.vector_load %arg7[%swap3A_176] {strides = array<i32>} : memref<1024xf32, #tpu.memory_space<vmem>>, vector<16xf32>,
    tpu.vector_store %arg7[%swap3A_176], %broadcast_in_dim3A_100 {strides = array<i32>} : memref<1024xf32, #tpu.memory_space<vmem>>, vector<16xf32>,
    %swap3A_178 = arith.constant 624 : index
    %swap3A_179 = tpu.vector_load %arg7[%swap3A_178] {strides = array<i32>} : memref<1024xf32, #tpu.memory_space<vmem>>, vector<16xf32>,
    tpu.vector_store %arg7[%swap3A_178], %broadcast_in_dim3A_100 {strides = array<i32>} : memref<1024xf32, #tpu.memory_space<vmem>>, vector<16xf32>,
    %swap3A_180 = arith.constant 640 : index
    %swap3A_181 = tpu.vector_load %arg7[%swap3A_180] {strides = array<i32>} : memref<1024xf32, #tpu.memory_space<vmem>>, vector<16xf32>,
    tpu.vector_store %arg7[%swap3A_180], %broadcast_in_dim3A_100 {strides = array<i32>} : memref<1024xf32, #tpu.memory_space<vmem>>, vector<16xf32>,
    %swap3A_182 = arith.constant 656 : index
    %swap3A_183 = tpu.vector_load %arg7[%swap3A_182] {strides = array<i32>} : memref<1024xf32, #tpu.memory_space<vmem>>, vector<16xf32>,
    tpu.vector_store %arg7[%swap3A_182], %broadcast_in_dim3A_100 {strides = array<i32>} : memref<1024xf32, #tpu.memory_space<vmem>>, vector<16xf32>,
    %swap3A_184 = arith.constant 672 : index
    %swap3A_185 = tpu.vector_load %arg7[%swap3A_184] {strides = array<i32>} : memref<1024xf32, #tpu.memory_space<vmem>>, vector<16xf32>,
    tpu.vector_store %arg7[%swap3A_184], %broadcast_in_dim3A_100 {strides = array<i32>} : memref<1024xf32, #tpu.memory_space<vmem>>, vector<16xf32>,
    %swap3A_186 = arith.constant 688 : index
    %swap3A_187 = tpu.vector_load %arg7[%swap3A_186] {strides = array<i32>} : memref<1024xf32, #tpu.memory_space<vmem>>, vector<16xf32>,
    tpu.vector_store %arg7[%swap3A_186], %broadcast_in_dim3A_100 {strides = array<i32>} : memref<1024xf32, #tpu.memory_space<vmem>>, vector<16xf32>,
    %swap3A_188 = arith.constant 704 : index
    %swap3A_189 = tpu.vector_load %arg7[%swap3A_188] {strides = array<i32>} : memref<1024xf32, #tpu.memory_space<vmem>>, vector<16xf32>,
    tpu.vector_store %arg7[%swap3A_188], %broadcast_in_dim3A_100 {strides = array<i32>} : memref<1024xf32, #tpu.memory_space<vmem>>, vector<16xf32>,
    %swap3A_190 = arith.constant 720 : index
    %swap3A_191 = tpu.vector_load %arg7[%swap3A_190] {strides = array<i32>} : memref<1024xf32, #tpu.memory_space<vmem>>, vector<16xf32>,
    tpu.vector_store %arg7[%swap3A_190], %broadcast_in_dim3A_100 {strides = array<i32>} : memref<1024xf32, #tpu.memory_space<vmem>>, vector<16xf32>,
    %swap3A_192 = arith.constant 736 : index
    %swap3A_193 = tpu.vector_load %arg7[%swap3A_192] {strides = array<i32>} : memref<1024xf32, #tpu.memory_space<vmem>>, vector<16xf32>,
    tpu.vector_store %arg7[%swap3A_192], %broadcast_in_dim3A_100 {strides = array<i32>} : memref<1024xf32, #tpu.memory_space<vmem>>, vector<16xf32>,
    %swap3A_194 = arith.constant 752 : index
    %swap3A_195 = tpu.vector_load %arg7[%swap3A_194] {strides = array<i32>} : memref<1024xf32, #tpu.memory_space<vmem>>, vector<16xf32>,
    tpu.vector_store %arg7[%swap3A_194], %broadcast_in_dim3A_100 {strides = array<i32>} : memref<1024xf32, #tpu.memory_space<vmem>>, vector<16xf32>,
    %swap3A_196 = arith.constant 768 : index
    %swap3A_197 = tpu.vector_load %arg7[%swap3A_196] {strides = array<i32>} : memref<1024xf32, #tpu.memory_space<vmem>>, vector<16xf32>,
    tpu.vector_store %arg7[%swap3A_196], %broadcast_in_dim3A_100 {strides = array<i32>} : memref<1024xf32, #tpu.memory_space<vmem>>, vector<16xf32>,
    %swap3A_198 = arith.constant 784 : index
    %swap3A_199 = tpu.vector_load %arg7[%swap3A_198] {strides = array<i32>} : memref<1024xf32, #tpu.memory_space<vmem>>, vector<16xf32>,
    tpu.vector_store %arg7[%swap3A_198], %broadcast_in_dim3A_100 {strides = array<i32>} : memref<1024xf32, #tpu.memory_space<vmem>>, vector<16xf32>,
    %swap3A_200 = arith.constant 800 : index
    %swap3A_201 = tpu.vector_load %arg7[%swap3A_200] {strides = array<i32>} : memref<1024xf32, #tpu.memory_space<vmem>>, vector<16xf32>,
    tpu.vector_store %arg7[%swap3A_200], %broadcast_in_dim3A_100 {strides = array<i32>} : memref<1024xf32, #tpu.memory_space<vmem>>, vector<16xf32>,
    %swap3A_202 = arith.constant 816 : index
    %swap3A_203 = tpu.vector_load %arg7[%swap3A_202] {strides = array<i32>} : memref<1024xf32, #tpu.memory_space<vmem>>, vector<16xf32>,
    tpu.vector_store %arg7[%swap3A_202], %broadcast_in_dim3A_100 {strides = array<i32>} : memref<1024xf32, #tpu.memory_space<vmem>>, vector<16xf32>,
    %swap3A_204 = arith.constant 832 : index
    %swap3A_205 = tpu.vector_load %arg7[%swap3A_204] {strides = array<i32>} : memref<1024xf32, #tpu.memory_space<vmem>>, vector<16xf32>,
    tpu.vector_store %arg7[%swap3A_204], %broadcast_in_dim3A_100 {strides = array<i32>} : memref<1024xf32, #tpu.memory_space<vmem>>, vector<16xf32>,
    %swap3A_206 = arith.constant 848 : index
    %swap3A_207 = tpu.vector_load %arg7[%swap3A_206] {strides = array<i32>} : memref<1024xf32, #tpu.memory_space<vmem>>, vector<16xf32>,
    tpu.vector_store %arg7[%swap3A_206], %broadcast_in_dim3A_100 {strides = array<i32>} : memref<1024xf32, #tpu.memory_space<vmem>>, vector<16xf32>,
    %swap3A_208 = arith.constant 864 : index
    %swap3A_209 = tpu.vector_load %arg7[%swap3A_208] {strides = array<i32>} : memref<1024xf32, #tpu.memory_space<vmem>>, vector<16xf32>,
    tpu.vector_store %arg7[%swap3A_208], %broadcast_in_dim3A_100 {strides = array<i32>} : memref<1024xf32, #tpu.memory_space<vmem>>, vector<16xf32>,
    %swap3A_210 = arith.constant 880 : index
    %swap3A_211 = tpu.vector_load %arg7[%swap3A_210] {strides = array<i32>} : memref<1024xf32, #tpu.memory_space<vmem>>, vector<16xf32>,
    tpu.vector_store %arg7[%swap3A_210], %broadcast_in_dim3A_100 {strides = array<i32>} : memref<1024xf32, #tpu.memory_space<vmem>>, vector<16xf32>,
    %swap3A_212 = arith.constant 896 : index
    %swap3A_213 = tpu.vector_load %arg7[%swap3A_212] {strides = array<i32>} : memref<1024xf32, #tpu.memory_space<vmem>>, vector<16xf32>,
    tpu.vector_store %arg7[%swap3A_212], %broadcast_in_dim3A_100 {strides = array<i32>} : memref<1024xf32, #tpu.memory_space<vmem>>, vector<16xf32>,
    %swap3A_214 = arith.constant 912 : index
    %swap3A_215 = tpu.vector_load %arg7[%swap3A_214] {strides = array<i32>} : memref<1024xf32, #tpu.memory_space<vmem>>, vector<16xf32>,
    tpu.vector_store %arg7[%swap3A_214], %broadcast_in_dim3A_100 {strides = array<i32>} : memref<1024xf32, #tpu.memory_space<vmem>>, vector<16xf32>,
    %swap3A_216 = arith.constant 928 : index
    %swap3A_217 = tpu.vector_load %arg7[%swap3A_216] {strides = array<i32>} : memref<1024xf32, #tpu.memory_space<vmem>>, vector<16xf32>,
    tpu.vector_store %arg7[%swap3A_216], %broadcast_in_dim3A_100 {strides = array<i32>} : memref<1024xf32, #tpu.memory_space<vmem>>, vector<16xf32>,
    %swap3A_218 = arith.constant 944 : index
    %swap3A_219 = tpu.vector_load %arg7[%swap3A_218] {strides = array<i32>} : memref<1024xf32, #tpu.memory_space<vmem>>, vector<16xf32>,
    tpu.vector_store %arg7[%swap3A_218], %broadcast_in_dim3A_100 {strides = array<i32>} : memref<1024xf32, #tpu.memory_space<vmem>>, vector<16xf32>,
    %swap3A_220 = arith.constant 960 : index
    %swap3A_221 = tpu.vector_load %arg7[%swap3A_220] {strides = array<i32>} : memref<1024xf32, #tpu.memory_space<vmem>>, vector<16xf32>,
    tpu.vector_store %arg7[%swap3A_220], %broadcast_in_dim3A_100 {strides = array<i32>} : memref<1024xf32, #tpu.memory_space<vmem>>, vector<16xf32>,
    %swap3A_222 = arith.constant 976 : index
    %swap3A_223 = tpu.vector_load %arg7[%swap3A_222] {strides = array<i32>} : memref<1024xf32, #tpu.memory_space<vmem>>, vector<16xf32>,
    tpu.vector_store %arg7[%swap3A_222], %broadcast_in_dim3A_100 {strides = array<i32>} : memref<1024xf32, #tpu.memory_space<vmem>>, vector<16xf32>,
    %swap3A_224 = arith.constant 992 : index
    %swap3A_225 = tpu.vector_load %arg7[%swap3A_224] {strides = array<i32>} : memref<1024xf32, #tpu.memory_space<vmem>>, vector<16xf32>,
    tpu.vector_store %arg7[%swap3A_224], %broadcast_in_dim3A_100 {strides = array<i32>} : memref<1024xf32, #tpu.memory_space<vmem>>, vector<16xf32>,
    %swap3A_226 = arith.constant 1008 : index
    %swap3A_227 = tpu.vector_load %arg7[%swap3A_226] {strides = array<i32>} : memref<1024xf32, #tpu.memory_space<vmem>>, vector<16xf32>,
    tpu.vector_store %arg7[%swap3A_226], %broadcast_in_dim3A_100 {strides = array<i32>} : memref<1024xf32, #tpu.memory_space<vmem>>, vector<16xf32>,
    %swap3A_228 = arith.constant 0 : index
    %swap3A_229 = tpu.vector_load %arg7[%swap3A_228] {strides = array<i32>} : memref<1024xf32, #tpu.memory_space<vmem>>, vector<16xf32>,
    tpu.vector_store %arg7[%swap3A_228], %scan3A_97#0 {strides = array<i32>} : memref<1024xf32, #tpu.memory_space<vmem>>, vector<16xf32>,
    %swap3A_230 = arith.constant 512 : index
    %swap3A_231 = tpu.vector_load %arg7[%swap3A_230] {strides = array<i32>} : memref<1024xf32, #tpu.memory_space<vmem>>, vector<16xf32>,
    tpu.vector_store %arg7[%swap3A_230], %scan3A_97#21 {strides = array<i32>} : memref<1024xf32, #tpu.memory_space<vmem>>, vector<16xf32>,
    %swap3A_232 = arith.constant 16 : index
    %swap3A_233 = tpu.vector_load %arg7[%swap3A_232] {strides = array<i32>} : memref<1024xf32, #tpu.memory_space<vmem>>, vector<16xf32>,
    tpu.vector_store %arg7[%swap3A_232], %scan3A_97#1 {strides = array<i32>} : memref<1024xf32, #tpu.memory_space<vmem>>, vector<16xf32>,
    %swap3A_234 = arith.constant 528 : index
    %swap3A_235 = tpu.vector_load %arg7[%swap3A_234] {strides = array<i32>} : memref<1024xf32, #tpu.memory_space<vmem>>, vector<16xf32>,
    tpu.vector_store %arg7[%swap3A_234], %scan3A_97#22 {strides = array<i32>} : memref<1024xf32, #tpu.memory_space<vmem>>, vector<16xf32>,
    %swap3A_236 = arith.constant 32 : index
    %swap3A_237 = tpu.vector_load %arg7[%swap3A_236] {strides = array<i32>} : memref<1024xf32, #tpu.memory_space<vmem>>, vector<16xf32>,
    tpu.vector_store %arg7[%swap3A_236], %scan3A_97#2 {strides = array<i32>} : memref<1024xf32, #tpu.memory_space<vmem>>, vector<16xf32>,
    %swap3A_238 = arith.constant 544 : index
    %swap3A_239 = tpu.vector_load %arg7[%swap3A_238] {strides = array<i32>} : memref<1024xf32, #tpu.memory_space<vmem>>, vector<16xf32>,
    tpu.vector_store %arg7[%swap3A_238], %scan3A_97#23 {strides = array<i32>} : memref<1024xf32, #tpu.memory_space<vmem>>, vector<16xf32>,
    %swap3A_240 = arith.constant 48 : index
    %swap3A_241 = tpu.vector_load %arg7[%swap3A_240] {strides = array<i32>} : memref<1024xf32, #tpu.memory_space<vmem>>, vector<16xf32>,
    tpu.vector_store %arg7[%swap3A_240], %scan3A_97#3 {strides = array<i32>} : memref<1024xf32, #tpu.memory_space<vmem>>, vector<16xf32>,
    %swap3A_242 = arith.constant 560 : index
    %swap3A_243 = tpu.vector_load %arg7[%swap3A_242] {strides = array<i32>} : memref<1024xf32, #tpu.memory_space<vmem>>, vector<16xf32>,
    tpu.vector_store %arg7[%swap3A_242], %scan3A_97#24 {strides = array<i32>} : memref<1024xf32, #tpu.memory_space<vmem>>, vector<16xf32>,
    %swap3A_244 = arith.constant 64 : index
    %swap3A_245 = tpu.vector_load %arg7[%swap3A_244] {strides = array<i32>} : memref<1024xf32, #tpu.memory_space<vmem>>, vector<16xf32>,
    tpu.vector_store %arg7[%swap3A_244], %scan3A_97#4 {strides = array<i32>} : memref<1024xf32, #tpu.memory_space<vmem>>, vector<16xf32>,
    %swap3A_246 = arith.constant 576 : index
    %swap3A_247 = tpu.vector_load %arg7[%swap3A_246] {strides = array<i32>} : memref<1024xf32, #tpu.memory_space<vmem>>, vector<16xf32>,
    tpu.vector_store %arg7[%swap3A_246], %scan3A_97#25 {strides = array<i32>} : memref<1024xf32, #tpu.memory_space<vmem>>, vector<16xf32>,
    %swap3A_248 = arith.constant 80 : index
    %swap3A_249 = tpu.vector_load %arg7[%swap3A_248] {strides = array<i32>} : memref<1024xf32, #tpu.memory_space<vmem>>, vector<16xf32>,
    tpu.vector_store %arg7[%swap3A_248], %scan3A_97#5 {strides = array<i32>} : memref<1024xf32, #tpu.memory_space<vmem>>, vector<16xf32>,
    %swap3A_250 = arith.constant 592 : index
    %swap3A_251 = tpu.vector_load %arg7[%swap3A_250] {strides = array<i32>} : memref<1024xf32, #tpu.memory_space<vmem>>, vector<16xf32>,
    tpu.vector_store %arg7[%swap3A_250], %scan3A_97#26 {strides = array<i32>} : memref<1024xf32, #tpu.memory_space<vmem>>, vector<16xf32>,
    %swap3A_252 = arith.constant 96 : index
    %swap3A_253 = tpu.vector_load %arg7[%swap3A_252] {strides = array<i32>} : memref<1024xf32, #tpu.memory_space<vmem>>, vector<16xf32>,
    tpu.vector_store %arg7[%swap3A_252], %scan3A_97#6 {strides = array<i32>} : memref<1024xf32, #tpu.memory_space<vmem>>, vector<16xf32>,
    %swap3A_254 = arith.constant 608 : index
    %swap3A_255 = tpu.vector_load %arg7[%swap3A_254] {strides = array<i32>} : memref<1024xf32, #tpu.memory_space<vmem>>, vector<16xf32>,
    tpu.vector_store %arg7[%swap3A_254], %scan3A_97#27 {strides = array<i32>} : memref<1024xf32, #tpu.memory_space<vmem>>, vector<16xf32>,
    %swap3A_256 = arith.constant 112 : index
    %swap3A_257 = tpu.vector_load %arg7[%swap3A_256] {strides = array<i32>} : memref<1024xf32, #tpu.memory_space<vmem>>, vector<16xf32>,
    tpu.vector_store %arg7[%swap3A_256], %scan3A_97#7 {strides = array<i32>} : memref<1024xf32, #tpu.memory_space<vmem>>, vector<16xf32>,
    %swap3A_258 = arith.constant 624 : index
    %swap3A_259 = tpu.vector_load %arg7[%swap3A_258] {strides = array<i32>} : memref<1024xf32, #tpu.memory_space<vmem>>, vector<16xf32>,
    tpu.vector_store %arg7[%swap3A_258], %scan3A_97#28 {strides = array<i32>} : memref<1024xf32, #tpu.memory_space<vmem>>, vector<16xf32>,
    %swap3A_260 = arith.constant 128 : index
    %swap3A_261 = tpu.vector_load %arg7[%swap3A_260] {strides = array<i32>} : memref<1024xf32, #tpu.memory_space<vmem>>, vector<16xf32>,
    tpu.vector_store %arg7[%swap3A_260], %scan3A_97#8 {strides = array<i32>} : memref<1024xf32, #tpu.memory_space<vmem>>, vector<16xf32>,
    %swap3A_262 = arith.constant 640 : index
    %swap3A_263 = tpu.vector_load %arg7[%swap3A_262] {strides = array<i32>} : memref<1024xf32, #tpu.memory_space<vmem>>, vector<16xf32>,
    tpu.vector_store %arg7[%swap3A_262], %scan3A_97#29 {strides = array<i32>} : memref<1024xf32, #tpu.memory_space<vmem>>, vector<16xf32>,
    %swap3A_264 = arith.constant 144 : index
    %swap3A_265 = tpu.vector_load %arg7[%swap3A_264] {strides = array<i32>} : memref<1024xf32, #tpu.memory_space<vmem>>, vector<16xf32>,
    tpu.vector_store %arg7[%swap3A_264], %scan3A_97#9 {strides = array<i32>} : memref<1024xf32, #tpu.memory_space<vmem>>, vector<16xf32>,
    %swap3A_266 = arith.constant 656 : index
    %swap3A_267 = tpu.vector_load %arg7[%swap3A_266] {strides = array<i32>} : memref<1024xf32, #tpu.memory_space<vmem>>, vector<16xf32>,
    tpu.vector_store %arg7[%swap3A_266], %scan3A_97#30 {strides = array<i32>} : memref<1024xf32, #tpu.memory_space<vmem>>, vector<16xf32>,
    %swap3A_268 = arith.constant 160 : index
    %swap3A_269 = tpu.vector_load %arg7[%swap3A_268] {strides = array<i32>} : memref<1024xf32, #tpu.memory_space<vmem>>, vector<16xf32>,
    tpu.vector_store %arg7[%swap3A_268], %scan3A_97#10 {strides = array<i32>} : memref<1024xf32, #tpu.memory_space<vmem>>, vector<16xf32>,
    %swap3A_270 = arith.constant 672 : index
    %swap3A_271 = tpu.vector_load %arg7[%swap3A_270] {strides = array<i32>} : memref<1024xf32, #tpu.memory_space<vmem>>, vector<16xf32>,
    tpu.vector_store %arg7[%swap3A_270], %scan3A_97#31 {strides = array<i32>} : memref<1024xf32, #tpu.memory_space<vmem>>, vector<16xf32>,
    %swap3A_272 = arith.constant 176 : index
    %swap3A_273 = tpu.vector_load %arg7[%swap3A_272] {strides = array<i32>} : memref<1024xf32, #tpu.memory_space<vmem>>, vector<16xf32>,
    tpu.vector_store %arg7[%swap3A_272], %scan3A_97#11 {strides = array<i32>} : memref<1024xf32, #tpu.memory_space<vmem>>, vector<16xf32>,
    %swap3A_274 = arith.constant 688 : index
    %swap3A_275 = tpu.vector_load %arg7[%swap3A_274] {strides = array<i32>} : memref<1024xf32, #tpu.memory_space<vmem>>, vector<16xf32>,
    tpu.vector_store %arg7[%swap3A_274], %scan3A_97#32 {strides = array<i32>} : memref<1024xf32, #tpu.memory_space<vmem>>, vector<16xf32>,
    %swap3A_276 = arith.constant 192 : index
    %swap3A_277 = tpu.vector_load %arg7[%swap3A_276] {strides = array<i32>} : memref<1024xf32, #tpu.memory_space<vmem>>, vector<16xf32>,
    tpu.vector_store %arg7[%swap3A_276], %scan3A_97#12 {strides = array<i32>} : memref<1024xf32, #tpu.memory_space<vmem>>, vector<16xf32>,
    %swap3A_278 = arith.constant 704 : index
    %swap3A_279 = tpu.vector_load %arg7[%swap3A_278] {strides = array<i32>} : memref<1024xf32, #tpu.memory_space<vmem>>, vector<16xf32>,
    tpu.vector_store %arg7[%swap3A_278], %scan3A_97#33 {strides = array<i32>} : memref<1024xf32, #tpu.memory_space<vmem>>, vector<16xf32>,
    %swap3A_280 = arith.constant 208 : index
    %swap3A_281 = tpu.vector_load %arg7[%swap3A_280] {strides = array<i32>} : memref<1024xf32, #tpu.memory_space<vmem>>, vector<16xf32>,
    tpu.vector_store %arg7[%swap3A_280], %scan3A_97#13 {strides = array<i32>} : memref<1024xf32, #tpu.memory_space<vmem>>, vector<16xf32>,
    %swap3A_282 = arith.constant 720 : index
    %swap3A_283 = tpu.vector_load %arg7[%swap3A_282] {strides = array<i32>} : memref<1024xf32, #tpu.memory_space<vmem>>, vector<16xf32>,
    tpu.vector_store %arg7[%swap3A_282], %scan3A_97#34 {strides = array<i32>} : memref<1024xf32, #tpu.memory_space<vmem>>, vector<16xf32>,
    %swap3A_284 = arith.constant 224 : index
    %swap3A_285 = tpu.vector_load %arg7[%swap3A_284] {strides = array<i32>} : memref<1024xf32, #tpu.memory_space<vmem>>, vector<16xf32>,
    tpu.vector_store %arg7[%swap3A_284], %scan3A_97#14 {strides = array<i32>} : memref<1024xf32, #tpu.memory_space<vmem>>, vector<16xf32>,
    %swap3A_286 = arith.constant 736 : index
    %swap3A_287 = tpu.vector_load %arg7[%swap3A_286] {strides = array<i32>} : memref<1024xf32, #tpu.memory_space<vmem>>, vector<16xf32>,
    tpu.vector_store %arg7[%swap3A_286], %scan3A_97#35 {strides = array<i32>} : memref<1024xf32, #tpu.memory_space<vmem>>, vector<16xf32>,
    %swap3A_288 = arith.constant 240 : index
    %swap3A_289 = tpu.vector_load %arg7[%swap3A_288] {strides = array<i32>} : memref<1024xf32, #tpu.memory_space<vmem>>, vector<16xf32>,
    tpu.vector_store %arg7[%swap3A_288], %scan3A_97#15 {strides = array<i32>} : memref<1024xf32, #tpu.memory_space<vmem>>, vector<16xf32>,
    %swap3A_290 = arith.constant 752 : index
    %swap3A_291 = tpu.vector_load %arg7[%swap3A_290] {strides = array<i32>} : memref<1024xf32, #tpu.memory_space<vmem>>, vector<16xf32>,
    tpu.vector_store %arg7[%swap3A_290], %scan3A_97#36 {strides = array<i32>} : memref<1024xf32, #tpu.memory_space<vmem>>, vector<16xf32>,
    %swap3A_292 = arith.constant 256 : index
    %swap3A_293 = tpu.vector_load %arg7[%swap3A_292] {strides = array<i32>} : memref<1024xf32, #tpu.memory_space<vmem>>, vector<16xf32>,
    tpu.vector_store %arg7[%swap3A_292], %scan3A_97#16 {strides = array<i32>} : memref<1024xf32, #tpu.memory_space<vmem>>, vector<16xf32>,
    %swap3A_294 = arith.constant 768 : index
    %swap3A_295 = tpu.vector_load %arg7[%swap3A_294] {strides = array<i32>} : memref<1024xf32, #tpu.memory_space<vmem>>, vector<16xf32>,
    tpu.vector_store %arg7[%swap3A_294], %scan3A_97#37 {strides = array<i32>} : memref<1024xf32, #tpu.memory_space<vmem>>, vector<16xf32>,
    %swap3A_296 = arith.constant 272 : index
    %swap3A_297 = tpu.vector_load %arg7[%swap3A_296] {strides = array<i32>} : memref<1024xf32, #tpu.memory_space<vmem>>, vector<16xf32>,
    tpu.vector_store %arg7[%swap3A_296], %scan3A_97#17 {strides = array<i32>} : memref<1024xf32, #tpu.memory_space<vmem>>, vector<16xf32>,
    %swap3A_298 = arith.constant 784 : index
    %swap3A_299 = tpu.vector_load %arg7[%swap3A_298] {strides = array<i32>} : memref<1024xf32, #tpu.memory_space<vmem>>, vector<16xf32>,
    tpu.vector_store %arg7[%swap3A_298], %scan3A_97#38 {strides = array<i32>} : memref<1024xf32, #tpu.memory_space<vmem>>, vector<16xf32>,
    %swap3A_300 = arith.constant 288 : index
    %swap3A_301 = tpu.vector_load %arg7[%swap3A_300] {strides = array<i32>} : memref<1024xf32, #tpu.memory_space<vmem>>, vector<16xf32>,
    tpu.vector_store %arg7[%swap3A_300], %scan3A_97#18 {strides = array<i32>} : memref<1024xf32, #tpu.memory_space<vmem>>, vector<16xf32>,
    %swap3A_302 = arith.constant 800 : index
    %swap3A_303 = tpu.vector_load %arg7[%swap3A_302] {strides = array<i32>} : memref<1024xf32, #tpu.memory_space<vmem>>, vector<16xf32>,
    tpu.vector_store %arg7[%swap3A_302], %scan3A_97#39 {strides = array<i32>} : memref<1024xf32, #tpu.memory_space<vmem>>, vector<16xf32>,
    %swap3A_304 = arith.constant 304 : index
    %swap3A_305 = tpu.vector_load %arg7[%swap3A_304] {strides = array<i32>} : memref<1024xf32, #tpu.memory_space<vmem>>, vector<16xf32>,
    tpu.vector_store %arg7[%swap3A_304], %scan3A_97#19 {strides = array<i32>} : memref<1024xf32, #tpu.memory_space<vmem>>, vector<16xf32>,
    %swap3A_306 = arith.constant 816 : index
    %swap3A_307 = tpu.vector_load %arg7[%swap3A_306] {strides = array<i32>} : memref<1024xf32, #tpu.memory_space<vmem>>, vector<16xf32>,
    tpu.vector_store %arg7[%swap3A_306], %scan3A_97#40 {strides = array<i32>} : memref<1024xf32, #tpu.memory_space<vmem>>, vector<16xf32>,
    %swap3A_308 = arith.constant 320 : index
    %swap3A_309 = tpu.vector_load %arg7[%swap3A_308] {strides = array<i32>} : memref<1024xf32, #tpu.memory_space<vmem>>, vector<16xf32>,
    tpu.vector_store %arg7[%swap3A_308], %scan3A_97#20 {strides = array<i32>} : memref<1024xf32, #tpu.memory_space<vmem>>, vector<16xf32>,
    %swap3A_310 = arith.constant 832 : index
    %swap3A_311 = tpu.vector_load %arg7[%swap3A_310] {strides = array<i32>} : memref<1024xf32, #tpu.memory_space<vmem>>, vector<16xf32>,
    tpu.vector_store %arg7[%swap3A_310], %scan3A_97#41 {strides = array<i32>} : memref<1024xf32, #tpu.memory_space<vmem>>, vector<16xf32>,
    "tpu.region"() ({
      %run_scoped3A_537 = tpu.sem_alloc : memref<!tpu.dma_semaphore, #tpu.memory_space<semaphore_mem>>
      %dma_start3A_538 = arith.constant 0 : i32
      %dma_start3A_539 = tpu.memref_slice %arg10[%arg1, %dma_start3A_538] : memref<16x1024xf32, #tpu.memory_space<vmem_shared>> -> memref<1x1024xf32, #tpu.memory_space<vmem_shared>>
      %dma_start3A_540 = tpu.memref_squeeze %dma_start3A_539 : memref<1x1024xf32, #tpu.memory_space<vmem_shared>> -> memref<1024xf32, #tpu.memory_space<vmem_shared>>
      %dma_start3A_541 = arith.constant 0 : i32
      %dma_start3A_542 = tpu.memref_slice %arg10[%arg1, %dma_start3A_541] : memref<16x1024xf32, #tpu.memory_space<vmem_shared>> -> memref<1x1024xf32, #tpu.memory_space<vmem_shared>>
      %dma_start3A_543 = tpu.memref_squeeze %dma_start3A_542 : memref<1x1024xf32, #tpu.memory_space<vmem_shared>> -> memref<1024xf32, #tpu.memory_space<vmem_shared>>
      tpu.enqueue_dma source(%arg7 : memref<1024xf32, #tpu.memory_space<vmem>>) target(%dma_start3A_543 : memref<1024xf32, #tpu.memory_space<vmem_shared>>) target_semaphore(%run_scoped3A_537 : memref<!tpu.dma_semaphore, #tpu.memory_space<semaphore_mem>>)
      %dma_wait3A_544 = arith.constant 0 : i32
      %dma_wait3A_545 = tpu.memref_slice %arg10[%arg1, %dma_wait3A_544] : memref<16x1024xf32, #tpu.memory_space<vmem_shared>> -> memref<1x1024xf32, #tpu.memory_space<vmem_shared>>
      %dma_wait3A_546 = tpu.memref_squeeze %dma_wait3A_545 : memref<1x1024xf32, #tpu.memory_space<vmem_shared>> -> memref<1024xf32, #tpu.memory_space<vmem_shared>>
      %dma_wait3A_547 = arith.constant 0 : i32
      %dma_wait3A_548 = tpu.memref_slice %arg10[%arg1, %dma_wait3A_547] : memref<16x1024xf32, #tpu.memory_space<vmem_shared>> -> memref<1x1024xf32, #tpu.memory_space<vmem_shared>>
      %dma_wait3A_549 = tpu.memref_squeeze %dma_wait3A_548 : memref<1x1024xf32, #tpu.memory_space<vmem_shared>> -> memref<1024xf32, #tpu.memory_space<vmem_shared>>
      tpu.wait_dma2 semaphore(%run_scoped3A_537 : memref<!tpu.dma_semaphore, #tpu.memory_space<semaphore_mem>>) src(%arg7 : memref<1024xf32, #tpu.memory_space<vmem>>) dst(%dma_wait3A_549 : memref<1024xf32, #tpu.memory_space<vmem_shared>>)
      tpu.yield
    }) : () -> ()
    %barrier3A = arith.constant 0 : index
    tpu.barrier barrier_id(%barrier3A)
    %mul3A_312 = arith.constant 64 : i32
    %mul3A_313 = arith.muli %arg1, %mul3A_312 : i32
    %run_scoped3A = arith.constant 0 : i32
    "tpu.region"() ({
      %run_scoped3A_537 = tpu.sem_alloc : memref<!tpu.dma_semaphore, #tpu.memory_space<semaphore_mem>>
      %dma_start3A_538 = arith.constant 0 : i32
      %dma_start3A_539 = tpu.memref_slice %arg8[%dma_start3A_538] : memref<1024xf32, #tpu.memory_space<vmem>> -> memref<64xf32, #tpu.memory_space<vmem>>
      %dma_start3A_540 = tpu.memref_slice %arg10[%run_scoped3A, %mul3A_313] : memref<16x1024xf32, #tpu.memory_space<vmem_shared>> -> memref<1x64xf32, #tpu.memory_space<vmem_shared>>
      %dma_start3A_541 = tpu.memref_squeeze %dma_start3A_540 : memref<1x64xf32, #tpu.memory_space<vmem_shared>> -> memref<64xf32, #tpu.memory_space<vmem_shared>>
      %dma_start3A_542 = arith.constant 0 : i32
      %dma_start3A_543 = tpu.memref_slice %arg8[%dma_start3A_542] : memref<1024xf32, #tpu.memory_space<vmem>> -> memref<64xf32, #tpu.memory_space<vmem>>
      %dma_start3A_544 = tpu.memref_slice %arg10[%run_scoped3A, %mul3A_313] : memref<16x1024xf32, #tpu.memory_space<vmem_shared>> -> memref<1x64xf32, #tpu.memory_space<vmem_shared>>
      %dma_start3A_545 = tpu.memref_squeeze %dma_start3A_544 : memref<1x64xf32, #tpu.memory_space<vmem_shared>> -> memref<64xf32, #tpu.memory_space<vmem_shared>>
      tpu.enqueue_dma source(%dma_start3A_545 : memref<64xf32, #tpu.memory_space<vmem_shared>>) target(%dma_start3A_543 : memref<64xf32, #tpu.memory_space<vmem>>) target_semaphore(%run_scoped3A_537 : memref<!tpu.dma_semaphore, #tpu.memory_space<semaphore_mem>>)
      %dma_wait3A_546 = arith.constant 0 : i32
      %dma_wait3A_547 = tpu.memref_slice %arg8[%dma_wait3A_546] : memref<1024xf32, #tpu.memory_space<vmem>> -> memref<64xf32, #tpu.memory_space<vmem>>
      %dma_wait3A_548 = tpu.memref_slice %arg10[%run_scoped3A, %mul3A_313] : memref<16x1024xf32, #tpu.memory_space<vmem_shared>> -> memref<1x64xf32, #tpu.memory_space<vmem_shared>>
      %dma_wait3A_549 = tpu.memref_squeeze %dma_wait3A_548 : memref<1x64xf32, #tpu.memory_space<vmem_shared>> -> memref<64xf32, #tpu.memory_space<vmem_shared>>
      %dma_wait3A_550 = arith.constant 0 : i32
      %dma_wait3A_551 = tpu.memref_slice %arg8[%dma_wait3A_550] : memref<1024xf32, #tpu.memory_space<vmem>> -> memref<64xf32, #tpu.memory_space<vmem>>
      %dma_wait3A_552 = tpu.memref_slice %arg10[%run_scoped3A, %mul3A_313] : memref<16x1024xf32, #tpu.memory_space<vmem_shared>> -> memref<1x64xf32, #tpu.memory_space<vmem_shared>>
      %dma_wait3A_553 = tpu.memref_squeeze %dma_wait3A_552 : memref<1x64xf32, #tpu.memory_space<vmem_shared>> -> memref<64xf32, #tpu.memory_space<vmem_shared>>
      tpu.wait_dma2 semaphore(%run_scoped3A_537 : memref<!tpu.dma_semaphore, #tpu.memory_space<semaphore_mem>>) src(%dma_wait3A_553 : memref<64xf32, #tpu.memory_space<vmem_shared>>) dst(%dma_wait3A_551 : memref<64xf32, #tpu.memory_space<vmem>>)
      tpu.yield
    }) : () -> ()
    %run_scoped3A_314 = arith.constant 1 : i32
    "tpu.region"() ({
      %run_scoped3A_537 = tpu.sem_alloc : memref<!tpu.dma_semaphore, #tpu.memory_space<semaphore_mem>>
      %dma_start3A_538 = arith.constant 64 : i32
      %dma_start3A_539 = tpu.memref_slice %arg8[%dma_start3A_538] : memref<1024xf32, #tpu.memory_space<vmem>> -> memref<64xf32, #tpu.memory_space<vmem>>
      %dma_start3A_540 = tpu.memref_slice %arg10[%run_scoped3A_314, %mul3A_313] : memref<16x1024xf32, #tpu.memory_space<vmem_shared>> -> memref<1x64xf32, #tpu.memory_space<vmem_shared>>
      %dma_start3A_541 = tpu.memref_squeeze %dma_start3A_540 : memref<1x64xf32, #tpu.memory_space<vmem_shared>> -> memref<64xf32, #tpu.memory_space<vmem_shared>>
      %dma_start3A_542 = arith.constant 64 : i32
      %dma_start3A_543 = tpu.memref_slice %arg8[%dma_start3A_542] : memref<1024xf32, #tpu.memory_space<vmem>> -> memref<64xf32, #tpu.memory_space<vmem>>
      %dma_start3A_544 = tpu.memref_slice %arg10[%run_scoped3A_314, %mul3A_313] : memref<16x1024xf32, #tpu.memory_space<vmem_shared>> -> memref<1x64xf32, #tpu.memory_space<vmem_shared>>
      %dma_start3A_545 = tpu.memref_squeeze %dma_start3A_544 : memref<1x64xf32, #tpu.memory_space<vmem_shared>> -> memref<64xf32, #tpu.memory_space<vmem_shared>>
      tpu.enqueue_dma source(%dma_start3A_545 : memref<64xf32, #tpu.memory_space<vmem_shared>>) target(%dma_start3A_543 : memref<64xf32, #tpu.memory_space<vmem>>) target_semaphore(%run_scoped3A_537 : memref<!tpu.dma_semaphore, #tpu.memory_space<semaphore_mem>>)
      %dma_wait3A_546 = arith.constant 64 : i32
      %dma_wait3A_547 = tpu.memref_slice %arg8[%dma_wait3A_546] : memref<1024xf32, #tpu.memory_space<vmem>> -> memref<64xf32, #tpu.memory_space<vmem>>
      %dma_wait3A_548 = tpu.memref_slice %arg10[%run_scoped3A_314, %mul3A_313] : memref<16x1024xf32, #tpu.memory_space<vmem_shared>> -> memref<1x64xf32, #tpu.memory_space<vmem_shared>>
      %dma_wait3A_549 = tpu.memref_squeeze %dma_wait3A_548 : memref<1x64xf32, #tpu.memory_space<vmem_shared>> -> memref<64xf32, #tpu.memory_space<vmem_shared>>
      %dma_wait3A_550 = arith.constant 64 : i32
      %dma_wait3A_551 = tpu.memref_slice %arg8[%dma_wait3A_550] : memref<1024xf32, #tpu.memory_space<vmem>> -> memref<64xf32, #tpu.memory_space<vmem>>
      %dma_wait3A_552 = tpu.memref_slice %arg10[%run_scoped3A_314, %mul3A_313] : memref<16x1024xf32, #tpu.memory_space<vmem_shared>> -> memref<1x64xf32, #tpu.memory_space<vmem_shared>>
      %dma_wait3A_553 = tpu.memref_squeeze %dma_wait3A_552 : memref<1x64xf32, #tpu.memory_space<vmem_shared>> -> memref<64xf32, #tpu.memory_space<vmem_shared>>
      tpu.wait_dma2 semaphore(%run_scoped3A_537 : memref<!tpu.dma_semaphore, #tpu.memory_space<semaphore_mem>>) src(%dma_wait3A_553 : memref<64xf32, #tpu.memory_space<vmem_shared>>) dst(%dma_wait3A_551 : memref<64xf32, #tpu.memory_space<vmem>>)
      tpu.yield
    }) : () -> ()
    %run_scoped3A_315 = arith.constant 2 : i32
    "tpu.region"() ({
      %run_scoped3A_537 = tpu.sem_alloc : memref<!tpu.dma_semaphore, #tpu.memory_space<semaphore_mem>>
      %dma_start3A_538 = arith.constant 128 : i32
      %dma_start3A_539 = tpu.memref_slice %arg8[%dma_start3A_538] : memref<1024xf32, #tpu.memory_space<vmem>> -> memref<64xf32, #tpu.memory_space<vmem>>
      %dma_start3A_540 = tpu.memref_slice %arg10[%run_scoped3A_315, %mul3A_313] : memref<16x1024xf32, #tpu.memory_space<vmem_shared>> -> memref<1x64xf32, #tpu.memory_space<vmem_shared>>
      %dma_start3A_541 = tpu.memref_squeeze %dma_start3A_540 : memref<1x64xf32, #tpu.memory_space<vmem_shared>> -> memref<64xf32, #tpu.memory_space<vmem_shared>>
      %dma_start3A_542 = arith.constant 128 : i32
      %dma_start3A_543 = tpu.memref_slice %arg8[%dma_start3A_542] : memref<1024xf32, #tpu.memory_space<vmem>> -> memref<64xf32, #tpu.memory_space<vmem>>
      %dma_start3A_544 = tpu.memref_slice %arg10[%run_scoped3A_315, %mul3A_313] : memref<16x1024xf32, #tpu.memory_space<vmem_shared>> -> memref<1x64xf32, #tpu.memory_space<vmem_shared>>
      %dma_start3A_545 = tpu.memref_squeeze %dma_start3A_544 : memref<1x64xf32, #tpu.memory_space<vmem_shared>> -> memref<64xf32, #tpu.memory_space<vmem_shared>>
      tpu.enqueue_dma source(%dma_start3A_545 : memref<64xf32, #tpu.memory_space<vmem_shared>>) target(%dma_start3A_543 : memref<64xf32, #tpu.memory_space<vmem>>) target_semaphore(%run_scoped3A_537 : memref<!tpu.dma_semaphore, #tpu.memory_space<semaphore_mem>>)
      %dma_wait3A_546 = arith.constant 128 : i32
      %dma_wait3A_547 = tpu.memref_slice %arg8[%dma_wait3A_546] : memref<1024xf32, #tpu.memory_space<vmem>> -> memref<64xf32, #tpu.memory_space<vmem>>
      %dma_wait3A_548 = tpu.memref_slice %arg10[%run_scoped3A_315, %mul3A_313] : memref<16x1024xf32, #tpu.memory_space<vmem_shared>> -> memref<1x64xf32, #tpu.memory_space<vmem_shared>>
      %dma_wait3A_549 = tpu.memref_squeeze %dma_wait3A_548 : memref<1x64xf32, #tpu.memory_space<vmem_shared>> -> memref<64xf32, #tpu.memory_space<vmem_shared>>
      %dma_wait3A_550 = arith.constant 128 : i32
      %dma_wait3A_551 = tpu.memref_slice %arg8[%dma_wait3A_550] : memref<1024xf32, #tpu.memory_space<vmem>> -> memref<64xf32, #tpu.memory_space<vmem>>
      %dma_wait3A_552 = tpu.memref_slice %arg10[%run_scoped3A_315, %mul3A_313] : memref<16x1024xf32, #tpu.memory_space<vmem_shared>> -> memref<1x64xf32, #tpu.memory_space<vmem_shared>>
      %dma_wait3A_553 = tpu.memref_squeeze %dma_wait3A_552 : memref<1x64xf32, #tpu.memory_space<vmem_shared>> -> memref<64xf32, #tpu.memory_space<vmem_shared>>
      tpu.wait_dma2 semaphore(%run_scoped3A_537 : memref<!tpu.dma_semaphore, #tpu.memory_space<semaphore_mem>>) src(%dma_wait3A_553 : memref<64xf32, #tpu.memory_space<vmem_shared>>) dst(%dma_wait3A_551 : memref<64xf32, #tpu.memory_space<vmem>>)
      tpu.yield
    }) : () -> ()
    %run_scoped3A_316 = arith.constant 3 : i32
    "tpu.region"() ({
      %run_scoped3A_537 = tpu.sem_alloc : memref<!tpu.dma_semaphore, #tpu.memory_space<semaphore_mem>>
      %dma_start3A_538 = arith.constant 192 : i32
      %dma_start3A_539 = tpu.memref_slice %arg8[%dma_start3A_538] : memref<1024xf32, #tpu.memory_space<vmem>> -> memref<64xf32, #tpu.memory_space<vmem>>
      %dma_start3A_540 = tpu.memref_slice %arg10[%run_scoped3A_316, %mul3A_313] : memref<16x1024xf32, #tpu.memory_space<vmem_shared>> -> memref<1x64xf32, #tpu.memory_space<vmem_shared>>
      %dma_start3A_541 = tpu.memref_squeeze %dma_start3A_540 : memref<1x64xf32, #tpu.memory_space<vmem_shared>> -> memref<64xf32, #tpu.memory_space<vmem_shared>>
      %dma_start3A_542 = arith.constant 192 : i32
      %dma_start3A_543 = tpu.memref_slice %arg8[%dma_start3A_542] : memref<1024xf32, #tpu.memory_space<vmem>> -> memref<64xf32, #tpu.memory_space<vmem>>
      %dma_start3A_544 = tpu.memref_slice %arg10[%run_scoped3A_316, %mul3A_313] : memref<16x1024xf32, #tpu.memory_space<vmem_shared>> -> memref<1x64xf32, #tpu.memory_space<vmem_shared>>
      %dma_start3A_545 = tpu.memref_squeeze %dma_start3A_544 : memref<1x64xf32, #tpu.memory_space<vmem_shared>> -> memref<64xf32, #tpu.memory_space<vmem_shared>>
      tpu.enqueue_dma source(%dma_start3A_545 : memref<64xf32, #tpu.memory_space<vmem_shared>>) target(%dma_start3A_543 : memref<64xf32, #tpu.memory_space<vmem>>) target_semaphore(%run_scoped3A_537 : memref<!tpu.dma_semaphore, #tpu.memory_space<semaphore_mem>>)
      %dma_wait3A_546 = arith.constant 192 : i32
      %dma_wait3A_547 = tpu.memref_slice %arg8[%dma_wait3A_546] : memref<1024xf32, #tpu.memory_space<vmem>> -> memref<64xf32, #tpu.memory_space<vmem>>
      %dma_wait3A_548 = tpu.memref_slice %arg10[%run_scoped3A_316, %mul3A_313] : memref<16x1024xf32, #tpu.memory_space<vmem_shared>> -> memref<1x64xf32, #tpu.memory_space<vmem_shared>>
      %dma_wait3A_549 = tpu.memref_squeeze %dma_wait3A_548 : memref<1x64xf32, #tpu.memory_space<vmem_shared>> -> memref<64xf32, #tpu.memory_space<vmem_shared>>
      %dma_wait3A_550 = arith.constant 192 : i32
      %dma_wait3A_551 = tpu.memref_slice %arg8[%dma_wait3A_550] : memref<1024xf32, #tpu.memory_space<vmem>> -> memref<64xf32, #tpu.memory_space<vmem>>
      %dma_wait3A_552 = tpu.memref_slice %arg10[%run_scoped3A_316, %mul3A_313] : memref<16x1024xf32, #tpu.memory_space<vmem_shared>> -> memref<1x64xf32, #tpu.memory_space<vmem_shared>>
      %dma_wait3A_553 = tpu.memref_squeeze %dma_wait3A_552 : memref<1x64xf32, #tpu.memory_space<vmem_shared>> -> memref<64xf32, #tpu.memory_space<vmem_shared>>
      tpu.wait_dma2 semaphore(%run_scoped3A_537 : memref<!tpu.dma_semaphore, #tpu.memory_space<semaphore_mem>>) src(%dma_wait3A_553 : memref<64xf32, #tpu.memory_space<vmem_shared>>) dst(%dma_wait3A_551 : memref<64xf32, #tpu.memory_space<vmem>>)
      tpu.yield
    }) : () -> ()
    %run_scoped3A_317 = arith.constant 4 : i32
    "tpu.region"() ({
      %run_scoped3A_537 = tpu.sem_alloc : memref<!tpu.dma_semaphore, #tpu.memory_space<semaphore_mem>>
      %dma_start3A_538 = arith.constant 256 : i32
      %dma_start3A_539 = tpu.memref_slice %arg8[%dma_start3A_538] : memref<1024xf32, #tpu.memory_space<vmem>> -> memref<64xf32, #tpu.memory_space<vmem>>
      %dma_start3A_540 = tpu.memref_slice %arg10[%run_scoped3A_317, %mul3A_313] : memref<16x1024xf32, #tpu.memory_space<vmem_shared>> -> memref<1x64xf32, #tpu.memory_space<vmem_shared>>
      %dma_start3A_541 = tpu.memref_squeeze %dma_start3A_540 : memref<1x64xf32, #tpu.memory_space<vmem_shared>> -> memref<64xf32, #tpu.memory_space<vmem_shared>>
      %dma_start3A_542 = arith.constant 256 : i32
      %dma_start3A_543 = tpu.memref_slice %arg8[%dma_start3A_542] : memref<1024xf32, #tpu.memory_space<vmem>> -> memref<64xf32, #tpu.memory_space<vmem>>
      %dma_start3A_544 = tpu.memref_slice %arg10[%run_scoped3A_317, %mul3A_313] : memref<16x1024xf32, #tpu.memory_space<vmem_shared>> -> memref<1x64xf32, #tpu.memory_space<vmem_shared>>
      %dma_start3A_545 = tpu.memref_squeeze %dma_start3A_544 : memref<1x64xf32, #tpu.memory_space<vmem_shared>> -> memref<64xf32, #tpu.memory_space<vmem_shared>>
      tpu.enqueue_dma source(%dma_start3A_545 : memref<64xf32, #tpu.memory_space<vmem_shared>>) target(%dma_start3A_543 : memref<64xf32, #tpu.memory_space<vmem>>) target_semaphore(%run_scoped3A_537 : memref<!tpu.dma_semaphore, #tpu.memory_space<semaphore_mem>>)
      %dma_wait3A_546 = arith.constant 256 : i32
      %dma_wait3A_547 = tpu.memref_slice %arg8[%dma_wait3A_546] : memref<1024xf32, #tpu.memory_space<vmem>> -> memref<64xf32, #tpu.memory_space<vmem>>
      %dma_wait3A_548 = tpu.memref_slice %arg10[%run_scoped3A_317, %mul3A_313] : memref<16x1024xf32, #tpu.memory_space<vmem_shared>> -> memref<1x64xf32, #tpu.memory_space<vmem_shared>>
      %dma_wait3A_549 = tpu.memref_squeeze %dma_wait3A_548 : memref<1x64xf32, #tpu.memory_space<vmem_shared>> -> memref<64xf32, #tpu.memory_space<vmem_shared>>
      %dma_wait3A_550 = arith.constant 256 : i32
      %dma_wait3A_551 = tpu.memref_slice %arg8[%dma_wait3A_550] : memref<1024xf32, #tpu.memory_space<vmem>> -> memref<64xf32, #tpu.memory_space<vmem>>
      %dma_wait3A_552 = tpu.memref_slice %arg10[%run_scoped3A_317, %mul3A_313] : memref<16x1024xf32, #tpu.memory_space<vmem_shared>> -> memref<1x64xf32, #tpu.memory_space<vmem_shared>>
      %dma_wait3A_553 = tpu.memref_squeeze %dma_wait3A_552 : memref<1x64xf32, #tpu.memory_space<vmem_shared>> -> memref<64xf32, #tpu.memory_space<vmem_shared>>
      tpu.wait_dma2 semaphore(%run_scoped3A_537 : memref<!tpu.dma_semaphore, #tpu.memory_space<semaphore_mem>>) src(%dma_wait3A_553 : memref<64xf32, #tpu.memory_space<vmem_shared>>) dst(%dma_wait3A_551 : memref<64xf32, #tpu.memory_space<vmem>>)
      tpu.yield
    }) : () -> ()
    %run_scoped3A_318 = arith.constant 5 : i32
    "tpu.region"() ({
      %run_scoped3A_537 = tpu.sem_alloc : memref<!tpu.dma_semaphore, #tpu.memory_space<semaphore_mem>>
      %dma_start3A_538 = arith.constant 320 : i32
      %dma_start3A_539 = tpu.memref_slice %arg8[%dma_start3A_538] : memref<1024xf32, #tpu.memory_space<vmem>> -> memref<64xf32, #tpu.memory_space<vmem>>
      %dma_start3A_540 = tpu.memref_slice %arg10[%run_scoped3A_318, %mul3A_313] : memref<16x1024xf32, #tpu.memory_space<vmem_shared>> -> memref<1x64xf32, #tpu.memory_space<vmem_shared>>
      %dma_start3A_541 = tpu.memref_squeeze %dma_start3A_540 : memref<1x64xf32, #tpu.memory_space<vmem_shared>> -> memref<64xf32, #tpu.memory_space<vmem_shared>>
      %dma_start3A_542 = arith.constant 320 : i32
      %dma_start3A_543 = tpu.memref_slice %arg8[%dma_start3A_542] : memref<1024xf32, #tpu.memory_space<vmem>> -> memref<64xf32, #tpu.memory_space<vmem>>
      %dma_start3A_544 = tpu.memref_slice %arg10[%run_scoped3A_318, %mul3A_313] : memref<16x1024xf32, #tpu.memory_space<vmem_shared>> -> memref<1x64xf32, #tpu.memory_space<vmem_shared>>
      %dma_start3A_545 = tpu.memref_squeeze %dma_start3A_544 : memref<1x64xf32, #tpu.memory_space<vmem_shared>> -> memref<64xf32, #tpu.memory_space<vmem_shared>>
      tpu.enqueue_dma source(%dma_start3A_545 : memref<64xf32, #tpu.memory_space<vmem_shared>>) target(%dma_start3A_543 : memref<64xf32, #tpu.memory_space<vmem>>) target_semaphore(%run_scoped3A_537 : memref<!tpu.dma_semaphore, #tpu.memory_space<semaphore_mem>>)
      %dma_wait3A_546 = arith.constant 320 : i32
      %dma_wait3A_547 = tpu.memref_slice %arg8[%dma_wait3A_546] : memref<1024xf32, #tpu.memory_space<vmem>> -> memref<64xf32, #tpu.memory_space<vmem>>
      %dma_wait3A_548 = tpu.memref_slice %arg10[%run_scoped3A_318, %mul3A_313] : memref<16x1024xf32, #tpu.memory_space<vmem_shared>> -> memref<1x64xf32, #tpu.memory_space<vmem_shared>>
      %dma_wait3A_549 = tpu.memref_squeeze %dma_wait3A_548 : memref<1x64xf32, #tpu.memory_space<vmem_shared>> -> memref<64xf32, #tpu.memory_space<vmem_shared>>
      %dma_wait3A_550 = arith.constant 320 : i32
      %dma_wait3A_551 = tpu.memref_slice %arg8[%dma_wait3A_550] : memref<1024xf32, #tpu.memory_space<vmem>> -> memref<64xf32, #tpu.memory_space<vmem>>
      %dma_wait3A_552 = tpu.memref_slice %arg10[%run_scoped3A_318, %mul3A_313] : memref<16x1024xf32, #tpu.memory_space<vmem_shared>> -> memref<1x64xf32, #tpu.memory_space<vmem_shared>>
      %dma_wait3A_553 = tpu.memref_squeeze %dma_wait3A_552 : memref<1x64xf32, #tpu.memory_space<vmem_shared>> -> memref<64xf32, #tpu.memory_space<vmem_shared>>
      tpu.wait_dma2 semaphore(%run_scoped3A_537 : memref<!tpu.dma_semaphore, #tpu.memory_space<semaphore_mem>>) src(%dma_wait3A_553 : memref<64xf32, #tpu.memory_space<vmem_shared>>) dst(%dma_wait3A_551 : memref<64xf32, #tpu.memory_space<vmem>>)
      tpu.yield
    }) : () -> ()
    %run_scoped3A_319 = arith.constant 6 : i32
    "tpu.region"() ({
      %run_scoped3A_537 = tpu.sem_alloc : memref<!tpu.dma_semaphore, #tpu.memory_space<semaphore_mem>>
      %dma_start3A_538 = arith.constant 384 : i32
      %dma_start3A_539 = tpu.memref_slice %arg8[%dma_start3A_538] : memref<1024xf32, #tpu.memory_space<vmem>> -> memref<64xf32, #tpu.memory_space<vmem>>
      %dma_start3A_540 = tpu.memref_slice %arg10[%run_scoped3A_319, %mul3A_313] : memref<16x1024xf32, #tpu.memory_space<vmem_shared>> -> memref<1x64xf32, #tpu.memory_space<vmem_shared>>
      %dma_start3A_541 = tpu.memref_squeeze %dma_start3A_540 : memref<1x64xf32, #tpu.memory_space<vmem_shared>> -> memref<64xf32, #tpu.memory_space<vmem_shared>>
      %dma_start3A_542 = arith.constant 384 : i32
      %dma_start3A_543 = tpu.memref_slice %arg8[%dma_start3A_542] : memref<1024xf32, #tpu.memory_space<vmem>> -> memref<64xf32, #tpu.memory_space<vmem>>
      %dma_start3A_544 = tpu.memref_slice %arg10[%run_scoped3A_319, %mul3A_313] : memref<16x1024xf32, #tpu.memory_space<vmem_shared>> -> memref<1x64xf32, #tpu.memory_space<vmem_shared>>
      %dma_start3A_545 = tpu.memref_squeeze %dma_start3A_544 : memref<1x64xf32, #tpu.memory_space<vmem_shared>> -> memref<64xf32, #tpu.memory_space<vmem_shared>>
      tpu.enqueue_dma source(%dma_start3A_545 : memref<64xf32, #tpu.memory_space<vmem_shared>>) target(%dma_start3A_543 : memref<64xf32, #tpu.memory_space<vmem>>) target_semaphore(%run_scoped3A_537 : memref<!tpu.dma_semaphore, #tpu.memory_space<semaphore_mem>>)
      %dma_wait3A_546 = arith.constant 384 : i32
      %dma_wait3A_547 = tpu.memref_slice %arg8[%dma_wait3A_546] : memref<1024xf32, #tpu.memory_space<vmem>> -> memref<64xf32, #tpu.memory_space<vmem>>
      %dma_wait3A_548 = tpu.memref_slice %arg10[%run_scoped3A_319, %mul3A_313] : memref<16x1024xf32, #tpu.memory_space<vmem_shared>> -> memref<1x64xf32, #tpu.memory_space<vmem_shared>>
      %dma_wait3A_549 = tpu.memref_squeeze %dma_wait3A_548 : memref<1x64xf32, #tpu.memory_space<vmem_shared>> -> memref<64xf32, #tpu.memory_space<vmem_shared>>
      %dma_wait3A_550 = arith.constant 384 : i32
      %dma_wait3A_551 = tpu.memref_slice %arg8[%dma_wait3A_550] : memref<1024xf32, #tpu.memory_space<vmem>> -> memref<64xf32, #tpu.memory_space<vmem>>
      %dma_wait3A_552 = tpu.memref_slice %arg10[%run_scoped3A_319, %mul3A_313] : memref<16x1024xf32, #tpu.memory_space<vmem_shared>> -> memref<1x64xf32, #tpu.memory_space<vmem_shared>>
      %dma_wait3A_553 = tpu.memref_squeeze %dma_wait3A_552 : memref<1x64xf32, #tpu.memory_space<vmem_shared>> -> memref<64xf32, #tpu.memory_space<vmem_shared>>
      tpu.wait_dma2 semaphore(%run_scoped3A_537 : memref<!tpu.dma_semaphore, #tpu.memory_space<semaphore_mem>>) src(%dma_wait3A_553 : memref<64xf32, #tpu.memory_space<vmem_shared>>) dst(%dma_wait3A_551 : memref<64xf32, #tpu.memory_space<vmem>>)
      tpu.yield
    }) : () -> ()
    %run_scoped3A_320 = arith.constant 7 : i32
    "tpu.region"() ({
      %run_scoped3A_537 = tpu.sem_alloc : memref<!tpu.dma_semaphore, #tpu.memory_space<semaphore_mem>>
      %dma_start3A_538 = arith.constant 448 : i32
      %dma_start3A_539 = tpu.memref_slice %arg8[%dma_start3A_538] : memref<1024xf32, #tpu.memory_space<vmem>> -> memref<64xf32, #tpu.memory_space<vmem>>
      %dma_start3A_540 = tpu.memref_slice %arg10[%run_scoped3A_320, %mul3A_313] : memref<16x1024xf32, #tpu.memory_space<vmem_shared>> -> memref<1x64xf32, #tpu.memory_space<vmem_shared>>
      %dma_start3A_541 = tpu.memref_squeeze %dma_start3A_540 : memref<1x64xf32, #tpu.memory_space<vmem_shared>> -> memref<64xf32, #tpu.memory_space<vmem_shared>>
      %dma_start3A_542 = arith.constant 448 : i32
      %dma_start3A_543 = tpu.memref_slice %arg8[%dma_start3A_542] : memref<1024xf32, #tpu.memory_space<vmem>> -> memref<64xf32, #tpu.memory_space<vmem>>
      %dma_start3A_544 = tpu.memref_slice %arg10[%run_scoped3A_320, %mul3A_313] : memref<16x1024xf32, #tpu.memory_space<vmem_shared>> -> memref<1x64xf32, #tpu.memory_space<vmem_shared>>
      %dma_start3A_545 = tpu.memref_squeeze %dma_start3A_544 : memref<1x64xf32, #tpu.memory_space<vmem_shared>> -> memref<64xf32, #tpu.memory_space<vmem_shared>>
      tpu.enqueue_dma source(%dma_start3A_545 : memref<64xf32, #tpu.memory_space<vmem_shared>>) target(%dma_start3A_543 : memref<64xf32, #tpu.memory_space<vmem>>) target_semaphore(%run_scoped3A_537 : memref<!tpu.dma_semaphore, #tpu.memory_space<semaphore_mem>>)
      %dma_wait3A_546 = arith.constant 448 : i32
      %dma_wait3A_547 = tpu.memref_slice %arg8[%dma_wait3A_546] : memref<1024xf32, #tpu.memory_space<vmem>> -> memref<64xf32, #tpu.memory_space<vmem>>
      %dma_wait3A_548 = tpu.memref_slice %arg10[%run_scoped3A_320, %mul3A_313] : memref<16x1024xf32, #tpu.memory_space<vmem_shared>> -> memref<1x64xf32, #tpu.memory_space<vmem_shared>>
      %dma_wait3A_549 = tpu.memref_squeeze %dma_wait3A_548 : memref<1x64xf32, #tpu.memory_space<vmem_shared>> -> memref<64xf32, #tpu.memory_space<vmem_shared>>
      %dma_wait3A_550 = arith.constant 448 : i32
      %dma_wait3A_551 = tpu.memref_slice %arg8[%dma_wait3A_550] : memref<1024xf32, #tpu.memory_space<vmem>> -> memref<64xf32, #tpu.memory_space<vmem>>
      %dma_wait3A_552 = tpu.memref_slice %arg10[%run_scoped3A_320, %mul3A_313] : memref<16x1024xf32, #tpu.memory_space<vmem_shared>> -> memref<1x64xf32, #tpu.memory_space<vmem_shared>>
      %dma_wait3A_553 = tpu.memref_squeeze %dma_wait3A_552 : memref<1x64xf32, #tpu.memory_space<vmem_shared>> -> memref<64xf32, #tpu.memory_space<vmem_shared>>
      tpu.wait_dma2 semaphore(%run_scoped3A_537 : memref<!tpu.dma_semaphore, #tpu.memory_space<semaphore_mem>>) src(%dma_wait3A_553 : memref<64xf32, #tpu.memory_space<vmem_shared>>) dst(%dma_wait3A_551 : memref<64xf32, #tpu.memory_space<vmem>>)
      tpu.yield
    }) : () -> ()
    %run_scoped3A_321 = arith.constant 8 : i32
    "tpu.region"() ({
      %run_scoped3A_537 = tpu.sem_alloc : memref<!tpu.dma_semaphore, #tpu.memory_space<semaphore_mem>>
      %dma_start3A_538 = arith.constant 512 : i32
      %dma_start3A_539 = tpu.memref_slice %arg8[%dma_start3A_538] : memref<1024xf32, #tpu.memory_space<vmem>> -> memref<64xf32, #tpu.memory_space<vmem>>
      %dma_start3A_540 = tpu.memref_slice %arg10[%run_scoped3A_321, %mul3A_313] : memref<16x1024xf32, #tpu.memory_space<vmem_shared>> -> memref<1x64xf32, #tpu.memory_space<vmem_shared>>
      %dma_start3A_541 = tpu.memref_squeeze %dma_start3A_540 : memref<1x64xf32, #tpu.memory_space<vmem_shared>> -> memref<64xf32, #tpu.memory_space<vmem_shared>>
      %dma_start3A_542 = arith.constant 512 : i32
      %dma_start3A_543 = tpu.memref_slice %arg8[%dma_start3A_542] : memref<1024xf32, #tpu.memory_space<vmem>> -> memref<64xf32, #tpu.memory_space<vmem>>
      %dma_start3A_544 = tpu.memref_slice %arg10[%run_scoped3A_321, %mul3A_313] : memref<16x1024xf32, #tpu.memory_space<vmem_shared>> -> memref<1x64xf32, #tpu.memory_space<vmem_shared>>
      %dma_start3A_545 = tpu.memref_squeeze %dma_start3A_544 : memref<1x64xf32, #tpu.memory_space<vmem_shared>> -> memref<64xf32, #tpu.memory_space<vmem_shared>>
      tpu.enqueue_dma source(%dma_start3A_545 : memref<64xf32, #tpu.memory_space<vmem_shared>>) target(%dma_start3A_543 : memref<64xf32, #tpu.memory_space<vmem>>) target_semaphore(%run_scoped3A_537 : memref<!tpu.dma_semaphore, #tpu.memory_space<semaphore_mem>>)
      %dma_wait3A_546 = arith.constant 512 : i32
      %dma_wait3A_547 = tpu.memref_slice %arg8[%dma_wait3A_546] : memref<1024xf32, #tpu.memory_space<vmem>> -> memref<64xf32, #tpu.memory_space<vmem>>
      %dma_wait3A_548 = tpu.memref_slice %arg10[%run_scoped3A_321, %mul3A_313] : memref<16x1024xf32, #tpu.memory_space<vmem_shared>> -> memref<1x64xf32, #tpu.memory_space<vmem_shared>>
      %dma_wait3A_549 = tpu.memref_squeeze %dma_wait3A_548 : memref<1x64xf32, #tpu.memory_space<vmem_shared>> -> memref<64xf32, #tpu.memory_space<vmem_shared>>
      %dma_wait3A_550 = arith.constant 512 : i32
      %dma_wait3A_551 = tpu.memref_slice %arg8[%dma_wait3A_550] : memref<1024xf32, #tpu.memory_space<vmem>> -> memref<64xf32, #tpu.memory_space<vmem>>
      %dma_wait3A_552 = tpu.memref_slice %arg10[%run_scoped3A_321, %mul3A_313] : memref<16x1024xf32, #tpu.memory_space<vmem_shared>> -> memref<1x64xf32, #tpu.memory_space<vmem_shared>>
      %dma_wait3A_553 = tpu.memref_squeeze %dma_wait3A_552 : memref<1x64xf32, #tpu.memory_space<vmem_shared>> -> memref<64xf32, #tpu.memory_space<vmem_shared>>
      tpu.wait_dma2 semaphore(%run_scoped3A_537 : memref<!tpu.dma_semaphore, #tpu.memory_space<semaphore_mem>>) src(%dma_wait3A_553 : memref<64xf32, #tpu.memory_space<vmem_shared>>) dst(%dma_wait3A_551 : memref<64xf32, #tpu.memory_space<vmem>>)
      tpu.yield
    }) : () -> ()
    %run_scoped3A_322 = arith.constant 9 : i32
    "tpu.region"() ({
      %run_scoped3A_537 = tpu.sem_alloc : memref<!tpu.dma_semaphore, #tpu.memory_space<semaphore_mem>>
      %dma_start3A_538 = arith.constant 576 : i32
      %dma_start3A_539 = tpu.memref_slice %arg8[%dma_start3A_538] : memref<1024xf32, #tpu.memory_space<vmem>> -> memref<64xf32, #tpu.memory_space<vmem>>
      %dma_start3A_540 = tpu.memref_slice %arg10[%run_scoped3A_322, %mul3A_313] : memref<16x1024xf32, #tpu.memory_space<vmem_shared>> -> memref<1x64xf32, #tpu.memory_space<vmem_shared>>
      %dma_start3A_541 = tpu.memref_squeeze %dma_start3A_540 : memref<1x64xf32, #tpu.memory_space<vmem_shared>> -> memref<64xf32, #tpu.memory_space<vmem_shared>>
      %dma_start3A_542 = arith.constant 576 : i32
      %dma_start3A_543 = tpu.memref_slice %arg8[%dma_start3A_542] : memref<1024xf32, #tpu.memory_space<vmem>> -> memref<64xf32, #tpu.memory_space<vmem>>
      %dma_start3A_544 = tpu.memref_slice %arg10[%run_scoped3A_322, %mul3A_313] : memref<16x1024xf32, #tpu.memory_space<vmem_shared>> -> memref<1x64xf32, #tpu.memory_space<vmem_shared>>
      %dma_start3A_545 = tpu.memref_squeeze %dma_start3A_544 : memref<1x64xf32, #tpu.memory_space<vmem_shared>> -> memref<64xf32, #tpu.memory_space<vmem_shared>>
      tpu.enqueue_dma source(%dma_start3A_545 : memref<64xf32, #tpu.memory_space<vmem_shared>>) target(%dma_start3A_543 : memref<64xf32, #tpu.memory_space<vmem>>) target_semaphore(%run_scoped3A_537 : memref<!tpu.dma_semaphore, #tpu.memory_space<semaphore_mem>>)
      %dma_wait3A_546 = arith.constant 576 : i32
      %dma_wait3A_547 = tpu.memref_slice %arg8[%dma_wait3A_546] : memref<1024xf32, #tpu.memory_space<vmem>> -> memref<64xf32, #tpu.memory_space<vmem>>
      %dma_wait3A_548 = tpu.memref_slice %arg10[%run_scoped3A_322, %mul3A_313] : memref<16x1024xf32, #tpu.memory_space<vmem_shared>> -> memref<1x64xf32, #tpu.memory_space<vmem_shared>>
      %dma_wait3A_549 = tpu.memref_squeeze %dma_wait3A_548 : memref<1x64xf32, #tpu.memory_space<vmem_shared>> -> memref<64xf32, #tpu.memory_space<vmem_shared>>
      %dma_wait3A_550 = arith.constant 576 : i32
      %dma_wait3A_551 = tpu.memref_slice %arg8[%dma_wait3A_550] : memref<1024xf32, #tpu.memory_space<vmem>> -> memref<64xf32, #tpu.memory_space<vmem>>
      %dma_wait3A_552 = tpu.memref_slice %arg10[%run_scoped3A_322, %mul3A_313] : memref<16x1024xf32, #tpu.memory_space<vmem_shared>> -> memref<1x64xf32, #tpu.memory_space<vmem_shared>>
      %dma_wait3A_553 = tpu.memref_squeeze %dma_wait3A_552 : memref<1x64xf32, #tpu.memory_space<vmem_shared>> -> memref<64xf32, #tpu.memory_space<vmem_shared>>
      tpu.wait_dma2 semaphore(%run_scoped3A_537 : memref<!tpu.dma_semaphore, #tpu.memory_space<semaphore_mem>>) src(%dma_wait3A_553 : memref<64xf32, #tpu.memory_space<vmem_shared>>) dst(%dma_wait3A_551 : memref<64xf32, #tpu.memory_space<vmem>>)
      tpu.yield
    }) : () -> ()
    %run_scoped3A_323 = arith.constant 10 : i32
    "tpu.region"() ({
      %run_scoped3A_537 = tpu.sem_alloc : memref<!tpu.dma_semaphore, #tpu.memory_space<semaphore_mem>>
      %dma_start3A_538 = arith.constant 640 : i32
      %dma_start3A_539 = tpu.memref_slice %arg8[%dma_start3A_538] : memref<1024xf32, #tpu.memory_space<vmem>> -> memref<64xf32, #tpu.memory_space<vmem>>
      %dma_start3A_540 = tpu.memref_slice %arg10[%run_scoped3A_323, %mul3A_313] : memref<16x1024xf32, #tpu.memory_space<vmem_shared>> -> memref<1x64xf32, #tpu.memory_space<vmem_shared>>
      %dma_start3A_541 = tpu.memref_squeeze %dma_start3A_540 : memref<1x64xf32, #tpu.memory_space<vmem_shared>> -> memref<64xf32, #tpu.memory_space<vmem_shared>>
      %dma_start3A_542 = arith.constant 640 : i32
      %dma_start3A_543 = tpu.memref_slice %arg8[%dma_start3A_542] : memref<1024xf32, #tpu.memory_space<vmem>> -> memref<64xf32, #tpu.memory_space<vmem>>
      %dma_start3A_544 = tpu.memref_slice %arg10[%run_scoped3A_323, %mul3A_313] : memref<16x1024xf32, #tpu.memory_space<vmem_shared>> -> memref<1x64xf32, #tpu.memory_space<vmem_shared>>
      %dma_start3A_545 = tpu.memref_squeeze %dma_start3A_544 : memref<1x64xf32, #tpu.memory_space<vmem_shared>> -> memref<64xf32, #tpu.memory_space<vmem_shared>>
      tpu.enqueue_dma source(%dma_start3A_545 : memref<64xf32, #tpu.memory_space<vmem_shared>>) target(%dma_start3A_543 : memref<64xf32, #tpu.memory_space<vmem>>) target_semaphore(%run_scoped3A_537 : memref<!tpu.dma_semaphore, #tpu.memory_space<semaphore_mem>>)
      %dma_wait3A_546 = arith.constant 640 : i32
      %dma_wait3A_547 = tpu.memref_slice %arg8[%dma_wait3A_546] : memref<1024xf32, #tpu.memory_space<vmem>> -> memref<64xf32, #tpu.memory_space<vmem>>
      %dma_wait3A_548 = tpu.memref_slice %arg10[%run_scoped3A_323, %mul3A_313] : memref<16x1024xf32, #tpu.memory_space<vmem_shared>> -> memref<1x64xf32, #tpu.memory_space<vmem_shared>>
      %dma_wait3A_549 = tpu.memref_squeeze %dma_wait3A_548 : memref<1x64xf32, #tpu.memory_space<vmem_shared>> -> memref<64xf32, #tpu.memory_space<vmem_shared>>
      %dma_wait3A_550 = arith.constant 640 : i32
      %dma_wait3A_551 = tpu.memref_slice %arg8[%dma_wait3A_550] : memref<1024xf32, #tpu.memory_space<vmem>> -> memref<64xf32, #tpu.memory_space<vmem>>
      %dma_wait3A_552 = tpu.memref_slice %arg10[%run_scoped3A_323, %mul3A_313] : memref<16x1024xf32, #tpu.memory_space<vmem_shared>> -> memref<1x64xf32, #tpu.memory_space<vmem_shared>>
      %dma_wait3A_553 = tpu.memref_squeeze %dma_wait3A_552 : memref<1x64xf32, #tpu.memory_space<vmem_shared>> -> memref<64xf32, #tpu.memory_space<vmem_shared>>
      tpu.wait_dma2 semaphore(%run_scoped3A_537 : memref<!tpu.dma_semaphore, #tpu.memory_space<semaphore_mem>>) src(%dma_wait3A_553 : memref<64xf32, #tpu.memory_space<vmem_shared>>) dst(%dma_wait3A_551 : memref<64xf32, #tpu.memory_space<vmem>>)
      tpu.yield
    }) : () -> ()
    %run_scoped3A_324 = arith.constant 11 : i32
    "tpu.region"() ({
      %run_scoped3A_537 = tpu.sem_alloc : memref<!tpu.dma_semaphore, #tpu.memory_space<semaphore_mem>>
      %dma_start3A_538 = arith.constant 704 : i32
      %dma_start3A_539 = tpu.memref_slice %arg8[%dma_start3A_538] : memref<1024xf32, #tpu.memory_space<vmem>> -> memref<64xf32, #tpu.memory_space<vmem>>
      %dma_start3A_540 = tpu.memref_slice %arg10[%run_scoped3A_324, %mul3A_313] : memref<16x1024xf32, #tpu.memory_space<vmem_shared>> -> memref<1x64xf32, #tpu.memory_space<vmem_shared>>
      %dma_start3A_541 = tpu.memref_squeeze %dma_start3A_540 : memref<1x64xf32, #tpu.memory_space<vmem_shared>> -> memref<64xf32, #tpu.memory_space<vmem_shared>>
      %dma_start3A_542 = arith.constant 704 : i32
      %dma_start3A_543 = tpu.memref_slice %arg8[%dma_start3A_542] : memref<1024xf32, #tpu.memory_space<vmem>> -> memref<64xf32, #tpu.memory_space<vmem>>
      %dma_start3A_544 = tpu.memref_slice %arg10[%run_scoped3A_324, %mul3A_313] : memref<16x1024xf32, #tpu.memory_space<vmem_shared>> -> memref<1x64xf32, #tpu.memory_space<vmem_shared>>
      %dma_start3A_545 = tpu.memref_squeeze %dma_start3A_544 : memref<1x64xf32, #tpu.memory_space<vmem_shared>> -> memref<64xf32, #tpu.memory_space<vmem_shared>>
      tpu.enqueue_dma source(%dma_start3A_545 : memref<64xf32, #tpu.memory_space<vmem_shared>>) target(%dma_start3A_543 : memref<64xf32, #tpu.memory_space<vmem>>) target_semaphore(%run_scoped3A_537 : memref<!tpu.dma_semaphore, #tpu.memory_space<semaphore_mem>>)
      %dma_wait3A_546 = arith.constant 704 : i32
      %dma_wait3A_547 = tpu.memref_slice %arg8[%dma_wait3A_546] : memref<1024xf32, #tpu.memory_space<vmem>> -> memref<64xf32, #tpu.memory_space<vmem>>
      %dma_wait3A_548 = tpu.memref_slice %arg10[%run_scoped3A_324, %mul3A_313] : memref<16x1024xf32, #tpu.memory_space<vmem_shared>> -> memref<1x64xf32, #tpu.memory_space<vmem_shared>>
      %dma_wait3A_549 = tpu.memref_squeeze %dma_wait3A_548 : memref<1x64xf32, #tpu.memory_space<vmem_shared>> -> memref<64xf32, #tpu.memory_space<vmem_shared>>
      %dma_wait3A_550 = arith.constant 704 : i32
      %dma_wait3A_551 = tpu.memref_slice %arg8[%dma_wait3A_550] : memref<1024xf32, #tpu.memory_space<vmem>> -> memref<64xf32, #tpu.memory_space<vmem>>
      %dma_wait3A_552 = tpu.memref_slice %arg10[%run_scoped3A_324, %mul3A_313] : memref<16x1024xf32, #tpu.memory_space<vmem_shared>> -> memref<1x64xf32, #tpu.memory_space<vmem_shared>>
      %dma_wait3A_553 = tpu.memref_squeeze %dma_wait3A_552 : memref<1x64xf32, #tpu.memory_space<vmem_shared>> -> memref<64xf32, #tpu.memory_space<vmem_shared>>
      tpu.wait_dma2 semaphore(%run_scoped3A_537 : memref<!tpu.dma_semaphore, #tpu.memory_space<semaphore_mem>>) src(%dma_wait3A_553 : memref<64xf32, #tpu.memory_space<vmem_shared>>) dst(%dma_wait3A_551 : memref<64xf32, #tpu.memory_space<vmem>>)
      tpu.yield
    }) : () -> ()
    %run_scoped3A_325 = arith.constant 12 : i32
    "tpu.region"() ({
      %run_scoped3A_537 = tpu.sem_alloc : memref<!tpu.dma_semaphore, #tpu.memory_space<semaphore_mem>>
      %dma_start3A_538 = arith.constant 768 : i32
      %dma_start3A_539 = tpu.memref_slice %arg8[%dma_start3A_538] : memref<1024xf32, #tpu.memory_space<vmem>> -> memref<64xf32, #tpu.memory_space<vmem>>
      %dma_start3A_540 = tpu.memref_slice %arg10[%run_scoped3A_325, %mul3A_313] : memref<16x1024xf32, #tpu.memory_space<vmem_shared>> -> memref<1x64xf32, #tpu.memory_space<vmem_shared>>
      %dma_start3A_541 = tpu.memref_squeeze %dma_start3A_540 : memref<1x64xf32, #tpu.memory_space<vmem_shared>> -> memref<64xf32, #tpu.memory_space<vmem_shared>>
      %dma_start3A_542 = arith.constant 768 : i32
      %dma_start3A_543 = tpu.memref_slice %arg8[%dma_start3A_542] : memref<1024xf32, #tpu.memory_space<vmem>> -> memref<64xf32, #tpu.memory_space<vmem>>
      %dma_start3A_544 = tpu.memref_slice %arg10[%run_scoped3A_325, %mul3A_313] : memref<16x1024xf32, #tpu.memory_space<vmem_shared>> -> memref<1x64xf32, #tpu.memory_space<vmem_shared>>
      %dma_start3A_545 = tpu.memref_squeeze %dma_start3A_544 : memref<1x64xf32, #tpu.memory_space<vmem_shared>> -> memref<64xf32, #tpu.memory_space<vmem_shared>>
      tpu.enqueue_dma source(%dma_start3A_545 : memref<64xf32, #tpu.memory_space<vmem_shared>>) target(%dma_start3A_543 : memref<64xf32, #tpu.memory_space<vmem>>) target_semaphore(%run_scoped3A_537 : memref<!tpu.dma_semaphore, #tpu.memory_space<semaphore_mem>>)
      %dma_wait3A_546 = arith.constant 768 : i32
      %dma_wait3A_547 = tpu.memref_slice %arg8[%dma_wait3A_546] : memref<1024xf32, #tpu.memory_space<vmem>> -> memref<64xf32, #tpu.memory_space<vmem>>
      %dma_wait3A_548 = tpu.memref_slice %arg10[%run_scoped3A_325, %mul3A_313] : memref<16x1024xf32, #tpu.memory_space<vmem_shared>> -> memref<1x64xf32, #tpu.memory_space<vmem_shared>>
      %dma_wait3A_549 = tpu.memref_squeeze %dma_wait3A_548 : memref<1x64xf32, #tpu.memory_space<vmem_shared>> -> memref<64xf32, #tpu.memory_space<vmem_shared>>
      %dma_wait3A_550 = arith.constant 768 : i32
      %dma_wait3A_551 = tpu.memref_slice %arg8[%dma_wait3A_550] : memref<1024xf32, #tpu.memory_space<vmem>> -> memref<64xf32, #tpu.memory_space<vmem>>
      %dma_wait3A_552 = tpu.memref_slice %arg10[%run_scoped3A_325, %mul3A_313] : memref<16x1024xf32, #tpu.memory_space<vmem_shared>> -> memref<1x64xf32, #tpu.memory_space<vmem_shared>>
      %dma_wait3A_553 = tpu.memref_squeeze %dma_wait3A_552 : memref<1x64xf32, #tpu.memory_space<vmem_shared>> -> memref<64xf32, #tpu.memory_space<vmem_shared>>
      tpu.wait_dma2 semaphore(%run_scoped3A_537 : memref<!tpu.dma_semaphore, #tpu.memory_space<semaphore_mem>>) src(%dma_wait3A_553 : memref<64xf32, #tpu.memory_space<vmem_shared>>) dst(%dma_wait3A_551 : memref<64xf32, #tpu.memory_space<vmem>>)
      tpu.yield
    }) : () -> ()
    %run_scoped3A_326 = arith.constant 13 : i32
    "tpu.region"() ({
      %run_scoped3A_537 = tpu.sem_alloc : memref<!tpu.dma_semaphore, #tpu.memory_space<semaphore_mem>>
      %dma_start3A_538 = arith.constant 832 : i32
      %dma_start3A_539 = tpu.memref_slice %arg8[%dma_start3A_538] : memref<1024xf32, #tpu.memory_space<vmem>> -> memref<64xf32, #tpu.memory_space<vmem>>
      %dma_start3A_540 = tpu.memref_slice %arg10[%run_scoped3A_326, %mul3A_313] : memref<16x1024xf32, #tpu.memory_space<vmem_shared>> -> memref<1x64xf32, #tpu.memory_space<vmem_shared>>
      %dma_start3A_541 = tpu.memref_squeeze %dma_start3A_540 : memref<1x64xf32, #tpu.memory_space<vmem_shared>> -> memref<64xf32, #tpu.memory_space<vmem_shared>>
      %dma_start3A_542 = arith.constant 832 : i32
      %dma_start3A_543 = tpu.memref_slice %arg8[%dma_start3A_542] : memref<1024xf32, #tpu.memory_space<vmem>> -> memref<64xf32, #tpu.memory_space<vmem>>
      %dma_start3A_544 = tpu.memref_slice %arg10[%run_scoped3A_326, %mul3A_313] : memref<16x1024xf32, #tpu.memory_space<vmem_shared>> -> memref<1x64xf32, #tpu.memory_space<vmem_shared>>
      %dma_start3A_545 = tpu.memref_squeeze %dma_start3A_544 : memref<1x64xf32, #tpu.memory_space<vmem_shared>> -> memref<64xf32, #tpu.memory_space<vmem_shared>>
      tpu.enqueue_dma source(%dma_start3A_545 : memref<64xf32, #tpu.memory_space<vmem_shared>>) target(%dma_start3A_543 : memref<64xf32, #tpu.memory_space<vmem>>) target_semaphore(%run_scoped3A_537 : memref<!tpu.dma_semaphore, #tpu.memory_space<semaphore_mem>>)
      %dma_wait3A_546 = arith.constant 832 : i32
      %dma_wait3A_547 = tpu.memref_slice %arg8[%dma_wait3A_546] : memref<1024xf32, #tpu.memory_space<vmem>> -> memref<64xf32, #tpu.memory_space<vmem>>
      %dma_wait3A_548 = tpu.memref_slice %arg10[%run_scoped3A_326, %mul3A_313] : memref<16x1024xf32, #tpu.memory_space<vmem_shared>> -> memref<1x64xf32, #tpu.memory_space<vmem_shared>>
      %dma_wait3A_549 = tpu.memref_squeeze %dma_wait3A_548 : memref<1x64xf32, #tpu.memory_space<vmem_shared>> -> memref<64xf32, #tpu.memory_space<vmem_shared>>
      %dma_wait3A_550 = arith.constant 832 : i32
      %dma_wait3A_551 = tpu.memref_slice %arg8[%dma_wait3A_550] : memref<1024xf32, #tpu.memory_space<vmem>> -> memref<64xf32, #tpu.memory_space<vmem>>
      %dma_wait3A_552 = tpu.memref_slice %arg10[%run_scoped3A_326, %mul3A_313] : memref<16x1024xf32, #tpu.memory_space<vmem_shared>> -> memref<1x64xf32, #tpu.memory_space<vmem_shared>>
      %dma_wait3A_553 = tpu.memref_squeeze %dma_wait3A_552 : memref<1x64xf32, #tpu.memory_space<vmem_shared>> -> memref<64xf32, #tpu.memory_space<vmem_shared>>
      tpu.wait_dma2 semaphore(%run_scoped3A_537 : memref<!tpu.dma_semaphore, #tpu.memory_space<semaphore_mem>>) src(%dma_wait3A_553 : memref<64xf32, #tpu.memory_space<vmem_shared>>) dst(%dma_wait3A_551 : memref<64xf32, #tpu.memory_space<vmem>>)
      tpu.yield
    }) : () -> ()
    %run_scoped3A_327 = arith.constant 14 : i32
    "tpu.region"() ({
      %run_scoped3A_537 = tpu.sem_alloc : memref<!tpu.dma_semaphore, #tpu.memory_space<semaphore_mem>>
      %dma_start3A_538 = arith.constant 896 : i32
      %dma_start3A_539 = tpu.memref_slice %arg8[%dma_start3A_538] : memref<1024xf32, #tpu.memory_space<vmem>> -> memref<64xf32, #tpu.memory_space<vmem>>
      %dma_start3A_540 = tpu.memref_slice %arg10[%run_scoped3A_327, %mul3A_313] : memref<16x1024xf32, #tpu.memory_space<vmem_shared>> -> memref<1x64xf32, #tpu.memory_space<vmem_shared>>
      %dma_start3A_541 = tpu.memref_squeeze %dma_start3A_540 : memref<1x64xf32, #tpu.memory_space<vmem_shared>> -> memref<64xf32, #tpu.memory_space<vmem_shared>>
      %dma_start3A_542 = arith.constant 896 : i32
      %dma_start3A_543 = tpu.memref_slice %arg8[%dma_start3A_542] : memref<1024xf32, #tpu.memory_space<vmem>> -> memref<64xf32, #tpu.memory_space<vmem>>
      %dma_start3A_544 = tpu.memref_slice %arg10[%run_scoped3A_327, %mul3A_313] : memref<16x1024xf32, #tpu.memory_space<vmem_shared>> -> memref<1x64xf32, #tpu.memory_space<vmem_shared>>
      %dma_start3A_545 = tpu.memref_squeeze %dma_start3A_544 : memref<1x64xf32, #tpu.memory_space<vmem_shared>> -> memref<64xf32, #tpu.memory_space<vmem_shared>>
      tpu.enqueue_dma source(%dma_start3A_545 : memref<64xf32, #tpu.memory_space<vmem_shared>>) target(%dma_start3A_543 : memref<64xf32, #tpu.memory_space<vmem>>) target_semaphore(%run_scoped3A_537 : memref<!tpu.dma_semaphore, #tpu.memory_space<semaphore_mem>>)
      %dma_wait3A_546 = arith.constant 896 : i32
      %dma_wait3A_547 = tpu.memref_slice %arg8[%dma_wait3A_546] : memref<1024xf32, #tpu.memory_space<vmem>> -> memref<64xf32, #tpu.memory_space<vmem>>
      %dma_wait3A_548 = tpu.memref_slice %arg10[%run_scoped3A_327, %mul3A_313] : memref<16x1024xf32, #tpu.memory_space<vmem_shared>> -> memref<1x64xf32, #tpu.memory_space<vmem_shared>>
      %dma_wait3A_549 = tpu.memref_squeeze %dma_wait3A_548 : memref<1x64xf32, #tpu.memory_space<vmem_shared>> -> memref<64xf32, #tpu.memory_space<vmem_shared>>
      %dma_wait3A_550 = arith.constant 896 : i32
      %dma_wait3A_551 = tpu.memref_slice %arg8[%dma_wait3A_550] : memref<1024xf32, #tpu.memory_space<vmem>> -> memref<64xf32, #tpu.memory_space<vmem>>
      %dma_wait3A_552 = tpu.memref_slice %arg10[%run_scoped3A_327, %mul3A_313] : memref<16x1024xf32, #tpu.memory_space<vmem_shared>> -> memref<1x64xf32, #tpu.memory_space<vmem_shared>>
      %dma_wait3A_553 = tpu.memref_squeeze %dma_wait3A_552 : memref<1x64xf32, #tpu.memory_space<vmem_shared>> -> memref<64xf32, #tpu.memory_space<vmem_shared>>
      tpu.wait_dma2 semaphore(%run_scoped3A_537 : memref<!tpu.dma_semaphore, #tpu.memory_space<semaphore_mem>>) src(%dma_wait3A_553 : memref<64xf32, #tpu.memory_space<vmem_shared>>) dst(%dma_wait3A_551 : memref<64xf32, #tpu.memory_space<vmem>>)
      tpu.yield
    }) : () -> ()
    %run_scoped3A_328 = arith.constant 15 : i32
    "tpu.region"() ({
      %run_scoped3A_537 = tpu.sem_alloc : memref<!tpu.dma_semaphore, #tpu.memory_space<semaphore_mem>>
      %dma_start3A_538 = arith.constant 960 : i32
      %dma_start3A_539 = tpu.memref_slice %arg8[%dma_start3A_538] : memref<1024xf32, #tpu.memory_space<vmem>> -> memref<64xf32, #tpu.memory_space<vmem>>
      %dma_start3A_540 = tpu.memref_slice %arg10[%run_scoped3A_328, %mul3A_313] : memref<16x1024xf32, #tpu.memory_space<vmem_shared>> -> memref<1x64xf32, #tpu.memory_space<vmem_shared>>
      %dma_start3A_541 = tpu.memref_squeeze %dma_start3A_540 : memref<1x64xf32, #tpu.memory_space<vmem_shared>> -> memref<64xf32, #tpu.memory_space<vmem_shared>>
      %dma_start3A_542 = arith.constant 960 : i32
      %dma_start3A_543 = tpu.memref_slice %arg8[%dma_start3A_542] : memref<1024xf32, #tpu.memory_space<vmem>> -> memref<64xf32, #tpu.memory_space<vmem>>
      %dma_start3A_544 = tpu.memref_slice %arg10[%run_scoped3A_328, %mul3A_313] : memref<16x1024xf32, #tpu.memory_space<vmem_shared>> -> memref<1x64xf32, #tpu.memory_space<vmem_shared>>
      %dma_start3A_545 = tpu.memref_squeeze %dma_start3A_544 : memref<1x64xf32, #tpu.memory_space<vmem_shared>> -> memref<64xf32, #tpu.memory_space<vmem_shared>>
      tpu.enqueue_dma source(%dma_start3A_545 : memref<64xf32, #tpu.memory_space<vmem_shared>>) target(%dma_start3A_543 : memref<64xf32, #tpu.memory_space<vmem>>) target_semaphore(%run_scoped3A_537 : memref<!tpu.dma_semaphore, #tpu.memory_space<semaphore_mem>>)
      %dma_wait3A_546 = arith.constant 960 : i32
      %dma_wait3A_547 = tpu.memref_slice %arg8[%dma_wait3A_546] : memref<1024xf32, #tpu.memory_space<vmem>> -> memref<64xf32, #tpu.memory_space<vmem>>
      %dma_wait3A_548 = tpu.memref_slice %arg10[%run_scoped3A_328, %mul3A_313] : memref<16x1024xf32, #tpu.memory_space<vmem_shared>> -> memref<1x64xf32, #tpu.memory_space<vmem_shared>>
      %dma_wait3A_549 = tpu.memref_squeeze %dma_wait3A_548 : memref<1x64xf32, #tpu.memory_space<vmem_shared>> -> memref<64xf32, #tpu.memory_space<vmem_shared>>
      %dma_wait3A_550 = arith.constant 960 : i32
      %dma_wait3A_551 = tpu.memref_slice %arg8[%dma_wait3A_550] : memref<1024xf32, #tpu.memory_space<vmem>> -> memref<64xf32, #tpu.memory_space<vmem>>
      %dma_wait3A_552 = tpu.memref_slice %arg10[%run_scoped3A_328, %mul3A_313] : memref<16x1024xf32, #tpu.memory_space<vmem_shared>> -> memref<1x64xf32, #tpu.memory_space<vmem_shared>>
      %dma_wait3A_553 = tpu.memref_squeeze %dma_wait3A_552 : memref<1x64xf32, #tpu.memory_space<vmem_shared>> -> memref<64xf32, #tpu.memory_space<vmem_shared>>
      tpu.wait_dma2 semaphore(%run_scoped3A_537 : memref<!tpu.dma_semaphore, #tpu.memory_space<semaphore_mem>>) src(%dma_wait3A_553 : memref<64xf32, #tpu.memory_space<vmem_shared>>) dst(%dma_wait3A_551 : memref<64xf32, #tpu.memory_space<vmem>>)
      tpu.yield
    }) : () -> ()
    %broadcast_in_dim3A_329 = arith.constant 0.000000e+00 : f32
    %broadcast_in_dim3A_330 = vector.broadcast %broadcast_in_dim3A_329 : f32 to vector<16xf32>
    %broadcast_in_dim3A_331 = arith.constant 0.000000e+00 : f32
    %broadcast_in_dim3A_332 = vector.broadcast %broadcast_in_dim3A_331 : f32 to vector<16xf32>
    %broadcast_in_dim3A_333 = arith.constant 0.000000e+00 : f32
    %broadcast_in_dim3A_334 = vector.broadcast %broadcast_in_dim3A_333 : f32 to vector<16xf32>
    %broadcast_in_dim3A_335 = arith.constant 0.000000e+00 : f32
    %broadcast_in_dim3A_336 = vector.broadcast %broadcast_in_dim3A_335 : f32 to vector<16xf32>
    %get3A = arith.constant 0 : index
    %get3A_337 = tpu.vector_load %arg8[%get3A] {strides = array<i32>} : memref<1024xf32, #tpu.memory_space<vmem>>, vector<16xf32>,
    %add3A = arith.addf %broadcast_in_dim3A_330, %get3A_337 : vector<16xf32>
    %get3A_338 = arith.constant 16 : index
    %get3A_339 = tpu.vector_load %arg8[%get3A_338] {strides = array<i32>} : memref<1024xf32, #tpu.memory_space<vmem>>, vector<16xf32>,
    %add3A_340 = arith.addf %broadcast_in_dim3A_332, %get3A_339 : vector<16xf32>
    %get3A_341 = arith.constant 32 : index
    %get3A_342 = tpu.vector_load %arg8[%get3A_341] {strides = array<i32>} : memref<1024xf32, #tpu.memory_space<vmem>>, vector<16xf32>,
    %add3A_343 = arith.addf %broadcast_in_dim3A_334, %get3A_342 : vector<16xf32>
    %get3A_344 = arith.constant 48 : index
    %get3A_345 = tpu.vector_load %arg8[%get3A_344] {strides = array<i32>} : memref<1024xf32, #tpu.memory_space<vmem>>, vector<16xf32>,
    %add3A_346 = arith.addf %broadcast_in_dim3A_336, %get3A_345 : vector<16xf32>
    %get3A_347 = arith.constant 64 : index
    %get3A_348 = tpu.vector_load %arg8[%get3A_347] {strides = array<i32>} : memref<1024xf32, #tpu.memory_space<vmem>>, vector<16xf32>,
    %add3A_349 = arith.addf %add3A, %get3A_348 : vector<16xf32>
    %get3A_350 = arith.constant 80 : index
    %get3A_351 = tpu.vector_load %arg8[%get3A_350] {strides = array<i32>} : memref<1024xf32, #tpu.memory_space<vmem>>, vector<16xf32>,
    %add3A_352 = arith.addf %add3A_340, %get3A_351 : vector<16xf32>
    %get3A_353 = arith.constant 96 : index
    %get3A_354 = tpu.vector_load %arg8[%get3A_353] {strides = array<i32>} : memref<1024xf32, #tpu.memory_space<vmem>>, vector<16xf32>,
    %add3A_355 = arith.addf %add3A_343, %get3A_354 : vector<16xf32>
    %get3A_356 = arith.constant 112 : index
    %get3A_357 = tpu.vector_load %arg8[%get3A_356] {strides = array<i32>} : memref<1024xf32, #tpu.memory_space<vmem>>, vector<16xf32>,
    %add3A_358 = arith.addf %add3A_346, %get3A_357 : vector<16xf32>
    %get3A_359 = arith.constant 128 : index
    %get3A_360 = tpu.vector_load %arg8[%get3A_359] {strides = array<i32>} : memref<1024xf32, #tpu.memory_space<vmem>>, vector<16xf32>,
    %add3A_361 = arith.addf %add3A_349, %get3A_360 : vector<16xf32>
    %get3A_362 = arith.constant 144 : index
    %get3A_363 = tpu.vector_load %arg8[%get3A_362] {strides = array<i32>} : memref<1024xf32, #tpu.memory_space<vmem>>, vector<16xf32>,
    %add3A_364 = arith.addf %add3A_352, %get3A_363 : vector<16xf32>
    %get3A_365 = arith.constant 160 : index
    %get3A_366 = tpu.vector_load %arg8[%get3A_365] {strides = array<i32>} : memref<1024xf32, #tpu.memory_space<vmem>>, vector<16xf32>,
    %add3A_367 = arith.addf %add3A_355, %get3A_366 : vector<16xf32>
    %get3A_368 = arith.constant 176 : index
    %get3A_369 = tpu.vector_load %arg8[%get3A_368] {strides = array<i32>} : memref<1024xf32, #tpu.memory_space<vmem>>, vector<16xf32>,
    %add3A_370 = arith.addf %add3A_358, %get3A_369 : vector<16xf32>
    %get3A_371 = arith.constant 192 : index
    %get3A_372 = tpu.vector_load %arg8[%get3A_371] {strides = array<i32>} : memref<1024xf32, #tpu.memory_space<vmem>>, vector<16xf32>,
    %add3A_373 = arith.addf %add3A_361, %get3A_372 : vector<16xf32>
    %get3A_374 = arith.constant 208 : index
    %get3A_375 = tpu.vector_load %arg8[%get3A_374] {strides = array<i32>} : memref<1024xf32, #tpu.memory_space<vmem>>, vector<16xf32>,
    %add3A_376 = arith.addf %add3A_364, %get3A_375 : vector<16xf32>
    %get3A_377 = arith.constant 224 : index
    %get3A_378 = tpu.vector_load %arg8[%get3A_377] {strides = array<i32>} : memref<1024xf32, #tpu.memory_space<vmem>>, vector<16xf32>,
    %add3A_379 = arith.addf %add3A_367, %get3A_378 : vector<16xf32>
    %get3A_380 = arith.constant 240 : index
    %get3A_381 = tpu.vector_load %arg8[%get3A_380] {strides = array<i32>} : memref<1024xf32, #tpu.memory_space<vmem>>, vector<16xf32>,
    %add3A_382 = arith.addf %add3A_370, %get3A_381 : vector<16xf32>
    %get3A_383 = arith.constant 256 : index
    %get3A_384 = tpu.vector_load %arg8[%get3A_383] {strides = array<i32>} : memref<1024xf32, #tpu.memory_space<vmem>>, vector<16xf32>,
    %add3A_385 = arith.addf %add3A_373, %get3A_384 : vector<16xf32>
    %get3A_386 = arith.constant 272 : index
    %get3A_387 = tpu.vector_load %arg8[%get3A_386] {strides = array<i32>} : memref<1024xf32, #tpu.memory_space<vmem>>, vector<16xf32>,
    %add3A_388 = arith.addf %add3A_376, %get3A_387 : vector<16xf32>
    %get3A_389 = arith.constant 288 : index
    %get3A_390 = tpu.vector_load %arg8[%get3A_389] {strides = array<i32>} : memref<1024xf32, #tpu.memory_space<vmem>>, vector<16xf32>,
    %add3A_391 = arith.addf %add3A_379, %get3A_390 : vector<16xf32>
    %get3A_392 = arith.constant 304 : index
    %get3A_393 = tpu.vector_load %arg8[%get3A_392] {strides = array<i32>} : memref<1024xf32, #tpu.memory_space<vmem>>, vector<16xf32>,
    %add3A_394 = arith.addf %add3A_382, %get3A_393 : vector<16xf32>
    %get3A_395 = arith.constant 320 : index
    %get3A_396 = tpu.vector_load %arg8[%get3A_395] {strides = array<i32>} : memref<1024xf32, #tpu.memory_space<vmem>>, vector<16xf32>,
    %add3A_397 = arith.addf %add3A_385, %get3A_396 : vector<16xf32>
    %get3A_398 = arith.constant 336 : index
    %get3A_399 = tpu.vector_load %arg8[%get3A_398] {strides = array<i32>} : memref<1024xf32, #tpu.memory_space<vmem>>, vector<16xf32>,
    %add3A_400 = arith.addf %add3A_388, %get3A_399 : vector<16xf32>
    %get3A_401 = arith.constant 352 : index
    %get3A_402 = tpu.vector_load %arg8[%get3A_401] {strides = array<i32>} : memref<1024xf32, #tpu.memory_space<vmem>>, vector<16xf32>,
    %add3A_403 = arith.addf %add3A_391, %get3A_402 : vector<16xf32>
    %get3A_404 = arith.constant 368 : index
    %get3A_405 = tpu.vector_load %arg8[%get3A_404] {strides = array<i32>} : memref<1024xf32, #tpu.memory_space<vmem>>, vector<16xf32>,
    %add3A_406 = arith.addf %add3A_394, %get3A_405 : vector<16xf32>
    %get3A_407 = arith.constant 384 : index
    %get3A_408 = tpu.vector_load %arg8[%get3A_407] {strides = array<i32>} : memref<1024xf32, #tpu.memory_space<vmem>>, vector<16xf32>,
    %add3A_409 = arith.addf %add3A_397, %get3A_408 : vector<16xf32>
    %get3A_410 = arith.constant 400 : index
    %get3A_411 = tpu.vector_load %arg8[%get3A_410] {strides = array<i32>} : memref<1024xf32, #tpu.memory_space<vmem>>, vector<16xf32>,
    %add3A_412 = arith.addf %add3A_400, %get3A_411 : vector<16xf32>
    %get3A_413 = arith.constant 416 : index
    %get3A_414 = tpu.vector_load %arg8[%get3A_413] {strides = array<i32>} : memref<1024xf32, #tpu.memory_space<vmem>>, vector<16xf32>,
    %add3A_415 = arith.addf %add3A_403, %get3A_414 : vector<16xf32>
    %get3A_416 = arith.constant 432 : index
    %get3A_417 = tpu.vector_load %arg8[%get3A_416] {strides = array<i32>} : memref<1024xf32, #tpu.memory_space<vmem>>, vector<16xf32>,
    %add3A_418 = arith.addf %add3A_406, %get3A_417 : vector<16xf32>
    %get3A_419 = arith.constant 448 : index
    %get3A_420 = tpu.vector_load %arg8[%get3A_419] {strides = array<i32>} : memref<1024xf32, #tpu.memory_space<vmem>>, vector<16xf32>,
    %add3A_421 = arith.addf %add3A_409, %get3A_420 : vector<16xf32>
    %get3A_422 = arith.constant 464 : index
    %get3A_423 = tpu.vector_load %arg8[%get3A_422] {strides = array<i32>} : memref<1024xf32, #tpu.memory_space<vmem>>, vector<16xf32>,
    %add3A_424 = arith.addf %add3A_412, %get3A_423 : vector<16xf32>
    %get3A_425 = arith.constant 480 : index
    %get3A_426 = tpu.vector_load %arg8[%get3A_425] {strides = array<i32>} : memref<1024xf32, #tpu.memory_space<vmem>>, vector<16xf32>,
    %add3A_427 = arith.addf %add3A_415, %get3A_426 : vector<16xf32>
    %get3A_428 = arith.constant 496 : index
    %get3A_429 = tpu.vector_load %arg8[%get3A_428] {strides = array<i32>} : memref<1024xf32, #tpu.memory_space<vmem>>, vector<16xf32>,
    %add3A_430 = arith.addf %add3A_418, %get3A_429 : vector<16xf32>
    %get3A_431 = arith.constant 512 : index
    %get3A_432 = tpu.vector_load %arg8[%get3A_431] {strides = array<i32>} : memref<1024xf32, #tpu.memory_space<vmem>>, vector<16xf32>,
    %add3A_433 = arith.addf %add3A_421, %get3A_432 : vector<16xf32>
    %get3A_434 = arith.constant 528 : index
    %get3A_435 = tpu.vector_load %arg8[%get3A_434] {strides = array<i32>} : memref<1024xf32, #tpu.memory_space<vmem>>, vector<16xf32>,
    %add3A_436 = arith.addf %add3A_424, %get3A_435 : vector<16xf32>
    %get3A_437 = arith.constant 544 : index
    %get3A_438 = tpu.vector_load %arg8[%get3A_437] {strides = array<i32>} : memref<1024xf32, #tpu.memory_space<vmem>>, vector<16xf32>,
    %add3A_439 = arith.addf %add3A_427, %get3A_438 : vector<16xf32>
    %get3A_440 = arith.constant 560 : index
    %get3A_441 = tpu.vector_load %arg8[%get3A_440] {strides = array<i32>} : memref<1024xf32, #tpu.memory_space<vmem>>, vector<16xf32>,
    %add3A_442 = arith.addf %add3A_430, %get3A_441 : vector<16xf32>
    %get3A_443 = arith.constant 576 : index
    %get3A_444 = tpu.vector_load %arg8[%get3A_443] {strides = array<i32>} : memref<1024xf32, #tpu.memory_space<vmem>>, vector<16xf32>,
    %add3A_445 = arith.addf %add3A_433, %get3A_444 : vector<16xf32>
    %get3A_446 = arith.constant 592 : index
    %get3A_447 = tpu.vector_load %arg8[%get3A_446] {strides = array<i32>} : memref<1024xf32, #tpu.memory_space<vmem>>, vector<16xf32>,
    %add3A_448 = arith.addf %add3A_436, %get3A_447 : vector<16xf32>
    %get3A_449 = arith.constant 608 : index
    %get3A_450 = tpu.vector_load %arg8[%get3A_449] {strides = array<i32>} : memref<1024xf32, #tpu.memory_space<vmem>>, vector<16xf32>,
    %add3A_451 = arith.addf %add3A_439, %get3A_450 : vector<16xf32>
    %get3A_452 = arith.constant 624 : index
    %get3A_453 = tpu.vector_load %arg8[%get3A_452] {strides = array<i32>} : memref<1024xf32, #tpu.memory_space<vmem>>, vector<16xf32>,
    %add3A_454 = arith.addf %add3A_442, %get3A_453 : vector<16xf32>
    %get3A_455 = arith.constant 640 : index
    %get3A_456 = tpu.vector_load %arg8[%get3A_455] {strides = array<i32>} : memref<1024xf32, #tpu.memory_space<vmem>>, vector<16xf32>,
    %add3A_457 = arith.addf %add3A_445, %get3A_456 : vector<16xf32>
    %get3A_458 = arith.constant 656 : index
    %get3A_459 = tpu.vector_load %arg8[%get3A_458] {strides = array<i32>} : memref<1024xf32, #tpu.memory_space<vmem>>, vector<16xf32>,
    %add3A_460 = arith.addf %add3A_448, %get3A_459 : vector<16xf32>
    %get3A_461 = arith.constant 672 : index
    %get3A_462 = tpu.vector_load %arg8[%get3A_461] {strides = array<i32>} : memref<1024xf32, #tpu.memory_space<vmem>>, vector<16xf32>,
    %add3A_463 = arith.addf %add3A_451, %get3A_462 : vector<16xf32>
    %get3A_464 = arith.constant 688 : index
    %get3A_465 = tpu.vector_load %arg8[%get3A_464] {strides = array<i32>} : memref<1024xf32, #tpu.memory_space<vmem>>, vector<16xf32>,
    %add3A_466 = arith.addf %add3A_454, %get3A_465 : vector<16xf32>
    %get3A_467 = arith.constant 704 : index
    %get3A_468 = tpu.vector_load %arg8[%get3A_467] {strides = array<i32>} : memref<1024xf32, #tpu.memory_space<vmem>>, vector<16xf32>,
    %add3A_469 = arith.addf %add3A_457, %get3A_468 : vector<16xf32>
    %get3A_470 = arith.constant 720 : index
    %get3A_471 = tpu.vector_load %arg8[%get3A_470] {strides = array<i32>} : memref<1024xf32, #tpu.memory_space<vmem>>, vector<16xf32>,
    %add3A_472 = arith.addf %add3A_460, %get3A_471 : vector<16xf32>
    %get3A_473 = arith.constant 736 : index
    %get3A_474 = tpu.vector_load %arg8[%get3A_473] {strides = array<i32>} : memref<1024xf32, #tpu.memory_space<vmem>>, vector<16xf32>,
    %add3A_475 = arith.addf %add3A_463, %get3A_474 : vector<16xf32>
    %get3A_476 = arith.constant 752 : index
    %get3A_477 = tpu.vector_load %arg8[%get3A_476] {strides = array<i32>} : memref<1024xf32, #tpu.memory_space<vmem>>, vector<16xf32>,
    %add3A_478 = arith.addf %add3A_466, %get3A_477 : vector<16xf32>
    %get3A_479 = arith.constant 768 : index
    %get3A_480 = tpu.vector_load %arg8[%get3A_479] {strides = array<i32>} : memref<1024xf32, #tpu.memory_space<vmem>>, vector<16xf32>,
    %add3A_481 = arith.addf %add3A_469, %get3A_480 : vector<16xf32>
    %get3A_482 = arith.constant 784 : index
    %get3A_483 = tpu.vector_load %arg8[%get3A_482] {strides = array<i32>} : memref<1024xf32, #tpu.memory_space<vmem>>, vector<16xf32>,
    %add3A_484 = arith.addf %add3A_472, %get3A_483 : vector<16xf32>
    %get3A_485 = arith.constant 800 : index
    %get3A_486 = tpu.vector_load %arg8[%get3A_485] {strides = array<i32>} : memref<1024xf32, #tpu.memory_space<vmem>>, vector<16xf32>,
    %add3A_487 = arith.addf %add3A_475, %get3A_486 : vector<16xf32>
    %get3A_488 = arith.constant 816 : index
    %get3A_489 = tpu.vector_load %arg8[%get3A_488] {strides = array<i32>} : memref<1024xf32, #tpu.memory_space<vmem>>, vector<16xf32>,
    %add3A_490 = arith.addf %add3A_478, %get3A_489 : vector<16xf32>
    %get3A_491 = arith.constant 832 : index
    %get3A_492 = tpu.vector_load %arg8[%get3A_491] {strides = array<i32>} : memref<1024xf32, #tpu.memory_space<vmem>>, vector<16xf32>,
    %add3A_493 = arith.addf %add3A_481, %get3A_492 : vector<16xf32>
    %get3A_494 = arith.constant 848 : index
    %get3A_495 = tpu.vector_load %arg8[%get3A_494] {strides = array<i32>} : memref<1024xf32, #tpu.memory_space<vmem>>, vector<16xf32>,
    %add3A_496 = arith.addf %add3A_484, %get3A_495 : vector<16xf32>
    %get3A_497 = arith.constant 864 : index
    %get3A_498 = tpu.vector_load %arg8[%get3A_497] {strides = array<i32>} : memref<1024xf32, #tpu.memory_space<vmem>>, vector<16xf32>,
    %add3A_499 = arith.addf %add3A_487, %get3A_498 : vector<16xf32>
    %get3A_500 = arith.constant 880 : index
    %get3A_501 = tpu.vector_load %arg8[%get3A_500] {strides = array<i32>} : memref<1024xf32, #tpu.memory_space<vmem>>, vector<16xf32>,
    %add3A_502 = arith.addf %add3A_490, %get3A_501 : vector<16xf32>
    %get3A_503 = arith.constant 896 : index
    %get3A_504 = tpu.vector_load %arg8[%get3A_503] {strides = array<i32>} : memref<1024xf32, #tpu.memory_space<vmem>>, vector<16xf32>,
    %add3A_505 = arith.addf %add3A_493, %get3A_504 : vector<16xf32>
    %get3A_506 = arith.constant 912 : index
    %get3A_507 = tpu.vector_load %arg8[%get3A_506] {strides = array<i32>} : memref<1024xf32, #tpu.memory_space<vmem>>, vector<16xf32>,
    %add3A_508 = arith.addf %add3A_496, %get3A_507 : vector<16xf32>
    %get3A_509 = arith.constant 928 : index
    %get3A_510 = tpu.vector_load %arg8[%get3A_509] {strides = array<i32>} : memref<1024xf32, #tpu.memory_space<vmem>>, vector<16xf32>,
    %add3A_511 = arith.addf %add3A_499, %get3A_510 : vector<16xf32>
    %get3A_512 = arith.constant 944 : index
    %get3A_513 = tpu.vector_load %arg8[%get3A_512] {strides = array<i32>} : memref<1024xf32, #tpu.memory_space<vmem>>, vector<16xf32>,
    %add3A_514 = arith.addf %add3A_502, %get3A_513 : vector<16xf32>
    %get3A_515 = arith.constant 960 : index
    %get3A_516 = tpu.vector_load %arg8[%get3A_515] {strides = array<i32>} : memref<1024xf32, #tpu.memory_space<vmem>>, vector<16xf32>,
    %add3A_517 = arith.addf %add3A_505, %get3A_516 : vector<16xf32>
    %get3A_518 = arith.constant 976 : index
    %get3A_519 = tpu.vector_load %arg8[%get3A_518] {strides = array<i32>} : memref<1024xf32, #tpu.memory_space<vmem>>, vector<16xf32>,
    %add3A_520 = arith.addf %add3A_508, %get3A_519 : vector<16xf32>
    %get3A_521 = arith.constant 992 : index
    %get3A_522 = tpu.vector_load %arg8[%get3A_521] {strides = array<i32>} : memref<1024xf32, #tpu.memory_space<vmem>>, vector<16xf32>,
    %add3A_523 = arith.addf %add3A_511, %get3A_522 : vector<16xf32>
    %get3A_524 = arith.constant 1008 : index
    %get3A_525 = tpu.vector_load %arg8[%get3A_524] {strides = array<i32>} : memref<1024xf32, #tpu.memory_space<vmem>>, vector<16xf32>,
    %add3A_526 = arith.addf %add3A_514, %get3A_525 : vector<16xf32>
    %swap3A_527 = arith.constant 0 : index
    %swap3A_528 = tpu.vector_load %arg8[%swap3A_527] {strides = array<i32>} : memref<1024xf32, #tpu.memory_space<vmem>>, vector<16xf32>,
    tpu.vector_store %arg8[%swap3A_527], %add3A_517 {strides = array<i32>} : memref<1024xf32, #tpu.memory_space<vmem>>, vector<16xf32>,
    %swap3A_529 = arith.constant 16 : index
    %swap3A_530 = tpu.vector_load %arg8[%swap3A_529] {strides = array<i32>} : memref<1024xf32, #tpu.memory_space<vmem>>, vector<16xf32>,
    tpu.vector_store %arg8[%swap3A_529], %add3A_520 {strides = array<i32>} : memref<1024xf32, #tpu.memory_space<vmem>>, vector<16xf32>,
    %swap3A_531 = arith.constant 32 : index
    %swap3A_532 = tpu.vector_load %arg8[%swap3A_531] {strides = array<i32>} : memref<1024xf32, #tpu.memory_space<vmem>>, vector<16xf32>,
    tpu.vector_store %arg8[%swap3A_531], %add3A_523 {strides = array<i32>} : memref<1024xf32, #tpu.memory_space<vmem>>, vector<16xf32>,
    %swap3A_533 = arith.constant 48 : index
    %swap3A_534 = tpu.vector_load %arg8[%swap3A_533] {strides = array<i32>} : memref<1024xf32, #tpu.memory_space<vmem>>, vector<16xf32>,
    tpu.vector_store %arg8[%swap3A_533], %add3A_526 {strides = array<i32>} : memref<1024xf32, #tpu.memory_space<vmem>>, vector<16xf32>,
    %mul3A_535 = arith.constant 64 : i32
    %mul3A_536 = arith.muli %arg1, %mul3A_535 : i32
    "tpu.region"() ({
      %run_scoped3A_537 = tpu.sem_alloc : memref<!tpu.dma_semaphore, #tpu.memory_space<semaphore_mem>>
      %dma_start3A_538 = arith.constant 0 : i32
      %dma_start3A_539 = tpu.memref_slice %arg8[%dma_start3A_538] : memref<1024xf32, #tpu.memory_space<vmem>> -> memref<64xf32, #tpu.memory_space<vmem>>
      %dma_start3A_540 = tpu.memref_slice %arg4[%mul3A_536] : memref<1024xf32, #tpu.memory_space<hbm>> -> memref<64xf32, #tpu.memory_space<hbm>>
      %dma_start3A_541 = tpu.memref_slice %arg4[%mul3A_536] : memref<1024xf32, #tpu.memory_space<hbm>> -> memref<64xf32, #tpu.memory_space<hbm>>
      %dma_start3A_542 = arith.constant 0 : i32
      %dma_start3A_543 = tpu.memref_slice %arg8[%dma_start3A_542] : memref<1024xf32, #tpu.memory_space<vmem>> -> memref<64xf32, #tpu.memory_space<vmem>>
      tpu.enqueue_dma source(%dma_start3A_543 : memref<64xf32, #tpu.memory_space<vmem>>) target(%dma_start3A_541 : memref<64xf32, #tpu.memory_space<hbm>>) target_semaphore(%run_scoped3A_537 : memref<!tpu.dma_semaphore, #tpu.memory_space<semaphore_mem>>)
      %dma_wait3A_544 = arith.constant 0 : i32
      %dma_wait3A_545 = tpu.memref_slice %arg8[%dma_wait3A_544] : memref<1024xf32, #tpu.memory_space<vmem>> -> memref<64xf32, #tpu.memory_space<vmem>>
      %dma_wait3A_546 = tpu.memref_slice %arg4[%mul3A_536] : memref<1024xf32, #tpu.memory_space<hbm>> -> memref<64xf32, #tpu.memory_space<hbm>>
      %dma_wait3A_547 = tpu.memref_slice %arg4[%mul3A_536] : memref<1024xf32, #tpu.memory_space<hbm>> -> memref<64xf32, #tpu.memory_space<hbm>>
      %dma_wait3A_548 = arith.constant 0 : i32
      %dma_wait3A_549 = tpu.memref_slice %arg8[%dma_wait3A_548] : memref<1024xf32, #tpu.memory_space<vmem>> -> memref<64xf32, #tpu.memory_space<vmem>>
      tpu.wait_dma2 semaphore(%run_scoped3A_537 : memref<!tpu.dma_semaphore, #tpu.memory_space<semaphore_mem>>) src(%dma_wait3A_549 : memref<64xf32, #tpu.memory_space<vmem>>) dst(%dma_wait3A_547 : memref<64xf32, #tpu.memory_space<hbm>>)
      tpu.yield
    }) : () -> ()
    return
  }
}

#map = affine_map<(d0, d1) -> (0)>
module attributes {stable_mosaic.version = 14 : i64} {
  func.func @body(%arg0: i32, %arg1: i32, %arg2: memref<4096xf32, #tpu.memory_space<hbm>>, %arg3: memref<4096xi32, #tpu.memory_space<hbm>>, %arg4: memref<1024xf32, #tpu.memory_space<hbm>>, %arg5: memref<64xf32, #tpu.memory_space<hbm>>, %arg6: memref<16xf32, #tpu.memory_space<hbm>>, %arg7: memref<256xf32, #tpu.memory_space<vmem>>, %arg8: memref<256xi32, #tpu.memory_space<vmem>>, %arg9: memref<1024xf32, #tpu.memory_space<vmem>>, %arg10: memref<1024xf32, #tpu.memory_space<vmem>>, %arg11: memref<1024xf32, #tpu.memory_space<vmem>>, %arg12: memref<1024xf32, #tpu.memory_space<vmem>>, %arg13: memref<64xf32, #tpu.memory_space<vmem>>, %arg14: memref<16xf32, #tpu.memory_space<vmem>>, %arg15: memref<!tpu.dma_semaphore, #tpu.memory_space<semaphore_mem>>, %arg16: memref<16x1024xf32, #tpu.memory_space<vmem_shared>>, %arg17: memref<1024xf32, #tpu.memory_space<vmem_shared>>) attributes {dimension_semantics = [#tpu.dimension_semantics<core_parallel>, #tpu.dimension_semantics<subcore_parallel>], iteration_bounds = array<i64: 1, 16>, scalar_prefetch = 0 : i64, scratch_operands = 11 : i64, tpu.core_type = #tpu.core_type<sc_vector_subcore>, window_params = [{transform_indices = #map}, {transform_indices = #map}, {transform_indices = #map}, {transform_indices = #map}, {transform_indices = #map}]} {
    %iota3A = tpu.iota {dimensions = array<i32: 0>} : vector<16xi32>
    %broadcast_in_dim3A = arith.constant 1.000000e+00 : f32
    %broadcast_in_dim3A_0 = vector.broadcast %broadcast_in_dim3A : f32 to vector<16xf32>
    %mul3A = arith.constant 256 : i32
    %mul3A_1 = arith.muli %arg1, %mul3A : i32
    %dma_start3A = tpu.memref_slice %arg2[%mul3A_1] : memref<4096xf32, #tpu.memory_space<hbm>> -> memref<256xf32, #tpu.memory_space<hbm>>
    %dma_start3A_2 = tpu.memref_slice %arg2[%mul3A_1] : memref<4096xf32, #tpu.memory_space<hbm>> -> memref<256xf32, #tpu.memory_space<hbm>>
    tpu.enqueue_dma source(%dma_start3A_2 : memref<256xf32, #tpu.memory_space<hbm>>) target(%arg7 : memref<256xf32, #tpu.memory_space<vmem>>) target_semaphore(%arg15 : memref<!tpu.dma_semaphore, #tpu.memory_space<semaphore_mem>>)
    %mul3A_3 = arith.constant 256 : i32
    %mul3A_4 = arith.muli %arg1, %mul3A_3 : i32
    %dma_start3A_5 = tpu.memref_slice %arg3[%mul3A_4] : memref<4096xi32, #tpu.memory_space<hbm>> -> memref<256xi32, #tpu.memory_space<hbm>>
    %dma_start3A_6 = tpu.memref_slice %arg3[%mul3A_4] : memref<4096xi32, #tpu.memory_space<hbm>> -> memref<256xi32, #tpu.memory_space<hbm>>
    tpu.enqueue_dma source(%dma_start3A_6 : memref<256xi32, #tpu.memory_space<hbm>>) target(%arg8 : memref<256xi32, #tpu.memory_space<vmem>>) target_semaphore(%arg15 : memref<!tpu.dma_semaphore, #tpu.memory_space<semaphore_mem>>)
    %dma_wait3A = tpu.memref_slice %arg2[%mul3A_1] : memref<4096xf32, #tpu.memory_space<hbm>> -> memref<256xf32, #tpu.memory_space<hbm>>
    %dma_wait3A_7 = tpu.memref_slice %arg2[%mul3A_1] : memref<4096xf32, #tpu.memory_space<hbm>> -> memref<256xf32, #tpu.memory_space<hbm>>
    tpu.wait_dma2 semaphore(%arg15 : memref<!tpu.dma_semaphore, #tpu.memory_space<semaphore_mem>>) src(%dma_wait3A_7 : memref<256xf32, #tpu.memory_space<hbm>>) dst(%arg7 : memref<256xf32, #tpu.memory_space<vmem>>)
    %dma_wait3A_8 = tpu.memref_slice %arg3[%mul3A_4] : memref<4096xi32, #tpu.memory_space<hbm>> -> memref<256xi32, #tpu.memory_space<hbm>>
    %dma_wait3A_9 = tpu.memref_slice %arg3[%mul3A_4] : memref<4096xi32, #tpu.memory_space<hbm>> -> memref<256xi32, #tpu.memory_space<hbm>>
    tpu.wait_dma2 semaphore(%arg15 : memref<!tpu.dma_semaphore, #tpu.memory_space<semaphore_mem>>) src(%dma_wait3A_9 : memref<256xi32, #tpu.memory_space<hbm>>) dst(%arg8 : memref<256xi32, #tpu.memory_space<vmem>>)
    %broadcast_in_dim3A_10 = arith.constant 0.000000e+00 : f32
    %broadcast_in_dim3A_11 = vector.broadcast %broadcast_in_dim3A_10 : f32 to vector<16xf32>
    %broadcast_in_dim3A_12 = arith.constant 0.000000e+00 : f32
    %broadcast_in_dim3A_13 = vector.broadcast %broadcast_in_dim3A_12 : f32 to vector<16xf32>
    %broadcast_in_dim3A_14 = arith.constant 0.000000e+00 : f32
    %broadcast_in_dim3A_15 = vector.broadcast %broadcast_in_dim3A_14 : f32 to vector<16xf32>
    %broadcast_in_dim3A_16 = arith.constant 0.000000e+00 : f32
    %broadcast_in_dim3A_17 = vector.broadcast %broadcast_in_dim3A_16 : f32 to vector<16xf32>
    %broadcast_in_dim3A_18 = arith.constant 0.000000e+00 : f32
    %broadcast_in_dim3A_19 = vector.broadcast %broadcast_in_dim3A_18 : f32 to vector<16xf32>
    %broadcast_in_dim3A_20 = arith.constant 0.000000e+00 : f32
    %broadcast_in_dim3A_21 = vector.broadcast %broadcast_in_dim3A_20 : f32 to vector<16xf32>
    %broadcast_in_dim3A_22 = arith.constant 0.000000e+00 : f32
    %broadcast_in_dim3A_23 = vector.broadcast %broadcast_in_dim3A_22 : f32 to vector<16xf32>
    %broadcast_in_dim3A_24 = arith.constant 0.000000e+00 : f32
    %broadcast_in_dim3A_25 = vector.broadcast %broadcast_in_dim3A_24 : f32 to vector<16xf32>
    %broadcast_in_dim3A_26 = arith.constant 0.000000e+00 : f32
    %broadcast_in_dim3A_27 = vector.broadcast %broadcast_in_dim3A_26 : f32 to vector<16xf32>
    %broadcast_in_dim3A_28 = arith.constant 0.000000e+00 : f32
    %broadcast_in_dim3A_29 = vector.broadcast %broadcast_in_dim3A_28 : f32 to vector<16xf32>
    %broadcast_in_dim3A_30 = arith.constant 0.000000e+00 : f32
    %broadcast_in_dim3A_31 = vector.broadcast %broadcast_in_dim3A_30 : f32 to vector<16xf32>
    %broadcast_in_dim3A_32 = arith.constant 0.000000e+00 : f32
    %broadcast_in_dim3A_33 = vector.broadcast %broadcast_in_dim3A_32 : f32 to vector<16xf32>
    %broadcast_in_dim3A_34 = arith.constant 0.000000e+00 : f32
    %broadcast_in_dim3A_35 = vector.broadcast %broadcast_in_dim3A_34 : f32 to vector<16xf32>
    %broadcast_in_dim3A_36 = arith.constant 0.000000e+00 : f32
    %broadcast_in_dim3A_37 = vector.broadcast %broadcast_in_dim3A_36 : f32 to vector<16xf32>
    %broadcast_in_dim3A_38 = arith.constant 0.000000e+00 : f32
    %broadcast_in_dim3A_39 = vector.broadcast %broadcast_in_dim3A_38 : f32 to vector<16xf32>
    %broadcast_in_dim3A_40 = arith.constant 0.000000e+00 : f32
    %broadcast_in_dim3A_41 = vector.broadcast %broadcast_in_dim3A_40 : f32 to vector<16xf32>
    %broadcast_in_dim3A_42 = arith.constant 0.000000e+00 : f32
    %broadcast_in_dim3A_43 = vector.broadcast %broadcast_in_dim3A_42 : f32 to vector<16xf32>
    %broadcast_in_dim3A_44 = arith.constant 0.000000e+00 : f32
    %broadcast_in_dim3A_45 = vector.broadcast %broadcast_in_dim3A_44 : f32 to vector<16xf32>
    %broadcast_in_dim3A_46 = arith.constant 0.000000e+00 : f32
    %broadcast_in_dim3A_47 = vector.broadcast %broadcast_in_dim3A_46 : f32 to vector<16xf32>
    %broadcast_in_dim3A_48 = arith.constant 0.000000e+00 : f32
    %broadcast_in_dim3A_49 = vector.broadcast %broadcast_in_dim3A_48 : f32 to vector<16xf32>
    %broadcast_in_dim3A_50 = arith.constant 0.000000e+00 : f32
    %broadcast_in_dim3A_51 = vector.broadcast %broadcast_in_dim3A_50 : f32 to vector<16xf32>
    %broadcast_in_dim3A_52 = arith.constant 0.000000e+00 : f32
    %broadcast_in_dim3A_53 = vector.broadcast %broadcast_in_dim3A_52 : f32 to vector<16xf32>
    %broadcast_in_dim3A_54 = arith.constant 0.000000e+00 : f32
    %broadcast_in_dim3A_55 = vector.broadcast %broadcast_in_dim3A_54 : f32 to vector<16xf32>
    %broadcast_in_dim3A_56 = arith.constant 0.000000e+00 : f32
    %broadcast_in_dim3A_57 = vector.broadcast %broadcast_in_dim3A_56 : f32 to vector<16xf32>
    %broadcast_in_dim3A_58 = arith.constant 0.000000e+00 : f32
    %broadcast_in_dim3A_59 = vector.broadcast %broadcast_in_dim3A_58 : f32 to vector<16xf32>
    %broadcast_in_dim3A_60 = arith.constant 0.000000e+00 : f32
    %broadcast_in_dim3A_61 = vector.broadcast %broadcast_in_dim3A_60 : f32 to vector<16xf32>
    %broadcast_in_dim3A_62 = arith.constant 0.000000e+00 : f32
    %broadcast_in_dim3A_63 = vector.broadcast %broadcast_in_dim3A_62 : f32 to vector<16xf32>
    %broadcast_in_dim3A_64 = arith.constant 0.000000e+00 : f32
    %broadcast_in_dim3A_65 = vector.broadcast %broadcast_in_dim3A_64 : f32 to vector<16xf32>
    %broadcast_in_dim3A_66 = arith.constant 0.000000e+00 : f32
    %broadcast_in_dim3A_67 = vector.broadcast %broadcast_in_dim3A_66 : f32 to vector<16xf32>
    %broadcast_in_dim3A_68 = arith.constant 0.000000e+00 : f32
    %broadcast_in_dim3A_69 = vector.broadcast %broadcast_in_dim3A_68 : f32 to vector<16xf32>
    %broadcast_in_dim3A_70 = arith.constant 0.000000e+00 : f32
    %broadcast_in_dim3A_71 = vector.broadcast %broadcast_in_dim3A_70 : f32 to vector<16xf32>
    %broadcast_in_dim3A_72 = arith.constant 0.000000e+00 : f32
    %broadcast_in_dim3A_73 = vector.broadcast %broadcast_in_dim3A_72 : f32 to vector<16xf32>
    %broadcast_in_dim3A_74 = arith.constant 0.000000e+00 : f32
    %broadcast_in_dim3A_75 = vector.broadcast %broadcast_in_dim3A_74 : f32 to vector<16xf32>
    %broadcast_in_dim3A_76 = arith.constant 0.000000e+00 : f32
    %broadcast_in_dim3A_77 = vector.broadcast %broadcast_in_dim3A_76 : f32 to vector<16xf32>
    %broadcast_in_dim3A_78 = arith.constant 0.000000e+00 : f32
    %broadcast_in_dim3A_79 = vector.broadcast %broadcast_in_dim3A_78 : f32 to vector<16xf32>
    %broadcast_in_dim3A_80 = arith.constant 0.000000e+00 : f32
    %broadcast_in_dim3A_81 = vector.broadcast %broadcast_in_dim3A_80 : f32 to vector<16xf32>
    %broadcast_in_dim3A_82 = arith.constant 0.000000e+00 : f32
    %broadcast_in_dim3A_83 = vector.broadcast %broadcast_in_dim3A_82 : f32 to vector<16xf32>
    %broadcast_in_dim3A_84 = arith.constant 0.000000e+00 : f32
    %broadcast_in_dim3A_85 = vector.broadcast %broadcast_in_dim3A_84 : f32 to vector<16xf32>
    %broadcast_in_dim3A_86 = arith.constant 0.000000e+00 : f32
    %broadcast_in_dim3A_87 = vector.broadcast %broadcast_in_dim3A_86 : f32 to vector<16xf32>
    %broadcast_in_dim3A_88 = arith.constant 0.000000e+00 : f32
    %broadcast_in_dim3A_89 = vector.broadcast %broadcast_in_dim3A_88 : f32 to vector<16xf32>
    %broadcast_in_dim3A_90 = arith.constant 0.000000e+00 : f32
    %broadcast_in_dim3A_91 = vector.broadcast %broadcast_in_dim3A_90 : f32 to vector<16xf32>
    %broadcast_in_dim3A_92 = arith.constant 0.000000e+00 : f32
    %broadcast_in_dim3A_93 = vector.broadcast %broadcast_in_dim3A_92 : f32 to vector<16xf32>
    %scan3A = arith.constant 0 : i32
    %scan3A_94 = arith.constant 16 : i32
    %scan3A_95 = arith.addi %scan3A, %scan3A_94 : i32
    %scan3A_96 = arith.constant 1 : i32
    %scan3A_97:42 = scf.for %scan3A_540 = %scan3A to %scan3A_95 step %scan3A_96 iter_args(%scan3A_541 = %broadcast_in_dim3A_11, %scan3A_542 = %broadcast_in_dim3A_13, %scan3A_543 = %broadcast_in_dim3A_15, %scan3A_544 = %broadcast_in_dim3A_17, %scan3A_545 = %broadcast_in_dim3A_19, %scan3A_546 = %broadcast_in_dim3A_21, %scan3A_547 = %broadcast_in_dim3A_23, %scan3A_548 = %broadcast_in_dim3A_25, %scan3A_549 = %broadcast_in_dim3A_27, %scan3A_550 = %broadcast_in_dim3A_29, %scan3A_551 = %broadcast_in_dim3A_31, %scan3A_552 = %broadcast_in_dim3A_33, %scan3A_553 = %broadcast_in_dim3A_35, %scan3A_554 = %broadcast_in_dim3A_37, %scan3A_555 = %broadcast_in_dim3A_39, %scan3A_556 = %broadcast_in_dim3A_41, %scan3A_557 = %broadcast_in_dim3A_43, %scan3A_558 = %broadcast_in_dim3A_45, %scan3A_559 = %broadcast_in_dim3A_47, %scan3A_560 = %broadcast_in_dim3A_49, %scan3A_561 = %broadcast_in_dim3A_51, %scan3A_562 = %broadcast_in_dim3A_53, %scan3A_563 = %broadcast_in_dim3A_55, %scan3A_564 = %broadcast_in_dim3A_57, %scan3A_565 = %broadcast_in_dim3A_59, %scan3A_566 = %broadcast_in_dim3A_61, %scan3A_567 = %broadcast_in_dim3A_63, %scan3A_568 = %broadcast_in_dim3A_65, %scan3A_569 = %broadcast_in_dim3A_67, %scan3A_570 = %broadcast_in_dim3A_69, %scan3A_571 = %broadcast_in_dim3A_71, %scan3A_572 = %broadcast_in_dim3A_73, %scan3A_573 = %broadcast_in_dim3A_75, %scan3A_574 = %broadcast_in_dim3A_77, %scan3A_575 = %broadcast_in_dim3A_79, %scan3A_576 = %broadcast_in_dim3A_81, %scan3A_577 = %broadcast_in_dim3A_83, %scan3A_578 = %broadcast_in_dim3A_85, %scan3A_579 = %broadcast_in_dim3A_87, %scan3A_580 = %broadcast_in_dim3A_89, %scan3A_581 = %broadcast_in_dim3A_91, %scan3A_582 = %broadcast_in_dim3A_93) -> (vector<16xf32>, vector<16xf32>, vector<16xf32>, vector<16xf32>, vector<16xf32>, vector<16xf32>, vector<16xf32>, vector<16xf32>, vector<16xf32>, vector<16xf32>, vector<16xf32>, vector<16xf32>, vector<16xf32>, vector<16xf32>, vector<16xf32>, vector<16xf32>, vector<16xf32>, vector<16xf32>, vector<16xf32>, vector<16xf32>, vector<16xf32>, vector<16xf32>, vector<16xf32>, vector<16xf32>, vector<16xf32>, vector<16xf32>, vector<16xf32>, vector<16xf32>, vector<16xf32>, vector<16xf32>, vector<16xf32>, vector<16xf32>, vector<16xf32>, vector<16xf32>, vector<16xf32>, vector<16xf32>, vector<16xf32>, vector<16xf32>, vector<16xf32>, vector<16xf32>, vector<16xf32>, vector<16xf32>)  : i32 {
      %mul3A_583 = arith.constant 16 : i32
      %mul3A_584 = arith.muli %scan3A_540, %mul3A_583 : i32
      %get3A_585 = arith.index_cast %mul3A_584 : i32 to index
      %get3A_586 = tpu.vector_load %arg8[%get3A_585] {strides = array<i32>} : memref<256xi32, #tpu.memory_space<vmem>>, vector<16xi32>,
      %mul3A_587 = arith.constant 16 : i32
      %mul3A_588 = arith.muli %scan3A_540, %mul3A_587 : i32
      %get3A_589 = arith.index_cast %mul3A_588 : i32 to index
      %get3A_590 = tpu.vector_load %arg7[%get3A_589] {strides = array<i32>} : memref<256xf32, #tpu.memory_space<vmem>>, vector<16xf32>,
      %eq3A_591 = arith.constant 0 : i32
      %eq3A_592 = vector.broadcast %eq3A_591 : i32 to vector<16xi32>
      %eq3A_593 = arith.cmpi eq, %get3A_586, %eq3A_592 : vector<16xi32>
      %jit3A = arith.constant 0.000000e+00 : f32
      %broadcast_in_dim3A_594 = vector.broadcast %jit3A : f32 to vector<16xf32>
      %select_n3A = arith.select %eq3A_593, %get3A_590, %broadcast_in_dim3A_594 : vector<16xi1>, vector<16xf32>
      %add3A_595 = arith.addf %scan3A_541, %select_n3A : vector<16xf32>
      %jit3A_596 = arith.constant 0.000000e+00 : f32
      %broadcast_in_dim3A_597 = vector.broadcast %jit3A_596 : f32 to vector<16xf32>
      %select_n3A_598 = arith.select %eq3A_593, %broadcast_in_dim3A_0, %broadcast_in_dim3A_597 : vector<16xi1>, vector<16xf32>
      %add3A_599 = arith.addf %scan3A_562, %select_n3A_598 : vector<16xf32>
      %eq3A_600 = arith.constant 1 : i32
      %eq3A_601 = vector.broadcast %eq3A_600 : i32 to vector<16xi32>
      %eq3A_602 = arith.cmpi eq, %get3A_586, %eq3A_601 : vector<16xi32>
      %jit3A_603 = arith.constant 0.000000e+00 : f32
      %broadcast_in_dim3A_604 = vector.broadcast %jit3A_603 : f32 to vector<16xf32>
      %select_n3A_605 = arith.select %eq3A_602, %get3A_590, %broadcast_in_dim3A_604 : vector<16xi1>, vector<16xf32>
      %add3A_606 = arith.addf %scan3A_542, %select_n3A_605 : vector<16xf32>
      %jit3A_607 = arith.constant 0.000000e+00 : f32
      %broadcast_in_dim3A_608 = vector.broadcast %jit3A_607 : f32 to vector<16xf32>
      %select_n3A_609 = arith.select %eq3A_602, %broadcast_in_dim3A_0, %broadcast_in_dim3A_608 : vector<16xi1>, vector<16xf32>
      %add3A_610 = arith.addf %scan3A_563, %select_n3A_609 : vector<16xf32>
      %eq3A_611 = arith.constant 2 : i32
      %eq3A_612 = vector.broadcast %eq3A_611 : i32 to vector<16xi32>
      %eq3A_613 = arith.cmpi eq, %get3A_586, %eq3A_612 : vector<16xi32>
      %jit3A_614 = arith.constant 0.000000e+00 : f32
      %broadcast_in_dim3A_615 = vector.broadcast %jit3A_614 : f32 to vector<16xf32>
      %select_n3A_616 = arith.select %eq3A_613, %get3A_590, %broadcast_in_dim3A_615 : vector<16xi1>, vector<16xf32>
      %add3A_617 = arith.addf %scan3A_543, %select_n3A_616 : vector<16xf32>
      %jit3A_618 = arith.constant 0.000000e+00 : f32
      %broadcast_in_dim3A_619 = vector.broadcast %jit3A_618 : f32 to vector<16xf32>
      %select_n3A_620 = arith.select %eq3A_613, %broadcast_in_dim3A_0, %broadcast_in_dim3A_619 : vector<16xi1>, vector<16xf32>
      %add3A_621 = arith.addf %scan3A_564, %select_n3A_620 : vector<16xf32>
      %eq3A_622 = arith.constant 3 : i32
      %eq3A_623 = vector.broadcast %eq3A_622 : i32 to vector<16xi32>
      %eq3A_624 = arith.cmpi eq, %get3A_586, %eq3A_623 : vector<16xi32>
      %jit3A_625 = arith.constant 0.000000e+00 : f32
      %broadcast_in_dim3A_626 = vector.broadcast %jit3A_625 : f32 to vector<16xf32>
      %select_n3A_627 = arith.select %eq3A_624, %get3A_590, %broadcast_in_dim3A_626 : vector<16xi1>, vector<16xf32>
      %add3A_628 = arith.addf %scan3A_544, %select_n3A_627 : vector<16xf32>
      %jit3A_629 = arith.constant 0.000000e+00 : f32
      %broadcast_in_dim3A_630 = vector.broadcast %jit3A_629 : f32 to vector<16xf32>
      %select_n3A_631 = arith.select %eq3A_624, %broadcast_in_dim3A_0, %broadcast_in_dim3A_630 : vector<16xi1>, vector<16xf32>
      %add3A_632 = arith.addf %scan3A_565, %select_n3A_631 : vector<16xf32>
      %eq3A_633 = arith.constant 4 : i32
      %eq3A_634 = vector.broadcast %eq3A_633 : i32 to vector<16xi32>
      %eq3A_635 = arith.cmpi eq, %get3A_586, %eq3A_634 : vector<16xi32>
      %jit3A_636 = arith.constant 0.000000e+00 : f32
      %broadcast_in_dim3A_637 = vector.broadcast %jit3A_636 : f32 to vector<16xf32>
      %select_n3A_638 = arith.select %eq3A_635, %get3A_590, %broadcast_in_dim3A_637 : vector<16xi1>, vector<16xf32>
      %add3A_639 = arith.addf %scan3A_545, %select_n3A_638 : vector<16xf32>
      %jit3A_640 = arith.constant 0.000000e+00 : f32
      %broadcast_in_dim3A_641 = vector.broadcast %jit3A_640 : f32 to vector<16xf32>
      %select_n3A_642 = arith.select %eq3A_635, %broadcast_in_dim3A_0, %broadcast_in_dim3A_641 : vector<16xi1>, vector<16xf32>
      %add3A_643 = arith.addf %scan3A_566, %select_n3A_642 : vector<16xf32>
      %eq3A_644 = arith.constant 5 : i32
      %eq3A_645 = vector.broadcast %eq3A_644 : i32 to vector<16xi32>
      %eq3A_646 = arith.cmpi eq, %get3A_586, %eq3A_645 : vector<16xi32>
      %jit3A_647 = arith.constant 0.000000e+00 : f32
      %broadcast_in_dim3A_648 = vector.broadcast %jit3A_647 : f32 to vector<16xf32>
      %select_n3A_649 = arith.select %eq3A_646, %get3A_590, %broadcast_in_dim3A_648 : vector<16xi1>, vector<16xf32>
      %add3A_650 = arith.addf %scan3A_546, %select_n3A_649 : vector<16xf32>
      %jit3A_651 = arith.constant 0.000000e+00 : f32
      %broadcast_in_dim3A_652 = vector.broadcast %jit3A_651 : f32 to vector<16xf32>
      %select_n3A_653 = arith.select %eq3A_646, %broadcast_in_dim3A_0, %broadcast_in_dim3A_652 : vector<16xi1>, vector<16xf32>
      %add3A_654 = arith.addf %scan3A_567, %select_n3A_653 : vector<16xf32>
      %eq3A_655 = arith.constant 6 : i32
      %eq3A_656 = vector.broadcast %eq3A_655 : i32 to vector<16xi32>
      %eq3A_657 = arith.cmpi eq, %get3A_586, %eq3A_656 : vector<16xi32>
      %jit3A_658 = arith.constant 0.000000e+00 : f32
      %broadcast_in_dim3A_659 = vector.broadcast %jit3A_658 : f32 to vector<16xf32>
      %select_n3A_660 = arith.select %eq3A_657, %get3A_590, %broadcast_in_dim3A_659 : vector<16xi1>, vector<16xf32>
      %add3A_661 = arith.addf %scan3A_547, %select_n3A_660 : vector<16xf32>
      %jit3A_662 = arith.constant 0.000000e+00 : f32
      %broadcast_in_dim3A_663 = vector.broadcast %jit3A_662 : f32 to vector<16xf32>
      %select_n3A_664 = arith.select %eq3A_657, %broadcast_in_dim3A_0, %broadcast_in_dim3A_663 : vector<16xi1>, vector<16xf32>
      %add3A_665 = arith.addf %scan3A_568, %select_n3A_664 : vector<16xf32>
      %eq3A_666 = arith.constant 7 : i32
      %eq3A_667 = vector.broadcast %eq3A_666 : i32 to vector<16xi32>
      %eq3A_668 = arith.cmpi eq, %get3A_586, %eq3A_667 : vector<16xi32>
      %jit3A_669 = arith.constant 0.000000e+00 : f32
      %broadcast_in_dim3A_670 = vector.broadcast %jit3A_669 : f32 to vector<16xf32>
      %select_n3A_671 = arith.select %eq3A_668, %get3A_590, %broadcast_in_dim3A_670 : vector<16xi1>, vector<16xf32>
      %add3A_672 = arith.addf %scan3A_548, %select_n3A_671 : vector<16xf32>
      %jit3A_673 = arith.constant 0.000000e+00 : f32
      %broadcast_in_dim3A_674 = vector.broadcast %jit3A_673 : f32 to vector<16xf32>
      %select_n3A_675 = arith.select %eq3A_668, %broadcast_in_dim3A_0, %broadcast_in_dim3A_674 : vector<16xi1>, vector<16xf32>
      %add3A_676 = arith.addf %scan3A_569, %select_n3A_675 : vector<16xf32>
      %eq3A_677 = arith.constant 8 : i32
      %eq3A_678 = vector.broadcast %eq3A_677 : i32 to vector<16xi32>
      %eq3A_679 = arith.cmpi eq, %get3A_586, %eq3A_678 : vector<16xi32>
      %jit3A_680 = arith.constant 0.000000e+00 : f32
      %broadcast_in_dim3A_681 = vector.broadcast %jit3A_680 : f32 to vector<16xf32>
      %select_n3A_682 = arith.select %eq3A_679, %get3A_590, %broadcast_in_dim3A_681 : vector<16xi1>, vector<16xf32>
      %add3A_683 = arith.addf %scan3A_549, %select_n3A_682 : vector<16xf32>
      %jit3A_684 = arith.constant 0.000000e+00 : f32
      %broadcast_in_dim3A_685 = vector.broadcast %jit3A_684 : f32 to vector<16xf32>
      %select_n3A_686 = arith.select %eq3A_679, %broadcast_in_dim3A_0, %broadcast_in_dim3A_685 : vector<16xi1>, vector<16xf32>
      %add3A_687 = arith.addf %scan3A_570, %select_n3A_686 : vector<16xf32>
      %eq3A_688 = arith.constant 9 : i32
      %eq3A_689 = vector.broadcast %eq3A_688 : i32 to vector<16xi32>
      %eq3A_690 = arith.cmpi eq, %get3A_586, %eq3A_689 : vector<16xi32>
      %jit3A_691 = arith.constant 0.000000e+00 : f32
      %broadcast_in_dim3A_692 = vector.broadcast %jit3A_691 : f32 to vector<16xf32>
      %select_n3A_693 = arith.select %eq3A_690, %get3A_590, %broadcast_in_dim3A_692 : vector<16xi1>, vector<16xf32>
      %add3A_694 = arith.addf %scan3A_550, %select_n3A_693 : vector<16xf32>
      %jit3A_695 = arith.constant 0.000000e+00 : f32
      %broadcast_in_dim3A_696 = vector.broadcast %jit3A_695 : f32 to vector<16xf32>
      %select_n3A_697 = arith.select %eq3A_690, %broadcast_in_dim3A_0, %broadcast_in_dim3A_696 : vector<16xi1>, vector<16xf32>
      %add3A_698 = arith.addf %scan3A_571, %select_n3A_697 : vector<16xf32>
      %eq3A_699 = arith.constant 10 : i32
      %eq3A_700 = vector.broadcast %eq3A_699 : i32 to vector<16xi32>
      %eq3A_701 = arith.cmpi eq, %get3A_586, %eq3A_700 : vector<16xi32>
      %jit3A_702 = arith.constant 0.000000e+00 : f32
      %broadcast_in_dim3A_703 = vector.broadcast %jit3A_702 : f32 to vector<16xf32>
      %select_n3A_704 = arith.select %eq3A_701, %get3A_590, %broadcast_in_dim3A_703 : vector<16xi1>, vector<16xf32>
      %add3A_705 = arith.addf %scan3A_551, %select_n3A_704 : vector<16xf32>
      %jit3A_706 = arith.constant 0.000000e+00 : f32
      %broadcast_in_dim3A_707 = vector.broadcast %jit3A_706 : f32 to vector<16xf32>
      %select_n3A_708 = arith.select %eq3A_701, %broadcast_in_dim3A_0, %broadcast_in_dim3A_707 : vector<16xi1>, vector<16xf32>
      %add3A_709 = arith.addf %scan3A_572, %select_n3A_708 : vector<16xf32>
      %eq3A_710 = arith.constant 11 : i32
      %eq3A_711 = vector.broadcast %eq3A_710 : i32 to vector<16xi32>
      %eq3A_712 = arith.cmpi eq, %get3A_586, %eq3A_711 : vector<16xi32>
      %jit3A_713 = arith.constant 0.000000e+00 : f32
      %broadcast_in_dim3A_714 = vector.broadcast %jit3A_713 : f32 to vector<16xf32>
      %select_n3A_715 = arith.select %eq3A_712, %get3A_590, %broadcast_in_dim3A_714 : vector<16xi1>, vector<16xf32>
      %add3A_716 = arith.addf %scan3A_552, %select_n3A_715 : vector<16xf32>
      %jit3A_717 = arith.constant 0.000000e+00 : f32
      %broadcast_in_dim3A_718 = vector.broadcast %jit3A_717 : f32 to vector<16xf32>
      %select_n3A_719 = arith.select %eq3A_712, %broadcast_in_dim3A_0, %broadcast_in_dim3A_718 : vector<16xi1>, vector<16xf32>
      %add3A_720 = arith.addf %scan3A_573, %select_n3A_719 : vector<16xf32>
      %eq3A_721 = arith.constant 12 : i32
      %eq3A_722 = vector.broadcast %eq3A_721 : i32 to vector<16xi32>
      %eq3A_723 = arith.cmpi eq, %get3A_586, %eq3A_722 : vector<16xi32>
      %jit3A_724 = arith.constant 0.000000e+00 : f32
      %broadcast_in_dim3A_725 = vector.broadcast %jit3A_724 : f32 to vector<16xf32>
      %select_n3A_726 = arith.select %eq3A_723, %get3A_590, %broadcast_in_dim3A_725 : vector<16xi1>, vector<16xf32>
      %add3A_727 = arith.addf %scan3A_553, %select_n3A_726 : vector<16xf32>
      %jit3A_728 = arith.constant 0.000000e+00 : f32
      %broadcast_in_dim3A_729 = vector.broadcast %jit3A_728 : f32 to vector<16xf32>
      %select_n3A_730 = arith.select %eq3A_723, %broadcast_in_dim3A_0, %broadcast_in_dim3A_729 : vector<16xi1>, vector<16xf32>
      %add3A_731 = arith.addf %scan3A_574, %select_n3A_730 : vector<16xf32>
      %eq3A_732 = arith.constant 13 : i32
      %eq3A_733 = vector.broadcast %eq3A_732 : i32 to vector<16xi32>
      %eq3A_734 = arith.cmpi eq, %get3A_586, %eq3A_733 : vector<16xi32>
      %jit3A_735 = arith.constant 0.000000e+00 : f32
      %broadcast_in_dim3A_736 = vector.broadcast %jit3A_735 : f32 to vector<16xf32>
      %select_n3A_737 = arith.select %eq3A_734, %get3A_590, %broadcast_in_dim3A_736 : vector<16xi1>, vector<16xf32>
      %add3A_738 = arith.addf %scan3A_554, %select_n3A_737 : vector<16xf32>
      %jit3A_739 = arith.constant 0.000000e+00 : f32
      %broadcast_in_dim3A_740 = vector.broadcast %jit3A_739 : f32 to vector<16xf32>
      %select_n3A_741 = arith.select %eq3A_734, %broadcast_in_dim3A_0, %broadcast_in_dim3A_740 : vector<16xi1>, vector<16xf32>
      %add3A_742 = arith.addf %scan3A_575, %select_n3A_741 : vector<16xf32>
      %eq3A_743 = arith.constant 14 : i32
      %eq3A_744 = vector.broadcast %eq3A_743 : i32 to vector<16xi32>
      %eq3A_745 = arith.cmpi eq, %get3A_586, %eq3A_744 : vector<16xi32>
      %jit3A_746 = arith.constant 0.000000e+00 : f32
      %broadcast_in_dim3A_747 = vector.broadcast %jit3A_746 : f32 to vector<16xf32>
      %select_n3A_748 = arith.select %eq3A_745, %get3A_590, %broadcast_in_dim3A_747 : vector<16xi1>, vector<16xf32>
      %add3A_749 = arith.addf %scan3A_555, %select_n3A_748 : vector<16xf32>
      %jit3A_750 = arith.constant 0.000000e+00 : f32
      %broadcast_in_dim3A_751 = vector.broadcast %jit3A_750 : f32 to vector<16xf32>
      %select_n3A_752 = arith.select %eq3A_745, %broadcast_in_dim3A_0, %broadcast_in_dim3A_751 : vector<16xi1>, vector<16xf32>
      %add3A_753 = arith.addf %scan3A_576, %select_n3A_752 : vector<16xf32>
      %eq3A_754 = arith.constant 15 : i32
      %eq3A_755 = vector.broadcast %eq3A_754 : i32 to vector<16xi32>
      %eq3A_756 = arith.cmpi eq, %get3A_586, %eq3A_755 : vector<16xi32>
      %jit3A_757 = arith.constant 0.000000e+00 : f32
      %broadcast_in_dim3A_758 = vector.broadcast %jit3A_757 : f32 to vector<16xf32>
      %select_n3A_759 = arith.select %eq3A_756, %get3A_590, %broadcast_in_dim3A_758 : vector<16xi1>, vector<16xf32>
      %add3A_760 = arith.addf %scan3A_556, %select_n3A_759 : vector<16xf32>
      %jit3A_761 = arith.constant 0.000000e+00 : f32
      %broadcast_in_dim3A_762 = vector.broadcast %jit3A_761 : f32 to vector<16xf32>
      %select_n3A_763 = arith.select %eq3A_756, %broadcast_in_dim3A_0, %broadcast_in_dim3A_762 : vector<16xi1>, vector<16xf32>
      %add3A_764 = arith.addf %scan3A_577, %select_n3A_763 : vector<16xf32>
      %eq3A_765 = arith.constant 16 : i32
      %eq3A_766 = vector.broadcast %eq3A_765 : i32 to vector<16xi32>
      %eq3A_767 = arith.cmpi eq, %get3A_586, %eq3A_766 : vector<16xi32>
      %jit3A_768 = arith.constant 0.000000e+00 : f32
      %broadcast_in_dim3A_769 = vector.broadcast %jit3A_768 : f32 to vector<16xf32>
      %select_n3A_770 = arith.select %eq3A_767, %get3A_590, %broadcast_in_dim3A_769 : vector<16xi1>, vector<16xf32>
      %add3A_771 = arith.addf %scan3A_557, %select_n3A_770 : vector<16xf32>
      %jit3A_772 = arith.constant 0.000000e+00 : f32
      %broadcast_in_dim3A_773 = vector.broadcast %jit3A_772 : f32 to vector<16xf32>
      %select_n3A_774 = arith.select %eq3A_767, %broadcast_in_dim3A_0, %broadcast_in_dim3A_773 : vector<16xi1>, vector<16xf32>
      %add3A_775 = arith.addf %scan3A_578, %select_n3A_774 : vector<16xf32>
      %eq3A_776 = arith.constant 17 : i32
      %eq3A_777 = vector.broadcast %eq3A_776 : i32 to vector<16xi32>
      %eq3A_778 = arith.cmpi eq, %get3A_586, %eq3A_777 : vector<16xi32>
      %jit3A_779 = arith.constant 0.000000e+00 : f32
      %broadcast_in_dim3A_780 = vector.broadcast %jit3A_779 : f32 to vector<16xf32>
      %select_n3A_781 = arith.select %eq3A_778, %get3A_590, %broadcast_in_dim3A_780 : vector<16xi1>, vector<16xf32>
      %add3A_782 = arith.addf %scan3A_558, %select_n3A_781 : vector<16xf32>
      %jit3A_783 = arith.constant 0.000000e+00 : f32
      %broadcast_in_dim3A_784 = vector.broadcast %jit3A_783 : f32 to vector<16xf32>
      %select_n3A_785 = arith.select %eq3A_778, %broadcast_in_dim3A_0, %broadcast_in_dim3A_784 : vector<16xi1>, vector<16xf32>
      %add3A_786 = arith.addf %scan3A_579, %select_n3A_785 : vector<16xf32>
      %eq3A_787 = arith.constant 18 : i32
      %eq3A_788 = vector.broadcast %eq3A_787 : i32 to vector<16xi32>
      %eq3A_789 = arith.cmpi eq, %get3A_586, %eq3A_788 : vector<16xi32>
      %jit3A_790 = arith.constant 0.000000e+00 : f32
      %broadcast_in_dim3A_791 = vector.broadcast %jit3A_790 : f32 to vector<16xf32>
      %select_n3A_792 = arith.select %eq3A_789, %get3A_590, %broadcast_in_dim3A_791 : vector<16xi1>, vector<16xf32>
      %add3A_793 = arith.addf %scan3A_559, %select_n3A_792 : vector<16xf32>
      %jit3A_794 = arith.constant 0.000000e+00 : f32
      %broadcast_in_dim3A_795 = vector.broadcast %jit3A_794 : f32 to vector<16xf32>
      %select_n3A_796 = arith.select %eq3A_789, %broadcast_in_dim3A_0, %broadcast_in_dim3A_795 : vector<16xi1>, vector<16xf32>
      %add3A_797 = arith.addf %scan3A_580, %select_n3A_796 : vector<16xf32>
      %eq3A_798 = arith.constant 19 : i32
      %eq3A_799 = vector.broadcast %eq3A_798 : i32 to vector<16xi32>
      %eq3A_800 = arith.cmpi eq, %get3A_586, %eq3A_799 : vector<16xi32>
      %jit3A_801 = arith.constant 0.000000e+00 : f32
      %broadcast_in_dim3A_802 = vector.broadcast %jit3A_801 : f32 to vector<16xf32>
      %select_n3A_803 = arith.select %eq3A_800, %get3A_590, %broadcast_in_dim3A_802 : vector<16xi1>, vector<16xf32>
      %add3A_804 = arith.addf %scan3A_560, %select_n3A_803 : vector<16xf32>
      %jit3A_805 = arith.constant 0.000000e+00 : f32
      %broadcast_in_dim3A_806 = vector.broadcast %jit3A_805 : f32 to vector<16xf32>
      %select_n3A_807 = arith.select %eq3A_800, %broadcast_in_dim3A_0, %broadcast_in_dim3A_806 : vector<16xi1>, vector<16xf32>
      %add3A_808 = arith.addf %scan3A_581, %select_n3A_807 : vector<16xf32>
      %eq3A_809 = arith.constant 20 : i32
      %eq3A_810 = vector.broadcast %eq3A_809 : i32 to vector<16xi32>
      %eq3A_811 = arith.cmpi eq, %get3A_586, %eq3A_810 : vector<16xi32>
      %jit3A_812 = arith.constant 0.000000e+00 : f32
      %broadcast_in_dim3A_813 = vector.broadcast %jit3A_812 : f32 to vector<16xf32>
      %select_n3A_814 = arith.select %eq3A_811, %get3A_590, %broadcast_in_dim3A_813 : vector<16xi1>, vector<16xf32>
      %add3A_815 = arith.addf %scan3A_561, %select_n3A_814 : vector<16xf32>
      %jit3A_816 = arith.constant 0.000000e+00 : f32
      %broadcast_in_dim3A_817 = vector.broadcast %jit3A_816 : f32 to vector<16xf32>
      %select_n3A_818 = arith.select %eq3A_811, %broadcast_in_dim3A_0, %broadcast_in_dim3A_817 : vector<16xi1>, vector<16xf32>
      %add3A_819 = arith.addf %scan3A_582, %select_n3A_818 : vector<16xf32>
      scf.yield %add3A_595, %add3A_606, %add3A_617, %add3A_628, %add3A_639, %add3A_650, %add3A_661, %add3A_672, %add3A_683, %add3A_694, %add3A_705, %add3A_716, %add3A_727, %add3A_738, %add3A_749, %add3A_760, %add3A_771, %add3A_782, %add3A_793, %add3A_804, %add3A_815, %add3A_599, %add3A_610, %add3A_621, %add3A_632, %add3A_643, %add3A_654, %add3A_665, %add3A_676, %add3A_687, %add3A_698, %add3A_709, %add3A_720, %add3A_731, %add3A_742, %add3A_753, %add3A_764, %add3A_775, %add3A_786, %add3A_797, %add3A_808, %add3A_819 : vector<16xf32>, vector<16xf32>, vector<16xf32>, vector<16xf32>, vector<16xf32>, vector<16xf32>, vector<16xf32>, vector<16xf32>, vector<16xf32>, vector<16xf32>, vector<16xf32>, vector<16xf32>, vector<16xf32>, vector<16xf32>, vector<16xf32>, vector<16xf32>, vector<16xf32>, vector<16xf32>, vector<16xf32>, vector<16xf32>, vector<16xf32>, vector<16xf32>, vector<16xf32>, vector<16xf32>, vector<16xf32>, vector<16xf32>, vector<16xf32>, vector<16xf32>, vector<16xf32>, vector<16xf32>, vector<16xf32>, vector<16xf32>, vector<16xf32>, vector<16xf32>, vector<16xf32>, vector<16xf32>, vector<16xf32>, vector<16xf32>, vector<16xf32>, vector<16xf32>, vector<16xf32>, vector<16xf32>
    }
    %scan3A_98 = arith.constant 16 : i32
    %broadcast_in_dim3A_99 = arith.constant 0.000000e+00 : f32
    %broadcast_in_dim3A_100 = vector.broadcast %broadcast_in_dim3A_99 : f32 to vector<16xf32>
    %swap3A = arith.constant 0 : index
    %swap3A_101 = tpu.vector_load %arg9[%swap3A] {strides = array<i32>} : memref<1024xf32, #tpu.memory_space<vmem>>, vector<16xf32>,
    tpu.vector_store %arg9[%swap3A], %broadcast_in_dim3A_100 {strides = array<i32>} : memref<1024xf32, #tpu.memory_space<vmem>>, vector<16xf32>,
    %swap3A_102 = arith.constant 16 : index
    %swap3A_103 = tpu.vector_load %arg9[%swap3A_102] {strides = array<i32>} : memref<1024xf32, #tpu.memory_space<vmem>>, vector<16xf32>,
    tpu.vector_store %arg9[%swap3A_102], %broadcast_in_dim3A_100 {strides = array<i32>} : memref<1024xf32, #tpu.memory_space<vmem>>, vector<16xf32>,
    %swap3A_104 = arith.constant 32 : index
    %swap3A_105 = tpu.vector_load %arg9[%swap3A_104] {strides = array<i32>} : memref<1024xf32, #tpu.memory_space<vmem>>, vector<16xf32>,
    tpu.vector_store %arg9[%swap3A_104], %broadcast_in_dim3A_100 {strides = array<i32>} : memref<1024xf32, #tpu.memory_space<vmem>>, vector<16xf32>,
    %swap3A_106 = arith.constant 48 : index
    %swap3A_107 = tpu.vector_load %arg9[%swap3A_106] {strides = array<i32>} : memref<1024xf32, #tpu.memory_space<vmem>>, vector<16xf32>,
    tpu.vector_store %arg9[%swap3A_106], %broadcast_in_dim3A_100 {strides = array<i32>} : memref<1024xf32, #tpu.memory_space<vmem>>, vector<16xf32>,
    %swap3A_108 = arith.constant 64 : index
    %swap3A_109 = tpu.vector_load %arg9[%swap3A_108] {strides = array<i32>} : memref<1024xf32, #tpu.memory_space<vmem>>, vector<16xf32>,
    tpu.vector_store %arg9[%swap3A_108], %broadcast_in_dim3A_100 {strides = array<i32>} : memref<1024xf32, #tpu.memory_space<vmem>>, vector<16xf32>,
    %swap3A_110 = arith.constant 80 : index
    %swap3A_111 = tpu.vector_load %arg9[%swap3A_110] {strides = array<i32>} : memref<1024xf32, #tpu.memory_space<vmem>>, vector<16xf32>,
    tpu.vector_store %arg9[%swap3A_110], %broadcast_in_dim3A_100 {strides = array<i32>} : memref<1024xf32, #tpu.memory_space<vmem>>, vector<16xf32>,
    %swap3A_112 = arith.constant 96 : index
    %swap3A_113 = tpu.vector_load %arg9[%swap3A_112] {strides = array<i32>} : memref<1024xf32, #tpu.memory_space<vmem>>, vector<16xf32>,
    tpu.vector_store %arg9[%swap3A_112], %broadcast_in_dim3A_100 {strides = array<i32>} : memref<1024xf32, #tpu.memory_space<vmem>>, vector<16xf32>,
    %swap3A_114 = arith.constant 112 : index
    %swap3A_115 = tpu.vector_load %arg9[%swap3A_114] {strides = array<i32>} : memref<1024xf32, #tpu.memory_space<vmem>>, vector<16xf32>,
    tpu.vector_store %arg9[%swap3A_114], %broadcast_in_dim3A_100 {strides = array<i32>} : memref<1024xf32, #tpu.memory_space<vmem>>, vector<16xf32>,
    %swap3A_116 = arith.constant 128 : index
    %swap3A_117 = tpu.vector_load %arg9[%swap3A_116] {strides = array<i32>} : memref<1024xf32, #tpu.memory_space<vmem>>, vector<16xf32>,
    tpu.vector_store %arg9[%swap3A_116], %broadcast_in_dim3A_100 {strides = array<i32>} : memref<1024xf32, #tpu.memory_space<vmem>>, vector<16xf32>,
    %swap3A_118 = arith.constant 144 : index
    %swap3A_119 = tpu.vector_load %arg9[%swap3A_118] {strides = array<i32>} : memref<1024xf32, #tpu.memory_space<vmem>>, vector<16xf32>,
    tpu.vector_store %arg9[%swap3A_118], %broadcast_in_dim3A_100 {strides = array<i32>} : memref<1024xf32, #tpu.memory_space<vmem>>, vector<16xf32>,
    %swap3A_120 = arith.constant 160 : index
    %swap3A_121 = tpu.vector_load %arg9[%swap3A_120] {strides = array<i32>} : memref<1024xf32, #tpu.memory_space<vmem>>, vector<16xf32>,
    tpu.vector_store %arg9[%swap3A_120], %broadcast_in_dim3A_100 {strides = array<i32>} : memref<1024xf32, #tpu.memory_space<vmem>>, vector<16xf32>,
    %swap3A_122 = arith.constant 176 : index
    %swap3A_123 = tpu.vector_load %arg9[%swap3A_122] {strides = array<i32>} : memref<1024xf32, #tpu.memory_space<vmem>>, vector<16xf32>,
    tpu.vector_store %arg9[%swap3A_122], %broadcast_in_dim3A_100 {strides = array<i32>} : memref<1024xf32, #tpu.memory_space<vmem>>, vector<16xf32>,
    %swap3A_124 = arith.constant 192 : index
    %swap3A_125 = tpu.vector_load %arg9[%swap3A_124] {strides = array<i32>} : memref<1024xf32, #tpu.memory_space<vmem>>, vector<16xf32>,
    tpu.vector_store %arg9[%swap3A_124], %broadcast_in_dim3A_100 {strides = array<i32>} : memref<1024xf32, #tpu.memory_space<vmem>>, vector<16xf32>,
    %swap3A_126 = arith.constant 208 : index
    %swap3A_127 = tpu.vector_load %arg9[%swap3A_126] {strides = array<i32>} : memref<1024xf32, #tpu.memory_space<vmem>>, vector<16xf32>,
    tpu.vector_store %arg9[%swap3A_126], %broadcast_in_dim3A_100 {strides = array<i32>} : memref<1024xf32, #tpu.memory_space<vmem>>, vector<16xf32>,
    %swap3A_128 = arith.constant 224 : index
    %swap3A_129 = tpu.vector_load %arg9[%swap3A_128] {strides = array<i32>} : memref<1024xf32, #tpu.memory_space<vmem>>, vector<16xf32>,
    tpu.vector_store %arg9[%swap3A_128], %broadcast_in_dim3A_100 {strides = array<i32>} : memref<1024xf32, #tpu.memory_space<vmem>>, vector<16xf32>,
    %swap3A_130 = arith.constant 240 : index
    %swap3A_131 = tpu.vector_load %arg9[%swap3A_130] {strides = array<i32>} : memref<1024xf32, #tpu.memory_space<vmem>>, vector<16xf32>,
    tpu.vector_store %arg9[%swap3A_130], %broadcast_in_dim3A_100 {strides = array<i32>} : memref<1024xf32, #tpu.memory_space<vmem>>, vector<16xf32>,
    %swap3A_132 = arith.constant 256 : index
    %swap3A_133 = tpu.vector_load %arg9[%swap3A_132] {strides = array<i32>} : memref<1024xf32, #tpu.memory_space<vmem>>, vector<16xf32>,
    tpu.vector_store %arg9[%swap3A_132], %broadcast_in_dim3A_100 {strides = array<i32>} : memref<1024xf32, #tpu.memory_space<vmem>>, vector<16xf32>,
    %swap3A_134 = arith.constant 272 : index
    %swap3A_135 = tpu.vector_load %arg9[%swap3A_134] {strides = array<i32>} : memref<1024xf32, #tpu.memory_space<vmem>>, vector<16xf32>,
    tpu.vector_store %arg9[%swap3A_134], %broadcast_in_dim3A_100 {strides = array<i32>} : memref<1024xf32, #tpu.memory_space<vmem>>, vector<16xf32>,
    %swap3A_136 = arith.constant 288 : index
    %swap3A_137 = tpu.vector_load %arg9[%swap3A_136] {strides = array<i32>} : memref<1024xf32, #tpu.memory_space<vmem>>, vector<16xf32>,
    tpu.vector_store %arg9[%swap3A_136], %broadcast_in_dim3A_100 {strides = array<i32>} : memref<1024xf32, #tpu.memory_space<vmem>>, vector<16xf32>,
    %swap3A_138 = arith.constant 304 : index
    %swap3A_139 = tpu.vector_load %arg9[%swap3A_138] {strides = array<i32>} : memref<1024xf32, #tpu.memory_space<vmem>>, vector<16xf32>,
    tpu.vector_store %arg9[%swap3A_138], %broadcast_in_dim3A_100 {strides = array<i32>} : memref<1024xf32, #tpu.memory_space<vmem>>, vector<16xf32>,
    %swap3A_140 = arith.constant 320 : index
    %swap3A_141 = tpu.vector_load %arg9[%swap3A_140] {strides = array<i32>} : memref<1024xf32, #tpu.memory_space<vmem>>, vector<16xf32>,
    tpu.vector_store %arg9[%swap3A_140], %broadcast_in_dim3A_100 {strides = array<i32>} : memref<1024xf32, #tpu.memory_space<vmem>>, vector<16xf32>,
    %swap3A_142 = arith.constant 336 : index
    %swap3A_143 = tpu.vector_load %arg9[%swap3A_142] {strides = array<i32>} : memref<1024xf32, #tpu.memory_space<vmem>>, vector<16xf32>,
    tpu.vector_store %arg9[%swap3A_142], %broadcast_in_dim3A_100 {strides = array<i32>} : memref<1024xf32, #tpu.memory_space<vmem>>, vector<16xf32>,
    %swap3A_144 = arith.constant 352 : index
    %swap3A_145 = tpu.vector_load %arg9[%swap3A_144] {strides = array<i32>} : memref<1024xf32, #tpu.memory_space<vmem>>, vector<16xf32>,
    tpu.vector_store %arg9[%swap3A_144], %broadcast_in_dim3A_100 {strides = array<i32>} : memref<1024xf32, #tpu.memory_space<vmem>>, vector<16xf32>,
    %swap3A_146 = arith.constant 368 : index
    %swap3A_147 = tpu.vector_load %arg9[%swap3A_146] {strides = array<i32>} : memref<1024xf32, #tpu.memory_space<vmem>>, vector<16xf32>,
    tpu.vector_store %arg9[%swap3A_146], %broadcast_in_dim3A_100 {strides = array<i32>} : memref<1024xf32, #tpu.memory_space<vmem>>, vector<16xf32>,
    %swap3A_148 = arith.constant 384 : index
    %swap3A_149 = tpu.vector_load %arg9[%swap3A_148] {strides = array<i32>} : memref<1024xf32, #tpu.memory_space<vmem>>, vector<16xf32>,
    tpu.vector_store %arg9[%swap3A_148], %broadcast_in_dim3A_100 {strides = array<i32>} : memref<1024xf32, #tpu.memory_space<vmem>>, vector<16xf32>,
    %swap3A_150 = arith.constant 400 : index
    %swap3A_151 = tpu.vector_load %arg9[%swap3A_150] {strides = array<i32>} : memref<1024xf32, #tpu.memory_space<vmem>>, vector<16xf32>,
    tpu.vector_store %arg9[%swap3A_150], %broadcast_in_dim3A_100 {strides = array<i32>} : memref<1024xf32, #tpu.memory_space<vmem>>, vector<16xf32>,
    %swap3A_152 = arith.constant 416 : index
    %swap3A_153 = tpu.vector_load %arg9[%swap3A_152] {strides = array<i32>} : memref<1024xf32, #tpu.memory_space<vmem>>, vector<16xf32>,
    tpu.vector_store %arg9[%swap3A_152], %broadcast_in_dim3A_100 {strides = array<i32>} : memref<1024xf32, #tpu.memory_space<vmem>>, vector<16xf32>,
    %swap3A_154 = arith.constant 432 : index
    %swap3A_155 = tpu.vector_load %arg9[%swap3A_154] {strides = array<i32>} : memref<1024xf32, #tpu.memory_space<vmem>>, vector<16xf32>,
    tpu.vector_store %arg9[%swap3A_154], %broadcast_in_dim3A_100 {strides = array<i32>} : memref<1024xf32, #tpu.memory_space<vmem>>, vector<16xf32>,
    %swap3A_156 = arith.constant 448 : index
    %swap3A_157 = tpu.vector_load %arg9[%swap3A_156] {strides = array<i32>} : memref<1024xf32, #tpu.memory_space<vmem>>, vector<16xf32>,
    tpu.vector_store %arg9[%swap3A_156], %broadcast_in_dim3A_100 {strides = array<i32>} : memref<1024xf32, #tpu.memory_space<vmem>>, vector<16xf32>,
    %swap3A_158 = arith.constant 464 : index
    %swap3A_159 = tpu.vector_load %arg9[%swap3A_158] {strides = array<i32>} : memref<1024xf32, #tpu.memory_space<vmem>>, vector<16xf32>,
    tpu.vector_store %arg9[%swap3A_158], %broadcast_in_dim3A_100 {strides = array<i32>} : memref<1024xf32, #tpu.memory_space<vmem>>, vector<16xf32>,
    %swap3A_160 = arith.constant 480 : index
    %swap3A_161 = tpu.vector_load %arg9[%swap3A_160] {strides = array<i32>} : memref<1024xf32, #tpu.memory_space<vmem>>, vector<16xf32>,
    tpu.vector_store %arg9[%swap3A_160], %broadcast_in_dim3A_100 {strides = array<i32>} : memref<1024xf32, #tpu.memory_space<vmem>>, vector<16xf32>,
    %swap3A_162 = arith.constant 496 : index
    %swap3A_163 = tpu.vector_load %arg9[%swap3A_162] {strides = array<i32>} : memref<1024xf32, #tpu.memory_space<vmem>>, vector<16xf32>,
    tpu.vector_store %arg9[%swap3A_162], %broadcast_in_dim3A_100 {strides = array<i32>} : memref<1024xf32, #tpu.memory_space<vmem>>, vector<16xf32>,
    %swap3A_164 = arith.constant 512 : index
    %swap3A_165 = tpu.vector_load %arg9[%swap3A_164] {strides = array<i32>} : memref<1024xf32, #tpu.memory_space<vmem>>, vector<16xf32>,
    tpu.vector_store %arg9[%swap3A_164], %broadcast_in_dim3A_100 {strides = array<i32>} : memref<1024xf32, #tpu.memory_space<vmem>>, vector<16xf32>,
    %swap3A_166 = arith.constant 528 : index
    %swap3A_167 = tpu.vector_load %arg9[%swap3A_166] {strides = array<i32>} : memref<1024xf32, #tpu.memory_space<vmem>>, vector<16xf32>,
    tpu.vector_store %arg9[%swap3A_166], %broadcast_in_dim3A_100 {strides = array<i32>} : memref<1024xf32, #tpu.memory_space<vmem>>, vector<16xf32>,
    %swap3A_168 = arith.constant 544 : index
    %swap3A_169 = tpu.vector_load %arg9[%swap3A_168] {strides = array<i32>} : memref<1024xf32, #tpu.memory_space<vmem>>, vector<16xf32>,
    tpu.vector_store %arg9[%swap3A_168], %broadcast_in_dim3A_100 {strides = array<i32>} : memref<1024xf32, #tpu.memory_space<vmem>>, vector<16xf32>,
    %swap3A_170 = arith.constant 560 : index
    %swap3A_171 = tpu.vector_load %arg9[%swap3A_170] {strides = array<i32>} : memref<1024xf32, #tpu.memory_space<vmem>>, vector<16xf32>,
    tpu.vector_store %arg9[%swap3A_170], %broadcast_in_dim3A_100 {strides = array<i32>} : memref<1024xf32, #tpu.memory_space<vmem>>, vector<16xf32>,
    %swap3A_172 = arith.constant 576 : index
    %swap3A_173 = tpu.vector_load %arg9[%swap3A_172] {strides = array<i32>} : memref<1024xf32, #tpu.memory_space<vmem>>, vector<16xf32>,
    tpu.vector_store %arg9[%swap3A_172], %broadcast_in_dim3A_100 {strides = array<i32>} : memref<1024xf32, #tpu.memory_space<vmem>>, vector<16xf32>,
    %swap3A_174 = arith.constant 592 : index
    %swap3A_175 = tpu.vector_load %arg9[%swap3A_174] {strides = array<i32>} : memref<1024xf32, #tpu.memory_space<vmem>>, vector<16xf32>,
    tpu.vector_store %arg9[%swap3A_174], %broadcast_in_dim3A_100 {strides = array<i32>} : memref<1024xf32, #tpu.memory_space<vmem>>, vector<16xf32>,
    %swap3A_176 = arith.constant 608 : index
    %swap3A_177 = tpu.vector_load %arg9[%swap3A_176] {strides = array<i32>} : memref<1024xf32, #tpu.memory_space<vmem>>, vector<16xf32>,
    tpu.vector_store %arg9[%swap3A_176], %broadcast_in_dim3A_100 {strides = array<i32>} : memref<1024xf32, #tpu.memory_space<vmem>>, vector<16xf32>,
    %swap3A_178 = arith.constant 624 : index
    %swap3A_179 = tpu.vector_load %arg9[%swap3A_178] {strides = array<i32>} : memref<1024xf32, #tpu.memory_space<vmem>>, vector<16xf32>,
    tpu.vector_store %arg9[%swap3A_178], %broadcast_in_dim3A_100 {strides = array<i32>} : memref<1024xf32, #tpu.memory_space<vmem>>, vector<16xf32>,
    %swap3A_180 = arith.constant 640 : index
    %swap3A_181 = tpu.vector_load %arg9[%swap3A_180] {strides = array<i32>} : memref<1024xf32, #tpu.memory_space<vmem>>, vector<16xf32>,
    tpu.vector_store %arg9[%swap3A_180], %broadcast_in_dim3A_100 {strides = array<i32>} : memref<1024xf32, #tpu.memory_space<vmem>>, vector<16xf32>,
    %swap3A_182 = arith.constant 656 : index
    %swap3A_183 = tpu.vector_load %arg9[%swap3A_182] {strides = array<i32>} : memref<1024xf32, #tpu.memory_space<vmem>>, vector<16xf32>,
    tpu.vector_store %arg9[%swap3A_182], %broadcast_in_dim3A_100 {strides = array<i32>} : memref<1024xf32, #tpu.memory_space<vmem>>, vector<16xf32>,
    %swap3A_184 = arith.constant 672 : index
    %swap3A_185 = tpu.vector_load %arg9[%swap3A_184] {strides = array<i32>} : memref<1024xf32, #tpu.memory_space<vmem>>, vector<16xf32>,
    tpu.vector_store %arg9[%swap3A_184], %broadcast_in_dim3A_100 {strides = array<i32>} : memref<1024xf32, #tpu.memory_space<vmem>>, vector<16xf32>,
    %swap3A_186 = arith.constant 688 : index
    %swap3A_187 = tpu.vector_load %arg9[%swap3A_186] {strides = array<i32>} : memref<1024xf32, #tpu.memory_space<vmem>>, vector<16xf32>,
    tpu.vector_store %arg9[%swap3A_186], %broadcast_in_dim3A_100 {strides = array<i32>} : memref<1024xf32, #tpu.memory_space<vmem>>, vector<16xf32>,
    %swap3A_188 = arith.constant 704 : index
    %swap3A_189 = tpu.vector_load %arg9[%swap3A_188] {strides = array<i32>} : memref<1024xf32, #tpu.memory_space<vmem>>, vector<16xf32>,
    tpu.vector_store %arg9[%swap3A_188], %broadcast_in_dim3A_100 {strides = array<i32>} : memref<1024xf32, #tpu.memory_space<vmem>>, vector<16xf32>,
    %swap3A_190 = arith.constant 720 : index
    %swap3A_191 = tpu.vector_load %arg9[%swap3A_190] {strides = array<i32>} : memref<1024xf32, #tpu.memory_space<vmem>>, vector<16xf32>,
    tpu.vector_store %arg9[%swap3A_190], %broadcast_in_dim3A_100 {strides = array<i32>} : memref<1024xf32, #tpu.memory_space<vmem>>, vector<16xf32>,
    %swap3A_192 = arith.constant 736 : index
    %swap3A_193 = tpu.vector_load %arg9[%swap3A_192] {strides = array<i32>} : memref<1024xf32, #tpu.memory_space<vmem>>, vector<16xf32>,
    tpu.vector_store %arg9[%swap3A_192], %broadcast_in_dim3A_100 {strides = array<i32>} : memref<1024xf32, #tpu.memory_space<vmem>>, vector<16xf32>,
    %swap3A_194 = arith.constant 752 : index
    %swap3A_195 = tpu.vector_load %arg9[%swap3A_194] {strides = array<i32>} : memref<1024xf32, #tpu.memory_space<vmem>>, vector<16xf32>,
    tpu.vector_store %arg9[%swap3A_194], %broadcast_in_dim3A_100 {strides = array<i32>} : memref<1024xf32, #tpu.memory_space<vmem>>, vector<16xf32>,
    %swap3A_196 = arith.constant 768 : index
    %swap3A_197 = tpu.vector_load %arg9[%swap3A_196] {strides = array<i32>} : memref<1024xf32, #tpu.memory_space<vmem>>, vector<16xf32>,
    tpu.vector_store %arg9[%swap3A_196], %broadcast_in_dim3A_100 {strides = array<i32>} : memref<1024xf32, #tpu.memory_space<vmem>>, vector<16xf32>,
    %swap3A_198 = arith.constant 784 : index
    %swap3A_199 = tpu.vector_load %arg9[%swap3A_198] {strides = array<i32>} : memref<1024xf32, #tpu.memory_space<vmem>>, vector<16xf32>,
    tpu.vector_store %arg9[%swap3A_198], %broadcast_in_dim3A_100 {strides = array<i32>} : memref<1024xf32, #tpu.memory_space<vmem>>, vector<16xf32>,
    %swap3A_200 = arith.constant 800 : index
    %swap3A_201 = tpu.vector_load %arg9[%swap3A_200] {strides = array<i32>} : memref<1024xf32, #tpu.memory_space<vmem>>, vector<16xf32>,
    tpu.vector_store %arg9[%swap3A_200], %broadcast_in_dim3A_100 {strides = array<i32>} : memref<1024xf32, #tpu.memory_space<vmem>>, vector<16xf32>,
    %swap3A_202 = arith.constant 816 : index
    %swap3A_203 = tpu.vector_load %arg9[%swap3A_202] {strides = array<i32>} : memref<1024xf32, #tpu.memory_space<vmem>>, vector<16xf32>,
    tpu.vector_store %arg9[%swap3A_202], %broadcast_in_dim3A_100 {strides = array<i32>} : memref<1024xf32, #tpu.memory_space<vmem>>, vector<16xf32>,
    %swap3A_204 = arith.constant 832 : index
    %swap3A_205 = tpu.vector_load %arg9[%swap3A_204] {strides = array<i32>} : memref<1024xf32, #tpu.memory_space<vmem>>, vector<16xf32>,
    tpu.vector_store %arg9[%swap3A_204], %broadcast_in_dim3A_100 {strides = array<i32>} : memref<1024xf32, #tpu.memory_space<vmem>>, vector<16xf32>,
    %swap3A_206 = arith.constant 848 : index
    %swap3A_207 = tpu.vector_load %arg9[%swap3A_206] {strides = array<i32>} : memref<1024xf32, #tpu.memory_space<vmem>>, vector<16xf32>,
    tpu.vector_store %arg9[%swap3A_206], %broadcast_in_dim3A_100 {strides = array<i32>} : memref<1024xf32, #tpu.memory_space<vmem>>, vector<16xf32>,
    %swap3A_208 = arith.constant 864 : index
    %swap3A_209 = tpu.vector_load %arg9[%swap3A_208] {strides = array<i32>} : memref<1024xf32, #tpu.memory_space<vmem>>, vector<16xf32>,
    tpu.vector_store %arg9[%swap3A_208], %broadcast_in_dim3A_100 {strides = array<i32>} : memref<1024xf32, #tpu.memory_space<vmem>>, vector<16xf32>,
    %swap3A_210 = arith.constant 880 : index
    %swap3A_211 = tpu.vector_load %arg9[%swap3A_210] {strides = array<i32>} : memref<1024xf32, #tpu.memory_space<vmem>>, vector<16xf32>,
    tpu.vector_store %arg9[%swap3A_210], %broadcast_in_dim3A_100 {strides = array<i32>} : memref<1024xf32, #tpu.memory_space<vmem>>, vector<16xf32>,
    %swap3A_212 = arith.constant 896 : index
    %swap3A_213 = tpu.vector_load %arg9[%swap3A_212] {strides = array<i32>} : memref<1024xf32, #tpu.memory_space<vmem>>, vector<16xf32>,
    tpu.vector_store %arg9[%swap3A_212], %broadcast_in_dim3A_100 {strides = array<i32>} : memref<1024xf32, #tpu.memory_space<vmem>>, vector<16xf32>,
    %swap3A_214 = arith.constant 912 : index
    %swap3A_215 = tpu.vector_load %arg9[%swap3A_214] {strides = array<i32>} : memref<1024xf32, #tpu.memory_space<vmem>>, vector<16xf32>,
    tpu.vector_store %arg9[%swap3A_214], %broadcast_in_dim3A_100 {strides = array<i32>} : memref<1024xf32, #tpu.memory_space<vmem>>, vector<16xf32>,
    %swap3A_216 = arith.constant 928 : index
    %swap3A_217 = tpu.vector_load %arg9[%swap3A_216] {strides = array<i32>} : memref<1024xf32, #tpu.memory_space<vmem>>, vector<16xf32>,
    tpu.vector_store %arg9[%swap3A_216], %broadcast_in_dim3A_100 {strides = array<i32>} : memref<1024xf32, #tpu.memory_space<vmem>>, vector<16xf32>,
    %swap3A_218 = arith.constant 944 : index
    %swap3A_219 = tpu.vector_load %arg9[%swap3A_218] {strides = array<i32>} : memref<1024xf32, #tpu.memory_space<vmem>>, vector<16xf32>,
    tpu.vector_store %arg9[%swap3A_218], %broadcast_in_dim3A_100 {strides = array<i32>} : memref<1024xf32, #tpu.memory_space<vmem>>, vector<16xf32>,
    %swap3A_220 = arith.constant 960 : index
    %swap3A_221 = tpu.vector_load %arg9[%swap3A_220] {strides = array<i32>} : memref<1024xf32, #tpu.memory_space<vmem>>, vector<16xf32>,
    tpu.vector_store %arg9[%swap3A_220], %broadcast_in_dim3A_100 {strides = array<i32>} : memref<1024xf32, #tpu.memory_space<vmem>>, vector<16xf32>,
    %swap3A_222 = arith.constant 976 : index
    %swap3A_223 = tpu.vector_load %arg9[%swap3A_222] {strides = array<i32>} : memref<1024xf32, #tpu.memory_space<vmem>>, vector<16xf32>,
    tpu.vector_store %arg9[%swap3A_222], %broadcast_in_dim3A_100 {strides = array<i32>} : memref<1024xf32, #tpu.memory_space<vmem>>, vector<16xf32>,
    %swap3A_224 = arith.constant 992 : index
    %swap3A_225 = tpu.vector_load %arg9[%swap3A_224] {strides = array<i32>} : memref<1024xf32, #tpu.memory_space<vmem>>, vector<16xf32>,
    tpu.vector_store %arg9[%swap3A_224], %broadcast_in_dim3A_100 {strides = array<i32>} : memref<1024xf32, #tpu.memory_space<vmem>>, vector<16xf32>,
    %swap3A_226 = arith.constant 1008 : index
    %swap3A_227 = tpu.vector_load %arg9[%swap3A_226] {strides = array<i32>} : memref<1024xf32, #tpu.memory_space<vmem>>, vector<16xf32>,
    tpu.vector_store %arg9[%swap3A_226], %broadcast_in_dim3A_100 {strides = array<i32>} : memref<1024xf32, #tpu.memory_space<vmem>>, vector<16xf32>,
    %swap3A_228 = arith.constant 0 : index
    %swap3A_229 = tpu.vector_load %arg9[%swap3A_228] {strides = array<i32>} : memref<1024xf32, #tpu.memory_space<vmem>>, vector<16xf32>,
    tpu.vector_store %arg9[%swap3A_228], %scan3A_97#0 {strides = array<i32>} : memref<1024xf32, #tpu.memory_space<vmem>>, vector<16xf32>,
    %swap3A_230 = arith.constant 512 : index
    %swap3A_231 = tpu.vector_load %arg9[%swap3A_230] {strides = array<i32>} : memref<1024xf32, #tpu.memory_space<vmem>>, vector<16xf32>,
    tpu.vector_store %arg9[%swap3A_230], %scan3A_97#21 {strides = array<i32>} : memref<1024xf32, #tpu.memory_space<vmem>>, vector<16xf32>,
    %swap3A_232 = arith.constant 16 : index
    %swap3A_233 = tpu.vector_load %arg9[%swap3A_232] {strides = array<i32>} : memref<1024xf32, #tpu.memory_space<vmem>>, vector<16xf32>,
    tpu.vector_store %arg9[%swap3A_232], %scan3A_97#1 {strides = array<i32>} : memref<1024xf32, #tpu.memory_space<vmem>>, vector<16xf32>,
    %swap3A_234 = arith.constant 528 : index
    %swap3A_235 = tpu.vector_load %arg9[%swap3A_234] {strides = array<i32>} : memref<1024xf32, #tpu.memory_space<vmem>>, vector<16xf32>,
    tpu.vector_store %arg9[%swap3A_234], %scan3A_97#22 {strides = array<i32>} : memref<1024xf32, #tpu.memory_space<vmem>>, vector<16xf32>,
    %swap3A_236 = arith.constant 32 : index
    %swap3A_237 = tpu.vector_load %arg9[%swap3A_236] {strides = array<i32>} : memref<1024xf32, #tpu.memory_space<vmem>>, vector<16xf32>,
    tpu.vector_store %arg9[%swap3A_236], %scan3A_97#2 {strides = array<i32>} : memref<1024xf32, #tpu.memory_space<vmem>>, vector<16xf32>,
    %swap3A_238 = arith.constant 544 : index
    %swap3A_239 = tpu.vector_load %arg9[%swap3A_238] {strides = array<i32>} : memref<1024xf32, #tpu.memory_space<vmem>>, vector<16xf32>,
    tpu.vector_store %arg9[%swap3A_238], %scan3A_97#23 {strides = array<i32>} : memref<1024xf32, #tpu.memory_space<vmem>>, vector<16xf32>,
    %swap3A_240 = arith.constant 48 : index
    %swap3A_241 = tpu.vector_load %arg9[%swap3A_240] {strides = array<i32>} : memref<1024xf32, #tpu.memory_space<vmem>>, vector<16xf32>,
    tpu.vector_store %arg9[%swap3A_240], %scan3A_97#3 {strides = array<i32>} : memref<1024xf32, #tpu.memory_space<vmem>>, vector<16xf32>,
    %swap3A_242 = arith.constant 560 : index
    %swap3A_243 = tpu.vector_load %arg9[%swap3A_242] {strides = array<i32>} : memref<1024xf32, #tpu.memory_space<vmem>>, vector<16xf32>,
    tpu.vector_store %arg9[%swap3A_242], %scan3A_97#24 {strides = array<i32>} : memref<1024xf32, #tpu.memory_space<vmem>>, vector<16xf32>,
    %swap3A_244 = arith.constant 64 : index
    %swap3A_245 = tpu.vector_load %arg9[%swap3A_244] {strides = array<i32>} : memref<1024xf32, #tpu.memory_space<vmem>>, vector<16xf32>,
    tpu.vector_store %arg9[%swap3A_244], %scan3A_97#4 {strides = array<i32>} : memref<1024xf32, #tpu.memory_space<vmem>>, vector<16xf32>,
    %swap3A_246 = arith.constant 576 : index
    %swap3A_247 = tpu.vector_load %arg9[%swap3A_246] {strides = array<i32>} : memref<1024xf32, #tpu.memory_space<vmem>>, vector<16xf32>,
    tpu.vector_store %arg9[%swap3A_246], %scan3A_97#25 {strides = array<i32>} : memref<1024xf32, #tpu.memory_space<vmem>>, vector<16xf32>,
    %swap3A_248 = arith.constant 80 : index
    %swap3A_249 = tpu.vector_load %arg9[%swap3A_248] {strides = array<i32>} : memref<1024xf32, #tpu.memory_space<vmem>>, vector<16xf32>,
    tpu.vector_store %arg9[%swap3A_248], %scan3A_97#5 {strides = array<i32>} : memref<1024xf32, #tpu.memory_space<vmem>>, vector<16xf32>,
    %swap3A_250 = arith.constant 592 : index
    %swap3A_251 = tpu.vector_load %arg9[%swap3A_250] {strides = array<i32>} : memref<1024xf32, #tpu.memory_space<vmem>>, vector<16xf32>,
    tpu.vector_store %arg9[%swap3A_250], %scan3A_97#26 {strides = array<i32>} : memref<1024xf32, #tpu.memory_space<vmem>>, vector<16xf32>,
    %swap3A_252 = arith.constant 96 : index
    %swap3A_253 = tpu.vector_load %arg9[%swap3A_252] {strides = array<i32>} : memref<1024xf32, #tpu.memory_space<vmem>>, vector<16xf32>,
    tpu.vector_store %arg9[%swap3A_252], %scan3A_97#6 {strides = array<i32>} : memref<1024xf32, #tpu.memory_space<vmem>>, vector<16xf32>,
    %swap3A_254 = arith.constant 608 : index
    %swap3A_255 = tpu.vector_load %arg9[%swap3A_254] {strides = array<i32>} : memref<1024xf32, #tpu.memory_space<vmem>>, vector<16xf32>,
    tpu.vector_store %arg9[%swap3A_254], %scan3A_97#27 {strides = array<i32>} : memref<1024xf32, #tpu.memory_space<vmem>>, vector<16xf32>,
    %swap3A_256 = arith.constant 112 : index
    %swap3A_257 = tpu.vector_load %arg9[%swap3A_256] {strides = array<i32>} : memref<1024xf32, #tpu.memory_space<vmem>>, vector<16xf32>,
    tpu.vector_store %arg9[%swap3A_256], %scan3A_97#7 {strides = array<i32>} : memref<1024xf32, #tpu.memory_space<vmem>>, vector<16xf32>,
    %swap3A_258 = arith.constant 624 : index
    %swap3A_259 = tpu.vector_load %arg9[%swap3A_258] {strides = array<i32>} : memref<1024xf32, #tpu.memory_space<vmem>>, vector<16xf32>,
    tpu.vector_store %arg9[%swap3A_258], %scan3A_97#28 {strides = array<i32>} : memref<1024xf32, #tpu.memory_space<vmem>>, vector<16xf32>,
    %swap3A_260 = arith.constant 128 : index
    %swap3A_261 = tpu.vector_load %arg9[%swap3A_260] {strides = array<i32>} : memref<1024xf32, #tpu.memory_space<vmem>>, vector<16xf32>,
    tpu.vector_store %arg9[%swap3A_260], %scan3A_97#8 {strides = array<i32>} : memref<1024xf32, #tpu.memory_space<vmem>>, vector<16xf32>,
    %swap3A_262 = arith.constant 640 : index
    %swap3A_263 = tpu.vector_load %arg9[%swap3A_262] {strides = array<i32>} : memref<1024xf32, #tpu.memory_space<vmem>>, vector<16xf32>,
    tpu.vector_store %arg9[%swap3A_262], %scan3A_97#29 {strides = array<i32>} : memref<1024xf32, #tpu.memory_space<vmem>>, vector<16xf32>,
    %swap3A_264 = arith.constant 144 : index
    %swap3A_265 = tpu.vector_load %arg9[%swap3A_264] {strides = array<i32>} : memref<1024xf32, #tpu.memory_space<vmem>>, vector<16xf32>,
    tpu.vector_store %arg9[%swap3A_264], %scan3A_97#9 {strides = array<i32>} : memref<1024xf32, #tpu.memory_space<vmem>>, vector<16xf32>,
    %swap3A_266 = arith.constant 656 : index
    %swap3A_267 = tpu.vector_load %arg9[%swap3A_266] {strides = array<i32>} : memref<1024xf32, #tpu.memory_space<vmem>>, vector<16xf32>,
    tpu.vector_store %arg9[%swap3A_266], %scan3A_97#30 {strides = array<i32>} : memref<1024xf32, #tpu.memory_space<vmem>>, vector<16xf32>,
    %swap3A_268 = arith.constant 160 : index
    %swap3A_269 = tpu.vector_load %arg9[%swap3A_268] {strides = array<i32>} : memref<1024xf32, #tpu.memory_space<vmem>>, vector<16xf32>,
    tpu.vector_store %arg9[%swap3A_268], %scan3A_97#10 {strides = array<i32>} : memref<1024xf32, #tpu.memory_space<vmem>>, vector<16xf32>,
    %swap3A_270 = arith.constant 672 : index
    %swap3A_271 = tpu.vector_load %arg9[%swap3A_270] {strides = array<i32>} : memref<1024xf32, #tpu.memory_space<vmem>>, vector<16xf32>,
    tpu.vector_store %arg9[%swap3A_270], %scan3A_97#31 {strides = array<i32>} : memref<1024xf32, #tpu.memory_space<vmem>>, vector<16xf32>,
    %swap3A_272 = arith.constant 176 : index
    %swap3A_273 = tpu.vector_load %arg9[%swap3A_272] {strides = array<i32>} : memref<1024xf32, #tpu.memory_space<vmem>>, vector<16xf32>,
    tpu.vector_store %arg9[%swap3A_272], %scan3A_97#11 {strides = array<i32>} : memref<1024xf32, #tpu.memory_space<vmem>>, vector<16xf32>,
    %swap3A_274 = arith.constant 688 : index
    %swap3A_275 = tpu.vector_load %arg9[%swap3A_274] {strides = array<i32>} : memref<1024xf32, #tpu.memory_space<vmem>>, vector<16xf32>,
    tpu.vector_store %arg9[%swap3A_274], %scan3A_97#32 {strides = array<i32>} : memref<1024xf32, #tpu.memory_space<vmem>>, vector<16xf32>,
    %swap3A_276 = arith.constant 192 : index
    %swap3A_277 = tpu.vector_load %arg9[%swap3A_276] {strides = array<i32>} : memref<1024xf32, #tpu.memory_space<vmem>>, vector<16xf32>,
    tpu.vector_store %arg9[%swap3A_276], %scan3A_97#12 {strides = array<i32>} : memref<1024xf32, #tpu.memory_space<vmem>>, vector<16xf32>,
    %swap3A_278 = arith.constant 704 : index
    %swap3A_279 = tpu.vector_load %arg9[%swap3A_278] {strides = array<i32>} : memref<1024xf32, #tpu.memory_space<vmem>>, vector<16xf32>,
    tpu.vector_store %arg9[%swap3A_278], %scan3A_97#33 {strides = array<i32>} : memref<1024xf32, #tpu.memory_space<vmem>>, vector<16xf32>,
    %swap3A_280 = arith.constant 208 : index
    %swap3A_281 = tpu.vector_load %arg9[%swap3A_280] {strides = array<i32>} : memref<1024xf32, #tpu.memory_space<vmem>>, vector<16xf32>,
    tpu.vector_store %arg9[%swap3A_280], %scan3A_97#13 {strides = array<i32>} : memref<1024xf32, #tpu.memory_space<vmem>>, vector<16xf32>,
    %swap3A_282 = arith.constant 720 : index
    %swap3A_283 = tpu.vector_load %arg9[%swap3A_282] {strides = array<i32>} : memref<1024xf32, #tpu.memory_space<vmem>>, vector<16xf32>,
    tpu.vector_store %arg9[%swap3A_282], %scan3A_97#34 {strides = array<i32>} : memref<1024xf32, #tpu.memory_space<vmem>>, vector<16xf32>,
    %swap3A_284 = arith.constant 224 : index
    %swap3A_285 = tpu.vector_load %arg9[%swap3A_284] {strides = array<i32>} : memref<1024xf32, #tpu.memory_space<vmem>>, vector<16xf32>,
    tpu.vector_store %arg9[%swap3A_284], %scan3A_97#14 {strides = array<i32>} : memref<1024xf32, #tpu.memory_space<vmem>>, vector<16xf32>,
    %swap3A_286 = arith.constant 736 : index
    %swap3A_287 = tpu.vector_load %arg9[%swap3A_286] {strides = array<i32>} : memref<1024xf32, #tpu.memory_space<vmem>>, vector<16xf32>,
    tpu.vector_store %arg9[%swap3A_286], %scan3A_97#35 {strides = array<i32>} : memref<1024xf32, #tpu.memory_space<vmem>>, vector<16xf32>,
    %swap3A_288 = arith.constant 240 : index
    %swap3A_289 = tpu.vector_load %arg9[%swap3A_288] {strides = array<i32>} : memref<1024xf32, #tpu.memory_space<vmem>>, vector<16xf32>,
    tpu.vector_store %arg9[%swap3A_288], %scan3A_97#15 {strides = array<i32>} : memref<1024xf32, #tpu.memory_space<vmem>>, vector<16xf32>,
    %swap3A_290 = arith.constant 752 : index
    %swap3A_291 = tpu.vector_load %arg9[%swap3A_290] {strides = array<i32>} : memref<1024xf32, #tpu.memory_space<vmem>>, vector<16xf32>,
    tpu.vector_store %arg9[%swap3A_290], %scan3A_97#36 {strides = array<i32>} : memref<1024xf32, #tpu.memory_space<vmem>>, vector<16xf32>,
    %swap3A_292 = arith.constant 256 : index
    %swap3A_293 = tpu.vector_load %arg9[%swap3A_292] {strides = array<i32>} : memref<1024xf32, #tpu.memory_space<vmem>>, vector<16xf32>,
    tpu.vector_store %arg9[%swap3A_292], %scan3A_97#16 {strides = array<i32>} : memref<1024xf32, #tpu.memory_space<vmem>>, vector<16xf32>,
    %swap3A_294 = arith.constant 768 : index
    %swap3A_295 = tpu.vector_load %arg9[%swap3A_294] {strides = array<i32>} : memref<1024xf32, #tpu.memory_space<vmem>>, vector<16xf32>,
    tpu.vector_store %arg9[%swap3A_294], %scan3A_97#37 {strides = array<i32>} : memref<1024xf32, #tpu.memory_space<vmem>>, vector<16xf32>,
    %swap3A_296 = arith.constant 272 : index
    %swap3A_297 = tpu.vector_load %arg9[%swap3A_296] {strides = array<i32>} : memref<1024xf32, #tpu.memory_space<vmem>>, vector<16xf32>,
    tpu.vector_store %arg9[%swap3A_296], %scan3A_97#17 {strides = array<i32>} : memref<1024xf32, #tpu.memory_space<vmem>>, vector<16xf32>,
    %swap3A_298 = arith.constant 784 : index
    %swap3A_299 = tpu.vector_load %arg9[%swap3A_298] {strides = array<i32>} : memref<1024xf32, #tpu.memory_space<vmem>>, vector<16xf32>,
    tpu.vector_store %arg9[%swap3A_298], %scan3A_97#38 {strides = array<i32>} : memref<1024xf32, #tpu.memory_space<vmem>>, vector<16xf32>,
    %swap3A_300 = arith.constant 288 : index
    %swap3A_301 = tpu.vector_load %arg9[%swap3A_300] {strides = array<i32>} : memref<1024xf32, #tpu.memory_space<vmem>>, vector<16xf32>,
    tpu.vector_store %arg9[%swap3A_300], %scan3A_97#18 {strides = array<i32>} : memref<1024xf32, #tpu.memory_space<vmem>>, vector<16xf32>,
    %swap3A_302 = arith.constant 800 : index
    %swap3A_303 = tpu.vector_load %arg9[%swap3A_302] {strides = array<i32>} : memref<1024xf32, #tpu.memory_space<vmem>>, vector<16xf32>,
    tpu.vector_store %arg9[%swap3A_302], %scan3A_97#39 {strides = array<i32>} : memref<1024xf32, #tpu.memory_space<vmem>>, vector<16xf32>,
    %swap3A_304 = arith.constant 304 : index
    %swap3A_305 = tpu.vector_load %arg9[%swap3A_304] {strides = array<i32>} : memref<1024xf32, #tpu.memory_space<vmem>>, vector<16xf32>,
    tpu.vector_store %arg9[%swap3A_304], %scan3A_97#19 {strides = array<i32>} : memref<1024xf32, #tpu.memory_space<vmem>>, vector<16xf32>,
    %swap3A_306 = arith.constant 816 : index
    %swap3A_307 = tpu.vector_load %arg9[%swap3A_306] {strides = array<i32>} : memref<1024xf32, #tpu.memory_space<vmem>>, vector<16xf32>,
    tpu.vector_store %arg9[%swap3A_306], %scan3A_97#40 {strides = array<i32>} : memref<1024xf32, #tpu.memory_space<vmem>>, vector<16xf32>,
    %swap3A_308 = arith.constant 320 : index
    %swap3A_309 = tpu.vector_load %arg9[%swap3A_308] {strides = array<i32>} : memref<1024xf32, #tpu.memory_space<vmem>>, vector<16xf32>,
    tpu.vector_store %arg9[%swap3A_308], %scan3A_97#20 {strides = array<i32>} : memref<1024xf32, #tpu.memory_space<vmem>>, vector<16xf32>,
    %swap3A_310 = arith.constant 832 : index
    %swap3A_311 = tpu.vector_load %arg9[%swap3A_310] {strides = array<i32>} : memref<1024xf32, #tpu.memory_space<vmem>>, vector<16xf32>,
    tpu.vector_store %arg9[%swap3A_310], %scan3A_97#41 {strides = array<i32>} : memref<1024xf32, #tpu.memory_space<vmem>>, vector<16xf32>,
    "tpu.region"() ({
      %run_scoped3A_540 = tpu.sem_alloc : memref<!tpu.dma_semaphore, #tpu.memory_space<semaphore_mem>>
      %dma_start3A_541 = arith.constant 0 : i32
      %dma_start3A_542 = tpu.memref_slice %arg16[%arg1, %dma_start3A_541] : memref<16x1024xf32, #tpu.memory_space<vmem_shared>> -> memref<1x1024xf32, #tpu.memory_space<vmem_shared>>
      %dma_start3A_543 = tpu.memref_squeeze %dma_start3A_542 : memref<1x1024xf32, #tpu.memory_space<vmem_shared>> -> memref<1024xf32, #tpu.memory_space<vmem_shared>>
      %dma_start3A_544 = arith.constant 0 : i32
      %dma_start3A_545 = tpu.memref_slice %arg16[%arg1, %dma_start3A_544] : memref<16x1024xf32, #tpu.memory_space<vmem_shared>> -> memref<1x1024xf32, #tpu.memory_space<vmem_shared>>
      %dma_start3A_546 = tpu.memref_squeeze %dma_start3A_545 : memref<1x1024xf32, #tpu.memory_space<vmem_shared>> -> memref<1024xf32, #tpu.memory_space<vmem_shared>>
      tpu.enqueue_dma source(%arg9 : memref<1024xf32, #tpu.memory_space<vmem>>) target(%dma_start3A_546 : memref<1024xf32, #tpu.memory_space<vmem_shared>>) target_semaphore(%run_scoped3A_540 : memref<!tpu.dma_semaphore, #tpu.memory_space<semaphore_mem>>)
      %dma_wait3A_547 = arith.constant 0 : i32
      %dma_wait3A_548 = tpu.memref_slice %arg16[%arg1, %dma_wait3A_547] : memref<16x1024xf32, #tpu.memory_space<vmem_shared>> -> memref<1x1024xf32, #tpu.memory_space<vmem_shared>>
      %dma_wait3A_549 = tpu.memref_squeeze %dma_wait3A_548 : memref<1x1024xf32, #tpu.memory_space<vmem_shared>> -> memref<1024xf32, #tpu.memory_space<vmem_shared>>
      %dma_wait3A_550 = arith.constant 0 : i32
      %dma_wait3A_551 = tpu.memref_slice %arg16[%arg1, %dma_wait3A_550] : memref<16x1024xf32, #tpu.memory_space<vmem_shared>> -> memref<1x1024xf32, #tpu.memory_space<vmem_shared>>
      %dma_wait3A_552 = tpu.memref_squeeze %dma_wait3A_551 : memref<1x1024xf32, #tpu.memory_space<vmem_shared>> -> memref<1024xf32, #tpu.memory_space<vmem_shared>>
      tpu.wait_dma2 semaphore(%run_scoped3A_540 : memref<!tpu.dma_semaphore, #tpu.memory_space<semaphore_mem>>) src(%arg9 : memref<1024xf32, #tpu.memory_space<vmem>>) dst(%dma_wait3A_552 : memref<1024xf32, #tpu.memory_space<vmem_shared>>)
      tpu.yield
    }) : () -> ()
    %barrier3A = arith.constant 0 : index
    tpu.barrier barrier_id(%barrier3A)
    %mul3A_312 = arith.constant 64 : i32
    %mul3A_313 = arith.muli %arg1, %mul3A_312 : i32
    %run_scoped3A = arith.constant 0 : i32
    "tpu.region"() ({
      %run_scoped3A_540 = tpu.sem_alloc : memref<!tpu.dma_semaphore, #tpu.memory_space<semaphore_mem>>
      %dma_start3A_541 = arith.constant 0 : i32
      %dma_start3A_542 = tpu.memref_slice %arg10[%dma_start3A_541] : memref<1024xf32, #tpu.memory_space<vmem>> -> memref<64xf32, #tpu.memory_space<vmem>>
      %dma_start3A_543 = tpu.memref_slice %arg16[%run_scoped3A, %mul3A_313] : memref<16x1024xf32, #tpu.memory_space<vmem_shared>> -> memref<1x64xf32, #tpu.memory_space<vmem_shared>>
      %dma_start3A_544 = tpu.memref_squeeze %dma_start3A_543 : memref<1x64xf32, #tpu.memory_space<vmem_shared>> -> memref<64xf32, #tpu.memory_space<vmem_shared>>
      %dma_start3A_545 = arith.constant 0 : i32
      %dma_start3A_546 = tpu.memref_slice %arg10[%dma_start3A_545] : memref<1024xf32, #tpu.memory_space<vmem>> -> memref<64xf32, #tpu.memory_space<vmem>>
      %dma_start3A_547 = tpu.memref_slice %arg16[%run_scoped3A, %mul3A_313] : memref<16x1024xf32, #tpu.memory_space<vmem_shared>> -> memref<1x64xf32, #tpu.memory_space<vmem_shared>>
      %dma_start3A_548 = tpu.memref_squeeze %dma_start3A_547 : memref<1x64xf32, #tpu.memory_space<vmem_shared>> -> memref<64xf32, #tpu.memory_space<vmem_shared>>
      tpu.enqueue_dma source(%dma_start3A_548 : memref<64xf32, #tpu.memory_space<vmem_shared>>) target(%dma_start3A_546 : memref<64xf32, #tpu.memory_space<vmem>>) target_semaphore(%run_scoped3A_540 : memref<!tpu.dma_semaphore, #tpu.memory_space<semaphore_mem>>)
      %dma_wait3A_549 = arith.constant 0 : i32
      %dma_wait3A_550 = tpu.memref_slice %arg10[%dma_wait3A_549] : memref<1024xf32, #tpu.memory_space<vmem>> -> memref<64xf32, #tpu.memory_space<vmem>>
      %dma_wait3A_551 = tpu.memref_slice %arg16[%run_scoped3A, %mul3A_313] : memref<16x1024xf32, #tpu.memory_space<vmem_shared>> -> memref<1x64xf32, #tpu.memory_space<vmem_shared>>
      %dma_wait3A_552 = tpu.memref_squeeze %dma_wait3A_551 : memref<1x64xf32, #tpu.memory_space<vmem_shared>> -> memref<64xf32, #tpu.memory_space<vmem_shared>>
      %dma_wait3A_553 = arith.constant 0 : i32
      %dma_wait3A_554 = tpu.memref_slice %arg10[%dma_wait3A_553] : memref<1024xf32, #tpu.memory_space<vmem>> -> memref<64xf32, #tpu.memory_space<vmem>>
      %dma_wait3A_555 = tpu.memref_slice %arg16[%run_scoped3A, %mul3A_313] : memref<16x1024xf32, #tpu.memory_space<vmem_shared>> -> memref<1x64xf32, #tpu.memory_space<vmem_shared>>
      %dma_wait3A_556 = tpu.memref_squeeze %dma_wait3A_555 : memref<1x64xf32, #tpu.memory_space<vmem_shared>> -> memref<64xf32, #tpu.memory_space<vmem_shared>>
      tpu.wait_dma2 semaphore(%run_scoped3A_540 : memref<!tpu.dma_semaphore, #tpu.memory_space<semaphore_mem>>) src(%dma_wait3A_556 : memref<64xf32, #tpu.memory_space<vmem_shared>>) dst(%dma_wait3A_554 : memref<64xf32, #tpu.memory_space<vmem>>)
      tpu.yield
    }) : () -> ()
    %run_scoped3A_314 = arith.constant 1 : i32
    "tpu.region"() ({
      %run_scoped3A_540 = tpu.sem_alloc : memref<!tpu.dma_semaphore, #tpu.memory_space<semaphore_mem>>
      %dma_start3A_541 = arith.constant 64 : i32
      %dma_start3A_542 = tpu.memref_slice %arg10[%dma_start3A_541] : memref<1024xf32, #tpu.memory_space<vmem>> -> memref<64xf32, #tpu.memory_space<vmem>>
      %dma_start3A_543 = tpu.memref_slice %arg16[%run_scoped3A_314, %mul3A_313] : memref<16x1024xf32, #tpu.memory_space<vmem_shared>> -> memref<1x64xf32, #tpu.memory_space<vmem_shared>>
      %dma_start3A_544 = tpu.memref_squeeze %dma_start3A_543 : memref<1x64xf32, #tpu.memory_space<vmem_shared>> -> memref<64xf32, #tpu.memory_space<vmem_shared>>
      %dma_start3A_545 = arith.constant 64 : i32
      %dma_start3A_546 = tpu.memref_slice %arg10[%dma_start3A_545] : memref<1024xf32, #tpu.memory_space<vmem>> -> memref<64xf32, #tpu.memory_space<vmem>>
      %dma_start3A_547 = tpu.memref_slice %arg16[%run_scoped3A_314, %mul3A_313] : memref<16x1024xf32, #tpu.memory_space<vmem_shared>> -> memref<1x64xf32, #tpu.memory_space<vmem_shared>>
      %dma_start3A_548 = tpu.memref_squeeze %dma_start3A_547 : memref<1x64xf32, #tpu.memory_space<vmem_shared>> -> memref<64xf32, #tpu.memory_space<vmem_shared>>
      tpu.enqueue_dma source(%dma_start3A_548 : memref<64xf32, #tpu.memory_space<vmem_shared>>) target(%dma_start3A_546 : memref<64xf32, #tpu.memory_space<vmem>>) target_semaphore(%run_scoped3A_540 : memref<!tpu.dma_semaphore, #tpu.memory_space<semaphore_mem>>)
      %dma_wait3A_549 = arith.constant 64 : i32
      %dma_wait3A_550 = tpu.memref_slice %arg10[%dma_wait3A_549] : memref<1024xf32, #tpu.memory_space<vmem>> -> memref<64xf32, #tpu.memory_space<vmem>>
      %dma_wait3A_551 = tpu.memref_slice %arg16[%run_scoped3A_314, %mul3A_313] : memref<16x1024xf32, #tpu.memory_space<vmem_shared>> -> memref<1x64xf32, #tpu.memory_space<vmem_shared>>
      %dma_wait3A_552 = tpu.memref_squeeze %dma_wait3A_551 : memref<1x64xf32, #tpu.memory_space<vmem_shared>> -> memref<64xf32, #tpu.memory_space<vmem_shared>>
      %dma_wait3A_553 = arith.constant 64 : i32
      %dma_wait3A_554 = tpu.memref_slice %arg10[%dma_wait3A_553] : memref<1024xf32, #tpu.memory_space<vmem>> -> memref<64xf32, #tpu.memory_space<vmem>>
      %dma_wait3A_555 = tpu.memref_slice %arg16[%run_scoped3A_314, %mul3A_313] : memref<16x1024xf32, #tpu.memory_space<vmem_shared>> -> memref<1x64xf32, #tpu.memory_space<vmem_shared>>
      %dma_wait3A_556 = tpu.memref_squeeze %dma_wait3A_555 : memref<1x64xf32, #tpu.memory_space<vmem_shared>> -> memref<64xf32, #tpu.memory_space<vmem_shared>>
      tpu.wait_dma2 semaphore(%run_scoped3A_540 : memref<!tpu.dma_semaphore, #tpu.memory_space<semaphore_mem>>) src(%dma_wait3A_556 : memref<64xf32, #tpu.memory_space<vmem_shared>>) dst(%dma_wait3A_554 : memref<64xf32, #tpu.memory_space<vmem>>)
      tpu.yield
    }) : () -> ()
    %run_scoped3A_315 = arith.constant 2 : i32
    "tpu.region"() ({
      %run_scoped3A_540 = tpu.sem_alloc : memref<!tpu.dma_semaphore, #tpu.memory_space<semaphore_mem>>
      %dma_start3A_541 = arith.constant 128 : i32
      %dma_start3A_542 = tpu.memref_slice %arg10[%dma_start3A_541] : memref<1024xf32, #tpu.memory_space<vmem>> -> memref<64xf32, #tpu.memory_space<vmem>>
      %dma_start3A_543 = tpu.memref_slice %arg16[%run_scoped3A_315, %mul3A_313] : memref<16x1024xf32, #tpu.memory_space<vmem_shared>> -> memref<1x64xf32, #tpu.memory_space<vmem_shared>>
      %dma_start3A_544 = tpu.memref_squeeze %dma_start3A_543 : memref<1x64xf32, #tpu.memory_space<vmem_shared>> -> memref<64xf32, #tpu.memory_space<vmem_shared>>
      %dma_start3A_545 = arith.constant 128 : i32
      %dma_start3A_546 = tpu.memref_slice %arg10[%dma_start3A_545] : memref<1024xf32, #tpu.memory_space<vmem>> -> memref<64xf32, #tpu.memory_space<vmem>>
      %dma_start3A_547 = tpu.memref_slice %arg16[%run_scoped3A_315, %mul3A_313] : memref<16x1024xf32, #tpu.memory_space<vmem_shared>> -> memref<1x64xf32, #tpu.memory_space<vmem_shared>>
      %dma_start3A_548 = tpu.memref_squeeze %dma_start3A_547 : memref<1x64xf32, #tpu.memory_space<vmem_shared>> -> memref<64xf32, #tpu.memory_space<vmem_shared>>
      tpu.enqueue_dma source(%dma_start3A_548 : memref<64xf32, #tpu.memory_space<vmem_shared>>) target(%dma_start3A_546 : memref<64xf32, #tpu.memory_space<vmem>>) target_semaphore(%run_scoped3A_540 : memref<!tpu.dma_semaphore, #tpu.memory_space<semaphore_mem>>)
      %dma_wait3A_549 = arith.constant 128 : i32
      %dma_wait3A_550 = tpu.memref_slice %arg10[%dma_wait3A_549] : memref<1024xf32, #tpu.memory_space<vmem>> -> memref<64xf32, #tpu.memory_space<vmem>>
      %dma_wait3A_551 = tpu.memref_slice %arg16[%run_scoped3A_315, %mul3A_313] : memref<16x1024xf32, #tpu.memory_space<vmem_shared>> -> memref<1x64xf32, #tpu.memory_space<vmem_shared>>
      %dma_wait3A_552 = tpu.memref_squeeze %dma_wait3A_551 : memref<1x64xf32, #tpu.memory_space<vmem_shared>> -> memref<64xf32, #tpu.memory_space<vmem_shared>>
      %dma_wait3A_553 = arith.constant 128 : i32
      %dma_wait3A_554 = tpu.memref_slice %arg10[%dma_wait3A_553] : memref<1024xf32, #tpu.memory_space<vmem>> -> memref<64xf32, #tpu.memory_space<vmem>>
      %dma_wait3A_555 = tpu.memref_slice %arg16[%run_scoped3A_315, %mul3A_313] : memref<16x1024xf32, #tpu.memory_space<vmem_shared>> -> memref<1x64xf32, #tpu.memory_space<vmem_shared>>
      %dma_wait3A_556 = tpu.memref_squeeze %dma_wait3A_555 : memref<1x64xf32, #tpu.memory_space<vmem_shared>> -> memref<64xf32, #tpu.memory_space<vmem_shared>>
      tpu.wait_dma2 semaphore(%run_scoped3A_540 : memref<!tpu.dma_semaphore, #tpu.memory_space<semaphore_mem>>) src(%dma_wait3A_556 : memref<64xf32, #tpu.memory_space<vmem_shared>>) dst(%dma_wait3A_554 : memref<64xf32, #tpu.memory_space<vmem>>)
      tpu.yield
    }) : () -> ()
    %run_scoped3A_316 = arith.constant 3 : i32
    "tpu.region"() ({
      %run_scoped3A_540 = tpu.sem_alloc : memref<!tpu.dma_semaphore, #tpu.memory_space<semaphore_mem>>
      %dma_start3A_541 = arith.constant 192 : i32
      %dma_start3A_542 = tpu.memref_slice %arg10[%dma_start3A_541] : memref<1024xf32, #tpu.memory_space<vmem>> -> memref<64xf32, #tpu.memory_space<vmem>>
      %dma_start3A_543 = tpu.memref_slice %arg16[%run_scoped3A_316, %mul3A_313] : memref<16x1024xf32, #tpu.memory_space<vmem_shared>> -> memref<1x64xf32, #tpu.memory_space<vmem_shared>>
      %dma_start3A_544 = tpu.memref_squeeze %dma_start3A_543 : memref<1x64xf32, #tpu.memory_space<vmem_shared>> -> memref<64xf32, #tpu.memory_space<vmem_shared>>
      %dma_start3A_545 = arith.constant 192 : i32
      %dma_start3A_546 = tpu.memref_slice %arg10[%dma_start3A_545] : memref<1024xf32, #tpu.memory_space<vmem>> -> memref<64xf32, #tpu.memory_space<vmem>>
      %dma_start3A_547 = tpu.memref_slice %arg16[%run_scoped3A_316, %mul3A_313] : memref<16x1024xf32, #tpu.memory_space<vmem_shared>> -> memref<1x64xf32, #tpu.memory_space<vmem_shared>>
      %dma_start3A_548 = tpu.memref_squeeze %dma_start3A_547 : memref<1x64xf32, #tpu.memory_space<vmem_shared>> -> memref<64xf32, #tpu.memory_space<vmem_shared>>
      tpu.enqueue_dma source(%dma_start3A_548 : memref<64xf32, #tpu.memory_space<vmem_shared>>) target(%dma_start3A_546 : memref<64xf32, #tpu.memory_space<vmem>>) target_semaphore(%run_scoped3A_540 : memref<!tpu.dma_semaphore, #tpu.memory_space<semaphore_mem>>)
      %dma_wait3A_549 = arith.constant 192 : i32
      %dma_wait3A_550 = tpu.memref_slice %arg10[%dma_wait3A_549] : memref<1024xf32, #tpu.memory_space<vmem>> -> memref<64xf32, #tpu.memory_space<vmem>>
      %dma_wait3A_551 = tpu.memref_slice %arg16[%run_scoped3A_316, %mul3A_313] : memref<16x1024xf32, #tpu.memory_space<vmem_shared>> -> memref<1x64xf32, #tpu.memory_space<vmem_shared>>
      %dma_wait3A_552 = tpu.memref_squeeze %dma_wait3A_551 : memref<1x64xf32, #tpu.memory_space<vmem_shared>> -> memref<64xf32, #tpu.memory_space<vmem_shared>>
      %dma_wait3A_553 = arith.constant 192 : i32
      %dma_wait3A_554 = tpu.memref_slice %arg10[%dma_wait3A_553] : memref<1024xf32, #tpu.memory_space<vmem>> -> memref<64xf32, #tpu.memory_space<vmem>>
      %dma_wait3A_555 = tpu.memref_slice %arg16[%run_scoped3A_316, %mul3A_313] : memref<16x1024xf32, #tpu.memory_space<vmem_shared>> -> memref<1x64xf32, #tpu.memory_space<vmem_shared>>
      %dma_wait3A_556 = tpu.memref_squeeze %dma_wait3A_555 : memref<1x64xf32, #tpu.memory_space<vmem_shared>> -> memref<64xf32, #tpu.memory_space<vmem_shared>>
      tpu.wait_dma2 semaphore(%run_scoped3A_540 : memref<!tpu.dma_semaphore, #tpu.memory_space<semaphore_mem>>) src(%dma_wait3A_556 : memref<64xf32, #tpu.memory_space<vmem_shared>>) dst(%dma_wait3A_554 : memref<64xf32, #tpu.memory_space<vmem>>)
      tpu.yield
    }) : () -> ()
    %run_scoped3A_317 = arith.constant 4 : i32
    "tpu.region"() ({
      %run_scoped3A_540 = tpu.sem_alloc : memref<!tpu.dma_semaphore, #tpu.memory_space<semaphore_mem>>
      %dma_start3A_541 = arith.constant 256 : i32
      %dma_start3A_542 = tpu.memref_slice %arg10[%dma_start3A_541] : memref<1024xf32, #tpu.memory_space<vmem>> -> memref<64xf32, #tpu.memory_space<vmem>>
      %dma_start3A_543 = tpu.memref_slice %arg16[%run_scoped3A_317, %mul3A_313] : memref<16x1024xf32, #tpu.memory_space<vmem_shared>> -> memref<1x64xf32, #tpu.memory_space<vmem_shared>>
      %dma_start3A_544 = tpu.memref_squeeze %dma_start3A_543 : memref<1x64xf32, #tpu.memory_space<vmem_shared>> -> memref<64xf32, #tpu.memory_space<vmem_shared>>
      %dma_start3A_545 = arith.constant 256 : i32
      %dma_start3A_546 = tpu.memref_slice %arg10[%dma_start3A_545] : memref<1024xf32, #tpu.memory_space<vmem>> -> memref<64xf32, #tpu.memory_space<vmem>>
      %dma_start3A_547 = tpu.memref_slice %arg16[%run_scoped3A_317, %mul3A_313] : memref<16x1024xf32, #tpu.memory_space<vmem_shared>> -> memref<1x64xf32, #tpu.memory_space<vmem_shared>>
      %dma_start3A_548 = tpu.memref_squeeze %dma_start3A_547 : memref<1x64xf32, #tpu.memory_space<vmem_shared>> -> memref<64xf32, #tpu.memory_space<vmem_shared>>
      tpu.enqueue_dma source(%dma_start3A_548 : memref<64xf32, #tpu.memory_space<vmem_shared>>) target(%dma_start3A_546 : memref<64xf32, #tpu.memory_space<vmem>>) target_semaphore(%run_scoped3A_540 : memref<!tpu.dma_semaphore, #tpu.memory_space<semaphore_mem>>)
      %dma_wait3A_549 = arith.constant 256 : i32
      %dma_wait3A_550 = tpu.memref_slice %arg10[%dma_wait3A_549] : memref<1024xf32, #tpu.memory_space<vmem>> -> memref<64xf32, #tpu.memory_space<vmem>>
      %dma_wait3A_551 = tpu.memref_slice %arg16[%run_scoped3A_317, %mul3A_313] : memref<16x1024xf32, #tpu.memory_space<vmem_shared>> -> memref<1x64xf32, #tpu.memory_space<vmem_shared>>
      %dma_wait3A_552 = tpu.memref_squeeze %dma_wait3A_551 : memref<1x64xf32, #tpu.memory_space<vmem_shared>> -> memref<64xf32, #tpu.memory_space<vmem_shared>>
      %dma_wait3A_553 = arith.constant 256 : i32
      %dma_wait3A_554 = tpu.memref_slice %arg10[%dma_wait3A_553] : memref<1024xf32, #tpu.memory_space<vmem>> -> memref<64xf32, #tpu.memory_space<vmem>>
      %dma_wait3A_555 = tpu.memref_slice %arg16[%run_scoped3A_317, %mul3A_313] : memref<16x1024xf32, #tpu.memory_space<vmem_shared>> -> memref<1x64xf32, #tpu.memory_space<vmem_shared>>
      %dma_wait3A_556 = tpu.memref_squeeze %dma_wait3A_555 : memref<1x64xf32, #tpu.memory_space<vmem_shared>> -> memref<64xf32, #tpu.memory_space<vmem_shared>>
      tpu.wait_dma2 semaphore(%run_scoped3A_540 : memref<!tpu.dma_semaphore, #tpu.memory_space<semaphore_mem>>) src(%dma_wait3A_556 : memref<64xf32, #tpu.memory_space<vmem_shared>>) dst(%dma_wait3A_554 : memref<64xf32, #tpu.memory_space<vmem>>)
      tpu.yield
    }) : () -> ()
    %run_scoped3A_318 = arith.constant 5 : i32
    "tpu.region"() ({
      %run_scoped3A_540 = tpu.sem_alloc : memref<!tpu.dma_semaphore, #tpu.memory_space<semaphore_mem>>
      %dma_start3A_541 = arith.constant 320 : i32
      %dma_start3A_542 = tpu.memref_slice %arg10[%dma_start3A_541] : memref<1024xf32, #tpu.memory_space<vmem>> -> memref<64xf32, #tpu.memory_space<vmem>>
      %dma_start3A_543 = tpu.memref_slice %arg16[%run_scoped3A_318, %mul3A_313] : memref<16x1024xf32, #tpu.memory_space<vmem_shared>> -> memref<1x64xf32, #tpu.memory_space<vmem_shared>>
      %dma_start3A_544 = tpu.memref_squeeze %dma_start3A_543 : memref<1x64xf32, #tpu.memory_space<vmem_shared>> -> memref<64xf32, #tpu.memory_space<vmem_shared>>
      %dma_start3A_545 = arith.constant 320 : i32
      %dma_start3A_546 = tpu.memref_slice %arg10[%dma_start3A_545] : memref<1024xf32, #tpu.memory_space<vmem>> -> memref<64xf32, #tpu.memory_space<vmem>>
      %dma_start3A_547 = tpu.memref_slice %arg16[%run_scoped3A_318, %mul3A_313] : memref<16x1024xf32, #tpu.memory_space<vmem_shared>> -> memref<1x64xf32, #tpu.memory_space<vmem_shared>>
      %dma_start3A_548 = tpu.memref_squeeze %dma_start3A_547 : memref<1x64xf32, #tpu.memory_space<vmem_shared>> -> memref<64xf32, #tpu.memory_space<vmem_shared>>
      tpu.enqueue_dma source(%dma_start3A_548 : memref<64xf32, #tpu.memory_space<vmem_shared>>) target(%dma_start3A_546 : memref<64xf32, #tpu.memory_space<vmem>>) target_semaphore(%run_scoped3A_540 : memref<!tpu.dma_semaphore, #tpu.memory_space<semaphore_mem>>)
      %dma_wait3A_549 = arith.constant 320 : i32
      %dma_wait3A_550 = tpu.memref_slice %arg10[%dma_wait3A_549] : memref<1024xf32, #tpu.memory_space<vmem>> -> memref<64xf32, #tpu.memory_space<vmem>>
      %dma_wait3A_551 = tpu.memref_slice %arg16[%run_scoped3A_318, %mul3A_313] : memref<16x1024xf32, #tpu.memory_space<vmem_shared>> -> memref<1x64xf32, #tpu.memory_space<vmem_shared>>
      %dma_wait3A_552 = tpu.memref_squeeze %dma_wait3A_551 : memref<1x64xf32, #tpu.memory_space<vmem_shared>> -> memref<64xf32, #tpu.memory_space<vmem_shared>>
      %dma_wait3A_553 = arith.constant 320 : i32
      %dma_wait3A_554 = tpu.memref_slice %arg10[%dma_wait3A_553] : memref<1024xf32, #tpu.memory_space<vmem>> -> memref<64xf32, #tpu.memory_space<vmem>>
      %dma_wait3A_555 = tpu.memref_slice %arg16[%run_scoped3A_318, %mul3A_313] : memref<16x1024xf32, #tpu.memory_space<vmem_shared>> -> memref<1x64xf32, #tpu.memory_space<vmem_shared>>
      %dma_wait3A_556 = tpu.memref_squeeze %dma_wait3A_555 : memref<1x64xf32, #tpu.memory_space<vmem_shared>> -> memref<64xf32, #tpu.memory_space<vmem_shared>>
      tpu.wait_dma2 semaphore(%run_scoped3A_540 : memref<!tpu.dma_semaphore, #tpu.memory_space<semaphore_mem>>) src(%dma_wait3A_556 : memref<64xf32, #tpu.memory_space<vmem_shared>>) dst(%dma_wait3A_554 : memref<64xf32, #tpu.memory_space<vmem>>)
      tpu.yield
    }) : () -> ()
    %run_scoped3A_319 = arith.constant 6 : i32
    "tpu.region"() ({
      %run_scoped3A_540 = tpu.sem_alloc : memref<!tpu.dma_semaphore, #tpu.memory_space<semaphore_mem>>
      %dma_start3A_541 = arith.constant 384 : i32
      %dma_start3A_542 = tpu.memref_slice %arg10[%dma_start3A_541] : memref<1024xf32, #tpu.memory_space<vmem>> -> memref<64xf32, #tpu.memory_space<vmem>>
      %dma_start3A_543 = tpu.memref_slice %arg16[%run_scoped3A_319, %mul3A_313] : memref<16x1024xf32, #tpu.memory_space<vmem_shared>> -> memref<1x64xf32, #tpu.memory_space<vmem_shared>>
      %dma_start3A_544 = tpu.memref_squeeze %dma_start3A_543 : memref<1x64xf32, #tpu.memory_space<vmem_shared>> -> memref<64xf32, #tpu.memory_space<vmem_shared>>
      %dma_start3A_545 = arith.constant 384 : i32
      %dma_start3A_546 = tpu.memref_slice %arg10[%dma_start3A_545] : memref<1024xf32, #tpu.memory_space<vmem>> -> memref<64xf32, #tpu.memory_space<vmem>>
      %dma_start3A_547 = tpu.memref_slice %arg16[%run_scoped3A_319, %mul3A_313] : memref<16x1024xf32, #tpu.memory_space<vmem_shared>> -> memref<1x64xf32, #tpu.memory_space<vmem_shared>>
      %dma_start3A_548 = tpu.memref_squeeze %dma_start3A_547 : memref<1x64xf32, #tpu.memory_space<vmem_shared>> -> memref<64xf32, #tpu.memory_space<vmem_shared>>
      tpu.enqueue_dma source(%dma_start3A_548 : memref<64xf32, #tpu.memory_space<vmem_shared>>) target(%dma_start3A_546 : memref<64xf32, #tpu.memory_space<vmem>>) target_semaphore(%run_scoped3A_540 : memref<!tpu.dma_semaphore, #tpu.memory_space<semaphore_mem>>)
      %dma_wait3A_549 = arith.constant 384 : i32
      %dma_wait3A_550 = tpu.memref_slice %arg10[%dma_wait3A_549] : memref<1024xf32, #tpu.memory_space<vmem>> -> memref<64xf32, #tpu.memory_space<vmem>>
      %dma_wait3A_551 = tpu.memref_slice %arg16[%run_scoped3A_319, %mul3A_313] : memref<16x1024xf32, #tpu.memory_space<vmem_shared>> -> memref<1x64xf32, #tpu.memory_space<vmem_shared>>
      %dma_wait3A_552 = tpu.memref_squeeze %dma_wait3A_551 : memref<1x64xf32, #tpu.memory_space<vmem_shared>> -> memref<64xf32, #tpu.memory_space<vmem_shared>>
      %dma_wait3A_553 = arith.constant 384 : i32
      %dma_wait3A_554 = tpu.memref_slice %arg10[%dma_wait3A_553] : memref<1024xf32, #tpu.memory_space<vmem>> -> memref<64xf32, #tpu.memory_space<vmem>>
      %dma_wait3A_555 = tpu.memref_slice %arg16[%run_scoped3A_319, %mul3A_313] : memref<16x1024xf32, #tpu.memory_space<vmem_shared>> -> memref<1x64xf32, #tpu.memory_space<vmem_shared>>
      %dma_wait3A_556 = tpu.memref_squeeze %dma_wait3A_555 : memref<1x64xf32, #tpu.memory_space<vmem_shared>> -> memref<64xf32, #tpu.memory_space<vmem_shared>>
      tpu.wait_dma2 semaphore(%run_scoped3A_540 : memref<!tpu.dma_semaphore, #tpu.memory_space<semaphore_mem>>) src(%dma_wait3A_556 : memref<64xf32, #tpu.memory_space<vmem_shared>>) dst(%dma_wait3A_554 : memref<64xf32, #tpu.memory_space<vmem>>)
      tpu.yield
    }) : () -> ()
    %run_scoped3A_320 = arith.constant 7 : i32
    "tpu.region"() ({
      %run_scoped3A_540 = tpu.sem_alloc : memref<!tpu.dma_semaphore, #tpu.memory_space<semaphore_mem>>
      %dma_start3A_541 = arith.constant 448 : i32
      %dma_start3A_542 = tpu.memref_slice %arg10[%dma_start3A_541] : memref<1024xf32, #tpu.memory_space<vmem>> -> memref<64xf32, #tpu.memory_space<vmem>>
      %dma_start3A_543 = tpu.memref_slice %arg16[%run_scoped3A_320, %mul3A_313] : memref<16x1024xf32, #tpu.memory_space<vmem_shared>> -> memref<1x64xf32, #tpu.memory_space<vmem_shared>>
      %dma_start3A_544 = tpu.memref_squeeze %dma_start3A_543 : memref<1x64xf32, #tpu.memory_space<vmem_shared>> -> memref<64xf32, #tpu.memory_space<vmem_shared>>
      %dma_start3A_545 = arith.constant 448 : i32
      %dma_start3A_546 = tpu.memref_slice %arg10[%dma_start3A_545] : memref<1024xf32, #tpu.memory_space<vmem>> -> memref<64xf32, #tpu.memory_space<vmem>>
      %dma_start3A_547 = tpu.memref_slice %arg16[%run_scoped3A_320, %mul3A_313] : memref<16x1024xf32, #tpu.memory_space<vmem_shared>> -> memref<1x64xf32, #tpu.memory_space<vmem_shared>>
      %dma_start3A_548 = tpu.memref_squeeze %dma_start3A_547 : memref<1x64xf32, #tpu.memory_space<vmem_shared>> -> memref<64xf32, #tpu.memory_space<vmem_shared>>
      tpu.enqueue_dma source(%dma_start3A_548 : memref<64xf32, #tpu.memory_space<vmem_shared>>) target(%dma_start3A_546 : memref<64xf32, #tpu.memory_space<vmem>>) target_semaphore(%run_scoped3A_540 : memref<!tpu.dma_semaphore, #tpu.memory_space<semaphore_mem>>)
      %dma_wait3A_549 = arith.constant 448 : i32
      %dma_wait3A_550 = tpu.memref_slice %arg10[%dma_wait3A_549] : memref<1024xf32, #tpu.memory_space<vmem>> -> memref<64xf32, #tpu.memory_space<vmem>>
      %dma_wait3A_551 = tpu.memref_slice %arg16[%run_scoped3A_320, %mul3A_313] : memref<16x1024xf32, #tpu.memory_space<vmem_shared>> -> memref<1x64xf32, #tpu.memory_space<vmem_shared>>
      %dma_wait3A_552 = tpu.memref_squeeze %dma_wait3A_551 : memref<1x64xf32, #tpu.memory_space<vmem_shared>> -> memref<64xf32, #tpu.memory_space<vmem_shared>>
      %dma_wait3A_553 = arith.constant 448 : i32
      %dma_wait3A_554 = tpu.memref_slice %arg10[%dma_wait3A_553] : memref<1024xf32, #tpu.memory_space<vmem>> -> memref<64xf32, #tpu.memory_space<vmem>>
      %dma_wait3A_555 = tpu.memref_slice %arg16[%run_scoped3A_320, %mul3A_313] : memref<16x1024xf32, #tpu.memory_space<vmem_shared>> -> memref<1x64xf32, #tpu.memory_space<vmem_shared>>
      %dma_wait3A_556 = tpu.memref_squeeze %dma_wait3A_555 : memref<1x64xf32, #tpu.memory_space<vmem_shared>> -> memref<64xf32, #tpu.memory_space<vmem_shared>>
      tpu.wait_dma2 semaphore(%run_scoped3A_540 : memref<!tpu.dma_semaphore, #tpu.memory_space<semaphore_mem>>) src(%dma_wait3A_556 : memref<64xf32, #tpu.memory_space<vmem_shared>>) dst(%dma_wait3A_554 : memref<64xf32, #tpu.memory_space<vmem>>)
      tpu.yield
    }) : () -> ()
    %run_scoped3A_321 = arith.constant 8 : i32
    "tpu.region"() ({
      %run_scoped3A_540 = tpu.sem_alloc : memref<!tpu.dma_semaphore, #tpu.memory_space<semaphore_mem>>
      %dma_start3A_541 = arith.constant 512 : i32
      %dma_start3A_542 = tpu.memref_slice %arg10[%dma_start3A_541] : memref<1024xf32, #tpu.memory_space<vmem>> -> memref<64xf32, #tpu.memory_space<vmem>>
      %dma_start3A_543 = tpu.memref_slice %arg16[%run_scoped3A_321, %mul3A_313] : memref<16x1024xf32, #tpu.memory_space<vmem_shared>> -> memref<1x64xf32, #tpu.memory_space<vmem_shared>>
      %dma_start3A_544 = tpu.memref_squeeze %dma_start3A_543 : memref<1x64xf32, #tpu.memory_space<vmem_shared>> -> memref<64xf32, #tpu.memory_space<vmem_shared>>
      %dma_start3A_545 = arith.constant 512 : i32
      %dma_start3A_546 = tpu.memref_slice %arg10[%dma_start3A_545] : memref<1024xf32, #tpu.memory_space<vmem>> -> memref<64xf32, #tpu.memory_space<vmem>>
      %dma_start3A_547 = tpu.memref_slice %arg16[%run_scoped3A_321, %mul3A_313] : memref<16x1024xf32, #tpu.memory_space<vmem_shared>> -> memref<1x64xf32, #tpu.memory_space<vmem_shared>>
      %dma_start3A_548 = tpu.memref_squeeze %dma_start3A_547 : memref<1x64xf32, #tpu.memory_space<vmem_shared>> -> memref<64xf32, #tpu.memory_space<vmem_shared>>
      tpu.enqueue_dma source(%dma_start3A_548 : memref<64xf32, #tpu.memory_space<vmem_shared>>) target(%dma_start3A_546 : memref<64xf32, #tpu.memory_space<vmem>>) target_semaphore(%run_scoped3A_540 : memref<!tpu.dma_semaphore, #tpu.memory_space<semaphore_mem>>)
      %dma_wait3A_549 = arith.constant 512 : i32
      %dma_wait3A_550 = tpu.memref_slice %arg10[%dma_wait3A_549] : memref<1024xf32, #tpu.memory_space<vmem>> -> memref<64xf32, #tpu.memory_space<vmem>>
      %dma_wait3A_551 = tpu.memref_slice %arg16[%run_scoped3A_321, %mul3A_313] : memref<16x1024xf32, #tpu.memory_space<vmem_shared>> -> memref<1x64xf32, #tpu.memory_space<vmem_shared>>
      %dma_wait3A_552 = tpu.memref_squeeze %dma_wait3A_551 : memref<1x64xf32, #tpu.memory_space<vmem_shared>> -> memref<64xf32, #tpu.memory_space<vmem_shared>>
      %dma_wait3A_553 = arith.constant 512 : i32
      %dma_wait3A_554 = tpu.memref_slice %arg10[%dma_wait3A_553] : memref<1024xf32, #tpu.memory_space<vmem>> -> memref<64xf32, #tpu.memory_space<vmem>>
      %dma_wait3A_555 = tpu.memref_slice %arg16[%run_scoped3A_321, %mul3A_313] : memref<16x1024xf32, #tpu.memory_space<vmem_shared>> -> memref<1x64xf32, #tpu.memory_space<vmem_shared>>
      %dma_wait3A_556 = tpu.memref_squeeze %dma_wait3A_555 : memref<1x64xf32, #tpu.memory_space<vmem_shared>> -> memref<64xf32, #tpu.memory_space<vmem_shared>>
      tpu.wait_dma2 semaphore(%run_scoped3A_540 : memref<!tpu.dma_semaphore, #tpu.memory_space<semaphore_mem>>) src(%dma_wait3A_556 : memref<64xf32, #tpu.memory_space<vmem_shared>>) dst(%dma_wait3A_554 : memref<64xf32, #tpu.memory_space<vmem>>)
      tpu.yield
    }) : () -> ()
    %run_scoped3A_322 = arith.constant 9 : i32
    "tpu.region"() ({
      %run_scoped3A_540 = tpu.sem_alloc : memref<!tpu.dma_semaphore, #tpu.memory_space<semaphore_mem>>
      %dma_start3A_541 = arith.constant 576 : i32
      %dma_start3A_542 = tpu.memref_slice %arg10[%dma_start3A_541] : memref<1024xf32, #tpu.memory_space<vmem>> -> memref<64xf32, #tpu.memory_space<vmem>>
      %dma_start3A_543 = tpu.memref_slice %arg16[%run_scoped3A_322, %mul3A_313] : memref<16x1024xf32, #tpu.memory_space<vmem_shared>> -> memref<1x64xf32, #tpu.memory_space<vmem_shared>>
      %dma_start3A_544 = tpu.memref_squeeze %dma_start3A_543 : memref<1x64xf32, #tpu.memory_space<vmem_shared>> -> memref<64xf32, #tpu.memory_space<vmem_shared>>
      %dma_start3A_545 = arith.constant 576 : i32
      %dma_start3A_546 = tpu.memref_slice %arg10[%dma_start3A_545] : memref<1024xf32, #tpu.memory_space<vmem>> -> memref<64xf32, #tpu.memory_space<vmem>>
      %dma_start3A_547 = tpu.memref_slice %arg16[%run_scoped3A_322, %mul3A_313] : memref<16x1024xf32, #tpu.memory_space<vmem_shared>> -> memref<1x64xf32, #tpu.memory_space<vmem_shared>>
      %dma_start3A_548 = tpu.memref_squeeze %dma_start3A_547 : memref<1x64xf32, #tpu.memory_space<vmem_shared>> -> memref<64xf32, #tpu.memory_space<vmem_shared>>
      tpu.enqueue_dma source(%dma_start3A_548 : memref<64xf32, #tpu.memory_space<vmem_shared>>) target(%dma_start3A_546 : memref<64xf32, #tpu.memory_space<vmem>>) target_semaphore(%run_scoped3A_540 : memref<!tpu.dma_semaphore, #tpu.memory_space<semaphore_mem>>)
      %dma_wait3A_549 = arith.constant 576 : i32
      %dma_wait3A_550 = tpu.memref_slice %arg10[%dma_wait3A_549] : memref<1024xf32, #tpu.memory_space<vmem>> -> memref<64xf32, #tpu.memory_space<vmem>>
      %dma_wait3A_551 = tpu.memref_slice %arg16[%run_scoped3A_322, %mul3A_313] : memref<16x1024xf32, #tpu.memory_space<vmem_shared>> -> memref<1x64xf32, #tpu.memory_space<vmem_shared>>
      %dma_wait3A_552 = tpu.memref_squeeze %dma_wait3A_551 : memref<1x64xf32, #tpu.memory_space<vmem_shared>> -> memref<64xf32, #tpu.memory_space<vmem_shared>>
      %dma_wait3A_553 = arith.constant 576 : i32
      %dma_wait3A_554 = tpu.memref_slice %arg10[%dma_wait3A_553] : memref<1024xf32, #tpu.memory_space<vmem>> -> memref<64xf32, #tpu.memory_space<vmem>>
      %dma_wait3A_555 = tpu.memref_slice %arg16[%run_scoped3A_322, %mul3A_313] : memref<16x1024xf32, #tpu.memory_space<vmem_shared>> -> memref<1x64xf32, #tpu.memory_space<vmem_shared>>
      %dma_wait3A_556 = tpu.memref_squeeze %dma_wait3A_555 : memref<1x64xf32, #tpu.memory_space<vmem_shared>> -> memref<64xf32, #tpu.memory_space<vmem_shared>>
      tpu.wait_dma2 semaphore(%run_scoped3A_540 : memref<!tpu.dma_semaphore, #tpu.memory_space<semaphore_mem>>) src(%dma_wait3A_556 : memref<64xf32, #tpu.memory_space<vmem_shared>>) dst(%dma_wait3A_554 : memref<64xf32, #tpu.memory_space<vmem>>)
      tpu.yield
    }) : () -> ()
    %run_scoped3A_323 = arith.constant 10 : i32
    "tpu.region"() ({
      %run_scoped3A_540 = tpu.sem_alloc : memref<!tpu.dma_semaphore, #tpu.memory_space<semaphore_mem>>
      %dma_start3A_541 = arith.constant 640 : i32
      %dma_start3A_542 = tpu.memref_slice %arg10[%dma_start3A_541] : memref<1024xf32, #tpu.memory_space<vmem>> -> memref<64xf32, #tpu.memory_space<vmem>>
      %dma_start3A_543 = tpu.memref_slice %arg16[%run_scoped3A_323, %mul3A_313] : memref<16x1024xf32, #tpu.memory_space<vmem_shared>> -> memref<1x64xf32, #tpu.memory_space<vmem_shared>>
      %dma_start3A_544 = tpu.memref_squeeze %dma_start3A_543 : memref<1x64xf32, #tpu.memory_space<vmem_shared>> -> memref<64xf32, #tpu.memory_space<vmem_shared>>
      %dma_start3A_545 = arith.constant 640 : i32
      %dma_start3A_546 = tpu.memref_slice %arg10[%dma_start3A_545] : memref<1024xf32, #tpu.memory_space<vmem>> -> memref<64xf32, #tpu.memory_space<vmem>>
      %dma_start3A_547 = tpu.memref_slice %arg16[%run_scoped3A_323, %mul3A_313] : memref<16x1024xf32, #tpu.memory_space<vmem_shared>> -> memref<1x64xf32, #tpu.memory_space<vmem_shared>>
      %dma_start3A_548 = tpu.memref_squeeze %dma_start3A_547 : memref<1x64xf32, #tpu.memory_space<vmem_shared>> -> memref<64xf32, #tpu.memory_space<vmem_shared>>
      tpu.enqueue_dma source(%dma_start3A_548 : memref<64xf32, #tpu.memory_space<vmem_shared>>) target(%dma_start3A_546 : memref<64xf32, #tpu.memory_space<vmem>>) target_semaphore(%run_scoped3A_540 : memref<!tpu.dma_semaphore, #tpu.memory_space<semaphore_mem>>)
      %dma_wait3A_549 = arith.constant 640 : i32
      %dma_wait3A_550 = tpu.memref_slice %arg10[%dma_wait3A_549] : memref<1024xf32, #tpu.memory_space<vmem>> -> memref<64xf32, #tpu.memory_space<vmem>>
      %dma_wait3A_551 = tpu.memref_slice %arg16[%run_scoped3A_323, %mul3A_313] : memref<16x1024xf32, #tpu.memory_space<vmem_shared>> -> memref<1x64xf32, #tpu.memory_space<vmem_shared>>
      %dma_wait3A_552 = tpu.memref_squeeze %dma_wait3A_551 : memref<1x64xf32, #tpu.memory_space<vmem_shared>> -> memref<64xf32, #tpu.memory_space<vmem_shared>>
      %dma_wait3A_553 = arith.constant 640 : i32
      %dma_wait3A_554 = tpu.memref_slice %arg10[%dma_wait3A_553] : memref<1024xf32, #tpu.memory_space<vmem>> -> memref<64xf32, #tpu.memory_space<vmem>>
      %dma_wait3A_555 = tpu.memref_slice %arg16[%run_scoped3A_323, %mul3A_313] : memref<16x1024xf32, #tpu.memory_space<vmem_shared>> -> memref<1x64xf32, #tpu.memory_space<vmem_shared>>
      %dma_wait3A_556 = tpu.memref_squeeze %dma_wait3A_555 : memref<1x64xf32, #tpu.memory_space<vmem_shared>> -> memref<64xf32, #tpu.memory_space<vmem_shared>>
      tpu.wait_dma2 semaphore(%run_scoped3A_540 : memref<!tpu.dma_semaphore, #tpu.memory_space<semaphore_mem>>) src(%dma_wait3A_556 : memref<64xf32, #tpu.memory_space<vmem_shared>>) dst(%dma_wait3A_554 : memref<64xf32, #tpu.memory_space<vmem>>)
      tpu.yield
    }) : () -> ()
    %run_scoped3A_324 = arith.constant 11 : i32
    "tpu.region"() ({
      %run_scoped3A_540 = tpu.sem_alloc : memref<!tpu.dma_semaphore, #tpu.memory_space<semaphore_mem>>
      %dma_start3A_541 = arith.constant 704 : i32
      %dma_start3A_542 = tpu.memref_slice %arg10[%dma_start3A_541] : memref<1024xf32, #tpu.memory_space<vmem>> -> memref<64xf32, #tpu.memory_space<vmem>>
      %dma_start3A_543 = tpu.memref_slice %arg16[%run_scoped3A_324, %mul3A_313] : memref<16x1024xf32, #tpu.memory_space<vmem_shared>> -> memref<1x64xf32, #tpu.memory_space<vmem_shared>>
      %dma_start3A_544 = tpu.memref_squeeze %dma_start3A_543 : memref<1x64xf32, #tpu.memory_space<vmem_shared>> -> memref<64xf32, #tpu.memory_space<vmem_shared>>
      %dma_start3A_545 = arith.constant 704 : i32
      %dma_start3A_546 = tpu.memref_slice %arg10[%dma_start3A_545] : memref<1024xf32, #tpu.memory_space<vmem>> -> memref<64xf32, #tpu.memory_space<vmem>>
      %dma_start3A_547 = tpu.memref_slice %arg16[%run_scoped3A_324, %mul3A_313] : memref<16x1024xf32, #tpu.memory_space<vmem_shared>> -> memref<1x64xf32, #tpu.memory_space<vmem_shared>>
      %dma_start3A_548 = tpu.memref_squeeze %dma_start3A_547 : memref<1x64xf32, #tpu.memory_space<vmem_shared>> -> memref<64xf32, #tpu.memory_space<vmem_shared>>
      tpu.enqueue_dma source(%dma_start3A_548 : memref<64xf32, #tpu.memory_space<vmem_shared>>) target(%dma_start3A_546 : memref<64xf32, #tpu.memory_space<vmem>>) target_semaphore(%run_scoped3A_540 : memref<!tpu.dma_semaphore, #tpu.memory_space<semaphore_mem>>)
      %dma_wait3A_549 = arith.constant 704 : i32
      %dma_wait3A_550 = tpu.memref_slice %arg10[%dma_wait3A_549] : memref<1024xf32, #tpu.memory_space<vmem>> -> memref<64xf32, #tpu.memory_space<vmem>>
      %dma_wait3A_551 = tpu.memref_slice %arg16[%run_scoped3A_324, %mul3A_313] : memref<16x1024xf32, #tpu.memory_space<vmem_shared>> -> memref<1x64xf32, #tpu.memory_space<vmem_shared>>
      %dma_wait3A_552 = tpu.memref_squeeze %dma_wait3A_551 : memref<1x64xf32, #tpu.memory_space<vmem_shared>> -> memref<64xf32, #tpu.memory_space<vmem_shared>>
      %dma_wait3A_553 = arith.constant 704 : i32
      %dma_wait3A_554 = tpu.memref_slice %arg10[%dma_wait3A_553] : memref<1024xf32, #tpu.memory_space<vmem>> -> memref<64xf32, #tpu.memory_space<vmem>>
      %dma_wait3A_555 = tpu.memref_slice %arg16[%run_scoped3A_324, %mul3A_313] : memref<16x1024xf32, #tpu.memory_space<vmem_shared>> -> memref<1x64xf32, #tpu.memory_space<vmem_shared>>
      %dma_wait3A_556 = tpu.memref_squeeze %dma_wait3A_555 : memref<1x64xf32, #tpu.memory_space<vmem_shared>> -> memref<64xf32, #tpu.memory_space<vmem_shared>>
      tpu.wait_dma2 semaphore(%run_scoped3A_540 : memref<!tpu.dma_semaphore, #tpu.memory_space<semaphore_mem>>) src(%dma_wait3A_556 : memref<64xf32, #tpu.memory_space<vmem_shared>>) dst(%dma_wait3A_554 : memref<64xf32, #tpu.memory_space<vmem>>)
      tpu.yield
    }) : () -> ()
    %run_scoped3A_325 = arith.constant 12 : i32
    "tpu.region"() ({
      %run_scoped3A_540 = tpu.sem_alloc : memref<!tpu.dma_semaphore, #tpu.memory_space<semaphore_mem>>
      %dma_start3A_541 = arith.constant 768 : i32
      %dma_start3A_542 = tpu.memref_slice %arg10[%dma_start3A_541] : memref<1024xf32, #tpu.memory_space<vmem>> -> memref<64xf32, #tpu.memory_space<vmem>>
      %dma_start3A_543 = tpu.memref_slice %arg16[%run_scoped3A_325, %mul3A_313] : memref<16x1024xf32, #tpu.memory_space<vmem_shared>> -> memref<1x64xf32, #tpu.memory_space<vmem_shared>>
      %dma_start3A_544 = tpu.memref_squeeze %dma_start3A_543 : memref<1x64xf32, #tpu.memory_space<vmem_shared>> -> memref<64xf32, #tpu.memory_space<vmem_shared>>
      %dma_start3A_545 = arith.constant 768 : i32
      %dma_start3A_546 = tpu.memref_slice %arg10[%dma_start3A_545] : memref<1024xf32, #tpu.memory_space<vmem>> -> memref<64xf32, #tpu.memory_space<vmem>>
      %dma_start3A_547 = tpu.memref_slice %arg16[%run_scoped3A_325, %mul3A_313] : memref<16x1024xf32, #tpu.memory_space<vmem_shared>> -> memref<1x64xf32, #tpu.memory_space<vmem_shared>>
      %dma_start3A_548 = tpu.memref_squeeze %dma_start3A_547 : memref<1x64xf32, #tpu.memory_space<vmem_shared>> -> memref<64xf32, #tpu.memory_space<vmem_shared>>
      tpu.enqueue_dma source(%dma_start3A_548 : memref<64xf32, #tpu.memory_space<vmem_shared>>) target(%dma_start3A_546 : memref<64xf32, #tpu.memory_space<vmem>>) target_semaphore(%run_scoped3A_540 : memref<!tpu.dma_semaphore, #tpu.memory_space<semaphore_mem>>)
      %dma_wait3A_549 = arith.constant 768 : i32
      %dma_wait3A_550 = tpu.memref_slice %arg10[%dma_wait3A_549] : memref<1024xf32, #tpu.memory_space<vmem>> -> memref<64xf32, #tpu.memory_space<vmem>>
      %dma_wait3A_551 = tpu.memref_slice %arg16[%run_scoped3A_325, %mul3A_313] : memref<16x1024xf32, #tpu.memory_space<vmem_shared>> -> memref<1x64xf32, #tpu.memory_space<vmem_shared>>
      %dma_wait3A_552 = tpu.memref_squeeze %dma_wait3A_551 : memref<1x64xf32, #tpu.memory_space<vmem_shared>> -> memref<64xf32, #tpu.memory_space<vmem_shared>>
      %dma_wait3A_553 = arith.constant 768 : i32
      %dma_wait3A_554 = tpu.memref_slice %arg10[%dma_wait3A_553] : memref<1024xf32, #tpu.memory_space<vmem>> -> memref<64xf32, #tpu.memory_space<vmem>>
      %dma_wait3A_555 = tpu.memref_slice %arg16[%run_scoped3A_325, %mul3A_313] : memref<16x1024xf32, #tpu.memory_space<vmem_shared>> -> memref<1x64xf32, #tpu.memory_space<vmem_shared>>
      %dma_wait3A_556 = tpu.memref_squeeze %dma_wait3A_555 : memref<1x64xf32, #tpu.memory_space<vmem_shared>> -> memref<64xf32, #tpu.memory_space<vmem_shared>>
      tpu.wait_dma2 semaphore(%run_scoped3A_540 : memref<!tpu.dma_semaphore, #tpu.memory_space<semaphore_mem>>) src(%dma_wait3A_556 : memref<64xf32, #tpu.memory_space<vmem_shared>>) dst(%dma_wait3A_554 : memref<64xf32, #tpu.memory_space<vmem>>)
      tpu.yield
    }) : () -> ()
    %run_scoped3A_326 = arith.constant 13 : i32
    "tpu.region"() ({
      %run_scoped3A_540 = tpu.sem_alloc : memref<!tpu.dma_semaphore, #tpu.memory_space<semaphore_mem>>
      %dma_start3A_541 = arith.constant 832 : i32
      %dma_start3A_542 = tpu.memref_slice %arg10[%dma_start3A_541] : memref<1024xf32, #tpu.memory_space<vmem>> -> memref<64xf32, #tpu.memory_space<vmem>>
      %dma_start3A_543 = tpu.memref_slice %arg16[%run_scoped3A_326, %mul3A_313] : memref<16x1024xf32, #tpu.memory_space<vmem_shared>> -> memref<1x64xf32, #tpu.memory_space<vmem_shared>>
      %dma_start3A_544 = tpu.memref_squeeze %dma_start3A_543 : memref<1x64xf32, #tpu.memory_space<vmem_shared>> -> memref<64xf32, #tpu.memory_space<vmem_shared>>
      %dma_start3A_545 = arith.constant 832 : i32
      %dma_start3A_546 = tpu.memref_slice %arg10[%dma_start3A_545] : memref<1024xf32, #tpu.memory_space<vmem>> -> memref<64xf32, #tpu.memory_space<vmem>>
      %dma_start3A_547 = tpu.memref_slice %arg16[%run_scoped3A_326, %mul3A_313] : memref<16x1024xf32, #tpu.memory_space<vmem_shared>> -> memref<1x64xf32, #tpu.memory_space<vmem_shared>>
      %dma_start3A_548 = tpu.memref_squeeze %dma_start3A_547 : memref<1x64xf32, #tpu.memory_space<vmem_shared>> -> memref<64xf32, #tpu.memory_space<vmem_shared>>
      tpu.enqueue_dma source(%dma_start3A_548 : memref<64xf32, #tpu.memory_space<vmem_shared>>) target(%dma_start3A_546 : memref<64xf32, #tpu.memory_space<vmem>>) target_semaphore(%run_scoped3A_540 : memref<!tpu.dma_semaphore, #tpu.memory_space<semaphore_mem>>)
      %dma_wait3A_549 = arith.constant 832 : i32
      %dma_wait3A_550 = tpu.memref_slice %arg10[%dma_wait3A_549] : memref<1024xf32, #tpu.memory_space<vmem>> -> memref<64xf32, #tpu.memory_space<vmem>>
      %dma_wait3A_551 = tpu.memref_slice %arg16[%run_scoped3A_326, %mul3A_313] : memref<16x1024xf32, #tpu.memory_space<vmem_shared>> -> memref<1x64xf32, #tpu.memory_space<vmem_shared>>
      %dma_wait3A_552 = tpu.memref_squeeze %dma_wait3A_551 : memref<1x64xf32, #tpu.memory_space<vmem_shared>> -> memref<64xf32, #tpu.memory_space<vmem_shared>>
      %dma_wait3A_553 = arith.constant 832 : i32
      %dma_wait3A_554 = tpu.memref_slice %arg10[%dma_wait3A_553] : memref<1024xf32, #tpu.memory_space<vmem>> -> memref<64xf32, #tpu.memory_space<vmem>>
      %dma_wait3A_555 = tpu.memref_slice %arg16[%run_scoped3A_326, %mul3A_313] : memref<16x1024xf32, #tpu.memory_space<vmem_shared>> -> memref<1x64xf32, #tpu.memory_space<vmem_shared>>
      %dma_wait3A_556 = tpu.memref_squeeze %dma_wait3A_555 : memref<1x64xf32, #tpu.memory_space<vmem_shared>> -> memref<64xf32, #tpu.memory_space<vmem_shared>>
      tpu.wait_dma2 semaphore(%run_scoped3A_540 : memref<!tpu.dma_semaphore, #tpu.memory_space<semaphore_mem>>) src(%dma_wait3A_556 : memref<64xf32, #tpu.memory_space<vmem_shared>>) dst(%dma_wait3A_554 : memref<64xf32, #tpu.memory_space<vmem>>)
      tpu.yield
    }) : () -> ()
    %run_scoped3A_327 = arith.constant 14 : i32
    "tpu.region"() ({
      %run_scoped3A_540 = tpu.sem_alloc : memref<!tpu.dma_semaphore, #tpu.memory_space<semaphore_mem>>
      %dma_start3A_541 = arith.constant 896 : i32
      %dma_start3A_542 = tpu.memref_slice %arg10[%dma_start3A_541] : memref<1024xf32, #tpu.memory_space<vmem>> -> memref<64xf32, #tpu.memory_space<vmem>>
      %dma_start3A_543 = tpu.memref_slice %arg16[%run_scoped3A_327, %mul3A_313] : memref<16x1024xf32, #tpu.memory_space<vmem_shared>> -> memref<1x64xf32, #tpu.memory_space<vmem_shared>>
      %dma_start3A_544 = tpu.memref_squeeze %dma_start3A_543 : memref<1x64xf32, #tpu.memory_space<vmem_shared>> -> memref<64xf32, #tpu.memory_space<vmem_shared>>
      %dma_start3A_545 = arith.constant 896 : i32
      %dma_start3A_546 = tpu.memref_slice %arg10[%dma_start3A_545] : memref<1024xf32, #tpu.memory_space<vmem>> -> memref<64xf32, #tpu.memory_space<vmem>>
      %dma_start3A_547 = tpu.memref_slice %arg16[%run_scoped3A_327, %mul3A_313] : memref<16x1024xf32, #tpu.memory_space<vmem_shared>> -> memref<1x64xf32, #tpu.memory_space<vmem_shared>>
      %dma_start3A_548 = tpu.memref_squeeze %dma_start3A_547 : memref<1x64xf32, #tpu.memory_space<vmem_shared>> -> memref<64xf32, #tpu.memory_space<vmem_shared>>
      tpu.enqueue_dma source(%dma_start3A_548 : memref<64xf32, #tpu.memory_space<vmem_shared>>) target(%dma_start3A_546 : memref<64xf32, #tpu.memory_space<vmem>>) target_semaphore(%run_scoped3A_540 : memref<!tpu.dma_semaphore, #tpu.memory_space<semaphore_mem>>)
      %dma_wait3A_549 = arith.constant 896 : i32
      %dma_wait3A_550 = tpu.memref_slice %arg10[%dma_wait3A_549] : memref<1024xf32, #tpu.memory_space<vmem>> -> memref<64xf32, #tpu.memory_space<vmem>>
      %dma_wait3A_551 = tpu.memref_slice %arg16[%run_scoped3A_327, %mul3A_313] : memref<16x1024xf32, #tpu.memory_space<vmem_shared>> -> memref<1x64xf32, #tpu.memory_space<vmem_shared>>
      %dma_wait3A_552 = tpu.memref_squeeze %dma_wait3A_551 : memref<1x64xf32, #tpu.memory_space<vmem_shared>> -> memref<64xf32, #tpu.memory_space<vmem_shared>>
      %dma_wait3A_553 = arith.constant 896 : i32
      %dma_wait3A_554 = tpu.memref_slice %arg10[%dma_wait3A_553] : memref<1024xf32, #tpu.memory_space<vmem>> -> memref<64xf32, #tpu.memory_space<vmem>>
      %dma_wait3A_555 = tpu.memref_slice %arg16[%run_scoped3A_327, %mul3A_313] : memref<16x1024xf32, #tpu.memory_space<vmem_shared>> -> memref<1x64xf32, #tpu.memory_space<vmem_shared>>
      %dma_wait3A_556 = tpu.memref_squeeze %dma_wait3A_555 : memref<1x64xf32, #tpu.memory_space<vmem_shared>> -> memref<64xf32, #tpu.memory_space<vmem_shared>>
      tpu.wait_dma2 semaphore(%run_scoped3A_540 : memref<!tpu.dma_semaphore, #tpu.memory_space<semaphore_mem>>) src(%dma_wait3A_556 : memref<64xf32, #tpu.memory_space<vmem_shared>>) dst(%dma_wait3A_554 : memref<64xf32, #tpu.memory_space<vmem>>)
      tpu.yield
    }) : () -> ()
    %run_scoped3A_328 = arith.constant 15 : i32
    "tpu.region"() ({
      %run_scoped3A_540 = tpu.sem_alloc : memref<!tpu.dma_semaphore, #tpu.memory_space<semaphore_mem>>
      %dma_start3A_541 = arith.constant 960 : i32
      %dma_start3A_542 = tpu.memref_slice %arg10[%dma_start3A_541] : memref<1024xf32, #tpu.memory_space<vmem>> -> memref<64xf32, #tpu.memory_space<vmem>>
      %dma_start3A_543 = tpu.memref_slice %arg16[%run_scoped3A_328, %mul3A_313] : memref<16x1024xf32, #tpu.memory_space<vmem_shared>> -> memref<1x64xf32, #tpu.memory_space<vmem_shared>>
      %dma_start3A_544 = tpu.memref_squeeze %dma_start3A_543 : memref<1x64xf32, #tpu.memory_space<vmem_shared>> -> memref<64xf32, #tpu.memory_space<vmem_shared>>
      %dma_start3A_545 = arith.constant 960 : i32
      %dma_start3A_546 = tpu.memref_slice %arg10[%dma_start3A_545] : memref<1024xf32, #tpu.memory_space<vmem>> -> memref<64xf32, #tpu.memory_space<vmem>>
      %dma_start3A_547 = tpu.memref_slice %arg16[%run_scoped3A_328, %mul3A_313] : memref<16x1024xf32, #tpu.memory_space<vmem_shared>> -> memref<1x64xf32, #tpu.memory_space<vmem_shared>>
      %dma_start3A_548 = tpu.memref_squeeze %dma_start3A_547 : memref<1x64xf32, #tpu.memory_space<vmem_shared>> -> memref<64xf32, #tpu.memory_space<vmem_shared>>
      tpu.enqueue_dma source(%dma_start3A_548 : memref<64xf32, #tpu.memory_space<vmem_shared>>) target(%dma_start3A_546 : memref<64xf32, #tpu.memory_space<vmem>>) target_semaphore(%run_scoped3A_540 : memref<!tpu.dma_semaphore, #tpu.memory_space<semaphore_mem>>)
      %dma_wait3A_549 = arith.constant 960 : i32
      %dma_wait3A_550 = tpu.memref_slice %arg10[%dma_wait3A_549] : memref<1024xf32, #tpu.memory_space<vmem>> -> memref<64xf32, #tpu.memory_space<vmem>>
      %dma_wait3A_551 = tpu.memref_slice %arg16[%run_scoped3A_328, %mul3A_313] : memref<16x1024xf32, #tpu.memory_space<vmem_shared>> -> memref<1x64xf32, #tpu.memory_space<vmem_shared>>
      %dma_wait3A_552 = tpu.memref_squeeze %dma_wait3A_551 : memref<1x64xf32, #tpu.memory_space<vmem_shared>> -> memref<64xf32, #tpu.memory_space<vmem_shared>>
      %dma_wait3A_553 = arith.constant 960 : i32
      %dma_wait3A_554 = tpu.memref_slice %arg10[%dma_wait3A_553] : memref<1024xf32, #tpu.memory_space<vmem>> -> memref<64xf32, #tpu.memory_space<vmem>>
      %dma_wait3A_555 = tpu.memref_slice %arg16[%run_scoped3A_328, %mul3A_313] : memref<16x1024xf32, #tpu.memory_space<vmem_shared>> -> memref<1x64xf32, #tpu.memory_space<vmem_shared>>
      %dma_wait3A_556 = tpu.memref_squeeze %dma_wait3A_555 : memref<1x64xf32, #tpu.memory_space<vmem_shared>> -> memref<64xf32, #tpu.memory_space<vmem_shared>>
      tpu.wait_dma2 semaphore(%run_scoped3A_540 : memref<!tpu.dma_semaphore, #tpu.memory_space<semaphore_mem>>) src(%dma_wait3A_556 : memref<64xf32, #tpu.memory_space<vmem_shared>>) dst(%dma_wait3A_554 : memref<64xf32, #tpu.memory_space<vmem>>)
      tpu.yield
    }) : () -> ()
    %broadcast_in_dim3A_329 = arith.constant 0.000000e+00 : f32
    %broadcast_in_dim3A_330 = vector.broadcast %broadcast_in_dim3A_329 : f32 to vector<16xf32>
    %broadcast_in_dim3A_331 = arith.constant 0.000000e+00 : f32
    %broadcast_in_dim3A_332 = vector.broadcast %broadcast_in_dim3A_331 : f32 to vector<16xf32>
    %broadcast_in_dim3A_333 = arith.constant 0.000000e+00 : f32
    %broadcast_in_dim3A_334 = vector.broadcast %broadcast_in_dim3A_333 : f32 to vector<16xf32>
    %broadcast_in_dim3A_335 = arith.constant 0.000000e+00 : f32
    %broadcast_in_dim3A_336 = vector.broadcast %broadcast_in_dim3A_335 : f32 to vector<16xf32>
    %get3A = arith.constant 0 : index
    %get3A_337 = tpu.vector_load %arg10[%get3A] {strides = array<i32>} : memref<1024xf32, #tpu.memory_space<vmem>>, vector<16xf32>,
    %add3A = arith.addf %broadcast_in_dim3A_330, %get3A_337 : vector<16xf32>
    %get3A_338 = arith.constant 16 : index
    %get3A_339 = tpu.vector_load %arg10[%get3A_338] {strides = array<i32>} : memref<1024xf32, #tpu.memory_space<vmem>>, vector<16xf32>,
    %add3A_340 = arith.addf %broadcast_in_dim3A_332, %get3A_339 : vector<16xf32>
    %get3A_341 = arith.constant 32 : index
    %get3A_342 = tpu.vector_load %arg10[%get3A_341] {strides = array<i32>} : memref<1024xf32, #tpu.memory_space<vmem>>, vector<16xf32>,
    %add3A_343 = arith.addf %broadcast_in_dim3A_334, %get3A_342 : vector<16xf32>
    %get3A_344 = arith.constant 48 : index
    %get3A_345 = tpu.vector_load %arg10[%get3A_344] {strides = array<i32>} : memref<1024xf32, #tpu.memory_space<vmem>>, vector<16xf32>,
    %add3A_346 = arith.addf %broadcast_in_dim3A_336, %get3A_345 : vector<16xf32>
    %get3A_347 = arith.constant 64 : index
    %get3A_348 = tpu.vector_load %arg10[%get3A_347] {strides = array<i32>} : memref<1024xf32, #tpu.memory_space<vmem>>, vector<16xf32>,
    %add3A_349 = arith.addf %add3A, %get3A_348 : vector<16xf32>
    %get3A_350 = arith.constant 80 : index
    %get3A_351 = tpu.vector_load %arg10[%get3A_350] {strides = array<i32>} : memref<1024xf32, #tpu.memory_space<vmem>>, vector<16xf32>,
    %add3A_352 = arith.addf %add3A_340, %get3A_351 : vector<16xf32>
    %get3A_353 = arith.constant 96 : index
    %get3A_354 = tpu.vector_load %arg10[%get3A_353] {strides = array<i32>} : memref<1024xf32, #tpu.memory_space<vmem>>, vector<16xf32>,
    %add3A_355 = arith.addf %add3A_343, %get3A_354 : vector<16xf32>
    %get3A_356 = arith.constant 112 : index
    %get3A_357 = tpu.vector_load %arg10[%get3A_356] {strides = array<i32>} : memref<1024xf32, #tpu.memory_space<vmem>>, vector<16xf32>,
    %add3A_358 = arith.addf %add3A_346, %get3A_357 : vector<16xf32>
    %get3A_359 = arith.constant 128 : index
    %get3A_360 = tpu.vector_load %arg10[%get3A_359] {strides = array<i32>} : memref<1024xf32, #tpu.memory_space<vmem>>, vector<16xf32>,
    %add3A_361 = arith.addf %add3A_349, %get3A_360 : vector<16xf32>
    %get3A_362 = arith.constant 144 : index
    %get3A_363 = tpu.vector_load %arg10[%get3A_362] {strides = array<i32>} : memref<1024xf32, #tpu.memory_space<vmem>>, vector<16xf32>,
    %add3A_364 = arith.addf %add3A_352, %get3A_363 : vector<16xf32>
    %get3A_365 = arith.constant 160 : index
    %get3A_366 = tpu.vector_load %arg10[%get3A_365] {strides = array<i32>} : memref<1024xf32, #tpu.memory_space<vmem>>, vector<16xf32>,
    %add3A_367 = arith.addf %add3A_355, %get3A_366 : vector<16xf32>
    %get3A_368 = arith.constant 176 : index
    %get3A_369 = tpu.vector_load %arg10[%get3A_368] {strides = array<i32>} : memref<1024xf32, #tpu.memory_space<vmem>>, vector<16xf32>,
    %add3A_370 = arith.addf %add3A_358, %get3A_369 : vector<16xf32>
    %get3A_371 = arith.constant 192 : index
    %get3A_372 = tpu.vector_load %arg10[%get3A_371] {strides = array<i32>} : memref<1024xf32, #tpu.memory_space<vmem>>, vector<16xf32>,
    %add3A_373 = arith.addf %add3A_361, %get3A_372 : vector<16xf32>
    %get3A_374 = arith.constant 208 : index
    %get3A_375 = tpu.vector_load %arg10[%get3A_374] {strides = array<i32>} : memref<1024xf32, #tpu.memory_space<vmem>>, vector<16xf32>,
    %add3A_376 = arith.addf %add3A_364, %get3A_375 : vector<16xf32>
    %get3A_377 = arith.constant 224 : index
    %get3A_378 = tpu.vector_load %arg10[%get3A_377] {strides = array<i32>} : memref<1024xf32, #tpu.memory_space<vmem>>, vector<16xf32>,
    %add3A_379 = arith.addf %add3A_367, %get3A_378 : vector<16xf32>
    %get3A_380 = arith.constant 240 : index
    %get3A_381 = tpu.vector_load %arg10[%get3A_380] {strides = array<i32>} : memref<1024xf32, #tpu.memory_space<vmem>>, vector<16xf32>,
    %add3A_382 = arith.addf %add3A_370, %get3A_381 : vector<16xf32>
    %get3A_383 = arith.constant 256 : index
    %get3A_384 = tpu.vector_load %arg10[%get3A_383] {strides = array<i32>} : memref<1024xf32, #tpu.memory_space<vmem>>, vector<16xf32>,
    %add3A_385 = arith.addf %add3A_373, %get3A_384 : vector<16xf32>
    %get3A_386 = arith.constant 272 : index
    %get3A_387 = tpu.vector_load %arg10[%get3A_386] {strides = array<i32>} : memref<1024xf32, #tpu.memory_space<vmem>>, vector<16xf32>,
    %add3A_388 = arith.addf %add3A_376, %get3A_387 : vector<16xf32>
    %get3A_389 = arith.constant 288 : index
    %get3A_390 = tpu.vector_load %arg10[%get3A_389] {strides = array<i32>} : memref<1024xf32, #tpu.memory_space<vmem>>, vector<16xf32>,
    %add3A_391 = arith.addf %add3A_379, %get3A_390 : vector<16xf32>
    %get3A_392 = arith.constant 304 : index
    %get3A_393 = tpu.vector_load %arg10[%get3A_392] {strides = array<i32>} : memref<1024xf32, #tpu.memory_space<vmem>>, vector<16xf32>,
    %add3A_394 = arith.addf %add3A_382, %get3A_393 : vector<16xf32>
    %get3A_395 = arith.constant 320 : index
    %get3A_396 = tpu.vector_load %arg10[%get3A_395] {strides = array<i32>} : memref<1024xf32, #tpu.memory_space<vmem>>, vector<16xf32>,
    %add3A_397 = arith.addf %add3A_385, %get3A_396 : vector<16xf32>
    %get3A_398 = arith.constant 336 : index
    %get3A_399 = tpu.vector_load %arg10[%get3A_398] {strides = array<i32>} : memref<1024xf32, #tpu.memory_space<vmem>>, vector<16xf32>,
    %add3A_400 = arith.addf %add3A_388, %get3A_399 : vector<16xf32>
    %get3A_401 = arith.constant 352 : index
    %get3A_402 = tpu.vector_load %arg10[%get3A_401] {strides = array<i32>} : memref<1024xf32, #tpu.memory_space<vmem>>, vector<16xf32>,
    %add3A_403 = arith.addf %add3A_391, %get3A_402 : vector<16xf32>
    %get3A_404 = arith.constant 368 : index
    %get3A_405 = tpu.vector_load %arg10[%get3A_404] {strides = array<i32>} : memref<1024xf32, #tpu.memory_space<vmem>>, vector<16xf32>,
    %add3A_406 = arith.addf %add3A_394, %get3A_405 : vector<16xf32>
    %get3A_407 = arith.constant 384 : index
    %get3A_408 = tpu.vector_load %arg10[%get3A_407] {strides = array<i32>} : memref<1024xf32, #tpu.memory_space<vmem>>, vector<16xf32>,
    %add3A_409 = arith.addf %add3A_397, %get3A_408 : vector<16xf32>
    %get3A_410 = arith.constant 400 : index
    %get3A_411 = tpu.vector_load %arg10[%get3A_410] {strides = array<i32>} : memref<1024xf32, #tpu.memory_space<vmem>>, vector<16xf32>,
    %add3A_412 = arith.addf %add3A_400, %get3A_411 : vector<16xf32>
    %get3A_413 = arith.constant 416 : index
    %get3A_414 = tpu.vector_load %arg10[%get3A_413] {strides = array<i32>} : memref<1024xf32, #tpu.memory_space<vmem>>, vector<16xf32>,
    %add3A_415 = arith.addf %add3A_403, %get3A_414 : vector<16xf32>
    %get3A_416 = arith.constant 432 : index
    %get3A_417 = tpu.vector_load %arg10[%get3A_416] {strides = array<i32>} : memref<1024xf32, #tpu.memory_space<vmem>>, vector<16xf32>,
    %add3A_418 = arith.addf %add3A_406, %get3A_417 : vector<16xf32>
    %get3A_419 = arith.constant 448 : index
    %get3A_420 = tpu.vector_load %arg10[%get3A_419] {strides = array<i32>} : memref<1024xf32, #tpu.memory_space<vmem>>, vector<16xf32>,
    %add3A_421 = arith.addf %add3A_409, %get3A_420 : vector<16xf32>
    %get3A_422 = arith.constant 464 : index
    %get3A_423 = tpu.vector_load %arg10[%get3A_422] {strides = array<i32>} : memref<1024xf32, #tpu.memory_space<vmem>>, vector<16xf32>,
    %add3A_424 = arith.addf %add3A_412, %get3A_423 : vector<16xf32>
    %get3A_425 = arith.constant 480 : index
    %get3A_426 = tpu.vector_load %arg10[%get3A_425] {strides = array<i32>} : memref<1024xf32, #tpu.memory_space<vmem>>, vector<16xf32>,
    %add3A_427 = arith.addf %add3A_415, %get3A_426 : vector<16xf32>
    %get3A_428 = arith.constant 496 : index
    %get3A_429 = tpu.vector_load %arg10[%get3A_428] {strides = array<i32>} : memref<1024xf32, #tpu.memory_space<vmem>>, vector<16xf32>,
    %add3A_430 = arith.addf %add3A_418, %get3A_429 : vector<16xf32>
    %get3A_431 = arith.constant 512 : index
    %get3A_432 = tpu.vector_load %arg10[%get3A_431] {strides = array<i32>} : memref<1024xf32, #tpu.memory_space<vmem>>, vector<16xf32>,
    %add3A_433 = arith.addf %add3A_421, %get3A_432 : vector<16xf32>
    %get3A_434 = arith.constant 528 : index
    %get3A_435 = tpu.vector_load %arg10[%get3A_434] {strides = array<i32>} : memref<1024xf32, #tpu.memory_space<vmem>>, vector<16xf32>,
    %add3A_436 = arith.addf %add3A_424, %get3A_435 : vector<16xf32>
    %get3A_437 = arith.constant 544 : index
    %get3A_438 = tpu.vector_load %arg10[%get3A_437] {strides = array<i32>} : memref<1024xf32, #tpu.memory_space<vmem>>, vector<16xf32>,
    %add3A_439 = arith.addf %add3A_427, %get3A_438 : vector<16xf32>
    %get3A_440 = arith.constant 560 : index
    %get3A_441 = tpu.vector_load %arg10[%get3A_440] {strides = array<i32>} : memref<1024xf32, #tpu.memory_space<vmem>>, vector<16xf32>,
    %add3A_442 = arith.addf %add3A_430, %get3A_441 : vector<16xf32>
    %get3A_443 = arith.constant 576 : index
    %get3A_444 = tpu.vector_load %arg10[%get3A_443] {strides = array<i32>} : memref<1024xf32, #tpu.memory_space<vmem>>, vector<16xf32>,
    %add3A_445 = arith.addf %add3A_433, %get3A_444 : vector<16xf32>
    %get3A_446 = arith.constant 592 : index
    %get3A_447 = tpu.vector_load %arg10[%get3A_446] {strides = array<i32>} : memref<1024xf32, #tpu.memory_space<vmem>>, vector<16xf32>,
    %add3A_448 = arith.addf %add3A_436, %get3A_447 : vector<16xf32>
    %get3A_449 = arith.constant 608 : index
    %get3A_450 = tpu.vector_load %arg10[%get3A_449] {strides = array<i32>} : memref<1024xf32, #tpu.memory_space<vmem>>, vector<16xf32>,
    %add3A_451 = arith.addf %add3A_439, %get3A_450 : vector<16xf32>
    %get3A_452 = arith.constant 624 : index
    %get3A_453 = tpu.vector_load %arg10[%get3A_452] {strides = array<i32>} : memref<1024xf32, #tpu.memory_space<vmem>>, vector<16xf32>,
    %add3A_454 = arith.addf %add3A_442, %get3A_453 : vector<16xf32>
    %get3A_455 = arith.constant 640 : index
    %get3A_456 = tpu.vector_load %arg10[%get3A_455] {strides = array<i32>} : memref<1024xf32, #tpu.memory_space<vmem>>, vector<16xf32>,
    %add3A_457 = arith.addf %add3A_445, %get3A_456 : vector<16xf32>
    %get3A_458 = arith.constant 656 : index
    %get3A_459 = tpu.vector_load %arg10[%get3A_458] {strides = array<i32>} : memref<1024xf32, #tpu.memory_space<vmem>>, vector<16xf32>,
    %add3A_460 = arith.addf %add3A_448, %get3A_459 : vector<16xf32>
    %get3A_461 = arith.constant 672 : index
    %get3A_462 = tpu.vector_load %arg10[%get3A_461] {strides = array<i32>} : memref<1024xf32, #tpu.memory_space<vmem>>, vector<16xf32>,
    %add3A_463 = arith.addf %add3A_451, %get3A_462 : vector<16xf32>
    %get3A_464 = arith.constant 688 : index
    %get3A_465 = tpu.vector_load %arg10[%get3A_464] {strides = array<i32>} : memref<1024xf32, #tpu.memory_space<vmem>>, vector<16xf32>,
    %add3A_466 = arith.addf %add3A_454, %get3A_465 : vector<16xf32>
    %get3A_467 = arith.constant 704 : index
    %get3A_468 = tpu.vector_load %arg10[%get3A_467] {strides = array<i32>} : memref<1024xf32, #tpu.memory_space<vmem>>, vector<16xf32>,
    %add3A_469 = arith.addf %add3A_457, %get3A_468 : vector<16xf32>
    %get3A_470 = arith.constant 720 : index
    %get3A_471 = tpu.vector_load %arg10[%get3A_470] {strides = array<i32>} : memref<1024xf32, #tpu.memory_space<vmem>>, vector<16xf32>,
    %add3A_472 = arith.addf %add3A_460, %get3A_471 : vector<16xf32>
    %get3A_473 = arith.constant 736 : index
    %get3A_474 = tpu.vector_load %arg10[%get3A_473] {strides = array<i32>} : memref<1024xf32, #tpu.memory_space<vmem>>, vector<16xf32>,
    %add3A_475 = arith.addf %add3A_463, %get3A_474 : vector<16xf32>
    %get3A_476 = arith.constant 752 : index
    %get3A_477 = tpu.vector_load %arg10[%get3A_476] {strides = array<i32>} : memref<1024xf32, #tpu.memory_space<vmem>>, vector<16xf32>,
    %add3A_478 = arith.addf %add3A_466, %get3A_477 : vector<16xf32>
    %get3A_479 = arith.constant 768 : index
    %get3A_480 = tpu.vector_load %arg10[%get3A_479] {strides = array<i32>} : memref<1024xf32, #tpu.memory_space<vmem>>, vector<16xf32>,
    %add3A_481 = arith.addf %add3A_469, %get3A_480 : vector<16xf32>
    %get3A_482 = arith.constant 784 : index
    %get3A_483 = tpu.vector_load %arg10[%get3A_482] {strides = array<i32>} : memref<1024xf32, #tpu.memory_space<vmem>>, vector<16xf32>,
    %add3A_484 = arith.addf %add3A_472, %get3A_483 : vector<16xf32>
    %get3A_485 = arith.constant 800 : index
    %get3A_486 = tpu.vector_load %arg10[%get3A_485] {strides = array<i32>} : memref<1024xf32, #tpu.memory_space<vmem>>, vector<16xf32>,
    %add3A_487 = arith.addf %add3A_475, %get3A_486 : vector<16xf32>
    %get3A_488 = arith.constant 816 : index
    %get3A_489 = tpu.vector_load %arg10[%get3A_488] {strides = array<i32>} : memref<1024xf32, #tpu.memory_space<vmem>>, vector<16xf32>,
    %add3A_490 = arith.addf %add3A_478, %get3A_489 : vector<16xf32>
    %get3A_491 = arith.constant 832 : index
    %get3A_492 = tpu.vector_load %arg10[%get3A_491] {strides = array<i32>} : memref<1024xf32, #tpu.memory_space<vmem>>, vector<16xf32>,
    %add3A_493 = arith.addf %add3A_481, %get3A_492 : vector<16xf32>
    %get3A_494 = arith.constant 848 : index
    %get3A_495 = tpu.vector_load %arg10[%get3A_494] {strides = array<i32>} : memref<1024xf32, #tpu.memory_space<vmem>>, vector<16xf32>,
    %add3A_496 = arith.addf %add3A_484, %get3A_495 : vector<16xf32>
    %get3A_497 = arith.constant 864 : index
    %get3A_498 = tpu.vector_load %arg10[%get3A_497] {strides = array<i32>} : memref<1024xf32, #tpu.memory_space<vmem>>, vector<16xf32>,
    %add3A_499 = arith.addf %add3A_487, %get3A_498 : vector<16xf32>
    %get3A_500 = arith.constant 880 : index
    %get3A_501 = tpu.vector_load %arg10[%get3A_500] {strides = array<i32>} : memref<1024xf32, #tpu.memory_space<vmem>>, vector<16xf32>,
    %add3A_502 = arith.addf %add3A_490, %get3A_501 : vector<16xf32>
    %get3A_503 = arith.constant 896 : index
    %get3A_504 = tpu.vector_load %arg10[%get3A_503] {strides = array<i32>} : memref<1024xf32, #tpu.memory_space<vmem>>, vector<16xf32>,
    %add3A_505 = arith.addf %add3A_493, %get3A_504 : vector<16xf32>
    %get3A_506 = arith.constant 912 : index
    %get3A_507 = tpu.vector_load %arg10[%get3A_506] {strides = array<i32>} : memref<1024xf32, #tpu.memory_space<vmem>>, vector<16xf32>,
    %add3A_508 = arith.addf %add3A_496, %get3A_507 : vector<16xf32>
    %get3A_509 = arith.constant 928 : index
    %get3A_510 = tpu.vector_load %arg10[%get3A_509] {strides = array<i32>} : memref<1024xf32, #tpu.memory_space<vmem>>, vector<16xf32>,
    %add3A_511 = arith.addf %add3A_499, %get3A_510 : vector<16xf32>
    %get3A_512 = arith.constant 944 : index
    %get3A_513 = tpu.vector_load %arg10[%get3A_512] {strides = array<i32>} : memref<1024xf32, #tpu.memory_space<vmem>>, vector<16xf32>,
    %add3A_514 = arith.addf %add3A_502, %get3A_513 : vector<16xf32>
    %get3A_515 = arith.constant 960 : index
    %get3A_516 = tpu.vector_load %arg10[%get3A_515] {strides = array<i32>} : memref<1024xf32, #tpu.memory_space<vmem>>, vector<16xf32>,
    %add3A_517 = arith.addf %add3A_505, %get3A_516 : vector<16xf32>
    %get3A_518 = arith.constant 976 : index
    %get3A_519 = tpu.vector_load %arg10[%get3A_518] {strides = array<i32>} : memref<1024xf32, #tpu.memory_space<vmem>>, vector<16xf32>,
    %add3A_520 = arith.addf %add3A_508, %get3A_519 : vector<16xf32>
    %get3A_521 = arith.constant 992 : index
    %get3A_522 = tpu.vector_load %arg10[%get3A_521] {strides = array<i32>} : memref<1024xf32, #tpu.memory_space<vmem>>, vector<16xf32>,
    %add3A_523 = arith.addf %add3A_511, %get3A_522 : vector<16xf32>
    %get3A_524 = arith.constant 1008 : index
    %get3A_525 = tpu.vector_load %arg10[%get3A_524] {strides = array<i32>} : memref<1024xf32, #tpu.memory_space<vmem>>, vector<16xf32>,
    %add3A_526 = arith.addf %add3A_514, %get3A_525 : vector<16xf32>
    %swap3A_527 = arith.constant 0 : index
    %swap3A_528 = tpu.vector_load %arg10[%swap3A_527] {strides = array<i32>} : memref<1024xf32, #tpu.memory_space<vmem>>, vector<16xf32>,
    tpu.vector_store %arg10[%swap3A_527], %add3A_517 {strides = array<i32>} : memref<1024xf32, #tpu.memory_space<vmem>>, vector<16xf32>,
    %swap3A_529 = arith.constant 16 : index
    %swap3A_530 = tpu.vector_load %arg10[%swap3A_529] {strides = array<i32>} : memref<1024xf32, #tpu.memory_space<vmem>>, vector<16xf32>,
    tpu.vector_store %arg10[%swap3A_529], %add3A_520 {strides = array<i32>} : memref<1024xf32, #tpu.memory_space<vmem>>, vector<16xf32>,
    %swap3A_531 = arith.constant 32 : index
    %swap3A_532 = tpu.vector_load %arg10[%swap3A_531] {strides = array<i32>} : memref<1024xf32, #tpu.memory_space<vmem>>, vector<16xf32>,
    tpu.vector_store %arg10[%swap3A_531], %add3A_523 {strides = array<i32>} : memref<1024xf32, #tpu.memory_space<vmem>>, vector<16xf32>,
    %swap3A_533 = arith.constant 48 : index
    %swap3A_534 = tpu.vector_load %arg10[%swap3A_533] {strides = array<i32>} : memref<1024xf32, #tpu.memory_space<vmem>>, vector<16xf32>,
    tpu.vector_store %arg10[%swap3A_533], %add3A_526 {strides = array<i32>} : memref<1024xf32, #tpu.memory_space<vmem>>, vector<16xf32>,
    %mul3A_535 = arith.constant 64 : i32
    %mul3A_536 = arith.muli %arg1, %mul3A_535 : i32
    "tpu.region"() ({
      %run_scoped3A_540 = tpu.sem_alloc : memref<!tpu.dma_semaphore, #tpu.memory_space<semaphore_mem>>
      %dma_start3A_541 = arith.constant 0 : i32
      %dma_start3A_542 = tpu.memref_slice %arg10[%dma_start3A_541] : memref<1024xf32, #tpu.memory_space<vmem>> -> memref<64xf32, #tpu.memory_space<vmem>>
      %dma_start3A_543 = tpu.memref_slice %arg17[%mul3A_536] : memref<1024xf32, #tpu.memory_space<vmem_shared>> -> memref<64xf32, #tpu.memory_space<vmem_shared>>
      %dma_start3A_544 = tpu.memref_slice %arg17[%mul3A_536] : memref<1024xf32, #tpu.memory_space<vmem_shared>> -> memref<64xf32, #tpu.memory_space<vmem_shared>>
      %dma_start3A_545 = arith.constant 0 : i32
      %dma_start3A_546 = tpu.memref_slice %arg10[%dma_start3A_545] : memref<1024xf32, #tpu.memory_space<vmem>> -> memref<64xf32, #tpu.memory_space<vmem>>
      tpu.enqueue_dma source(%dma_start3A_546 : memref<64xf32, #tpu.memory_space<vmem>>) target(%dma_start3A_544 : memref<64xf32, #tpu.memory_space<vmem_shared>>) target_semaphore(%run_scoped3A_540 : memref<!tpu.dma_semaphore, #tpu.memory_space<semaphore_mem>>)
      %dma_wait3A_547 = arith.constant 0 : i32
      %dma_wait3A_548 = tpu.memref_slice %arg10[%dma_wait3A_547] : memref<1024xf32, #tpu.memory_space<vmem>> -> memref<64xf32, #tpu.memory_space<vmem>>
      %dma_wait3A_549 = tpu.memref_slice %arg17[%mul3A_536] : memref<1024xf32, #tpu.memory_space<vmem_shared>> -> memref<64xf32, #tpu.memory_space<vmem_shared>>
      %dma_wait3A_550 = tpu.memref_slice %arg17[%mul3A_536] : memref<1024xf32, #tpu.memory_space<vmem_shared>> -> memref<64xf32, #tpu.memory_space<vmem_shared>>
      %dma_wait3A_551 = arith.constant 0 : i32
      %dma_wait3A_552 = tpu.memref_slice %arg10[%dma_wait3A_551] : memref<1024xf32, #tpu.memory_space<vmem>> -> memref<64xf32, #tpu.memory_space<vmem>>
      tpu.wait_dma2 semaphore(%run_scoped3A_540 : memref<!tpu.dma_semaphore, #tpu.memory_space<semaphore_mem>>) src(%dma_wait3A_552 : memref<64xf32, #tpu.memory_space<vmem>>) dst(%dma_wait3A_550 : memref<64xf32, #tpu.memory_space<vmem_shared>>)
      tpu.yield
    }) : () -> ()
    %barrier3A_537 = arith.constant 0 : index
    tpu.barrier barrier_id(%barrier3A_537)
    %eq3A = arith.constant 0 : i32
    %eq3A_538 = arith.cmpi eq, %arg1, %eq3A : i32
    %convert_element_type3A = arith.extui %eq3A_538 : i1 to i32
    %cond3A = arith.constant 0 : i32
    %cond3A_539 = arith.cmpi ne, %convert_element_type3A, %cond3A : i32
    scf.if %cond3A_539 {
      "tpu.region"() ({
        %run_scoped3A_1554 = tpu.sem_alloc : memref<!tpu.dma_semaphore, #tpu.memory_space<semaphore_mem>>
        tpu.enqueue_dma source(%arg5 : memref<64xf32, #tpu.memory_space<hbm>>) target(%arg13 : memref<64xf32, #tpu.memory_space<vmem>>) target_semaphore(%run_scoped3A_1554 : memref<!tpu.dma_semaphore, #tpu.memory_space<semaphore_mem>>)
        tpu.wait_dma2 semaphore(%run_scoped3A_1554 : memref<!tpu.dma_semaphore, #tpu.memory_space<semaphore_mem>>) src(%arg5 : memref<64xf32, #tpu.memory_space<hbm>>) dst(%arg13 : memref<64xf32, #tpu.memory_space<vmem>>)
        tpu.yield
      }) : () -> ()
      "tpu.region"() ({
        %run_scoped3A_1554 = tpu.sem_alloc : memref<!tpu.dma_semaphore, #tpu.memory_space<semaphore_mem>>
        tpu.enqueue_dma source(%arg4 : memref<1024xf32, #tpu.memory_space<hbm>>) target(%arg11 : memref<1024xf32, #tpu.memory_space<vmem>>) target_semaphore(%run_scoped3A_1554 : memref<!tpu.dma_semaphore, #tpu.memory_space<semaphore_mem>>)
        tpu.wait_dma2 semaphore(%run_scoped3A_1554 : memref<!tpu.dma_semaphore, #tpu.memory_space<semaphore_mem>>) src(%arg4 : memref<1024xf32, #tpu.memory_space<hbm>>) dst(%arg11 : memref<1024xf32, #tpu.memory_space<vmem>>)
        tpu.yield
      }) : () -> ()
      "tpu.region"() ({
        %run_scoped3A_1554 = tpu.sem_alloc : memref<!tpu.dma_semaphore, #tpu.memory_space<semaphore_mem>>
        tpu.enqueue_dma source(%arg17 : memref<1024xf32, #tpu.memory_space<vmem_shared>>) target(%arg12 : memref<1024xf32, #tpu.memory_space<vmem>>) target_semaphore(%run_scoped3A_1554 : memref<!tpu.dma_semaphore, #tpu.memory_space<semaphore_mem>>)
        tpu.wait_dma2 semaphore(%run_scoped3A_1554 : memref<!tpu.dma_semaphore, #tpu.memory_space<semaphore_mem>>) src(%arg17 : memref<1024xf32, #tpu.memory_space<vmem_shared>>) dst(%arg12 : memref<1024xf32, #tpu.memory_space<vmem>>)
        tpu.yield
      }) : () -> ()
      %broadcast_in_dim3A_540 = arith.constant 0.000000e+00 : f32
      %broadcast_in_dim3A_541 = vector.broadcast %broadcast_in_dim3A_540 : f32 to vector<16xf32>
      %broadcast_in_dim3A_542 = arith.constant 0.000000e+00 : f32
      %broadcast_in_dim3A_543 = vector.broadcast %broadcast_in_dim3A_542 : f32 to vector<16xf32>
      %get3A_544 = arith.constant 0 : index
      %get3A_545 = tpu.vector_load %arg11[%get3A_544] {strides = array<i32>} : memref<1024xf32, #tpu.memory_space<vmem>>, vector<16xf32>,
      %reduce_sum3A = arith.constant true
      %reduce_sum3A_546 = vector.broadcast %reduce_sum3A : i1 to vector<16xi1>
      %reduce_sum3A_547 = tpu.scan <sum>, %get3A_545 masked %reduce_sum3A_546 : vector<16xf32>, vector<16xi1> -> vector<16xf32>
      %reduce_sum3A_548 = vector.extract %reduce_sum3A_547[15] : f32 from vector<16xf32>
      %broadcast_in_dim3A_549 = vector.broadcast %reduce_sum3A_548 : f32 to vector<16xf32>
      %eq3A_550 = arith.constant 0 : i32
      %eq3A_551 = vector.broadcast %eq3A_550 : i32 to vector<16xi32>
      %eq3A_552 = arith.cmpi eq, %iota3A, %eq3A_551 : vector<16xi32>
      %select_n3A = arith.select %eq3A_552, %broadcast_in_dim3A_549, %broadcast_in_dim3A_541 : vector<16xi1>, vector<16xf32>
      %get3A_553 = arith.constant 16 : index
      %get3A_554 = tpu.vector_load %arg11[%get3A_553] {strides = array<i32>} : memref<1024xf32, #tpu.memory_space<vmem>>, vector<16xf32>,
      %reduce_sum3A_555 = arith.constant true
      %reduce_sum3A_556 = vector.broadcast %reduce_sum3A_555 : i1 to vector<16xi1>
      %reduce_sum3A_557 = tpu.scan <sum>, %get3A_554 masked %reduce_sum3A_556 : vector<16xf32>, vector<16xi1> -> vector<16xf32>
      %reduce_sum3A_558 = vector.extract %reduce_sum3A_557[15] : f32 from vector<16xf32>
      %broadcast_in_dim3A_559 = vector.broadcast %reduce_sum3A_558 : f32 to vector<16xf32>
      %eq3A_560 = arith.constant 1 : i32
      %eq3A_561 = vector.broadcast %eq3A_560 : i32 to vector<16xi32>
      %eq3A_562 = arith.cmpi eq, %iota3A, %eq3A_561 : vector<16xi32>
      %select_n3A_563 = arith.select %eq3A_562, %broadcast_in_dim3A_559, %select_n3A : vector<16xi1>, vector<16xf32>
      %get3A_564 = arith.constant 32 : index
      %get3A_565 = tpu.vector_load %arg11[%get3A_564] {strides = array<i32>} : memref<1024xf32, #tpu.memory_space<vmem>>, vector<16xf32>,
      %reduce_sum3A_566 = arith.constant true
      %reduce_sum3A_567 = vector.broadcast %reduce_sum3A_566 : i1 to vector<16xi1>
      %reduce_sum3A_568 = tpu.scan <sum>, %get3A_565 masked %reduce_sum3A_567 : vector<16xf32>, vector<16xi1> -> vector<16xf32>
      %reduce_sum3A_569 = vector.extract %reduce_sum3A_568[15] : f32 from vector<16xf32>
      %broadcast_in_dim3A_570 = vector.broadcast %reduce_sum3A_569 : f32 to vector<16xf32>
      %eq3A_571 = arith.constant 2 : i32
      %eq3A_572 = vector.broadcast %eq3A_571 : i32 to vector<16xi32>
      %eq3A_573 = arith.cmpi eq, %iota3A, %eq3A_572 : vector<16xi32>
      %select_n3A_574 = arith.select %eq3A_573, %broadcast_in_dim3A_570, %select_n3A_563 : vector<16xi1>, vector<16xf32>
      %get3A_575 = arith.constant 48 : index
      %get3A_576 = tpu.vector_load %arg11[%get3A_575] {strides = array<i32>} : memref<1024xf32, #tpu.memory_space<vmem>>, vector<16xf32>,
      %reduce_sum3A_577 = arith.constant true
      %reduce_sum3A_578 = vector.broadcast %reduce_sum3A_577 : i1 to vector<16xi1>
      %reduce_sum3A_579 = tpu.scan <sum>, %get3A_576 masked %reduce_sum3A_578 : vector<16xf32>, vector<16xi1> -> vector<16xf32>
      %reduce_sum3A_580 = vector.extract %reduce_sum3A_579[15] : f32 from vector<16xf32>
      %broadcast_in_dim3A_581 = vector.broadcast %reduce_sum3A_580 : f32 to vector<16xf32>
      %eq3A_582 = arith.constant 3 : i32
      %eq3A_583 = vector.broadcast %eq3A_582 : i32 to vector<16xi32>
      %eq3A_584 = arith.cmpi eq, %iota3A, %eq3A_583 : vector<16xi32>
      %select_n3A_585 = arith.select %eq3A_584, %broadcast_in_dim3A_581, %select_n3A_574 : vector<16xi1>, vector<16xf32>
      %get3A_586 = arith.constant 64 : index
      %get3A_587 = tpu.vector_load %arg11[%get3A_586] {strides = array<i32>} : memref<1024xf32, #tpu.memory_space<vmem>>, vector<16xf32>,
      %reduce_sum3A_588 = arith.constant true
      %reduce_sum3A_589 = vector.broadcast %reduce_sum3A_588 : i1 to vector<16xi1>
      %reduce_sum3A_590 = tpu.scan <sum>, %get3A_587 masked %reduce_sum3A_589 : vector<16xf32>, vector<16xi1> -> vector<16xf32>
      %reduce_sum3A_591 = vector.extract %reduce_sum3A_590[15] : f32 from vector<16xf32>
      %broadcast_in_dim3A_592 = vector.broadcast %reduce_sum3A_591 : f32 to vector<16xf32>
      %eq3A_593 = arith.constant 4 : i32
      %eq3A_594 = vector.broadcast %eq3A_593 : i32 to vector<16xi32>
      %eq3A_595 = arith.cmpi eq, %iota3A, %eq3A_594 : vector<16xi32>
      %select_n3A_596 = arith.select %eq3A_595, %broadcast_in_dim3A_592, %select_n3A_585 : vector<16xi1>, vector<16xf32>
      %get3A_597 = arith.constant 80 : index
      %get3A_598 = tpu.vector_load %arg11[%get3A_597] {strides = array<i32>} : memref<1024xf32, #tpu.memory_space<vmem>>, vector<16xf32>,
      %reduce_sum3A_599 = arith.constant true
      %reduce_sum3A_600 = vector.broadcast %reduce_sum3A_599 : i1 to vector<16xi1>
      %reduce_sum3A_601 = tpu.scan <sum>, %get3A_598 masked %reduce_sum3A_600 : vector<16xf32>, vector<16xi1> -> vector<16xf32>
      %reduce_sum3A_602 = vector.extract %reduce_sum3A_601[15] : f32 from vector<16xf32>
      %broadcast_in_dim3A_603 = vector.broadcast %reduce_sum3A_602 : f32 to vector<16xf32>
      %eq3A_604 = arith.constant 5 : i32
      %eq3A_605 = vector.broadcast %eq3A_604 : i32 to vector<16xi32>
      %eq3A_606 = arith.cmpi eq, %iota3A, %eq3A_605 : vector<16xi32>
      %select_n3A_607 = arith.select %eq3A_606, %broadcast_in_dim3A_603, %select_n3A_596 : vector<16xi1>, vector<16xf32>
      %get3A_608 = arith.constant 96 : index
      %get3A_609 = tpu.vector_load %arg11[%get3A_608] {strides = array<i32>} : memref<1024xf32, #tpu.memory_space<vmem>>, vector<16xf32>,
      %reduce_sum3A_610 = arith.constant true
      %reduce_sum3A_611 = vector.broadcast %reduce_sum3A_610 : i1 to vector<16xi1>
      %reduce_sum3A_612 = tpu.scan <sum>, %get3A_609 masked %reduce_sum3A_611 : vector<16xf32>, vector<16xi1> -> vector<16xf32>
      %reduce_sum3A_613 = vector.extract %reduce_sum3A_612[15] : f32 from vector<16xf32>
      %broadcast_in_dim3A_614 = vector.broadcast %reduce_sum3A_613 : f32 to vector<16xf32>
      %eq3A_615 = arith.constant 6 : i32
      %eq3A_616 = vector.broadcast %eq3A_615 : i32 to vector<16xi32>
      %eq3A_617 = arith.cmpi eq, %iota3A, %eq3A_616 : vector<16xi32>
      %select_n3A_618 = arith.select %eq3A_617, %broadcast_in_dim3A_614, %select_n3A_607 : vector<16xi1>, vector<16xf32>
      %get3A_619 = arith.constant 112 : index
      %get3A_620 = tpu.vector_load %arg11[%get3A_619] {strides = array<i32>} : memref<1024xf32, #tpu.memory_space<vmem>>, vector<16xf32>,
      %reduce_sum3A_621 = arith.constant true
      %reduce_sum3A_622 = vector.broadcast %reduce_sum3A_621 : i1 to vector<16xi1>
      %reduce_sum3A_623 = tpu.scan <sum>, %get3A_620 masked %reduce_sum3A_622 : vector<16xf32>, vector<16xi1> -> vector<16xf32>
      %reduce_sum3A_624 = vector.extract %reduce_sum3A_623[15] : f32 from vector<16xf32>
      %broadcast_in_dim3A_625 = vector.broadcast %reduce_sum3A_624 : f32 to vector<16xf32>
      %eq3A_626 = arith.constant 7 : i32
      %eq3A_627 = vector.broadcast %eq3A_626 : i32 to vector<16xi32>
      %eq3A_628 = arith.cmpi eq, %iota3A, %eq3A_627 : vector<16xi32>
      %select_n3A_629 = arith.select %eq3A_628, %broadcast_in_dim3A_625, %select_n3A_618 : vector<16xi1>, vector<16xf32>
      %get3A_630 = arith.constant 128 : index
      %get3A_631 = tpu.vector_load %arg11[%get3A_630] {strides = array<i32>} : memref<1024xf32, #tpu.memory_space<vmem>>, vector<16xf32>,
      %reduce_sum3A_632 = arith.constant true
      %reduce_sum3A_633 = vector.broadcast %reduce_sum3A_632 : i1 to vector<16xi1>
      %reduce_sum3A_634 = tpu.scan <sum>, %get3A_631 masked %reduce_sum3A_633 : vector<16xf32>, vector<16xi1> -> vector<16xf32>
      %reduce_sum3A_635 = vector.extract %reduce_sum3A_634[15] : f32 from vector<16xf32>
      %broadcast_in_dim3A_636 = vector.broadcast %reduce_sum3A_635 : f32 to vector<16xf32>
      %eq3A_637 = arith.constant 8 : i32
      %eq3A_638 = vector.broadcast %eq3A_637 : i32 to vector<16xi32>
      %eq3A_639 = arith.cmpi eq, %iota3A, %eq3A_638 : vector<16xi32>
      %select_n3A_640 = arith.select %eq3A_639, %broadcast_in_dim3A_636, %select_n3A_629 : vector<16xi1>, vector<16xf32>
      %get3A_641 = arith.constant 144 : index
      %get3A_642 = tpu.vector_load %arg11[%get3A_641] {strides = array<i32>} : memref<1024xf32, #tpu.memory_space<vmem>>, vector<16xf32>,
      %reduce_sum3A_643 = arith.constant true
      %reduce_sum3A_644 = vector.broadcast %reduce_sum3A_643 : i1 to vector<16xi1>
      %reduce_sum3A_645 = tpu.scan <sum>, %get3A_642 masked %reduce_sum3A_644 : vector<16xf32>, vector<16xi1> -> vector<16xf32>
      %reduce_sum3A_646 = vector.extract %reduce_sum3A_645[15] : f32 from vector<16xf32>
      %broadcast_in_dim3A_647 = vector.broadcast %reduce_sum3A_646 : f32 to vector<16xf32>
      %eq3A_648 = arith.constant 9 : i32
      %eq3A_649 = vector.broadcast %eq3A_648 : i32 to vector<16xi32>
      %eq3A_650 = arith.cmpi eq, %iota3A, %eq3A_649 : vector<16xi32>
      %select_n3A_651 = arith.select %eq3A_650, %broadcast_in_dim3A_647, %select_n3A_640 : vector<16xi1>, vector<16xf32>
      %get3A_652 = arith.constant 160 : index
      %get3A_653 = tpu.vector_load %arg11[%get3A_652] {strides = array<i32>} : memref<1024xf32, #tpu.memory_space<vmem>>, vector<16xf32>,
      %reduce_sum3A_654 = arith.constant true
      %reduce_sum3A_655 = vector.broadcast %reduce_sum3A_654 : i1 to vector<16xi1>
      %reduce_sum3A_656 = tpu.scan <sum>, %get3A_653 masked %reduce_sum3A_655 : vector<16xf32>, vector<16xi1> -> vector<16xf32>
      %reduce_sum3A_657 = vector.extract %reduce_sum3A_656[15] : f32 from vector<16xf32>
      %broadcast_in_dim3A_658 = vector.broadcast %reduce_sum3A_657 : f32 to vector<16xf32>
      %eq3A_659 = arith.constant 10 : i32
      %eq3A_660 = vector.broadcast %eq3A_659 : i32 to vector<16xi32>
      %eq3A_661 = arith.cmpi eq, %iota3A, %eq3A_660 : vector<16xi32>
      %select_n3A_662 = arith.select %eq3A_661, %broadcast_in_dim3A_658, %select_n3A_651 : vector<16xi1>, vector<16xf32>
      %get3A_663 = arith.constant 176 : index
      %get3A_664 = tpu.vector_load %arg11[%get3A_663] {strides = array<i32>} : memref<1024xf32, #tpu.memory_space<vmem>>, vector<16xf32>,
      %reduce_sum3A_665 = arith.constant true
      %reduce_sum3A_666 = vector.broadcast %reduce_sum3A_665 : i1 to vector<16xi1>
      %reduce_sum3A_667 = tpu.scan <sum>, %get3A_664 masked %reduce_sum3A_666 : vector<16xf32>, vector<16xi1> -> vector<16xf32>
      %reduce_sum3A_668 = vector.extract %reduce_sum3A_667[15] : f32 from vector<16xf32>
      %broadcast_in_dim3A_669 = vector.broadcast %reduce_sum3A_668 : f32 to vector<16xf32>
      %eq3A_670 = arith.constant 11 : i32
      %eq3A_671 = vector.broadcast %eq3A_670 : i32 to vector<16xi32>
      %eq3A_672 = arith.cmpi eq, %iota3A, %eq3A_671 : vector<16xi32>
      %select_n3A_673 = arith.select %eq3A_672, %broadcast_in_dim3A_669, %select_n3A_662 : vector<16xi1>, vector<16xf32>
      %get3A_674 = arith.constant 192 : index
      %get3A_675 = tpu.vector_load %arg11[%get3A_674] {strides = array<i32>} : memref<1024xf32, #tpu.memory_space<vmem>>, vector<16xf32>,
      %reduce_sum3A_676 = arith.constant true
      %reduce_sum3A_677 = vector.broadcast %reduce_sum3A_676 : i1 to vector<16xi1>
      %reduce_sum3A_678 = tpu.scan <sum>, %get3A_675 masked %reduce_sum3A_677 : vector<16xf32>, vector<16xi1> -> vector<16xf32>
      %reduce_sum3A_679 = vector.extract %reduce_sum3A_678[15] : f32 from vector<16xf32>
      %broadcast_in_dim3A_680 = vector.broadcast %reduce_sum3A_679 : f32 to vector<16xf32>
      %eq3A_681 = arith.constant 12 : i32
      %eq3A_682 = vector.broadcast %eq3A_681 : i32 to vector<16xi32>
      %eq3A_683 = arith.cmpi eq, %iota3A, %eq3A_682 : vector<16xi32>
      %select_n3A_684 = arith.select %eq3A_683, %broadcast_in_dim3A_680, %select_n3A_673 : vector<16xi1>, vector<16xf32>
      %get3A_685 = arith.constant 208 : index
      %get3A_686 = tpu.vector_load %arg11[%get3A_685] {strides = array<i32>} : memref<1024xf32, #tpu.memory_space<vmem>>, vector<16xf32>,
      %reduce_sum3A_687 = arith.constant true
      %reduce_sum3A_688 = vector.broadcast %reduce_sum3A_687 : i1 to vector<16xi1>
      %reduce_sum3A_689 = tpu.scan <sum>, %get3A_686 masked %reduce_sum3A_688 : vector<16xf32>, vector<16xi1> -> vector<16xf32>
      %reduce_sum3A_690 = vector.extract %reduce_sum3A_689[15] : f32 from vector<16xf32>
      %broadcast_in_dim3A_691 = vector.broadcast %reduce_sum3A_690 : f32 to vector<16xf32>
      %eq3A_692 = arith.constant 13 : i32
      %eq3A_693 = vector.broadcast %eq3A_692 : i32 to vector<16xi32>
      %eq3A_694 = arith.cmpi eq, %iota3A, %eq3A_693 : vector<16xi32>
      %select_n3A_695 = arith.select %eq3A_694, %broadcast_in_dim3A_691, %select_n3A_684 : vector<16xi1>, vector<16xf32>
      %get3A_696 = arith.constant 224 : index
      %get3A_697 = tpu.vector_load %arg11[%get3A_696] {strides = array<i32>} : memref<1024xf32, #tpu.memory_space<vmem>>, vector<16xf32>,
      %reduce_sum3A_698 = arith.constant true
      %reduce_sum3A_699 = vector.broadcast %reduce_sum3A_698 : i1 to vector<16xi1>
      %reduce_sum3A_700 = tpu.scan <sum>, %get3A_697 masked %reduce_sum3A_699 : vector<16xf32>, vector<16xi1> -> vector<16xf32>
      %reduce_sum3A_701 = vector.extract %reduce_sum3A_700[15] : f32 from vector<16xf32>
      %broadcast_in_dim3A_702 = vector.broadcast %reduce_sum3A_701 : f32 to vector<16xf32>
      %eq3A_703 = arith.constant 14 : i32
      %eq3A_704 = vector.broadcast %eq3A_703 : i32 to vector<16xi32>
      %eq3A_705 = arith.cmpi eq, %iota3A, %eq3A_704 : vector<16xi32>
      %select_n3A_706 = arith.select %eq3A_705, %broadcast_in_dim3A_702, %select_n3A_695 : vector<16xi1>, vector<16xf32>
      %get3A_707 = arith.constant 240 : index
      %get3A_708 = tpu.vector_load %arg11[%get3A_707] {strides = array<i32>} : memref<1024xf32, #tpu.memory_space<vmem>>, vector<16xf32>,
      %reduce_sum3A_709 = arith.constant true
      %reduce_sum3A_710 = vector.broadcast %reduce_sum3A_709 : i1 to vector<16xi1>
      %reduce_sum3A_711 = tpu.scan <sum>, %get3A_708 masked %reduce_sum3A_710 : vector<16xf32>, vector<16xi1> -> vector<16xf32>
      %reduce_sum3A_712 = vector.extract %reduce_sum3A_711[15] : f32 from vector<16xf32>
      %broadcast_in_dim3A_713 = vector.broadcast %reduce_sum3A_712 : f32 to vector<16xf32>
      %eq3A_714 = arith.constant 15 : i32
      %eq3A_715 = vector.broadcast %eq3A_714 : i32 to vector<16xi32>
      %eq3A_716 = arith.cmpi eq, %iota3A, %eq3A_715 : vector<16xi32>
      %select_n3A_717 = arith.select %eq3A_716, %broadcast_in_dim3A_713, %select_n3A_706 : vector<16xi1>, vector<16xf32>
      %get3A_718 = arith.constant 256 : index
      %get3A_719 = tpu.vector_load %arg11[%get3A_718] {strides = array<i32>} : memref<1024xf32, #tpu.memory_space<vmem>>, vector<16xf32>,
      %reduce_sum3A_720 = arith.constant true
      %reduce_sum3A_721 = vector.broadcast %reduce_sum3A_720 : i1 to vector<16xi1>
      %reduce_sum3A_722 = tpu.scan <sum>, %get3A_719 masked %reduce_sum3A_721 : vector<16xf32>, vector<16xi1> -> vector<16xf32>
      %reduce_sum3A_723 = vector.extract %reduce_sum3A_722[15] : f32 from vector<16xf32>
      %broadcast_in_dim3A_724 = vector.broadcast %reduce_sum3A_723 : f32 to vector<16xf32>
      %eq3A_725 = arith.constant 0 : i32
      %eq3A_726 = vector.broadcast %eq3A_725 : i32 to vector<16xi32>
      %eq3A_727 = arith.cmpi eq, %iota3A, %eq3A_726 : vector<16xi32>
      %select_n3A_728 = arith.select %eq3A_727, %broadcast_in_dim3A_724, %broadcast_in_dim3A_543 : vector<16xi1>, vector<16xf32>
      %get3A_729 = arith.constant 272 : index
      %get3A_730 = tpu.vector_load %arg11[%get3A_729] {strides = array<i32>} : memref<1024xf32, #tpu.memory_space<vmem>>, vector<16xf32>,
      %reduce_sum3A_731 = arith.constant true
      %reduce_sum3A_732 = vector.broadcast %reduce_sum3A_731 : i1 to vector<16xi1>
      %reduce_sum3A_733 = tpu.scan <sum>, %get3A_730 masked %reduce_sum3A_732 : vector<16xf32>, vector<16xi1> -> vector<16xf32>
      %reduce_sum3A_734 = vector.extract %reduce_sum3A_733[15] : f32 from vector<16xf32>
      %broadcast_in_dim3A_735 = vector.broadcast %reduce_sum3A_734 : f32 to vector<16xf32>
      %eq3A_736 = arith.constant 1 : i32
      %eq3A_737 = vector.broadcast %eq3A_736 : i32 to vector<16xi32>
      %eq3A_738 = arith.cmpi eq, %iota3A, %eq3A_737 : vector<16xi32>
      %select_n3A_739 = arith.select %eq3A_738, %broadcast_in_dim3A_735, %select_n3A_728 : vector<16xi1>, vector<16xf32>
      %get3A_740 = arith.constant 288 : index
      %get3A_741 = tpu.vector_load %arg11[%get3A_740] {strides = array<i32>} : memref<1024xf32, #tpu.memory_space<vmem>>, vector<16xf32>,
      %reduce_sum3A_742 = arith.constant true
      %reduce_sum3A_743 = vector.broadcast %reduce_sum3A_742 : i1 to vector<16xi1>
      %reduce_sum3A_744 = tpu.scan <sum>, %get3A_741 masked %reduce_sum3A_743 : vector<16xf32>, vector<16xi1> -> vector<16xf32>
      %reduce_sum3A_745 = vector.extract %reduce_sum3A_744[15] : f32 from vector<16xf32>
      %broadcast_in_dim3A_746 = vector.broadcast %reduce_sum3A_745 : f32 to vector<16xf32>
      %eq3A_747 = arith.constant 2 : i32
      %eq3A_748 = vector.broadcast %eq3A_747 : i32 to vector<16xi32>
      %eq3A_749 = arith.cmpi eq, %iota3A, %eq3A_748 : vector<16xi32>
      %select_n3A_750 = arith.select %eq3A_749, %broadcast_in_dim3A_746, %select_n3A_739 : vector<16xi1>, vector<16xf32>
      %get3A_751 = arith.constant 304 : index
      %get3A_752 = tpu.vector_load %arg11[%get3A_751] {strides = array<i32>} : memref<1024xf32, #tpu.memory_space<vmem>>, vector<16xf32>,
      %reduce_sum3A_753 = arith.constant true
      %reduce_sum3A_754 = vector.broadcast %reduce_sum3A_753 : i1 to vector<16xi1>
      %reduce_sum3A_755 = tpu.scan <sum>, %get3A_752 masked %reduce_sum3A_754 : vector<16xf32>, vector<16xi1> -> vector<16xf32>
      %reduce_sum3A_756 = vector.extract %reduce_sum3A_755[15] : f32 from vector<16xf32>
      %broadcast_in_dim3A_757 = vector.broadcast %reduce_sum3A_756 : f32 to vector<16xf32>
      %eq3A_758 = arith.constant 3 : i32
      %eq3A_759 = vector.broadcast %eq3A_758 : i32 to vector<16xi32>
      %eq3A_760 = arith.cmpi eq, %iota3A, %eq3A_759 : vector<16xi32>
      %select_n3A_761 = arith.select %eq3A_760, %broadcast_in_dim3A_757, %select_n3A_750 : vector<16xi1>, vector<16xf32>
      %get3A_762 = arith.constant 320 : index
      %get3A_763 = tpu.vector_load %arg11[%get3A_762] {strides = array<i32>} : memref<1024xf32, #tpu.memory_space<vmem>>, vector<16xf32>,
      %reduce_sum3A_764 = arith.constant true
      %reduce_sum3A_765 = vector.broadcast %reduce_sum3A_764 : i1 to vector<16xi1>
      %reduce_sum3A_766 = tpu.scan <sum>, %get3A_763 masked %reduce_sum3A_765 : vector<16xf32>, vector<16xi1> -> vector<16xf32>
      %reduce_sum3A_767 = vector.extract %reduce_sum3A_766[15] : f32 from vector<16xf32>
      %broadcast_in_dim3A_768 = vector.broadcast %reduce_sum3A_767 : f32 to vector<16xf32>
      %eq3A_769 = arith.constant 4 : i32
      %eq3A_770 = vector.broadcast %eq3A_769 : i32 to vector<16xi32>
      %eq3A_771 = arith.cmpi eq, %iota3A, %eq3A_770 : vector<16xi32>
      %select_n3A_772 = arith.select %eq3A_771, %broadcast_in_dim3A_768, %select_n3A_761 : vector<16xi1>, vector<16xf32>
      %broadcast_in_dim3A_773 = arith.constant 0.000000e+00 : f32
      %broadcast_in_dim3A_774 = vector.broadcast %broadcast_in_dim3A_773 : f32 to vector<16xf32>
      %broadcast_in_dim3A_775 = arith.constant 0.000000e+00 : f32
      %broadcast_in_dim3A_776 = vector.broadcast %broadcast_in_dim3A_775 : f32 to vector<16xf32>
      %get3A_777 = arith.constant 512 : index
      %get3A_778 = tpu.vector_load %arg11[%get3A_777] {strides = array<i32>} : memref<1024xf32, #tpu.memory_space<vmem>>, vector<16xf32>,
      %reduce_sum3A_779 = arith.constant true
      %reduce_sum3A_780 = vector.broadcast %reduce_sum3A_779 : i1 to vector<16xi1>
      %reduce_sum3A_781 = tpu.scan <sum>, %get3A_778 masked %reduce_sum3A_780 : vector<16xf32>, vector<16xi1> -> vector<16xf32>
      %reduce_sum3A_782 = vector.extract %reduce_sum3A_781[15] : f32 from vector<16xf32>
      %broadcast_in_dim3A_783 = vector.broadcast %reduce_sum3A_782 : f32 to vector<16xf32>
      %eq3A_784 = arith.constant 0 : i32
      %eq3A_785 = vector.broadcast %eq3A_784 : i32 to vector<16xi32>
      %eq3A_786 = arith.cmpi eq, %iota3A, %eq3A_785 : vector<16xi32>
      %select_n3A_787 = arith.select %eq3A_786, %broadcast_in_dim3A_783, %broadcast_in_dim3A_774 : vector<16xi1>, vector<16xf32>
      %get3A_788 = arith.constant 528 : index
      %get3A_789 = tpu.vector_load %arg11[%get3A_788] {strides = array<i32>} : memref<1024xf32, #tpu.memory_space<vmem>>, vector<16xf32>,
      %reduce_sum3A_790 = arith.constant true
      %reduce_sum3A_791 = vector.broadcast %reduce_sum3A_790 : i1 to vector<16xi1>
      %reduce_sum3A_792 = tpu.scan <sum>, %get3A_789 masked %reduce_sum3A_791 : vector<16xf32>, vector<16xi1> -> vector<16xf32>
      %reduce_sum3A_793 = vector.extract %reduce_sum3A_792[15] : f32 from vector<16xf32>
      %broadcast_in_dim3A_794 = vector.broadcast %reduce_sum3A_793 : f32 to vector<16xf32>
      %eq3A_795 = arith.constant 1 : i32
      %eq3A_796 = vector.broadcast %eq3A_795 : i32 to vector<16xi32>
      %eq3A_797 = arith.cmpi eq, %iota3A, %eq3A_796 : vector<16xi32>
      %select_n3A_798 = arith.select %eq3A_797, %broadcast_in_dim3A_794, %select_n3A_787 : vector<16xi1>, vector<16xf32>
      %get3A_799 = arith.constant 544 : index
      %get3A_800 = tpu.vector_load %arg11[%get3A_799] {strides = array<i32>} : memref<1024xf32, #tpu.memory_space<vmem>>, vector<16xf32>,
      %reduce_sum3A_801 = arith.constant true
      %reduce_sum3A_802 = vector.broadcast %reduce_sum3A_801 : i1 to vector<16xi1>
      %reduce_sum3A_803 = tpu.scan <sum>, %get3A_800 masked %reduce_sum3A_802 : vector<16xf32>, vector<16xi1> -> vector<16xf32>
      %reduce_sum3A_804 = vector.extract %reduce_sum3A_803[15] : f32 from vector<16xf32>
      %broadcast_in_dim3A_805 = vector.broadcast %reduce_sum3A_804 : f32 to vector<16xf32>
      %eq3A_806 = arith.constant 2 : i32
      %eq3A_807 = vector.broadcast %eq3A_806 : i32 to vector<16xi32>
      %eq3A_808 = arith.cmpi eq, %iota3A, %eq3A_807 : vector<16xi32>
      %select_n3A_809 = arith.select %eq3A_808, %broadcast_in_dim3A_805, %select_n3A_798 : vector<16xi1>, vector<16xf32>
      %get3A_810 = arith.constant 560 : index
      %get3A_811 = tpu.vector_load %arg11[%get3A_810] {strides = array<i32>} : memref<1024xf32, #tpu.memory_space<vmem>>, vector<16xf32>,
      %reduce_sum3A_812 = arith.constant true
      %reduce_sum3A_813 = vector.broadcast %reduce_sum3A_812 : i1 to vector<16xi1>
      %reduce_sum3A_814 = tpu.scan <sum>, %get3A_811 masked %reduce_sum3A_813 : vector<16xf32>, vector<16xi1> -> vector<16xf32>
      %reduce_sum3A_815 = vector.extract %reduce_sum3A_814[15] : f32 from vector<16xf32>
      %broadcast_in_dim3A_816 = vector.broadcast %reduce_sum3A_815 : f32 to vector<16xf32>
      %eq3A_817 = arith.constant 3 : i32
      %eq3A_818 = vector.broadcast %eq3A_817 : i32 to vector<16xi32>
      %eq3A_819 = arith.cmpi eq, %iota3A, %eq3A_818 : vector<16xi32>
      %select_n3A_820 = arith.select %eq3A_819, %broadcast_in_dim3A_816, %select_n3A_809 : vector<16xi1>, vector<16xf32>
      %get3A_821 = arith.constant 576 : index
      %get3A_822 = tpu.vector_load %arg11[%get3A_821] {strides = array<i32>} : memref<1024xf32, #tpu.memory_space<vmem>>, vector<16xf32>,
      %reduce_sum3A_823 = arith.constant true
      %reduce_sum3A_824 = vector.broadcast %reduce_sum3A_823 : i1 to vector<16xi1>
      %reduce_sum3A_825 = tpu.scan <sum>, %get3A_822 masked %reduce_sum3A_824 : vector<16xf32>, vector<16xi1> -> vector<16xf32>
      %reduce_sum3A_826 = vector.extract %reduce_sum3A_825[15] : f32 from vector<16xf32>
      %broadcast_in_dim3A_827 = vector.broadcast %reduce_sum3A_826 : f32 to vector<16xf32>
      %eq3A_828 = arith.constant 4 : i32
      %eq3A_829 = vector.broadcast %eq3A_828 : i32 to vector<16xi32>
      %eq3A_830 = arith.cmpi eq, %iota3A, %eq3A_829 : vector<16xi32>
      %select_n3A_831 = arith.select %eq3A_830, %broadcast_in_dim3A_827, %select_n3A_820 : vector<16xi1>, vector<16xf32>
      %get3A_832 = arith.constant 592 : index
      %get3A_833 = tpu.vector_load %arg11[%get3A_832] {strides = array<i32>} : memref<1024xf32, #tpu.memory_space<vmem>>, vector<16xf32>,
      %reduce_sum3A_834 = arith.constant true
      %reduce_sum3A_835 = vector.broadcast %reduce_sum3A_834 : i1 to vector<16xi1>
      %reduce_sum3A_836 = tpu.scan <sum>, %get3A_833 masked %reduce_sum3A_835 : vector<16xf32>, vector<16xi1> -> vector<16xf32>
      %reduce_sum3A_837 = vector.extract %reduce_sum3A_836[15] : f32 from vector<16xf32>
      %broadcast_in_dim3A_838 = vector.broadcast %reduce_sum3A_837 : f32 to vector<16xf32>
      %eq3A_839 = arith.constant 5 : i32
      %eq3A_840 = vector.broadcast %eq3A_839 : i32 to vector<16xi32>
      %eq3A_841 = arith.cmpi eq, %iota3A, %eq3A_840 : vector<16xi32>
      %select_n3A_842 = arith.select %eq3A_841, %broadcast_in_dim3A_838, %select_n3A_831 : vector<16xi1>, vector<16xf32>
      %get3A_843 = arith.constant 608 : index
      %get3A_844 = tpu.vector_load %arg11[%get3A_843] {strides = array<i32>} : memref<1024xf32, #tpu.memory_space<vmem>>, vector<16xf32>,
      %reduce_sum3A_845 = arith.constant true
      %reduce_sum3A_846 = vector.broadcast %reduce_sum3A_845 : i1 to vector<16xi1>
      %reduce_sum3A_847 = tpu.scan <sum>, %get3A_844 masked %reduce_sum3A_846 : vector<16xf32>, vector<16xi1> -> vector<16xf32>
      %reduce_sum3A_848 = vector.extract %reduce_sum3A_847[15] : f32 from vector<16xf32>
      %broadcast_in_dim3A_849 = vector.broadcast %reduce_sum3A_848 : f32 to vector<16xf32>
      %eq3A_850 = arith.constant 6 : i32
      %eq3A_851 = vector.broadcast %eq3A_850 : i32 to vector<16xi32>
      %eq3A_852 = arith.cmpi eq, %iota3A, %eq3A_851 : vector<16xi32>
      %select_n3A_853 = arith.select %eq3A_852, %broadcast_in_dim3A_849, %select_n3A_842 : vector<16xi1>, vector<16xf32>
      %get3A_854 = arith.constant 624 : index
      %get3A_855 = tpu.vector_load %arg11[%get3A_854] {strides = array<i32>} : memref<1024xf32, #tpu.memory_space<vmem>>, vector<16xf32>,
      %reduce_sum3A_856 = arith.constant true
      %reduce_sum3A_857 = vector.broadcast %reduce_sum3A_856 : i1 to vector<16xi1>
      %reduce_sum3A_858 = tpu.scan <sum>, %get3A_855 masked %reduce_sum3A_857 : vector<16xf32>, vector<16xi1> -> vector<16xf32>
      %reduce_sum3A_859 = vector.extract %reduce_sum3A_858[15] : f32 from vector<16xf32>
      %broadcast_in_dim3A_860 = vector.broadcast %reduce_sum3A_859 : f32 to vector<16xf32>
      %eq3A_861 = arith.constant 7 : i32
      %eq3A_862 = vector.broadcast %eq3A_861 : i32 to vector<16xi32>
      %eq3A_863 = arith.cmpi eq, %iota3A, %eq3A_862 : vector<16xi32>
      %select_n3A_864 = arith.select %eq3A_863, %broadcast_in_dim3A_860, %select_n3A_853 : vector<16xi1>, vector<16xf32>
      %get3A_865 = arith.constant 640 : index
      %get3A_866 = tpu.vector_load %arg11[%get3A_865] {strides = array<i32>} : memref<1024xf32, #tpu.memory_space<vmem>>, vector<16xf32>,
      %reduce_sum3A_867 = arith.constant true
      %reduce_sum3A_868 = vector.broadcast %reduce_sum3A_867 : i1 to vector<16xi1>
      %reduce_sum3A_869 = tpu.scan <sum>, %get3A_866 masked %reduce_sum3A_868 : vector<16xf32>, vector<16xi1> -> vector<16xf32>
      %reduce_sum3A_870 = vector.extract %reduce_sum3A_869[15] : f32 from vector<16xf32>
      %broadcast_in_dim3A_871 = vector.broadcast %reduce_sum3A_870 : f32 to vector<16xf32>
      %eq3A_872 = arith.constant 8 : i32
      %eq3A_873 = vector.broadcast %eq3A_872 : i32 to vector<16xi32>
      %eq3A_874 = arith.cmpi eq, %iota3A, %eq3A_873 : vector<16xi32>
      %select_n3A_875 = arith.select %eq3A_874, %broadcast_in_dim3A_871, %select_n3A_864 : vector<16xi1>, vector<16xf32>
      %get3A_876 = arith.constant 656 : index
      %get3A_877 = tpu.vector_load %arg11[%get3A_876] {strides = array<i32>} : memref<1024xf32, #tpu.memory_space<vmem>>, vector<16xf32>,
      %reduce_sum3A_878 = arith.constant true
      %reduce_sum3A_879 = vector.broadcast %reduce_sum3A_878 : i1 to vector<16xi1>
      %reduce_sum3A_880 = tpu.scan <sum>, %get3A_877 masked %reduce_sum3A_879 : vector<16xf32>, vector<16xi1> -> vector<16xf32>
      %reduce_sum3A_881 = vector.extract %reduce_sum3A_880[15] : f32 from vector<16xf32>
      %broadcast_in_dim3A_882 = vector.broadcast %reduce_sum3A_881 : f32 to vector<16xf32>
      %eq3A_883 = arith.constant 9 : i32
      %eq3A_884 = vector.broadcast %eq3A_883 : i32 to vector<16xi32>
      %eq3A_885 = arith.cmpi eq, %iota3A, %eq3A_884 : vector<16xi32>
      %select_n3A_886 = arith.select %eq3A_885, %broadcast_in_dim3A_882, %select_n3A_875 : vector<16xi1>, vector<16xf32>
      %get3A_887 = arith.constant 672 : index
      %get3A_888 = tpu.vector_load %arg11[%get3A_887] {strides = array<i32>} : memref<1024xf32, #tpu.memory_space<vmem>>, vector<16xf32>,
      %reduce_sum3A_889 = arith.constant true
      %reduce_sum3A_890 = vector.broadcast %reduce_sum3A_889 : i1 to vector<16xi1>
      %reduce_sum3A_891 = tpu.scan <sum>, %get3A_888 masked %reduce_sum3A_890 : vector<16xf32>, vector<16xi1> -> vector<16xf32>
      %reduce_sum3A_892 = vector.extract %reduce_sum3A_891[15] : f32 from vector<16xf32>
      %broadcast_in_dim3A_893 = vector.broadcast %reduce_sum3A_892 : f32 to vector<16xf32>
      %eq3A_894 = arith.constant 10 : i32
      %eq3A_895 = vector.broadcast %eq3A_894 : i32 to vector<16xi32>
      %eq3A_896 = arith.cmpi eq, %iota3A, %eq3A_895 : vector<16xi32>
      %select_n3A_897 = arith.select %eq3A_896, %broadcast_in_dim3A_893, %select_n3A_886 : vector<16xi1>, vector<16xf32>
      %get3A_898 = arith.constant 688 : index
      %get3A_899 = tpu.vector_load %arg11[%get3A_898] {strides = array<i32>} : memref<1024xf32, #tpu.memory_space<vmem>>, vector<16xf32>,
      %reduce_sum3A_900 = arith.constant true
      %reduce_sum3A_901 = vector.broadcast %reduce_sum3A_900 : i1 to vector<16xi1>
      %reduce_sum3A_902 = tpu.scan <sum>, %get3A_899 masked %reduce_sum3A_901 : vector<16xf32>, vector<16xi1> -> vector<16xf32>
      %reduce_sum3A_903 = vector.extract %reduce_sum3A_902[15] : f32 from vector<16xf32>
      %broadcast_in_dim3A_904 = vector.broadcast %reduce_sum3A_903 : f32 to vector<16xf32>
      %eq3A_905 = arith.constant 11 : i32
      %eq3A_906 = vector.broadcast %eq3A_905 : i32 to vector<16xi32>
      %eq3A_907 = arith.cmpi eq, %iota3A, %eq3A_906 : vector<16xi32>
      %select_n3A_908 = arith.select %eq3A_907, %broadcast_in_dim3A_904, %select_n3A_897 : vector<16xi1>, vector<16xf32>
      %get3A_909 = arith.constant 704 : index
      %get3A_910 = tpu.vector_load %arg11[%get3A_909] {strides = array<i32>} : memref<1024xf32, #tpu.memory_space<vmem>>, vector<16xf32>,
      %reduce_sum3A_911 = arith.constant true
      %reduce_sum3A_912 = vector.broadcast %reduce_sum3A_911 : i1 to vector<16xi1>
      %reduce_sum3A_913 = tpu.scan <sum>, %get3A_910 masked %reduce_sum3A_912 : vector<16xf32>, vector<16xi1> -> vector<16xf32>
      %reduce_sum3A_914 = vector.extract %reduce_sum3A_913[15] : f32 from vector<16xf32>
      %broadcast_in_dim3A_915 = vector.broadcast %reduce_sum3A_914 : f32 to vector<16xf32>
      %eq3A_916 = arith.constant 12 : i32
      %eq3A_917 = vector.broadcast %eq3A_916 : i32 to vector<16xi32>
      %eq3A_918 = arith.cmpi eq, %iota3A, %eq3A_917 : vector<16xi32>
      %select_n3A_919 = arith.select %eq3A_918, %broadcast_in_dim3A_915, %select_n3A_908 : vector<16xi1>, vector<16xf32>
      %get3A_920 = arith.constant 720 : index
      %get3A_921 = tpu.vector_load %arg11[%get3A_920] {strides = array<i32>} : memref<1024xf32, #tpu.memory_space<vmem>>, vector<16xf32>,
      %reduce_sum3A_922 = arith.constant true
      %reduce_sum3A_923 = vector.broadcast %reduce_sum3A_922 : i1 to vector<16xi1>
      %reduce_sum3A_924 = tpu.scan <sum>, %get3A_921 masked %reduce_sum3A_923 : vector<16xf32>, vector<16xi1> -> vector<16xf32>
      %reduce_sum3A_925 = vector.extract %reduce_sum3A_924[15] : f32 from vector<16xf32>
      %broadcast_in_dim3A_926 = vector.broadcast %reduce_sum3A_925 : f32 to vector<16xf32>
      %eq3A_927 = arith.constant 13 : i32
      %eq3A_928 = vector.broadcast %eq3A_927 : i32 to vector<16xi32>
      %eq3A_929 = arith.cmpi eq, %iota3A, %eq3A_928 : vector<16xi32>
      %select_n3A_930 = arith.select %eq3A_929, %broadcast_in_dim3A_926, %select_n3A_919 : vector<16xi1>, vector<16xf32>
      %get3A_931 = arith.constant 736 : index
      %get3A_932 = tpu.vector_load %arg11[%get3A_931] {strides = array<i32>} : memref<1024xf32, #tpu.memory_space<vmem>>, vector<16xf32>,
      %reduce_sum3A_933 = arith.constant true
      %reduce_sum3A_934 = vector.broadcast %reduce_sum3A_933 : i1 to vector<16xi1>
      %reduce_sum3A_935 = tpu.scan <sum>, %get3A_932 masked %reduce_sum3A_934 : vector<16xf32>, vector<16xi1> -> vector<16xf32>
      %reduce_sum3A_936 = vector.extract %reduce_sum3A_935[15] : f32 from vector<16xf32>
      %broadcast_in_dim3A_937 = vector.broadcast %reduce_sum3A_936 : f32 to vector<16xf32>
      %eq3A_938 = arith.constant 14 : i32
      %eq3A_939 = vector.broadcast %eq3A_938 : i32 to vector<16xi32>
      %eq3A_940 = arith.cmpi eq, %iota3A, %eq3A_939 : vector<16xi32>
      %select_n3A_941 = arith.select %eq3A_940, %broadcast_in_dim3A_937, %select_n3A_930 : vector<16xi1>, vector<16xf32>
      %get3A_942 = arith.constant 752 : index
      %get3A_943 = tpu.vector_load %arg11[%get3A_942] {strides = array<i32>} : memref<1024xf32, #tpu.memory_space<vmem>>, vector<16xf32>,
      %reduce_sum3A_944 = arith.constant true
      %reduce_sum3A_945 = vector.broadcast %reduce_sum3A_944 : i1 to vector<16xi1>
      %reduce_sum3A_946 = tpu.scan <sum>, %get3A_943 masked %reduce_sum3A_945 : vector<16xf32>, vector<16xi1> -> vector<16xf32>
      %reduce_sum3A_947 = vector.extract %reduce_sum3A_946[15] : f32 from vector<16xf32>
      %broadcast_in_dim3A_948 = vector.broadcast %reduce_sum3A_947 : f32 to vector<16xf32>
      %eq3A_949 = arith.constant 15 : i32
      %eq3A_950 = vector.broadcast %eq3A_949 : i32 to vector<16xi32>
      %eq3A_951 = arith.cmpi eq, %iota3A, %eq3A_950 : vector<16xi32>
      %select_n3A_952 = arith.select %eq3A_951, %broadcast_in_dim3A_948, %select_n3A_941 : vector<16xi1>, vector<16xf32>
      %get3A_953 = arith.constant 768 : index
      %get3A_954 = tpu.vector_load %arg11[%get3A_953] {strides = array<i32>} : memref<1024xf32, #tpu.memory_space<vmem>>, vector<16xf32>,
      %reduce_sum3A_955 = arith.constant true
      %reduce_sum3A_956 = vector.broadcast %reduce_sum3A_955 : i1 to vector<16xi1>
      %reduce_sum3A_957 = tpu.scan <sum>, %get3A_954 masked %reduce_sum3A_956 : vector<16xf32>, vector<16xi1> -> vector<16xf32>
      %reduce_sum3A_958 = vector.extract %reduce_sum3A_957[15] : f32 from vector<16xf32>
      %broadcast_in_dim3A_959 = vector.broadcast %reduce_sum3A_958 : f32 to vector<16xf32>
      %eq3A_960 = arith.constant 0 : i32
      %eq3A_961 = vector.broadcast %eq3A_960 : i32 to vector<16xi32>
      %eq3A_962 = arith.cmpi eq, %iota3A, %eq3A_961 : vector<16xi32>
      %select_n3A_963 = arith.select %eq3A_962, %broadcast_in_dim3A_959, %broadcast_in_dim3A_776 : vector<16xi1>, vector<16xf32>
      %get3A_964 = arith.constant 784 : index
      %get3A_965 = tpu.vector_load %arg11[%get3A_964] {strides = array<i32>} : memref<1024xf32, #tpu.memory_space<vmem>>, vector<16xf32>,
      %reduce_sum3A_966 = arith.constant true
      %reduce_sum3A_967 = vector.broadcast %reduce_sum3A_966 : i1 to vector<16xi1>
      %reduce_sum3A_968 = tpu.scan <sum>, %get3A_965 masked %reduce_sum3A_967 : vector<16xf32>, vector<16xi1> -> vector<16xf32>
      %reduce_sum3A_969 = vector.extract %reduce_sum3A_968[15] : f32 from vector<16xf32>
      %broadcast_in_dim3A_970 = vector.broadcast %reduce_sum3A_969 : f32 to vector<16xf32>
      %eq3A_971 = arith.constant 1 : i32
      %eq3A_972 = vector.broadcast %eq3A_971 : i32 to vector<16xi32>
      %eq3A_973 = arith.cmpi eq, %iota3A, %eq3A_972 : vector<16xi32>
      %select_n3A_974 = arith.select %eq3A_973, %broadcast_in_dim3A_970, %select_n3A_963 : vector<16xi1>, vector<16xf32>
      %get3A_975 = arith.constant 800 : index
      %get3A_976 = tpu.vector_load %arg11[%get3A_975] {strides = array<i32>} : memref<1024xf32, #tpu.memory_space<vmem>>, vector<16xf32>,
      %reduce_sum3A_977 = arith.constant true
      %reduce_sum3A_978 = vector.broadcast %reduce_sum3A_977 : i1 to vector<16xi1>
      %reduce_sum3A_979 = tpu.scan <sum>, %get3A_976 masked %reduce_sum3A_978 : vector<16xf32>, vector<16xi1> -> vector<16xf32>
      %reduce_sum3A_980 = vector.extract %reduce_sum3A_979[15] : f32 from vector<16xf32>
      %broadcast_in_dim3A_981 = vector.broadcast %reduce_sum3A_980 : f32 to vector<16xf32>
      %eq3A_982 = arith.constant 2 : i32
      %eq3A_983 = vector.broadcast %eq3A_982 : i32 to vector<16xi32>
      %eq3A_984 = arith.cmpi eq, %iota3A, %eq3A_983 : vector<16xi32>
      %select_n3A_985 = arith.select %eq3A_984, %broadcast_in_dim3A_981, %select_n3A_974 : vector<16xi1>, vector<16xf32>
      %get3A_986 = arith.constant 816 : index
      %get3A_987 = tpu.vector_load %arg11[%get3A_986] {strides = array<i32>} : memref<1024xf32, #tpu.memory_space<vmem>>, vector<16xf32>,
      %reduce_sum3A_988 = arith.constant true
      %reduce_sum3A_989 = vector.broadcast %reduce_sum3A_988 : i1 to vector<16xi1>
      %reduce_sum3A_990 = tpu.scan <sum>, %get3A_987 masked %reduce_sum3A_989 : vector<16xf32>, vector<16xi1> -> vector<16xf32>
      %reduce_sum3A_991 = vector.extract %reduce_sum3A_990[15] : f32 from vector<16xf32>
      %broadcast_in_dim3A_992 = vector.broadcast %reduce_sum3A_991 : f32 to vector<16xf32>
      %eq3A_993 = arith.constant 3 : i32
      %eq3A_994 = vector.broadcast %eq3A_993 : i32 to vector<16xi32>
      %eq3A_995 = arith.cmpi eq, %iota3A, %eq3A_994 : vector<16xi32>
      %select_n3A_996 = arith.select %eq3A_995, %broadcast_in_dim3A_992, %select_n3A_985 : vector<16xi1>, vector<16xf32>
      %get3A_997 = arith.constant 832 : index
      %get3A_998 = tpu.vector_load %arg11[%get3A_997] {strides = array<i32>} : memref<1024xf32, #tpu.memory_space<vmem>>, vector<16xf32>,
      %reduce_sum3A_999 = arith.constant true
      %reduce_sum3A_1000 = vector.broadcast %reduce_sum3A_999 : i1 to vector<16xi1>
      %reduce_sum3A_1001 = tpu.scan <sum>, %get3A_998 masked %reduce_sum3A_1000 : vector<16xf32>, vector<16xi1> -> vector<16xf32>
      %reduce_sum3A_1002 = vector.extract %reduce_sum3A_1001[15] : f32 from vector<16xf32>
      %broadcast_in_dim3A_1003 = vector.broadcast %reduce_sum3A_1002 : f32 to vector<16xf32>
      %eq3A_1004 = arith.constant 4 : i32
      %eq3A_1005 = vector.broadcast %eq3A_1004 : i32 to vector<16xi32>
      %eq3A_1006 = arith.cmpi eq, %iota3A, %eq3A_1005 : vector<16xi32>
      %select_n3A_1007 = arith.select %eq3A_1006, %broadcast_in_dim3A_1003, %select_n3A_996 : vector<16xi1>, vector<16xf32>
      %get3A_1008 = arith.constant 0 : index
      %get3A_1009 = tpu.vector_load %arg13[%get3A_1008] {strides = array<i32>} : memref<64xf32, #tpu.memory_space<vmem>>, vector<16xf32>,
      %max3A = arith.constant 1.000000e+00 : f32
      %max3A_1010 = vector.broadcast %max3A : f32 to vector<16xf32>
      %max3A_1011 = arith.maximumf %select_n3A_952, %max3A_1010 : vector<16xf32>
      %div3A = arith.divf %select_n3A_717, %max3A_1011 : vector<16xf32>
      %gt3A = arith.constant 0.000000e+00 : f32
      %gt3A_1012 = vector.broadcast %gt3A : f32 to vector<16xf32>
      %gt3A_1013 = arith.cmpf ogt, %select_n3A_952, %gt3A_1012 : vector<16xf32>
      %jit3A = arith.constant 0.000000e+00 : f32
      %broadcast_in_dim3A_1014 = vector.broadcast %jit3A : f32 to vector<16xf32>
      %select_n3A_1015 = arith.select %gt3A_1013, %div3A, %broadcast_in_dim3A_1014 : vector<16xi1>, vector<16xf32>
      %mul3A_1016 = arith.mulf %get3A_1009, %select_n3A_1015 : vector<16xf32>
      %reduce_sum3A_1017 = arith.constant true
      %reduce_sum3A_1018 = vector.broadcast %reduce_sum3A_1017 : i1 to vector<16xi1>
      %reduce_sum3A_1019 = tpu.scan <sum>, %mul3A_1016 masked %reduce_sum3A_1018 : vector<16xf32>, vector<16xi1> -> vector<16xf32>
      %reduce_sum3A_1020 = vector.extract %reduce_sum3A_1019[15] : f32 from vector<16xf32>
      %add3A_1021 = arith.constant 0.000000e+00 : f32
      %add3A_1022 = arith.addf %add3A_1021, %reduce_sum3A_1020 : f32
      %get3A_1023 = arith.constant 16 : index
      %get3A_1024 = tpu.vector_load %arg13[%get3A_1023] {strides = array<i32>} : memref<64xf32, #tpu.memory_space<vmem>>, vector<16xf32>,
      %max3A_1025 = arith.constant 1.000000e+00 : f32
      %max3A_1026 = vector.broadcast %max3A_1025 : f32 to vector<16xf32>
      %max3A_1027 = arith.maximumf %select_n3A_1007, %max3A_1026 : vector<16xf32>
      %div3A_1028 = arith.divf %select_n3A_772, %max3A_1027 : vector<16xf32>
      %gt3A_1029 = arith.constant 0.000000e+00 : f32
      %gt3A_1030 = vector.broadcast %gt3A_1029 : f32 to vector<16xf32>
      %gt3A_1031 = arith.cmpf ogt, %select_n3A_1007, %gt3A_1030 : vector<16xf32>
      %jit3A_1032 = arith.constant 0.000000e+00 : f32
      %broadcast_in_dim3A_1033 = vector.broadcast %jit3A_1032 : f32 to vector<16xf32>
      %select_n3A_1034 = arith.select %gt3A_1031, %div3A_1028, %broadcast_in_dim3A_1033 : vector<16xi1>, vector<16xf32>
      %mul3A_1035 = arith.mulf %get3A_1024, %select_n3A_1034 : vector<16xf32>
      %reduce_sum3A_1036 = arith.constant true
      %reduce_sum3A_1037 = vector.broadcast %reduce_sum3A_1036 : i1 to vector<16xi1>
      %reduce_sum3A_1038 = tpu.scan <sum>, %mul3A_1035 masked %reduce_sum3A_1037 : vector<16xf32>, vector<16xi1> -> vector<16xf32>
      %reduce_sum3A_1039 = vector.extract %reduce_sum3A_1038[15] : f32 from vector<16xf32>
      %add3A_1040 = arith.addf %add3A_1022, %reduce_sum3A_1039 : f32
      %broadcast_in_dim3A_1041 = arith.constant 0.000000e+00 : f32
      %broadcast_in_dim3A_1042 = vector.broadcast %broadcast_in_dim3A_1041 : f32 to vector<16xf32>
      %broadcast_in_dim3A_1043 = arith.constant 0.000000e+00 : f32
      %broadcast_in_dim3A_1044 = vector.broadcast %broadcast_in_dim3A_1043 : f32 to vector<16xf32>
      %get3A_1045 = arith.constant 0 : index
      %get3A_1046 = tpu.vector_load %arg12[%get3A_1045] {strides = array<i32>} : memref<1024xf32, #tpu.memory_space<vmem>>, vector<16xf32>,
      %reduce_sum3A_1047 = arith.constant true
      %reduce_sum3A_1048 = vector.broadcast %reduce_sum3A_1047 : i1 to vector<16xi1>
      %reduce_sum3A_1049 = tpu.scan <sum>, %get3A_1046 masked %reduce_sum3A_1048 : vector<16xf32>, vector<16xi1> -> vector<16xf32>
      %reduce_sum3A_1050 = vector.extract %reduce_sum3A_1049[15] : f32 from vector<16xf32>
      %broadcast_in_dim3A_1051 = vector.broadcast %reduce_sum3A_1050 : f32 to vector<16xf32>
      %eq3A_1052 = arith.constant 0 : i32
      %eq3A_1053 = vector.broadcast %eq3A_1052 : i32 to vector<16xi32>
      %eq3A_1054 = arith.cmpi eq, %iota3A, %eq3A_1053 : vector<16xi32>
      %select_n3A_1055 = arith.select %eq3A_1054, %broadcast_in_dim3A_1051, %broadcast_in_dim3A_1042 : vector<16xi1>, vector<16xf32>
      %get3A_1056 = arith.constant 16 : index
      %get3A_1057 = tpu.vector_load %arg12[%get3A_1056] {strides = array<i32>} : memref<1024xf32, #tpu.memory_space<vmem>>, vector<16xf32>,
      %reduce_sum3A_1058 = arith.constant true
      %reduce_sum3A_1059 = vector.broadcast %reduce_sum3A_1058 : i1 to vector<16xi1>
      %reduce_sum3A_1060 = tpu.scan <sum>, %get3A_1057 masked %reduce_sum3A_1059 : vector<16xf32>, vector<16xi1> -> vector<16xf32>
      %reduce_sum3A_1061 = vector.extract %reduce_sum3A_1060[15] : f32 from vector<16xf32>
      %broadcast_in_dim3A_1062 = vector.broadcast %reduce_sum3A_1061 : f32 to vector<16xf32>
      %eq3A_1063 = arith.constant 1 : i32
      %eq3A_1064 = vector.broadcast %eq3A_1063 : i32 to vector<16xi32>
      %eq3A_1065 = arith.cmpi eq, %iota3A, %eq3A_1064 : vector<16xi32>
      %select_n3A_1066 = arith.select %eq3A_1065, %broadcast_in_dim3A_1062, %select_n3A_1055 : vector<16xi1>, vector<16xf32>
      %get3A_1067 = arith.constant 32 : index
      %get3A_1068 = tpu.vector_load %arg12[%get3A_1067] {strides = array<i32>} : memref<1024xf32, #tpu.memory_space<vmem>>, vector<16xf32>,
      %reduce_sum3A_1069 = arith.constant true
      %reduce_sum3A_1070 = vector.broadcast %reduce_sum3A_1069 : i1 to vector<16xi1>
      %reduce_sum3A_1071 = tpu.scan <sum>, %get3A_1068 masked %reduce_sum3A_1070 : vector<16xf32>, vector<16xi1> -> vector<16xf32>
      %reduce_sum3A_1072 = vector.extract %reduce_sum3A_1071[15] : f32 from vector<16xf32>
      %broadcast_in_dim3A_1073 = vector.broadcast %reduce_sum3A_1072 : f32 to vector<16xf32>
      %eq3A_1074 = arith.constant 2 : i32
      %eq3A_1075 = vector.broadcast %eq3A_1074 : i32 to vector<16xi32>
      %eq3A_1076 = arith.cmpi eq, %iota3A, %eq3A_1075 : vector<16xi32>
      %select_n3A_1077 = arith.select %eq3A_1076, %broadcast_in_dim3A_1073, %select_n3A_1066 : vector<16xi1>, vector<16xf32>
      %get3A_1078 = arith.constant 48 : index
      %get3A_1079 = tpu.vector_load %arg12[%get3A_1078] {strides = array<i32>} : memref<1024xf32, #tpu.memory_space<vmem>>, vector<16xf32>,
      %reduce_sum3A_1080 = arith.constant true
      %reduce_sum3A_1081 = vector.broadcast %reduce_sum3A_1080 : i1 to vector<16xi1>
      %reduce_sum3A_1082 = tpu.scan <sum>, %get3A_1079 masked %reduce_sum3A_1081 : vector<16xf32>, vector<16xi1> -> vector<16xf32>
      %reduce_sum3A_1083 = vector.extract %reduce_sum3A_1082[15] : f32 from vector<16xf32>
      %broadcast_in_dim3A_1084 = vector.broadcast %reduce_sum3A_1083 : f32 to vector<16xf32>
      %eq3A_1085 = arith.constant 3 : i32
      %eq3A_1086 = vector.broadcast %eq3A_1085 : i32 to vector<16xi32>
      %eq3A_1087 = arith.cmpi eq, %iota3A, %eq3A_1086 : vector<16xi32>
      %select_n3A_1088 = arith.select %eq3A_1087, %broadcast_in_dim3A_1084, %select_n3A_1077 : vector<16xi1>, vector<16xf32>
      %get3A_1089 = arith.constant 64 : index
      %get3A_1090 = tpu.vector_load %arg12[%get3A_1089] {strides = array<i32>} : memref<1024xf32, #tpu.memory_space<vmem>>, vector<16xf32>,
      %reduce_sum3A_1091 = arith.constant true
      %reduce_sum3A_1092 = vector.broadcast %reduce_sum3A_1091 : i1 to vector<16xi1>
      %reduce_sum3A_1093 = tpu.scan <sum>, %get3A_1090 masked %reduce_sum3A_1092 : vector<16xf32>, vector<16xi1> -> vector<16xf32>
      %reduce_sum3A_1094 = vector.extract %reduce_sum3A_1093[15] : f32 from vector<16xf32>
      %broadcast_in_dim3A_1095 = vector.broadcast %reduce_sum3A_1094 : f32 to vector<16xf32>
      %eq3A_1096 = arith.constant 4 : i32
      %eq3A_1097 = vector.broadcast %eq3A_1096 : i32 to vector<16xi32>
      %eq3A_1098 = arith.cmpi eq, %iota3A, %eq3A_1097 : vector<16xi32>
      %select_n3A_1099 = arith.select %eq3A_1098, %broadcast_in_dim3A_1095, %select_n3A_1088 : vector<16xi1>, vector<16xf32>
      %get3A_1100 = arith.constant 80 : index
      %get3A_1101 = tpu.vector_load %arg12[%get3A_1100] {strides = array<i32>} : memref<1024xf32, #tpu.memory_space<vmem>>, vector<16xf32>,
      %reduce_sum3A_1102 = arith.constant true
      %reduce_sum3A_1103 = vector.broadcast %reduce_sum3A_1102 : i1 to vector<16xi1>
      %reduce_sum3A_1104 = tpu.scan <sum>, %get3A_1101 masked %reduce_sum3A_1103 : vector<16xf32>, vector<16xi1> -> vector<16xf32>
      %reduce_sum3A_1105 = vector.extract %reduce_sum3A_1104[15] : f32 from vector<16xf32>
      %broadcast_in_dim3A_1106 = vector.broadcast %reduce_sum3A_1105 : f32 to vector<16xf32>
      %eq3A_1107 = arith.constant 5 : i32
      %eq3A_1108 = vector.broadcast %eq3A_1107 : i32 to vector<16xi32>
      %eq3A_1109 = arith.cmpi eq, %iota3A, %eq3A_1108 : vector<16xi32>
      %select_n3A_1110 = arith.select %eq3A_1109, %broadcast_in_dim3A_1106, %select_n3A_1099 : vector<16xi1>, vector<16xf32>
      %get3A_1111 = arith.constant 96 : index
      %get3A_1112 = tpu.vector_load %arg12[%get3A_1111] {strides = array<i32>} : memref<1024xf32, #tpu.memory_space<vmem>>, vector<16xf32>,
      %reduce_sum3A_1113 = arith.constant true
      %reduce_sum3A_1114 = vector.broadcast %reduce_sum3A_1113 : i1 to vector<16xi1>
      %reduce_sum3A_1115 = tpu.scan <sum>, %get3A_1112 masked %reduce_sum3A_1114 : vector<16xf32>, vector<16xi1> -> vector<16xf32>
      %reduce_sum3A_1116 = vector.extract %reduce_sum3A_1115[15] : f32 from vector<16xf32>
      %broadcast_in_dim3A_1117 = vector.broadcast %reduce_sum3A_1116 : f32 to vector<16xf32>
      %eq3A_1118 = arith.constant 6 : i32
      %eq3A_1119 = vector.broadcast %eq3A_1118 : i32 to vector<16xi32>
      %eq3A_1120 = arith.cmpi eq, %iota3A, %eq3A_1119 : vector<16xi32>
      %select_n3A_1121 = arith.select %eq3A_1120, %broadcast_in_dim3A_1117, %select_n3A_1110 : vector<16xi1>, vector<16xf32>
      %get3A_1122 = arith.constant 112 : index
      %get3A_1123 = tpu.vector_load %arg12[%get3A_1122] {strides = array<i32>} : memref<1024xf32, #tpu.memory_space<vmem>>, vector<16xf32>,
      %reduce_sum3A_1124 = arith.constant true
      %reduce_sum3A_1125 = vector.broadcast %reduce_sum3A_1124 : i1 to vector<16xi1>
      %reduce_sum3A_1126 = tpu.scan <sum>, %get3A_1123 masked %reduce_sum3A_1125 : vector<16xf32>, vector<16xi1> -> vector<16xf32>
      %reduce_sum3A_1127 = vector.extract %reduce_sum3A_1126[15] : f32 from vector<16xf32>
      %broadcast_in_dim3A_1128 = vector.broadcast %reduce_sum3A_1127 : f32 to vector<16xf32>
      %eq3A_1129 = arith.constant 7 : i32
      %eq3A_1130 = vector.broadcast %eq3A_1129 : i32 to vector<16xi32>
      %eq3A_1131 = arith.cmpi eq, %iota3A, %eq3A_1130 : vector<16xi32>
      %select_n3A_1132 = arith.select %eq3A_1131, %broadcast_in_dim3A_1128, %select_n3A_1121 : vector<16xi1>, vector<16xf32>
      %get3A_1133 = arith.constant 128 : index
      %get3A_1134 = tpu.vector_load %arg12[%get3A_1133] {strides = array<i32>} : memref<1024xf32, #tpu.memory_space<vmem>>, vector<16xf32>,
      %reduce_sum3A_1135 = arith.constant true
      %reduce_sum3A_1136 = vector.broadcast %reduce_sum3A_1135 : i1 to vector<16xi1>
      %reduce_sum3A_1137 = tpu.scan <sum>, %get3A_1134 masked %reduce_sum3A_1136 : vector<16xf32>, vector<16xi1> -> vector<16xf32>
      %reduce_sum3A_1138 = vector.extract %reduce_sum3A_1137[15] : f32 from vector<16xf32>
      %broadcast_in_dim3A_1139 = vector.broadcast %reduce_sum3A_1138 : f32 to vector<16xf32>
      %eq3A_1140 = arith.constant 8 : i32
      %eq3A_1141 = vector.broadcast %eq3A_1140 : i32 to vector<16xi32>
      %eq3A_1142 = arith.cmpi eq, %iota3A, %eq3A_1141 : vector<16xi32>
      %select_n3A_1143 = arith.select %eq3A_1142, %broadcast_in_dim3A_1139, %select_n3A_1132 : vector<16xi1>, vector<16xf32>
      %get3A_1144 = arith.constant 144 : index
      %get3A_1145 = tpu.vector_load %arg12[%get3A_1144] {strides = array<i32>} : memref<1024xf32, #tpu.memory_space<vmem>>, vector<16xf32>,
      %reduce_sum3A_1146 = arith.constant true
      %reduce_sum3A_1147 = vector.broadcast %reduce_sum3A_1146 : i1 to vector<16xi1>
      %reduce_sum3A_1148 = tpu.scan <sum>, %get3A_1145 masked %reduce_sum3A_1147 : vector<16xf32>, vector<16xi1> -> vector<16xf32>
      %reduce_sum3A_1149 = vector.extract %reduce_sum3A_1148[15] : f32 from vector<16xf32>
      %broadcast_in_dim3A_1150 = vector.broadcast %reduce_sum3A_1149 : f32 to vector<16xf32>
      %eq3A_1151 = arith.constant 9 : i32
      %eq3A_1152 = vector.broadcast %eq3A_1151 : i32 to vector<16xi32>
      %eq3A_1153 = arith.cmpi eq, %iota3A, %eq3A_1152 : vector<16xi32>
      %select_n3A_1154 = arith.select %eq3A_1153, %broadcast_in_dim3A_1150, %select_n3A_1143 : vector<16xi1>, vector<16xf32>
      %get3A_1155 = arith.constant 160 : index
      %get3A_1156 = tpu.vector_load %arg12[%get3A_1155] {strides = array<i32>} : memref<1024xf32, #tpu.memory_space<vmem>>, vector<16xf32>,
      %reduce_sum3A_1157 = arith.constant true
      %reduce_sum3A_1158 = vector.broadcast %reduce_sum3A_1157 : i1 to vector<16xi1>
      %reduce_sum3A_1159 = tpu.scan <sum>, %get3A_1156 masked %reduce_sum3A_1158 : vector<16xf32>, vector<16xi1> -> vector<16xf32>
      %reduce_sum3A_1160 = vector.extract %reduce_sum3A_1159[15] : f32 from vector<16xf32>
      %broadcast_in_dim3A_1161 = vector.broadcast %reduce_sum3A_1160 : f32 to vector<16xf32>
      %eq3A_1162 = arith.constant 10 : i32
      %eq3A_1163 = vector.broadcast %eq3A_1162 : i32 to vector<16xi32>
      %eq3A_1164 = arith.cmpi eq, %iota3A, %eq3A_1163 : vector<16xi32>
      %select_n3A_1165 = arith.select %eq3A_1164, %broadcast_in_dim3A_1161, %select_n3A_1154 : vector<16xi1>, vector<16xf32>
      %get3A_1166 = arith.constant 176 : index
      %get3A_1167 = tpu.vector_load %arg12[%get3A_1166] {strides = array<i32>} : memref<1024xf32, #tpu.memory_space<vmem>>, vector<16xf32>,
      %reduce_sum3A_1168 = arith.constant true
      %reduce_sum3A_1169 = vector.broadcast %reduce_sum3A_1168 : i1 to vector<16xi1>
      %reduce_sum3A_1170 = tpu.scan <sum>, %get3A_1167 masked %reduce_sum3A_1169 : vector<16xf32>, vector<16xi1> -> vector<16xf32>
      %reduce_sum3A_1171 = vector.extract %reduce_sum3A_1170[15] : f32 from vector<16xf32>
      %broadcast_in_dim3A_1172 = vector.broadcast %reduce_sum3A_1171 : f32 to vector<16xf32>
      %eq3A_1173 = arith.constant 11 : i32
      %eq3A_1174 = vector.broadcast %eq3A_1173 : i32 to vector<16xi32>
      %eq3A_1175 = arith.cmpi eq, %iota3A, %eq3A_1174 : vector<16xi32>
      %select_n3A_1176 = arith.select %eq3A_1175, %broadcast_in_dim3A_1172, %select_n3A_1165 : vector<16xi1>, vector<16xf32>
      %get3A_1177 = arith.constant 192 : index
      %get3A_1178 = tpu.vector_load %arg12[%get3A_1177] {strides = array<i32>} : memref<1024xf32, #tpu.memory_space<vmem>>, vector<16xf32>,
      %reduce_sum3A_1179 = arith.constant true
      %reduce_sum3A_1180 = vector.broadcast %reduce_sum3A_1179 : i1 to vector<16xi1>
      %reduce_sum3A_1181 = tpu.scan <sum>, %get3A_1178 masked %reduce_sum3A_1180 : vector<16xf32>, vector<16xi1> -> vector<16xf32>
      %reduce_sum3A_1182 = vector.extract %reduce_sum3A_1181[15] : f32 from vector<16xf32>
      %broadcast_in_dim3A_1183 = vector.broadcast %reduce_sum3A_1182 : f32 to vector<16xf32>
      %eq3A_1184 = arith.constant 12 : i32
      %eq3A_1185 = vector.broadcast %eq3A_1184 : i32 to vector<16xi32>
      %eq3A_1186 = arith.cmpi eq, %iota3A, %eq3A_1185 : vector<16xi32>
      %select_n3A_1187 = arith.select %eq3A_1186, %broadcast_in_dim3A_1183, %select_n3A_1176 : vector<16xi1>, vector<16xf32>
      %get3A_1188 = arith.constant 208 : index
      %get3A_1189 = tpu.vector_load %arg12[%get3A_1188] {strides = array<i32>} : memref<1024xf32, #tpu.memory_space<vmem>>, vector<16xf32>,
      %reduce_sum3A_1190 = arith.constant true
      %reduce_sum3A_1191 = vector.broadcast %reduce_sum3A_1190 : i1 to vector<16xi1>
      %reduce_sum3A_1192 = tpu.scan <sum>, %get3A_1189 masked %reduce_sum3A_1191 : vector<16xf32>, vector<16xi1> -> vector<16xf32>
      %reduce_sum3A_1193 = vector.extract %reduce_sum3A_1192[15] : f32 from vector<16xf32>
      %broadcast_in_dim3A_1194 = vector.broadcast %reduce_sum3A_1193 : f32 to vector<16xf32>
      %eq3A_1195 = arith.constant 13 : i32
      %eq3A_1196 = vector.broadcast %eq3A_1195 : i32 to vector<16xi32>
      %eq3A_1197 = arith.cmpi eq, %iota3A, %eq3A_1196 : vector<16xi32>
      %select_n3A_1198 = arith.select %eq3A_1197, %broadcast_in_dim3A_1194, %select_n3A_1187 : vector<16xi1>, vector<16xf32>
      %get3A_1199 = arith.constant 224 : index
      %get3A_1200 = tpu.vector_load %arg12[%get3A_1199] {strides = array<i32>} : memref<1024xf32, #tpu.memory_space<vmem>>, vector<16xf32>,
      %reduce_sum3A_1201 = arith.constant true
      %reduce_sum3A_1202 = vector.broadcast %reduce_sum3A_1201 : i1 to vector<16xi1>
      %reduce_sum3A_1203 = tpu.scan <sum>, %get3A_1200 masked %reduce_sum3A_1202 : vector<16xf32>, vector<16xi1> -> vector<16xf32>
      %reduce_sum3A_1204 = vector.extract %reduce_sum3A_1203[15] : f32 from vector<16xf32>
      %broadcast_in_dim3A_1205 = vector.broadcast %reduce_sum3A_1204 : f32 to vector<16xf32>
      %eq3A_1206 = arith.constant 14 : i32
      %eq3A_1207 = vector.broadcast %eq3A_1206 : i32 to vector<16xi32>
      %eq3A_1208 = arith.cmpi eq, %iota3A, %eq3A_1207 : vector<16xi32>
      %select_n3A_1209 = arith.select %eq3A_1208, %broadcast_in_dim3A_1205, %select_n3A_1198 : vector<16xi1>, vector<16xf32>
      %get3A_1210 = arith.constant 240 : index
      %get3A_1211 = tpu.vector_load %arg12[%get3A_1210] {strides = array<i32>} : memref<1024xf32, #tpu.memory_space<vmem>>, vector<16xf32>,
      %reduce_sum3A_1212 = arith.constant true
      %reduce_sum3A_1213 = vector.broadcast %reduce_sum3A_1212 : i1 to vector<16xi1>
      %reduce_sum3A_1214 = tpu.scan <sum>, %get3A_1211 masked %reduce_sum3A_1213 : vector<16xf32>, vector<16xi1> -> vector<16xf32>
      %reduce_sum3A_1215 = vector.extract %reduce_sum3A_1214[15] : f32 from vector<16xf32>
      %broadcast_in_dim3A_1216 = vector.broadcast %reduce_sum3A_1215 : f32 to vector<16xf32>
      %eq3A_1217 = arith.constant 15 : i32
      %eq3A_1218 = vector.broadcast %eq3A_1217 : i32 to vector<16xi32>
      %eq3A_1219 = arith.cmpi eq, %iota3A, %eq3A_1218 : vector<16xi32>
      %select_n3A_1220 = arith.select %eq3A_1219, %broadcast_in_dim3A_1216, %select_n3A_1209 : vector<16xi1>, vector<16xf32>
      %get3A_1221 = arith.constant 256 : index
      %get3A_1222 = tpu.vector_load %arg12[%get3A_1221] {strides = array<i32>} : memref<1024xf32, #tpu.memory_space<vmem>>, vector<16xf32>,
      %reduce_sum3A_1223 = arith.constant true
      %reduce_sum3A_1224 = vector.broadcast %reduce_sum3A_1223 : i1 to vector<16xi1>
      %reduce_sum3A_1225 = tpu.scan <sum>, %get3A_1222 masked %reduce_sum3A_1224 : vector<16xf32>, vector<16xi1> -> vector<16xf32>
      %reduce_sum3A_1226 = vector.extract %reduce_sum3A_1225[15] : f32 from vector<16xf32>
      %broadcast_in_dim3A_1227 = vector.broadcast %reduce_sum3A_1226 : f32 to vector<16xf32>
      %eq3A_1228 = arith.constant 0 : i32
      %eq3A_1229 = vector.broadcast %eq3A_1228 : i32 to vector<16xi32>
      %eq3A_1230 = arith.cmpi eq, %iota3A, %eq3A_1229 : vector<16xi32>
      %select_n3A_1231 = arith.select %eq3A_1230, %broadcast_in_dim3A_1227, %broadcast_in_dim3A_1044 : vector<16xi1>, vector<16xf32>
      %get3A_1232 = arith.constant 272 : index
      %get3A_1233 = tpu.vector_load %arg12[%get3A_1232] {strides = array<i32>} : memref<1024xf32, #tpu.memory_space<vmem>>, vector<16xf32>,
      %reduce_sum3A_1234 = arith.constant true
      %reduce_sum3A_1235 = vector.broadcast %reduce_sum3A_1234 : i1 to vector<16xi1>
      %reduce_sum3A_1236 = tpu.scan <sum>, %get3A_1233 masked %reduce_sum3A_1235 : vector<16xf32>, vector<16xi1> -> vector<16xf32>
      %reduce_sum3A_1237 = vector.extract %reduce_sum3A_1236[15] : f32 from vector<16xf32>
      %broadcast_in_dim3A_1238 = vector.broadcast %reduce_sum3A_1237 : f32 to vector<16xf32>
      %eq3A_1239 = arith.constant 1 : i32
      %eq3A_1240 = vector.broadcast %eq3A_1239 : i32 to vector<16xi32>
      %eq3A_1241 = arith.cmpi eq, %iota3A, %eq3A_1240 : vector<16xi32>
      %select_n3A_1242 = arith.select %eq3A_1241, %broadcast_in_dim3A_1238, %select_n3A_1231 : vector<16xi1>, vector<16xf32>
      %get3A_1243 = arith.constant 288 : index
      %get3A_1244 = tpu.vector_load %arg12[%get3A_1243] {strides = array<i32>} : memref<1024xf32, #tpu.memory_space<vmem>>, vector<16xf32>,
      %reduce_sum3A_1245 = arith.constant true
      %reduce_sum3A_1246 = vector.broadcast %reduce_sum3A_1245 : i1 to vector<16xi1>
      %reduce_sum3A_1247 = tpu.scan <sum>, %get3A_1244 masked %reduce_sum3A_1246 : vector<16xf32>, vector<16xi1> -> vector<16xf32>
      %reduce_sum3A_1248 = vector.extract %reduce_sum3A_1247[15] : f32 from vector<16xf32>
      %broadcast_in_dim3A_1249 = vector.broadcast %reduce_sum3A_1248 : f32 to vector<16xf32>
      %eq3A_1250 = arith.constant 2 : i32
      %eq3A_1251 = vector.broadcast %eq3A_1250 : i32 to vector<16xi32>
      %eq3A_1252 = arith.cmpi eq, %iota3A, %eq3A_1251 : vector<16xi32>
      %select_n3A_1253 = arith.select %eq3A_1252, %broadcast_in_dim3A_1249, %select_n3A_1242 : vector<16xi1>, vector<16xf32>
      %get3A_1254 = arith.constant 304 : index
      %get3A_1255 = tpu.vector_load %arg12[%get3A_1254] {strides = array<i32>} : memref<1024xf32, #tpu.memory_space<vmem>>, vector<16xf32>,
      %reduce_sum3A_1256 = arith.constant true
      %reduce_sum3A_1257 = vector.broadcast %reduce_sum3A_1256 : i1 to vector<16xi1>
      %reduce_sum3A_1258 = tpu.scan <sum>, %get3A_1255 masked %reduce_sum3A_1257 : vector<16xf32>, vector<16xi1> -> vector<16xf32>
      %reduce_sum3A_1259 = vector.extract %reduce_sum3A_1258[15] : f32 from vector<16xf32>
      %broadcast_in_dim3A_1260 = vector.broadcast %reduce_sum3A_1259 : f32 to vector<16xf32>
      %eq3A_1261 = arith.constant 3 : i32
      %eq3A_1262 = vector.broadcast %eq3A_1261 : i32 to vector<16xi32>
      %eq3A_1263 = arith.cmpi eq, %iota3A, %eq3A_1262 : vector<16xi32>
      %select_n3A_1264 = arith.select %eq3A_1263, %broadcast_in_dim3A_1260, %select_n3A_1253 : vector<16xi1>, vector<16xf32>
      %get3A_1265 = arith.constant 320 : index
      %get3A_1266 = tpu.vector_load %arg12[%get3A_1265] {strides = array<i32>} : memref<1024xf32, #tpu.memory_space<vmem>>, vector<16xf32>,
      %reduce_sum3A_1267 = arith.constant true
      %reduce_sum3A_1268 = vector.broadcast %reduce_sum3A_1267 : i1 to vector<16xi1>
      %reduce_sum3A_1269 = tpu.scan <sum>, %get3A_1266 masked %reduce_sum3A_1268 : vector<16xf32>, vector<16xi1> -> vector<16xf32>
      %reduce_sum3A_1270 = vector.extract %reduce_sum3A_1269[15] : f32 from vector<16xf32>
      %broadcast_in_dim3A_1271 = vector.broadcast %reduce_sum3A_1270 : f32 to vector<16xf32>
      %eq3A_1272 = arith.constant 4 : i32
      %eq3A_1273 = vector.broadcast %eq3A_1272 : i32 to vector<16xi32>
      %eq3A_1274 = arith.cmpi eq, %iota3A, %eq3A_1273 : vector<16xi32>
      %select_n3A_1275 = arith.select %eq3A_1274, %broadcast_in_dim3A_1271, %select_n3A_1264 : vector<16xi1>, vector<16xf32>
      %broadcast_in_dim3A_1276 = arith.constant 0.000000e+00 : f32
      %broadcast_in_dim3A_1277 = vector.broadcast %broadcast_in_dim3A_1276 : f32 to vector<16xf32>
      %broadcast_in_dim3A_1278 = arith.constant 0.000000e+00 : f32
      %broadcast_in_dim3A_1279 = vector.broadcast %broadcast_in_dim3A_1278 : f32 to vector<16xf32>
      %get3A_1280 = arith.constant 512 : index
      %get3A_1281 = tpu.vector_load %arg12[%get3A_1280] {strides = array<i32>} : memref<1024xf32, #tpu.memory_space<vmem>>, vector<16xf32>,
      %reduce_sum3A_1282 = arith.constant true
      %reduce_sum3A_1283 = vector.broadcast %reduce_sum3A_1282 : i1 to vector<16xi1>
      %reduce_sum3A_1284 = tpu.scan <sum>, %get3A_1281 masked %reduce_sum3A_1283 : vector<16xf32>, vector<16xi1> -> vector<16xf32>
      %reduce_sum3A_1285 = vector.extract %reduce_sum3A_1284[15] : f32 from vector<16xf32>
      %broadcast_in_dim3A_1286 = vector.broadcast %reduce_sum3A_1285 : f32 to vector<16xf32>
      %eq3A_1287 = arith.constant 0 : i32
      %eq3A_1288 = vector.broadcast %eq3A_1287 : i32 to vector<16xi32>
      %eq3A_1289 = arith.cmpi eq, %iota3A, %eq3A_1288 : vector<16xi32>
      %select_n3A_1290 = arith.select %eq3A_1289, %broadcast_in_dim3A_1286, %broadcast_in_dim3A_1277 : vector<16xi1>, vector<16xf32>
      %get3A_1291 = arith.constant 528 : index
      %get3A_1292 = tpu.vector_load %arg12[%get3A_1291] {strides = array<i32>} : memref<1024xf32, #tpu.memory_space<vmem>>, vector<16xf32>,
      %reduce_sum3A_1293 = arith.constant true
      %reduce_sum3A_1294 = vector.broadcast %reduce_sum3A_1293 : i1 to vector<16xi1>
      %reduce_sum3A_1295 = tpu.scan <sum>, %get3A_1292 masked %reduce_sum3A_1294 : vector<16xf32>, vector<16xi1> -> vector<16xf32>
      %reduce_sum3A_1296 = vector.extract %reduce_sum3A_1295[15] : f32 from vector<16xf32>
      %broadcast_in_dim3A_1297 = vector.broadcast %reduce_sum3A_1296 : f32 to vector<16xf32>
      %eq3A_1298 = arith.constant 1 : i32
      %eq3A_1299 = vector.broadcast %eq3A_1298 : i32 to vector<16xi32>
      %eq3A_1300 = arith.cmpi eq, %iota3A, %eq3A_1299 : vector<16xi32>
      %select_n3A_1301 = arith.select %eq3A_1300, %broadcast_in_dim3A_1297, %select_n3A_1290 : vector<16xi1>, vector<16xf32>
      %get3A_1302 = arith.constant 544 : index
      %get3A_1303 = tpu.vector_load %arg12[%get3A_1302] {strides = array<i32>} : memref<1024xf32, #tpu.memory_space<vmem>>, vector<16xf32>,
      %reduce_sum3A_1304 = arith.constant true
      %reduce_sum3A_1305 = vector.broadcast %reduce_sum3A_1304 : i1 to vector<16xi1>
      %reduce_sum3A_1306 = tpu.scan <sum>, %get3A_1303 masked %reduce_sum3A_1305 : vector<16xf32>, vector<16xi1> -> vector<16xf32>
      %reduce_sum3A_1307 = vector.extract %reduce_sum3A_1306[15] : f32 from vector<16xf32>
      %broadcast_in_dim3A_1308 = vector.broadcast %reduce_sum3A_1307 : f32 to vector<16xf32>
      %eq3A_1309 = arith.constant 2 : i32
      %eq3A_1310 = vector.broadcast %eq3A_1309 : i32 to vector<16xi32>
      %eq3A_1311 = arith.cmpi eq, %iota3A, %eq3A_1310 : vector<16xi32>
      %select_n3A_1312 = arith.select %eq3A_1311, %broadcast_in_dim3A_1308, %select_n3A_1301 : vector<16xi1>, vector<16xf32>
      %get3A_1313 = arith.constant 560 : index
      %get3A_1314 = tpu.vector_load %arg12[%get3A_1313] {strides = array<i32>} : memref<1024xf32, #tpu.memory_space<vmem>>, vector<16xf32>,
      %reduce_sum3A_1315 = arith.constant true
      %reduce_sum3A_1316 = vector.broadcast %reduce_sum3A_1315 : i1 to vector<16xi1>
      %reduce_sum3A_1317 = tpu.scan <sum>, %get3A_1314 masked %reduce_sum3A_1316 : vector<16xf32>, vector<16xi1> -> vector<16xf32>
      %reduce_sum3A_1318 = vector.extract %reduce_sum3A_1317[15] : f32 from vector<16xf32>
      %broadcast_in_dim3A_1319 = vector.broadcast %reduce_sum3A_1318 : f32 to vector<16xf32>
      %eq3A_1320 = arith.constant 3 : i32
      %eq3A_1321 = vector.broadcast %eq3A_1320 : i32 to vector<16xi32>
      %eq3A_1322 = arith.cmpi eq, %iota3A, %eq3A_1321 : vector<16xi32>
      %select_n3A_1323 = arith.select %eq3A_1322, %broadcast_in_dim3A_1319, %select_n3A_1312 : vector<16xi1>, vector<16xf32>
      %get3A_1324 = arith.constant 576 : index
      %get3A_1325 = tpu.vector_load %arg12[%get3A_1324] {strides = array<i32>} : memref<1024xf32, #tpu.memory_space<vmem>>, vector<16xf32>,
      %reduce_sum3A_1326 = arith.constant true
      %reduce_sum3A_1327 = vector.broadcast %reduce_sum3A_1326 : i1 to vector<16xi1>
      %reduce_sum3A_1328 = tpu.scan <sum>, %get3A_1325 masked %reduce_sum3A_1327 : vector<16xf32>, vector<16xi1> -> vector<16xf32>
      %reduce_sum3A_1329 = vector.extract %reduce_sum3A_1328[15] : f32 from vector<16xf32>
      %broadcast_in_dim3A_1330 = vector.broadcast %reduce_sum3A_1329 : f32 to vector<16xf32>
      %eq3A_1331 = arith.constant 4 : i32
      %eq3A_1332 = vector.broadcast %eq3A_1331 : i32 to vector<16xi32>
      %eq3A_1333 = arith.cmpi eq, %iota3A, %eq3A_1332 : vector<16xi32>
      %select_n3A_1334 = arith.select %eq3A_1333, %broadcast_in_dim3A_1330, %select_n3A_1323 : vector<16xi1>, vector<16xf32>
      %get3A_1335 = arith.constant 592 : index
      %get3A_1336 = tpu.vector_load %arg12[%get3A_1335] {strides = array<i32>} : memref<1024xf32, #tpu.memory_space<vmem>>, vector<16xf32>,
      %reduce_sum3A_1337 = arith.constant true
      %reduce_sum3A_1338 = vector.broadcast %reduce_sum3A_1337 : i1 to vector<16xi1>
      %reduce_sum3A_1339 = tpu.scan <sum>, %get3A_1336 masked %reduce_sum3A_1338 : vector<16xf32>, vector<16xi1> -> vector<16xf32>
      %reduce_sum3A_1340 = vector.extract %reduce_sum3A_1339[15] : f32 from vector<16xf32>
      %broadcast_in_dim3A_1341 = vector.broadcast %reduce_sum3A_1340 : f32 to vector<16xf32>
      %eq3A_1342 = arith.constant 5 : i32
      %eq3A_1343 = vector.broadcast %eq3A_1342 : i32 to vector<16xi32>
      %eq3A_1344 = arith.cmpi eq, %iota3A, %eq3A_1343 : vector<16xi32>
      %select_n3A_1345 = arith.select %eq3A_1344, %broadcast_in_dim3A_1341, %select_n3A_1334 : vector<16xi1>, vector<16xf32>
      %get3A_1346 = arith.constant 608 : index
      %get3A_1347 = tpu.vector_load %arg12[%get3A_1346] {strides = array<i32>} : memref<1024xf32, #tpu.memory_space<vmem>>, vector<16xf32>,
      %reduce_sum3A_1348 = arith.constant true
      %reduce_sum3A_1349 = vector.broadcast %reduce_sum3A_1348 : i1 to vector<16xi1>
      %reduce_sum3A_1350 = tpu.scan <sum>, %get3A_1347 masked %reduce_sum3A_1349 : vector<16xf32>, vector<16xi1> -> vector<16xf32>
      %reduce_sum3A_1351 = vector.extract %reduce_sum3A_1350[15] : f32 from vector<16xf32>
      %broadcast_in_dim3A_1352 = vector.broadcast %reduce_sum3A_1351 : f32 to vector<16xf32>
      %eq3A_1353 = arith.constant 6 : i32
      %eq3A_1354 = vector.broadcast %eq3A_1353 : i32 to vector<16xi32>
      %eq3A_1355 = arith.cmpi eq, %iota3A, %eq3A_1354 : vector<16xi32>
      %select_n3A_1356 = arith.select %eq3A_1355, %broadcast_in_dim3A_1352, %select_n3A_1345 : vector<16xi1>, vector<16xf32>
      %get3A_1357 = arith.constant 624 : index
      %get3A_1358 = tpu.vector_load %arg12[%get3A_1357] {strides = array<i32>} : memref<1024xf32, #tpu.memory_space<vmem>>, vector<16xf32>,
      %reduce_sum3A_1359 = arith.constant true
      %reduce_sum3A_1360 = vector.broadcast %reduce_sum3A_1359 : i1 to vector<16xi1>
      %reduce_sum3A_1361 = tpu.scan <sum>, %get3A_1358 masked %reduce_sum3A_1360 : vector<16xf32>, vector<16xi1> -> vector<16xf32>
      %reduce_sum3A_1362 = vector.extract %reduce_sum3A_1361[15] : f32 from vector<16xf32>
      %broadcast_in_dim3A_1363 = vector.broadcast %reduce_sum3A_1362 : f32 to vector<16xf32>
      %eq3A_1364 = arith.constant 7 : i32
      %eq3A_1365 = vector.broadcast %eq3A_1364 : i32 to vector<16xi32>
      %eq3A_1366 = arith.cmpi eq, %iota3A, %eq3A_1365 : vector<16xi32>
      %select_n3A_1367 = arith.select %eq3A_1366, %broadcast_in_dim3A_1363, %select_n3A_1356 : vector<16xi1>, vector<16xf32>
      %get3A_1368 = arith.constant 640 : index
      %get3A_1369 = tpu.vector_load %arg12[%get3A_1368] {strides = array<i32>} : memref<1024xf32, #tpu.memory_space<vmem>>, vector<16xf32>,
      %reduce_sum3A_1370 = arith.constant true
      %reduce_sum3A_1371 = vector.broadcast %reduce_sum3A_1370 : i1 to vector<16xi1>
      %reduce_sum3A_1372 = tpu.scan <sum>, %get3A_1369 masked %reduce_sum3A_1371 : vector<16xf32>, vector<16xi1> -> vector<16xf32>
      %reduce_sum3A_1373 = vector.extract %reduce_sum3A_1372[15] : f32 from vector<16xf32>
      %broadcast_in_dim3A_1374 = vector.broadcast %reduce_sum3A_1373 : f32 to vector<16xf32>
      %eq3A_1375 = arith.constant 8 : i32
      %eq3A_1376 = vector.broadcast %eq3A_1375 : i32 to vector<16xi32>
      %eq3A_1377 = arith.cmpi eq, %iota3A, %eq3A_1376 : vector<16xi32>
      %select_n3A_1378 = arith.select %eq3A_1377, %broadcast_in_dim3A_1374, %select_n3A_1367 : vector<16xi1>, vector<16xf32>
      %get3A_1379 = arith.constant 656 : index
      %get3A_1380 = tpu.vector_load %arg12[%get3A_1379] {strides = array<i32>} : memref<1024xf32, #tpu.memory_space<vmem>>, vector<16xf32>,
      %reduce_sum3A_1381 = arith.constant true
      %reduce_sum3A_1382 = vector.broadcast %reduce_sum3A_1381 : i1 to vector<16xi1>
      %reduce_sum3A_1383 = tpu.scan <sum>, %get3A_1380 masked %reduce_sum3A_1382 : vector<16xf32>, vector<16xi1> -> vector<16xf32>
      %reduce_sum3A_1384 = vector.extract %reduce_sum3A_1383[15] : f32 from vector<16xf32>
      %broadcast_in_dim3A_1385 = vector.broadcast %reduce_sum3A_1384 : f32 to vector<16xf32>
      %eq3A_1386 = arith.constant 9 : i32
      %eq3A_1387 = vector.broadcast %eq3A_1386 : i32 to vector<16xi32>
      %eq3A_1388 = arith.cmpi eq, %iota3A, %eq3A_1387 : vector<16xi32>
      %select_n3A_1389 = arith.select %eq3A_1388, %broadcast_in_dim3A_1385, %select_n3A_1378 : vector<16xi1>, vector<16xf32>
      %get3A_1390 = arith.constant 672 : index
      %get3A_1391 = tpu.vector_load %arg12[%get3A_1390] {strides = array<i32>} : memref<1024xf32, #tpu.memory_space<vmem>>, vector<16xf32>,
      %reduce_sum3A_1392 = arith.constant true
      %reduce_sum3A_1393 = vector.broadcast %reduce_sum3A_1392 : i1 to vector<16xi1>
      %reduce_sum3A_1394 = tpu.scan <sum>, %get3A_1391 masked %reduce_sum3A_1393 : vector<16xf32>, vector<16xi1> -> vector<16xf32>
      %reduce_sum3A_1395 = vector.extract %reduce_sum3A_1394[15] : f32 from vector<16xf32>
      %broadcast_in_dim3A_1396 = vector.broadcast %reduce_sum3A_1395 : f32 to vector<16xf32>
      %eq3A_1397 = arith.constant 10 : i32
      %eq3A_1398 = vector.broadcast %eq3A_1397 : i32 to vector<16xi32>
      %eq3A_1399 = arith.cmpi eq, %iota3A, %eq3A_1398 : vector<16xi32>
      %select_n3A_1400 = arith.select %eq3A_1399, %broadcast_in_dim3A_1396, %select_n3A_1389 : vector<16xi1>, vector<16xf32>
      %get3A_1401 = arith.constant 688 : index
      %get3A_1402 = tpu.vector_load %arg12[%get3A_1401] {strides = array<i32>} : memref<1024xf32, #tpu.memory_space<vmem>>, vector<16xf32>,
      %reduce_sum3A_1403 = arith.constant true
      %reduce_sum3A_1404 = vector.broadcast %reduce_sum3A_1403 : i1 to vector<16xi1>
      %reduce_sum3A_1405 = tpu.scan <sum>, %get3A_1402 masked %reduce_sum3A_1404 : vector<16xf32>, vector<16xi1> -> vector<16xf32>
      %reduce_sum3A_1406 = vector.extract %reduce_sum3A_1405[15] : f32 from vector<16xf32>
      %broadcast_in_dim3A_1407 = vector.broadcast %reduce_sum3A_1406 : f32 to vector<16xf32>
      %eq3A_1408 = arith.constant 11 : i32
      %eq3A_1409 = vector.broadcast %eq3A_1408 : i32 to vector<16xi32>
      %eq3A_1410 = arith.cmpi eq, %iota3A, %eq3A_1409 : vector<16xi32>
      %select_n3A_1411 = arith.select %eq3A_1410, %broadcast_in_dim3A_1407, %select_n3A_1400 : vector<16xi1>, vector<16xf32>
      %get3A_1412 = arith.constant 704 : index
      %get3A_1413 = tpu.vector_load %arg12[%get3A_1412] {strides = array<i32>} : memref<1024xf32, #tpu.memory_space<vmem>>, vector<16xf32>,
      %reduce_sum3A_1414 = arith.constant true
      %reduce_sum3A_1415 = vector.broadcast %reduce_sum3A_1414 : i1 to vector<16xi1>
      %reduce_sum3A_1416 = tpu.scan <sum>, %get3A_1413 masked %reduce_sum3A_1415 : vector<16xf32>, vector<16xi1> -> vector<16xf32>
      %reduce_sum3A_1417 = vector.extract %reduce_sum3A_1416[15] : f32 from vector<16xf32>
      %broadcast_in_dim3A_1418 = vector.broadcast %reduce_sum3A_1417 : f32 to vector<16xf32>
      %eq3A_1419 = arith.constant 12 : i32
      %eq3A_1420 = vector.broadcast %eq3A_1419 : i32 to vector<16xi32>
      %eq3A_1421 = arith.cmpi eq, %iota3A, %eq3A_1420 : vector<16xi32>
      %select_n3A_1422 = arith.select %eq3A_1421, %broadcast_in_dim3A_1418, %select_n3A_1411 : vector<16xi1>, vector<16xf32>
      %get3A_1423 = arith.constant 720 : index
      %get3A_1424 = tpu.vector_load %arg12[%get3A_1423] {strides = array<i32>} : memref<1024xf32, #tpu.memory_space<vmem>>, vector<16xf32>,
      %reduce_sum3A_1425 = arith.constant true
      %reduce_sum3A_1426 = vector.broadcast %reduce_sum3A_1425 : i1 to vector<16xi1>
      %reduce_sum3A_1427 = tpu.scan <sum>, %get3A_1424 masked %reduce_sum3A_1426 : vector<16xf32>, vector<16xi1> -> vector<16xf32>
      %reduce_sum3A_1428 = vector.extract %reduce_sum3A_1427[15] : f32 from vector<16xf32>
      %broadcast_in_dim3A_1429 = vector.broadcast %reduce_sum3A_1428 : f32 to vector<16xf32>
      %eq3A_1430 = arith.constant 13 : i32
      %eq3A_1431 = vector.broadcast %eq3A_1430 : i32 to vector<16xi32>
      %eq3A_1432 = arith.cmpi eq, %iota3A, %eq3A_1431 : vector<16xi32>
      %select_n3A_1433 = arith.select %eq3A_1432, %broadcast_in_dim3A_1429, %select_n3A_1422 : vector<16xi1>, vector<16xf32>
      %get3A_1434 = arith.constant 736 : index
      %get3A_1435 = tpu.vector_load %arg12[%get3A_1434] {strides = array<i32>} : memref<1024xf32, #tpu.memory_space<vmem>>, vector<16xf32>,
      %reduce_sum3A_1436 = arith.constant true
      %reduce_sum3A_1437 = vector.broadcast %reduce_sum3A_1436 : i1 to vector<16xi1>
      %reduce_sum3A_1438 = tpu.scan <sum>, %get3A_1435 masked %reduce_sum3A_1437 : vector<16xf32>, vector<16xi1> -> vector<16xf32>
      %reduce_sum3A_1439 = vector.extract %reduce_sum3A_1438[15] : f32 from vector<16xf32>
      %broadcast_in_dim3A_1440 = vector.broadcast %reduce_sum3A_1439 : f32 to vector<16xf32>
      %eq3A_1441 = arith.constant 14 : i32
      %eq3A_1442 = vector.broadcast %eq3A_1441 : i32 to vector<16xi32>
      %eq3A_1443 = arith.cmpi eq, %iota3A, %eq3A_1442 : vector<16xi32>
      %select_n3A_1444 = arith.select %eq3A_1443, %broadcast_in_dim3A_1440, %select_n3A_1433 : vector<16xi1>, vector<16xf32>
      %get3A_1445 = arith.constant 752 : index
      %get3A_1446 = tpu.vector_load %arg12[%get3A_1445] {strides = array<i32>} : memref<1024xf32, #tpu.memory_space<vmem>>, vector<16xf32>,
      %reduce_sum3A_1447 = arith.constant true
      %reduce_sum3A_1448 = vector.broadcast %reduce_sum3A_1447 : i1 to vector<16xi1>
      %reduce_sum3A_1449 = tpu.scan <sum>, %get3A_1446 masked %reduce_sum3A_1448 : vector<16xf32>, vector<16xi1> -> vector<16xf32>
      %reduce_sum3A_1450 = vector.extract %reduce_sum3A_1449[15] : f32 from vector<16xf32>
      %broadcast_in_dim3A_1451 = vector.broadcast %reduce_sum3A_1450 : f32 to vector<16xf32>
      %eq3A_1452 = arith.constant 15 : i32
      %eq3A_1453 = vector.broadcast %eq3A_1452 : i32 to vector<16xi32>
      %eq3A_1454 = arith.cmpi eq, %iota3A, %eq3A_1453 : vector<16xi32>
      %select_n3A_1455 = arith.select %eq3A_1454, %broadcast_in_dim3A_1451, %select_n3A_1444 : vector<16xi1>, vector<16xf32>
      %get3A_1456 = arith.constant 768 : index
      %get3A_1457 = tpu.vector_load %arg12[%get3A_1456] {strides = array<i32>} : memref<1024xf32, #tpu.memory_space<vmem>>, vector<16xf32>,
      %reduce_sum3A_1458 = arith.constant true
      %reduce_sum3A_1459 = vector.broadcast %reduce_sum3A_1458 : i1 to vector<16xi1>
      %reduce_sum3A_1460 = tpu.scan <sum>, %get3A_1457 masked %reduce_sum3A_1459 : vector<16xf32>, vector<16xi1> -> vector<16xf32>
      %reduce_sum3A_1461 = vector.extract %reduce_sum3A_1460[15] : f32 from vector<16xf32>
      %broadcast_in_dim3A_1462 = vector.broadcast %reduce_sum3A_1461 : f32 to vector<16xf32>
      %eq3A_1463 = arith.constant 0 : i32
      %eq3A_1464 = vector.broadcast %eq3A_1463 : i32 to vector<16xi32>
      %eq3A_1465 = arith.cmpi eq, %iota3A, %eq3A_1464 : vector<16xi32>
      %select_n3A_1466 = arith.select %eq3A_1465, %broadcast_in_dim3A_1462, %broadcast_in_dim3A_1279 : vector<16xi1>, vector<16xf32>
      %get3A_1467 = arith.constant 784 : index
      %get3A_1468 = tpu.vector_load %arg12[%get3A_1467] {strides = array<i32>} : memref<1024xf32, #tpu.memory_space<vmem>>, vector<16xf32>,
      %reduce_sum3A_1469 = arith.constant true
      %reduce_sum3A_1470 = vector.broadcast %reduce_sum3A_1469 : i1 to vector<16xi1>
      %reduce_sum3A_1471 = tpu.scan <sum>, %get3A_1468 masked %reduce_sum3A_1470 : vector<16xf32>, vector<16xi1> -> vector<16xf32>
      %reduce_sum3A_1472 = vector.extract %reduce_sum3A_1471[15] : f32 from vector<16xf32>
      %broadcast_in_dim3A_1473 = vector.broadcast %reduce_sum3A_1472 : f32 to vector<16xf32>
      %eq3A_1474 = arith.constant 1 : i32
      %eq3A_1475 = vector.broadcast %eq3A_1474 : i32 to vector<16xi32>
      %eq3A_1476 = arith.cmpi eq, %iota3A, %eq3A_1475 : vector<16xi32>
      %select_n3A_1477 = arith.select %eq3A_1476, %broadcast_in_dim3A_1473, %select_n3A_1466 : vector<16xi1>, vector<16xf32>
      %get3A_1478 = arith.constant 800 : index
      %get3A_1479 = tpu.vector_load %arg12[%get3A_1478] {strides = array<i32>} : memref<1024xf32, #tpu.memory_space<vmem>>, vector<16xf32>,
      %reduce_sum3A_1480 = arith.constant true
      %reduce_sum3A_1481 = vector.broadcast %reduce_sum3A_1480 : i1 to vector<16xi1>
      %reduce_sum3A_1482 = tpu.scan <sum>, %get3A_1479 masked %reduce_sum3A_1481 : vector<16xf32>, vector<16xi1> -> vector<16xf32>
      %reduce_sum3A_1483 = vector.extract %reduce_sum3A_1482[15] : f32 from vector<16xf32>
      %broadcast_in_dim3A_1484 = vector.broadcast %reduce_sum3A_1483 : f32 to vector<16xf32>
      %eq3A_1485 = arith.constant 2 : i32
      %eq3A_1486 = vector.broadcast %eq3A_1485 : i32 to vector<16xi32>
      %eq3A_1487 = arith.cmpi eq, %iota3A, %eq3A_1486 : vector<16xi32>
      %select_n3A_1488 = arith.select %eq3A_1487, %broadcast_in_dim3A_1484, %select_n3A_1477 : vector<16xi1>, vector<16xf32>
      %get3A_1489 = arith.constant 816 : index
      %get3A_1490 = tpu.vector_load %arg12[%get3A_1489] {strides = array<i32>} : memref<1024xf32, #tpu.memory_space<vmem>>, vector<16xf32>,
      %reduce_sum3A_1491 = arith.constant true
      %reduce_sum3A_1492 = vector.broadcast %reduce_sum3A_1491 : i1 to vector<16xi1>
      %reduce_sum3A_1493 = tpu.scan <sum>, %get3A_1490 masked %reduce_sum3A_1492 : vector<16xf32>, vector<16xi1> -> vector<16xf32>
      %reduce_sum3A_1494 = vector.extract %reduce_sum3A_1493[15] : f32 from vector<16xf32>
      %broadcast_in_dim3A_1495 = vector.broadcast %reduce_sum3A_1494 : f32 to vector<16xf32>
      %eq3A_1496 = arith.constant 3 : i32
      %eq3A_1497 = vector.broadcast %eq3A_1496 : i32 to vector<16xi32>
      %eq3A_1498 = arith.cmpi eq, %iota3A, %eq3A_1497 : vector<16xi32>
      %select_n3A_1499 = arith.select %eq3A_1498, %broadcast_in_dim3A_1495, %select_n3A_1488 : vector<16xi1>, vector<16xf32>
      %get3A_1500 = arith.constant 832 : index
      %get3A_1501 = tpu.vector_load %arg12[%get3A_1500] {strides = array<i32>} : memref<1024xf32, #tpu.memory_space<vmem>>, vector<16xf32>,
      %reduce_sum3A_1502 = arith.constant true
      %reduce_sum3A_1503 = vector.broadcast %reduce_sum3A_1502 : i1 to vector<16xi1>
      %reduce_sum3A_1504 = tpu.scan <sum>, %get3A_1501 masked %reduce_sum3A_1503 : vector<16xf32>, vector<16xi1> -> vector<16xf32>
      %reduce_sum3A_1505 = vector.extract %reduce_sum3A_1504[15] : f32 from vector<16xf32>
      %broadcast_in_dim3A_1506 = vector.broadcast %reduce_sum3A_1505 : f32 to vector<16xf32>
      %eq3A_1507 = arith.constant 4 : i32
      %eq3A_1508 = vector.broadcast %eq3A_1507 : i32 to vector<16xi32>
      %eq3A_1509 = arith.cmpi eq, %iota3A, %eq3A_1508 : vector<16xi32>
      %select_n3A_1510 = arith.select %eq3A_1509, %broadcast_in_dim3A_1506, %select_n3A_1499 : vector<16xi1>, vector<16xf32>
      %get3A_1511 = arith.constant 0 : index
      %get3A_1512 = tpu.vector_load %arg13[%get3A_1511] {strides = array<i32>} : memref<64xf32, #tpu.memory_space<vmem>>, vector<16xf32>,
      %max3A_1513 = arith.constant 1.000000e+00 : f32
      %max3A_1514 = vector.broadcast %max3A_1513 : f32 to vector<16xf32>
      %max3A_1515 = arith.maximumf %select_n3A_1455, %max3A_1514 : vector<16xf32>
      %div3A_1516 = arith.divf %select_n3A_1220, %max3A_1515 : vector<16xf32>
      %gt3A_1517 = arith.constant 0.000000e+00 : f32
      %gt3A_1518 = vector.broadcast %gt3A_1517 : f32 to vector<16xf32>
      %gt3A_1519 = arith.cmpf ogt, %select_n3A_1455, %gt3A_1518 : vector<16xf32>
      %jit3A_1520 = arith.constant 0.000000e+00 : f32
      %broadcast_in_dim3A_1521 = vector.broadcast %jit3A_1520 : f32 to vector<16xf32>
      %select_n3A_1522 = arith.select %gt3A_1519, %div3A_1516, %broadcast_in_dim3A_1521 : vector<16xi1>, vector<16xf32>
      %mul3A_1523 = arith.mulf %get3A_1512, %select_n3A_1522 : vector<16xf32>
      %reduce_sum3A_1524 = arith.constant true
      %reduce_sum3A_1525 = vector.broadcast %reduce_sum3A_1524 : i1 to vector<16xi1>
      %reduce_sum3A_1526 = tpu.scan <sum>, %mul3A_1523 masked %reduce_sum3A_1525 : vector<16xf32>, vector<16xi1> -> vector<16xf32>
      %reduce_sum3A_1527 = vector.extract %reduce_sum3A_1526[15] : f32 from vector<16xf32>
      %add3A_1528 = arith.constant 0.000000e+00 : f32
      %add3A_1529 = arith.addf %add3A_1528, %reduce_sum3A_1527 : f32
      %get3A_1530 = arith.constant 16 : index
      %get3A_1531 = tpu.vector_load %arg13[%get3A_1530] {strides = array<i32>} : memref<64xf32, #tpu.memory_space<vmem>>, vector<16xf32>,
      %max3A_1532 = arith.constant 1.000000e+00 : f32
      %max3A_1533 = vector.broadcast %max3A_1532 : f32 to vector<16xf32>
      %max3A_1534 = arith.maximumf %select_n3A_1510, %max3A_1533 : vector<16xf32>
      %div3A_1535 = arith.divf %select_n3A_1275, %max3A_1534 : vector<16xf32>
      %gt3A_1536 = arith.constant 0.000000e+00 : f32
      %gt3A_1537 = vector.broadcast %gt3A_1536 : f32 to vector<16xf32>
      %gt3A_1538 = arith.cmpf ogt, %select_n3A_1510, %gt3A_1537 : vector<16xf32>
      %jit3A_1539 = arith.constant 0.000000e+00 : f32
      %broadcast_in_dim3A_1540 = vector.broadcast %jit3A_1539 : f32 to vector<16xf32>
      %select_n3A_1541 = arith.select %gt3A_1538, %div3A_1535, %broadcast_in_dim3A_1540 : vector<16xi1>, vector<16xf32>
      %mul3A_1542 = arith.mulf %get3A_1531, %select_n3A_1541 : vector<16xf32>
      %reduce_sum3A_1543 = arith.constant true
      %reduce_sum3A_1544 = vector.broadcast %reduce_sum3A_1543 : i1 to vector<16xi1>
      %reduce_sum3A_1545 = tpu.scan <sum>, %mul3A_1542 masked %reduce_sum3A_1544 : vector<16xf32>, vector<16xi1> -> vector<16xf32>
      %reduce_sum3A_1546 = vector.extract %reduce_sum3A_1545[15] : f32 from vector<16xf32>
      %add3A_1547 = arith.addf %add3A_1529, %reduce_sum3A_1546 : f32
      %mul3A_1548 = arith.constant 2.000000e+00 : f32
      %mul3A_1549 = arith.mulf %mul3A_1548, %add3A_1547 : f32
      %add3A_1550 = arith.addf %add3A_1040, %mul3A_1549 : f32
      %broadcast_in_dim3A_1551 = vector.broadcast %add3A_1550 : f32 to vector<16xf32>
      %swap3A_1552 = arith.constant 0 : index
      %swap3A_1553 = tpu.vector_load %arg14[%swap3A_1552] {strides = array<i32>} : memref<16xf32, #tpu.memory_space<vmem>>, vector<16xf32>,
      tpu.vector_store %arg14[%swap3A_1552], %broadcast_in_dim3A_1551 {strides = array<i32>} : memref<16xf32, #tpu.memory_space<vmem>>, vector<16xf32>,
      "tpu.region"() ({
        %run_scoped3A_1554 = tpu.sem_alloc : memref<!tpu.dma_semaphore, #tpu.memory_space<semaphore_mem>>
        tpu.enqueue_dma source(%arg14 : memref<16xf32, #tpu.memory_space<vmem>>) target(%arg6 : memref<16xf32, #tpu.memory_space<hbm>>) target_semaphore(%run_scoped3A_1554 : memref<!tpu.dma_semaphore, #tpu.memory_space<semaphore_mem>>)
        tpu.wait_dma2 semaphore(%run_scoped3A_1554 : memref<!tpu.dma_semaphore, #tpu.memory_space<semaphore_mem>>) src(%arg14 : memref<16xf32, #tpu.memory_space<vmem>>) dst(%arg6 : memref<16xf32, #tpu.memory_space<hbm>>)
        tpu.yield
      }) : () -> ()
    } else {
    }
    return
  }
}

module attributes {stable_mosaic.version = 14 : i64} {
  func.func @_scale_body(%arg0: i32, %arg1: memref<1x384x512xf32, #tpu.memory_space<vmem>>, %arg2: memref<1x384x512xf32, #tpu.memory_space<vmem>>, %arg3: memref<1x384x512xf32, #tpu.memory_space<vmem>>, %arg4: memref<1x384x512xf32, #tpu.memory_space<vmem>>, %arg5: memref<1x384x512xf32, #tpu.memory_space<vmem>>, %arg6: memref<1x384x512xf32, #tpu.memory_space<vmem>>, %arg7: memref<1x384x512xf32, #tpu.memory_space<vmem>>, %arg8: memref<1x384x512xf32, #tpu.memory_space<vmem>>, %arg9: memref<1x1x2048xf32, #tpu.memory_space<vmem>>) attributes {dimension_semantics = [#tpu.dimension_semantics<arbitrary>], iteration_bounds = array<i64: 8>, scalar_prefetch = 0 : i64, scratch_operands = 0 : i64, tpu.core_type = #tpu.core_type<tc>, window_params = [{transform_indices = @transform_0, window_bounds = array<i64: 1, 384, 512>}, {transform_indices = @transform_1, window_bounds = array<i64: 1, 384, 512>}, {transform_indices = @transform_2, window_bounds = array<i64: 1, 384, 512>}, {transform_indices = @transform_3, window_bounds = array<i64: 1, 384, 512>}, {transform_indices = @transform_4, window_bounds = array<i64: 1, 384, 512>}, {transform_indices = @transform_5, window_bounds = array<i64: 1, 384, 512>}, {transform_indices = @transform_6, window_bounds = array<i64: 1, 384, 512>}, {transform_indices = @transform_7, window_bounds = array<i64: 1, 384, 512>}, {transform_indices = @transform_8, window_bounds = array<i64: 1, 1, 2048>}]} {
    %get3A = arith.constant 0 : index
    %get3A_0 = arith.constant 0 : index
    %get3A_1 = arith.constant 0 : index
    %get3A_2 = vector.load %arg1[%get3A, %get3A_0, %get3A_1] : memref<1x384x512xf32, #tpu.memory_space<vmem>>, vector<1x384x512xf32>
    %get3A_3 = vector.shape_cast %get3A_2 : vector<1x384x512xf32> to vector<384x512xf32>
    %get3A_4 = arith.constant 0 : index
    %get3A_5 = arith.constant 0 : index
    %get3A_6 = arith.constant 0 : index
    %get3A_7 = vector.load %arg5[%get3A_4, %get3A_5, %get3A_6] : memref<1x384x512xf32, #tpu.memory_space<vmem>>, vector<1x384x512xf32>
    %get3A_8 = vector.shape_cast %get3A_7 : vector<1x384x512xf32> to vector<384x512xf32>
    %reduce_max3A = arith.constant dense<0xFF800000> : vector<512xf32>
    %reduce_max3A_9 = vector.multi_reduction <maximumf>, %get3A_3, %reduce_max3A [0] : vector<384x512xf32> to vector<512xf32>
    %broadcast_in_dim3A = vector.shape_cast %reduce_max3A_9 : vector<512xf32> to vector<1x512xf32>
    %sub3A = vector.broadcast %broadcast_in_dim3A : vector<1x512xf32> to vector<384x512xf32>
    %sub3A_10 = arith.subf %get3A_3, %sub3A : vector<384x512xf32>
    %exp3A = math.exp %sub3A_10 : vector<384x512xf32>
    %reduce_sum3A = arith.constant dense<0.000000e+00> : vector<512xf32>
    %reduce_sum3A_11 = vector.multi_reduction <add>, %exp3A, %reduce_sum3A [0] : vector<384x512xf32> to vector<512xf32>
    %broadcast_in_dim3A_12 = vector.shape_cast %reduce_sum3A_11 : vector<512xf32> to vector<1x512xf32>
    %reduce_max3A_13 = arith.constant dense<0xFF800000> : vector<512xf32>
    %reduce_max3A_14 = vector.multi_reduction <maximumf>, %get3A_8, %reduce_max3A_13 [0] : vector<384x512xf32> to vector<512xf32>
    %broadcast_in_dim3A_15 = vector.shape_cast %reduce_max3A_14 : vector<512xf32> to vector<1x512xf32>
    %sub3A_16 = vector.broadcast %broadcast_in_dim3A_15 : vector<1x512xf32> to vector<384x512xf32>
    %sub3A_17 = arith.subf %get3A_8, %sub3A_16 : vector<384x512xf32>
    %exp3A_18 = math.exp %sub3A_17 : vector<384x512xf32>
    %reduce_sum3A_19 = arith.constant dense<0.000000e+00> : vector<512xf32>
    %reduce_sum3A_20 = vector.multi_reduction <add>, %exp3A_18, %reduce_sum3A_19 [0] : vector<384x512xf32> to vector<512xf32>
    %broadcast_in_dim3A_21 = vector.shape_cast %reduce_sum3A_20 : vector<512xf32> to vector<1x512xf32>
    %sub3A_22 = arith.subf %get3A_3, %get3A_8 : vector<384x512xf32>
    %mul3A = arith.mulf %exp3A, %sub3A_22 : vector<384x512xf32>
    %reduce_sum3A_23 = arith.constant dense<0.000000e+00> : vector<512xf32>
    %reduce_sum3A_24 = vector.multi_reduction <add>, %mul3A, %reduce_sum3A_23 [0] : vector<384x512xf32> to vector<512xf32>
    %broadcast_in_dim3A_25 = vector.shape_cast %reduce_sum3A_24 : vector<512xf32> to vector<1x512xf32>
    %div3A = arith.divf %broadcast_in_dim3A_25, %broadcast_in_dim3A_12 : vector<1x512xf32>
    %log3A = math.log %broadcast_in_dim3A_12 : vector<1x512xf32>
    %add3A = arith.addf %broadcast_in_dim3A, %log3A : vector<1x512xf32>
    %sub3A_26 = arith.subf %div3A, %add3A : vector<1x512xf32>
    %log3A_27 = math.log %broadcast_in_dim3A_21 : vector<1x512xf32>
    %add3A_28 = arith.addf %broadcast_in_dim3A_15, %log3A_27 : vector<1x512xf32>
    %add3A_29 = arith.addf %sub3A_26, %add3A_28 : vector<1x512xf32>
    %squeeze3A = vector.shape_cast %add3A_29 : vector<1x512xf32> to vector<512xf32>
    %swap3A = arith.constant 0 : index
    %swap3A_30 = arith.constant 0 : index
    %swap3A_31 = arith.constant 0 : index
    %swap3A_32 = vector.load %arg9[%swap3A, %swap3A_30, %swap3A_31] : memref<1x1x2048xf32, #tpu.memory_space<vmem>>, vector<1x1x512xf32>
    %swap3A_33 = vector.shape_cast %swap3A_32 : vector<1x1x512xf32> to vector<512xf32>
    %swap3A_34 = vector.shape_cast %squeeze3A : vector<512xf32> to vector<1x1x512xf32>
    tpu.vector_store %arg9[%swap3A, %swap3A_30, %swap3A_31], %swap3A_34 {strides = array<i32>} : memref<1x1x2048xf32, #tpu.memory_space<vmem>>, vector<1x1x512xf32>,
    %get3A_35 = arith.constant 0 : index
    %get3A_36 = arith.constant 0 : index
    %get3A_37 = arith.constant 0 : index
    %get3A_38 = vector.load %arg2[%get3A_35, %get3A_36, %get3A_37] : memref<1x384x512xf32, #tpu.memory_space<vmem>>, vector<1x384x512xf32>
    %get3A_39 = vector.shape_cast %get3A_38 : vector<1x384x512xf32> to vector<384x512xf32>
    %get3A_40 = arith.constant 0 : index
    %get3A_41 = arith.constant 0 : index
    %get3A_42 = arith.constant 0 : index
    %get3A_43 = vector.load %arg6[%get3A_40, %get3A_41, %get3A_42] : memref<1x384x512xf32, #tpu.memory_space<vmem>>, vector<1x384x512xf32>
    %get3A_44 = vector.shape_cast %get3A_43 : vector<1x384x512xf32> to vector<384x512xf32>
    %reduce_max3A_45 = arith.constant dense<0xFF800000> : vector<512xf32>
    %reduce_max3A_46 = vector.multi_reduction <maximumf>, %get3A_39, %reduce_max3A_45 [0] : vector<384x512xf32> to vector<512xf32>
    %broadcast_in_dim3A_47 = vector.shape_cast %reduce_max3A_46 : vector<512xf32> to vector<1x512xf32>
    %sub3A_48 = vector.broadcast %broadcast_in_dim3A_47 : vector<1x512xf32> to vector<384x512xf32>
    %sub3A_49 = arith.subf %get3A_39, %sub3A_48 : vector<384x512xf32>
    %exp3A_50 = math.exp %sub3A_49 : vector<384x512xf32>
    %reduce_sum3A_51 = arith.constant dense<0.000000e+00> : vector<512xf32>
    %reduce_sum3A_52 = vector.multi_reduction <add>, %exp3A_50, %reduce_sum3A_51 [0] : vector<384x512xf32> to vector<512xf32>
    %broadcast_in_dim3A_53 = vector.shape_cast %reduce_sum3A_52 : vector<512xf32> to vector<1x512xf32>
    %reduce_max3A_54 = arith.constant dense<0xFF800000> : vector<512xf32>
    %reduce_max3A_55 = vector.multi_reduction <maximumf>, %get3A_44, %reduce_max3A_54 [0] : vector<384x512xf32> to vector<512xf32>
    %broadcast_in_dim3A_56 = vector.shape_cast %reduce_max3A_55 : vector<512xf32> to vector<1x512xf32>
    %sub3A_57 = vector.broadcast %broadcast_in_dim3A_56 : vector<1x512xf32> to vector<384x512xf32>
    %sub3A_58 = arith.subf %get3A_44, %sub3A_57 : vector<384x512xf32>
    %exp3A_59 = math.exp %sub3A_58 : vector<384x512xf32>
    %reduce_sum3A_60 = arith.constant dense<0.000000e+00> : vector<512xf32>
    %reduce_sum3A_61 = vector.multi_reduction <add>, %exp3A_59, %reduce_sum3A_60 [0] : vector<384x512xf32> to vector<512xf32>
    %broadcast_in_dim3A_62 = vector.shape_cast %reduce_sum3A_61 : vector<512xf32> to vector<1x512xf32>
    %sub3A_63 = arith.subf %get3A_39, %get3A_44 : vector<384x512xf32>
    %mul3A_64 = arith.mulf %exp3A_50, %sub3A_63 : vector<384x512xf32>
    %reduce_sum3A_65 = arith.constant dense<0.000000e+00> : vector<512xf32>
    %reduce_sum3A_66 = vector.multi_reduction <add>, %mul3A_64, %reduce_sum3A_65 [0] : vector<384x512xf32> to vector<512xf32>
    %broadcast_in_dim3A_67 = vector.shape_cast %reduce_sum3A_66 : vector<512xf32> to vector<1x512xf32>
    %div3A_68 = arith.divf %broadcast_in_dim3A_67, %broadcast_in_dim3A_53 : vector<1x512xf32>
    %log3A_69 = math.log %broadcast_in_dim3A_53 : vector<1x512xf32>
    %add3A_70 = arith.addf %broadcast_in_dim3A_47, %log3A_69 : vector<1x512xf32>
    %sub3A_71 = arith.subf %div3A_68, %add3A_70 : vector<1x512xf32>
    %log3A_72 = math.log %broadcast_in_dim3A_62 : vector<1x512xf32>
    %add3A_73 = arith.addf %broadcast_in_dim3A_56, %log3A_72 : vector<1x512xf32>
    %add3A_74 = arith.addf %sub3A_71, %add3A_73 : vector<1x512xf32>
    %squeeze3A_75 = vector.shape_cast %add3A_74 : vector<1x512xf32> to vector<512xf32>
    %swap3A_76 = arith.constant 0 : index
    %swap3A_77 = arith.constant 0 : index
    %swap3A_78 = arith.constant 512 : index
    %swap3A_79 = vector.load %arg9[%swap3A_76, %swap3A_77, %swap3A_78] : memref<1x1x2048xf32, #tpu.memory_space<vmem>>, vector<1x1x512xf32>
    %swap3A_80 = vector.shape_cast %swap3A_79 : vector<1x1x512xf32> to vector<512xf32>
    %swap3A_81 = vector.shape_cast %squeeze3A_75 : vector<512xf32> to vector<1x1x512xf32>
    tpu.vector_store %arg9[%swap3A_76, %swap3A_77, %swap3A_78], %swap3A_81 {strides = array<i32>} : memref<1x1x2048xf32, #tpu.memory_space<vmem>>, vector<1x1x512xf32>,
    %get3A_82 = arith.constant 0 : index
    %get3A_83 = arith.constant 0 : index
    %get3A_84 = arith.constant 0 : index
    %get3A_85 = vector.load %arg3[%get3A_82, %get3A_83, %get3A_84] : memref<1x384x512xf32, #tpu.memory_space<vmem>>, vector<1x384x512xf32>
    %get3A_86 = vector.shape_cast %get3A_85 : vector<1x384x512xf32> to vector<384x512xf32>
    %get3A_87 = arith.constant 0 : index
    %get3A_88 = arith.constant 0 : index
    %get3A_89 = arith.constant 0 : index
    %get3A_90 = vector.load %arg7[%get3A_87, %get3A_88, %get3A_89] : memref<1x384x512xf32, #tpu.memory_space<vmem>>, vector<1x384x512xf32>
    %get3A_91 = vector.shape_cast %get3A_90 : vector<1x384x512xf32> to vector<384x512xf32>
    %reduce_max3A_92 = arith.constant dense<0xFF800000> : vector<512xf32>
    %reduce_max3A_93 = vector.multi_reduction <maximumf>, %get3A_86, %reduce_max3A_92 [0] : vector<384x512xf32> to vector<512xf32>
    %broadcast_in_dim3A_94 = vector.shape_cast %reduce_max3A_93 : vector<512xf32> to vector<1x512xf32>
    %sub3A_95 = vector.broadcast %broadcast_in_dim3A_94 : vector<1x512xf32> to vector<384x512xf32>
    %sub3A_96 = arith.subf %get3A_86, %sub3A_95 : vector<384x512xf32>
    %exp3A_97 = math.exp %sub3A_96 : vector<384x512xf32>
    %reduce_sum3A_98 = arith.constant dense<0.000000e+00> : vector<512xf32>
    %reduce_sum3A_99 = vector.multi_reduction <add>, %exp3A_97, %reduce_sum3A_98 [0] : vector<384x512xf32> to vector<512xf32>
    %broadcast_in_dim3A_100 = vector.shape_cast %reduce_sum3A_99 : vector<512xf32> to vector<1x512xf32>
    %reduce_max3A_101 = arith.constant dense<0xFF800000> : vector<512xf32>
    %reduce_max3A_102 = vector.multi_reduction <maximumf>, %get3A_91, %reduce_max3A_101 [0] : vector<384x512xf32> to vector<512xf32>
    %broadcast_in_dim3A_103 = vector.shape_cast %reduce_max3A_102 : vector<512xf32> to vector<1x512xf32>
    %sub3A_104 = vector.broadcast %broadcast_in_dim3A_103 : vector<1x512xf32> to vector<384x512xf32>
    %sub3A_105 = arith.subf %get3A_91, %sub3A_104 : vector<384x512xf32>
    %exp3A_106 = math.exp %sub3A_105 : vector<384x512xf32>
    %reduce_sum3A_107 = arith.constant dense<0.000000e+00> : vector<512xf32>
    %reduce_sum3A_108 = vector.multi_reduction <add>, %exp3A_106, %reduce_sum3A_107 [0] : vector<384x512xf32> to vector<512xf32>
    %broadcast_in_dim3A_109 = vector.shape_cast %reduce_sum3A_108 : vector<512xf32> to vector<1x512xf32>
    %sub3A_110 = arith.subf %get3A_86, %get3A_91 : vector<384x512xf32>
    %mul3A_111 = arith.mulf %exp3A_97, %sub3A_110 : vector<384x512xf32>
    %reduce_sum3A_112 = arith.constant dense<0.000000e+00> : vector<512xf32>
    %reduce_sum3A_113 = vector.multi_reduction <add>, %mul3A_111, %reduce_sum3A_112 [0] : vector<384x512xf32> to vector<512xf32>
    %broadcast_in_dim3A_114 = vector.shape_cast %reduce_sum3A_113 : vector<512xf32> to vector<1x512xf32>
    %div3A_115 = arith.divf %broadcast_in_dim3A_114, %broadcast_in_dim3A_100 : vector<1x512xf32>
    %log3A_116 = math.log %broadcast_in_dim3A_100 : vector<1x512xf32>
    %add3A_117 = arith.addf %broadcast_in_dim3A_94, %log3A_116 : vector<1x512xf32>
    %sub3A_118 = arith.subf %div3A_115, %add3A_117 : vector<1x512xf32>
    %log3A_119 = math.log %broadcast_in_dim3A_109 : vector<1x512xf32>
    %add3A_120 = arith.addf %broadcast_in_dim3A_103, %log3A_119 : vector<1x512xf32>
    %add3A_121 = arith.addf %sub3A_118, %add3A_120 : vector<1x512xf32>
    %squeeze3A_122 = vector.shape_cast %add3A_121 : vector<1x512xf32> to vector<512xf32>
    %swap3A_123 = arith.constant 0 : index
    %swap3A_124 = arith.constant 0 : index
    %swap3A_125 = arith.constant 1024 : index
    %swap3A_126 = vector.load %arg9[%swap3A_123, %swap3A_124, %swap3A_125] : memref<1x1x2048xf32, #tpu.memory_space<vmem>>, vector<1x1x512xf32>
    %swap3A_127 = vector.shape_cast %swap3A_126 : vector<1x1x512xf32> to vector<512xf32>
    %swap3A_128 = vector.shape_cast %squeeze3A_122 : vector<512xf32> to vector<1x1x512xf32>
    tpu.vector_store %arg9[%swap3A_123, %swap3A_124, %swap3A_125], %swap3A_128 {strides = array<i32>} : memref<1x1x2048xf32, #tpu.memory_space<vmem>>, vector<1x1x512xf32>,
    %get3A_129 = arith.constant 0 : index
    %get3A_130 = arith.constant 0 : index
    %get3A_131 = arith.constant 0 : index
    %get3A_132 = vector.load %arg4[%get3A_129, %get3A_130, %get3A_131] : memref<1x384x512xf32, #tpu.memory_space<vmem>>, vector<1x384x512xf32>
    %get3A_133 = vector.shape_cast %get3A_132 : vector<1x384x512xf32> to vector<384x512xf32>
    %get3A_134 = arith.constant 0 : index
    %get3A_135 = arith.constant 0 : index
    %get3A_136 = arith.constant 0 : index
    %get3A_137 = vector.load %arg8[%get3A_134, %get3A_135, %get3A_136] : memref<1x384x512xf32, #tpu.memory_space<vmem>>, vector<1x384x512xf32>
    %get3A_138 = vector.shape_cast %get3A_137 : vector<1x384x512xf32> to vector<384x512xf32>
    %reduce_max3A_139 = arith.constant dense<0xFF800000> : vector<512xf32>
    %reduce_max3A_140 = vector.multi_reduction <maximumf>, %get3A_133, %reduce_max3A_139 [0] : vector<384x512xf32> to vector<512xf32>
    %broadcast_in_dim3A_141 = vector.shape_cast %reduce_max3A_140 : vector<512xf32> to vector<1x512xf32>
    %sub3A_142 = vector.broadcast %broadcast_in_dim3A_141 : vector<1x512xf32> to vector<384x512xf32>
    %sub3A_143 = arith.subf %get3A_133, %sub3A_142 : vector<384x512xf32>
    %exp3A_144 = math.exp %sub3A_143 : vector<384x512xf32>
    %reduce_sum3A_145 = arith.constant dense<0.000000e+00> : vector<512xf32>
    %reduce_sum3A_146 = vector.multi_reduction <add>, %exp3A_144, %reduce_sum3A_145 [0] : vector<384x512xf32> to vector<512xf32>
    %broadcast_in_dim3A_147 = vector.shape_cast %reduce_sum3A_146 : vector<512xf32> to vector<1x512xf32>
    %reduce_max3A_148 = arith.constant dense<0xFF800000> : vector<512xf32>
    %reduce_max3A_149 = vector.multi_reduction <maximumf>, %get3A_138, %reduce_max3A_148 [0] : vector<384x512xf32> to vector<512xf32>
    %broadcast_in_dim3A_150 = vector.shape_cast %reduce_max3A_149 : vector<512xf32> to vector<1x512xf32>
    %sub3A_151 = vector.broadcast %broadcast_in_dim3A_150 : vector<1x512xf32> to vector<384x512xf32>
    %sub3A_152 = arith.subf %get3A_138, %sub3A_151 : vector<384x512xf32>
    %exp3A_153 = math.exp %sub3A_152 : vector<384x512xf32>
    %reduce_sum3A_154 = arith.constant dense<0.000000e+00> : vector<512xf32>
    %reduce_sum3A_155 = vector.multi_reduction <add>, %exp3A_153, %reduce_sum3A_154 [0] : vector<384x512xf32> to vector<512xf32>
    %broadcast_in_dim3A_156 = vector.shape_cast %reduce_sum3A_155 : vector<512xf32> to vector<1x512xf32>
    %sub3A_157 = arith.subf %get3A_133, %get3A_138 : vector<384x512xf32>
    %mul3A_158 = arith.mulf %exp3A_144, %sub3A_157 : vector<384x512xf32>
    %reduce_sum3A_159 = arith.constant dense<0.000000e+00> : vector<512xf32>
    %reduce_sum3A_160 = vector.multi_reduction <add>, %mul3A_158, %reduce_sum3A_159 [0] : vector<384x512xf32> to vector<512xf32>
    %broadcast_in_dim3A_161 = vector.shape_cast %reduce_sum3A_160 : vector<512xf32> to vector<1x512xf32>
    %div3A_162 = arith.divf %broadcast_in_dim3A_161, %broadcast_in_dim3A_147 : vector<1x512xf32>
    %log3A_163 = math.log %broadcast_in_dim3A_147 : vector<1x512xf32>
    %add3A_164 = arith.addf %broadcast_in_dim3A_141, %log3A_163 : vector<1x512xf32>
    %sub3A_165 = arith.subf %div3A_162, %add3A_164 : vector<1x512xf32>
    %log3A_166 = math.log %broadcast_in_dim3A_156 : vector<1x512xf32>
    %add3A_167 = arith.addf %broadcast_in_dim3A_150, %log3A_166 : vector<1x512xf32>
    %add3A_168 = arith.addf %sub3A_165, %add3A_167 : vector<1x512xf32>
    %squeeze3A_169 = vector.shape_cast %add3A_168 : vector<1x512xf32> to vector<512xf32>
    %swap3A_170 = arith.constant 0 : index
    %swap3A_171 = arith.constant 0 : index
    %swap3A_172 = arith.constant 1536 : index
    %swap3A_173 = vector.load %arg9[%swap3A_170, %swap3A_171, %swap3A_172] : memref<1x1x2048xf32, #tpu.memory_space<vmem>>, vector<1x1x512xf32>
    %swap3A_174 = vector.shape_cast %swap3A_173 : vector<1x1x512xf32> to vector<512xf32>
    %swap3A_175 = vector.shape_cast %squeeze3A_169 : vector<512xf32> to vector<1x1x512xf32>
    tpu.vector_store %arg9[%swap3A_170, %swap3A_171, %swap3A_172], %swap3A_175 {strides = array<i32>} : memref<1x1x2048xf32, #tpu.memory_space<vmem>>, vector<1x1x512xf32>,
    return
  }
  func.func @transform_0(%arg0: i32) -> (i32, i32, i32) {
    %jit3A = arith.constant 2 : i32
    %div3A = arith.divsi %arg0, %jit3A : i32
    %sign3A = arith.constant 0 : i32
    %sign3A_0 = arith.cmpi sgt, %arg0, %sign3A : i32
    %sign3A_1 = arith.extui %sign3A_0 : i1 to i32
    %sign3A_2 = arith.constant 0 : i32
    %sign3A_3 = arith.cmpi slt, %arg0, %sign3A_2 : i32
    %sign3A_4 = arith.extui %sign3A_3 : i1 to i32
    %sign3A_5 = arith.subi %sign3A_1, %sign3A_4 : i32
    %sign3A_6 = arith.constant 0 : i32
    %sign3A_7 = arith.cmpi sgt, %jit3A, %sign3A_6 : i32
    %sign3A_8 = arith.extui %sign3A_7 : i1 to i32
    %sign3A_9 = arith.constant 0 : i32
    %sign3A_10 = arith.cmpi slt, %jit3A, %sign3A_9 : i32
    %sign3A_11 = arith.extui %sign3A_10 : i1 to i32
    %sign3A_12 = arith.subi %sign3A_8, %sign3A_11 : i32
    %ne3A = arith.cmpi ne, %sign3A_5, %sign3A_12 : i32
    %rem3A = arith.remsi %arg0, %jit3A : i32
    %ne3A_13 = arith.constant 0 : i32
    %ne3A_14 = arith.cmpi ne, %rem3A, %ne3A_13 : i32
    %and3A = arith.andi %ne3A, %ne3A_14 : i1
    %sub3A = arith.constant 1 : i32
    %sub3A_15 = arith.subi %div3A, %sub3A : i32
    %select_n3A = arith.select %and3A, %sub3A_15, %div3A : i32
    %jit3A_16 = arith.constant 2 : i32
    %eq3A = arith.constant 0 : i32
    %eq3A_17 = arith.cmpi eq, %jit3A_16, %eq3A : i32
    %jit3A_18 = arith.constant 1 : i32
    %select_n3A_19 = arith.select %eq3A_17, %jit3A_18, %jit3A_16 : i32
    %rem3A_20 = arith.remsi %arg0, %select_n3A_19 : i32
    %ne3A_21 = arith.constant 0 : i32
    %ne3A_22 = arith.cmpi ne, %rem3A_20, %ne3A_21 : i32
    %lt3A = arith.constant 0 : i32
    %lt3A_23 = arith.cmpi slt, %rem3A_20, %lt3A : i32
    %lt3A_24 = arith.constant 0 : i32
    %lt3A_25 = arith.cmpi slt, %select_n3A_19, %lt3A_24 : i32
    %ne3A_26 = arith.xori %lt3A_23, %lt3A_25 : i1
    %and3A_27 = arith.andi %ne3A_26, %ne3A_22 : i1
    %add3A = arith.addi %rem3A_20, %select_n3A_19 : i32
    %select_n3A_28 = arith.select %and3A_27, %add3A, %rem3A_20 : i32
    %mul3A = arith.constant 4 : i32
    %mul3A_29 = arith.muli %mul3A, %select_n3A_28 : i32
    %add3A_30 = arith.constant 0 : i32
    %add3A_31 = arith.addi %mul3A_29, %add3A_30 : i32
    %c0_i32 = arith.constant 0 : i32
    %c0_i32_32 = arith.constant 0 : i32
    return %select_n3A, %c0_i32, %add3A_31 : i32, i32, i32
  }
  func.func @transform_1(%arg0: i32) -> (i32, i32, i32) {
    %jit3A = arith.constant 2 : i32
    %div3A = arith.divsi %arg0, %jit3A : i32
    %sign3A = arith.constant 0 : i32
    %sign3A_0 = arith.cmpi sgt, %arg0, %sign3A : i32
    %sign3A_1 = arith.extui %sign3A_0 : i1 to i32
    %sign3A_2 = arith.constant 0 : i32
    %sign3A_3 = arith.cmpi slt, %arg0, %sign3A_2 : i32
    %sign3A_4 = arith.extui %sign3A_3 : i1 to i32
    %sign3A_5 = arith.subi %sign3A_1, %sign3A_4 : i32
    %sign3A_6 = arith.constant 0 : i32
    %sign3A_7 = arith.cmpi sgt, %jit3A, %sign3A_6 : i32
    %sign3A_8 = arith.extui %sign3A_7 : i1 to i32
    %sign3A_9 = arith.constant 0 : i32
    %sign3A_10 = arith.cmpi slt, %jit3A, %sign3A_9 : i32
    %sign3A_11 = arith.extui %sign3A_10 : i1 to i32
    %sign3A_12 = arith.subi %sign3A_8, %sign3A_11 : i32
    %ne3A = arith.cmpi ne, %sign3A_5, %sign3A_12 : i32
    %rem3A = arith.remsi %arg0, %jit3A : i32
    %ne3A_13 = arith.constant 0 : i32
    %ne3A_14 = arith.cmpi ne, %rem3A, %ne3A_13 : i32
    %and3A = arith.andi %ne3A, %ne3A_14 : i1
    %sub3A = arith.constant 1 : i32
    %sub3A_15 = arith.subi %div3A, %sub3A : i32
    %select_n3A = arith.select %and3A, %sub3A_15, %div3A : i32
    %jit3A_16 = arith.constant 2 : i32
    %eq3A = arith.constant 0 : i32
    %eq3A_17 = arith.cmpi eq, %jit3A_16, %eq3A : i32
    %jit3A_18 = arith.constant 1 : i32
    %select_n3A_19 = arith.select %eq3A_17, %jit3A_18, %jit3A_16 : i32
    %rem3A_20 = arith.remsi %arg0, %select_n3A_19 : i32
    %ne3A_21 = arith.constant 0 : i32
    %ne3A_22 = arith.cmpi ne, %rem3A_20, %ne3A_21 : i32
    %lt3A = arith.constant 0 : i32
    %lt3A_23 = arith.cmpi slt, %rem3A_20, %lt3A : i32
    %lt3A_24 = arith.constant 0 : i32
    %lt3A_25 = arith.cmpi slt, %select_n3A_19, %lt3A_24 : i32
    %ne3A_26 = arith.xori %lt3A_23, %lt3A_25 : i1
    %and3A_27 = arith.andi %ne3A_26, %ne3A_22 : i1
    %add3A = arith.addi %rem3A_20, %select_n3A_19 : i32
    %select_n3A_28 = arith.select %and3A_27, %add3A, %rem3A_20 : i32
    %mul3A = arith.constant 4 : i32
    %mul3A_29 = arith.muli %mul3A, %select_n3A_28 : i32
    %add3A_30 = arith.constant 1 : i32
    %add3A_31 = arith.addi %mul3A_29, %add3A_30 : i32
    %c0_i32 = arith.constant 0 : i32
    %c0_i32_32 = arith.constant 0 : i32
    return %select_n3A, %c0_i32, %add3A_31 : i32, i32, i32
  }
  func.func @transform_2(%arg0: i32) -> (i32, i32, i32) {
    %jit3A = arith.constant 2 : i32
    %div3A = arith.divsi %arg0, %jit3A : i32
    %sign3A = arith.constant 0 : i32
    %sign3A_0 = arith.cmpi sgt, %arg0, %sign3A : i32
    %sign3A_1 = arith.extui %sign3A_0 : i1 to i32
    %sign3A_2 = arith.constant 0 : i32
    %sign3A_3 = arith.cmpi slt, %arg0, %sign3A_2 : i32
    %sign3A_4 = arith.extui %sign3A_3 : i1 to i32
    %sign3A_5 = arith.subi %sign3A_1, %sign3A_4 : i32
    %sign3A_6 = arith.constant 0 : i32
    %sign3A_7 = arith.cmpi sgt, %jit3A, %sign3A_6 : i32
    %sign3A_8 = arith.extui %sign3A_7 : i1 to i32
    %sign3A_9 = arith.constant 0 : i32
    %sign3A_10 = arith.cmpi slt, %jit3A, %sign3A_9 : i32
    %sign3A_11 = arith.extui %sign3A_10 : i1 to i32
    %sign3A_12 = arith.subi %sign3A_8, %sign3A_11 : i32
    %ne3A = arith.cmpi ne, %sign3A_5, %sign3A_12 : i32
    %rem3A = arith.remsi %arg0, %jit3A : i32
    %ne3A_13 = arith.constant 0 : i32
    %ne3A_14 = arith.cmpi ne, %rem3A, %ne3A_13 : i32
    %and3A = arith.andi %ne3A, %ne3A_14 : i1
    %sub3A = arith.constant 1 : i32
    %sub3A_15 = arith.subi %div3A, %sub3A : i32
    %select_n3A = arith.select %and3A, %sub3A_15, %div3A : i32
    %jit3A_16 = arith.constant 2 : i32
    %eq3A = arith.constant 0 : i32
    %eq3A_17 = arith.cmpi eq, %jit3A_16, %eq3A : i32
    %jit3A_18 = arith.constant 1 : i32
    %select_n3A_19 = arith.select %eq3A_17, %jit3A_18, %jit3A_16 : i32
    %rem3A_20 = arith.remsi %arg0, %select_n3A_19 : i32
    %ne3A_21 = arith.constant 0 : i32
    %ne3A_22 = arith.cmpi ne, %rem3A_20, %ne3A_21 : i32
    %lt3A = arith.constant 0 : i32
    %lt3A_23 = arith.cmpi slt, %rem3A_20, %lt3A : i32
    %lt3A_24 = arith.constant 0 : i32
    %lt3A_25 = arith.cmpi slt, %select_n3A_19, %lt3A_24 : i32
    %ne3A_26 = arith.xori %lt3A_23, %lt3A_25 : i1
    %and3A_27 = arith.andi %ne3A_26, %ne3A_22 : i1
    %add3A = arith.addi %rem3A_20, %select_n3A_19 : i32
    %select_n3A_28 = arith.select %and3A_27, %add3A, %rem3A_20 : i32
    %mul3A = arith.constant 4 : i32
    %mul3A_29 = arith.muli %mul3A, %select_n3A_28 : i32
    %add3A_30 = arith.constant 2 : i32
    %add3A_31 = arith.addi %mul3A_29, %add3A_30 : i32
    %c0_i32 = arith.constant 0 : i32
    %c0_i32_32 = arith.constant 0 : i32
    return %select_n3A, %c0_i32, %add3A_31 : i32, i32, i32
  }
  func.func @transform_3(%arg0: i32) -> (i32, i32, i32) {
    %jit3A = arith.constant 2 : i32
    %div3A = arith.divsi %arg0, %jit3A : i32
    %sign3A = arith.constant 0 : i32
    %sign3A_0 = arith.cmpi sgt, %arg0, %sign3A : i32
    %sign3A_1 = arith.extui %sign3A_0 : i1 to i32
    %sign3A_2 = arith.constant 0 : i32
    %sign3A_3 = arith.cmpi slt, %arg0, %sign3A_2 : i32
    %sign3A_4 = arith.extui %sign3A_3 : i1 to i32
    %sign3A_5 = arith.subi %sign3A_1, %sign3A_4 : i32
    %sign3A_6 = arith.constant 0 : i32
    %sign3A_7 = arith.cmpi sgt, %jit3A, %sign3A_6 : i32
    %sign3A_8 = arith.extui %sign3A_7 : i1 to i32
    %sign3A_9 = arith.constant 0 : i32
    %sign3A_10 = arith.cmpi slt, %jit3A, %sign3A_9 : i32
    %sign3A_11 = arith.extui %sign3A_10 : i1 to i32
    %sign3A_12 = arith.subi %sign3A_8, %sign3A_11 : i32
    %ne3A = arith.cmpi ne, %sign3A_5, %sign3A_12 : i32
    %rem3A = arith.remsi %arg0, %jit3A : i32
    %ne3A_13 = arith.constant 0 : i32
    %ne3A_14 = arith.cmpi ne, %rem3A, %ne3A_13 : i32
    %and3A = arith.andi %ne3A, %ne3A_14 : i1
    %sub3A = arith.constant 1 : i32
    %sub3A_15 = arith.subi %div3A, %sub3A : i32
    %select_n3A = arith.select %and3A, %sub3A_15, %div3A : i32
    %jit3A_16 = arith.constant 2 : i32
    %eq3A = arith.constant 0 : i32
    %eq3A_17 = arith.cmpi eq, %jit3A_16, %eq3A : i32
    %jit3A_18 = arith.constant 1 : i32
    %select_n3A_19 = arith.select %eq3A_17, %jit3A_18, %jit3A_16 : i32
    %rem3A_20 = arith.remsi %arg0, %select_n3A_19 : i32
    %ne3A_21 = arith.constant 0 : i32
    %ne3A_22 = arith.cmpi ne, %rem3A_20, %ne3A_21 : i32
    %lt3A = arith.constant 0 : i32
    %lt3A_23 = arith.cmpi slt, %rem3A_20, %lt3A : i32
    %lt3A_24 = arith.constant 0 : i32
    %lt3A_25 = arith.cmpi slt, %select_n3A_19, %lt3A_24 : i32
    %ne3A_26 = arith.xori %lt3A_23, %lt3A_25 : i1
    %and3A_27 = arith.andi %ne3A_26, %ne3A_22 : i1
    %add3A = arith.addi %rem3A_20, %select_n3A_19 : i32
    %select_n3A_28 = arith.select %and3A_27, %add3A, %rem3A_20 : i32
    %mul3A = arith.constant 4 : i32
    %mul3A_29 = arith.muli %mul3A, %select_n3A_28 : i32
    %add3A_30 = arith.constant 3 : i32
    %add3A_31 = arith.addi %mul3A_29, %add3A_30 : i32
    %c0_i32 = arith.constant 0 : i32
    %c0_i32_32 = arith.constant 0 : i32
    return %select_n3A, %c0_i32, %add3A_31 : i32, i32, i32
  }
  func.func @transform_4(%arg0: i32) -> (i32, i32, i32) {
    %jit3A = arith.constant 2 : i32
    %div3A = arith.divsi %arg0, %jit3A : i32
    %sign3A = arith.constant 0 : i32
    %sign3A_0 = arith.cmpi sgt, %arg0, %sign3A : i32
    %sign3A_1 = arith.extui %sign3A_0 : i1 to i32
    %sign3A_2 = arith.constant 0 : i32
    %sign3A_3 = arith.cmpi slt, %arg0, %sign3A_2 : i32
    %sign3A_4 = arith.extui %sign3A_3 : i1 to i32
    %sign3A_5 = arith.subi %sign3A_1, %sign3A_4 : i32
    %sign3A_6 = arith.constant 0 : i32
    %sign3A_7 = arith.cmpi sgt, %jit3A, %sign3A_6 : i32
    %sign3A_8 = arith.extui %sign3A_7 : i1 to i32
    %sign3A_9 = arith.constant 0 : i32
    %sign3A_10 = arith.cmpi slt, %jit3A, %sign3A_9 : i32
    %sign3A_11 = arith.extui %sign3A_10 : i1 to i32
    %sign3A_12 = arith.subi %sign3A_8, %sign3A_11 : i32
    %ne3A = arith.cmpi ne, %sign3A_5, %sign3A_12 : i32
    %rem3A = arith.remsi %arg0, %jit3A : i32
    %ne3A_13 = arith.constant 0 : i32
    %ne3A_14 = arith.cmpi ne, %rem3A, %ne3A_13 : i32
    %and3A = arith.andi %ne3A, %ne3A_14 : i1
    %sub3A = arith.constant 1 : i32
    %sub3A_15 = arith.subi %div3A, %sub3A : i32
    %select_n3A = arith.select %and3A, %sub3A_15, %div3A : i32
    %jit3A_16 = arith.constant 2 : i32
    %eq3A = arith.constant 0 : i32
    %eq3A_17 = arith.cmpi eq, %jit3A_16, %eq3A : i32
    %jit3A_18 = arith.constant 1 : i32
    %select_n3A_19 = arith.select %eq3A_17, %jit3A_18, %jit3A_16 : i32
    %rem3A_20 = arith.remsi %arg0, %select_n3A_19 : i32
    %ne3A_21 = arith.constant 0 : i32
    %ne3A_22 = arith.cmpi ne, %rem3A_20, %ne3A_21 : i32
    %lt3A = arith.constant 0 : i32
    %lt3A_23 = arith.cmpi slt, %rem3A_20, %lt3A : i32
    %lt3A_24 = arith.constant 0 : i32
    %lt3A_25 = arith.cmpi slt, %select_n3A_19, %lt3A_24 : i32
    %ne3A_26 = arith.xori %lt3A_23, %lt3A_25 : i1
    %and3A_27 = arith.andi %ne3A_26, %ne3A_22 : i1
    %add3A = arith.addi %rem3A_20, %select_n3A_19 : i32
    %select_n3A_28 = arith.select %and3A_27, %add3A, %rem3A_20 : i32
    %mul3A = arith.constant 4 : i32
    %mul3A_29 = arith.muli %mul3A, %select_n3A_28 : i32
    %add3A_30 = arith.constant 0 : i32
    %add3A_31 = arith.addi %mul3A_29, %add3A_30 : i32
    %c0_i32 = arith.constant 0 : i32
    %c0_i32_32 = arith.constant 0 : i32
    return %select_n3A, %c0_i32, %add3A_31 : i32, i32, i32
  }
  func.func @transform_5(%arg0: i32) -> (i32, i32, i32) {
    %jit3A = arith.constant 2 : i32
    %div3A = arith.divsi %arg0, %jit3A : i32
    %sign3A = arith.constant 0 : i32
    %sign3A_0 = arith.cmpi sgt, %arg0, %sign3A : i32
    %sign3A_1 = arith.extui %sign3A_0 : i1 to i32
    %sign3A_2 = arith.constant 0 : i32
    %sign3A_3 = arith.cmpi slt, %arg0, %sign3A_2 : i32
    %sign3A_4 = arith.extui %sign3A_3 : i1 to i32
    %sign3A_5 = arith.subi %sign3A_1, %sign3A_4 : i32
    %sign3A_6 = arith.constant 0 : i32
    %sign3A_7 = arith.cmpi sgt, %jit3A, %sign3A_6 : i32
    %sign3A_8 = arith.extui %sign3A_7 : i1 to i32
    %sign3A_9 = arith.constant 0 : i32
    %sign3A_10 = arith.cmpi slt, %jit3A, %sign3A_9 : i32
    %sign3A_11 = arith.extui %sign3A_10 : i1 to i32
    %sign3A_12 = arith.subi %sign3A_8, %sign3A_11 : i32
    %ne3A = arith.cmpi ne, %sign3A_5, %sign3A_12 : i32
    %rem3A = arith.remsi %arg0, %jit3A : i32
    %ne3A_13 = arith.constant 0 : i32
    %ne3A_14 = arith.cmpi ne, %rem3A, %ne3A_13 : i32
    %and3A = arith.andi %ne3A, %ne3A_14 : i1
    %sub3A = arith.constant 1 : i32
    %sub3A_15 = arith.subi %div3A, %sub3A : i32
    %select_n3A = arith.select %and3A, %sub3A_15, %div3A : i32
    %jit3A_16 = arith.constant 2 : i32
    %eq3A = arith.constant 0 : i32
    %eq3A_17 = arith.cmpi eq, %jit3A_16, %eq3A : i32
    %jit3A_18 = arith.constant 1 : i32
    %select_n3A_19 = arith.select %eq3A_17, %jit3A_18, %jit3A_16 : i32
    %rem3A_20 = arith.remsi %arg0, %select_n3A_19 : i32
    %ne3A_21 = arith.constant 0 : i32
    %ne3A_22 = arith.cmpi ne, %rem3A_20, %ne3A_21 : i32
    %lt3A = arith.constant 0 : i32
    %lt3A_23 = arith.cmpi slt, %rem3A_20, %lt3A : i32
    %lt3A_24 = arith.constant 0 : i32
    %lt3A_25 = arith.cmpi slt, %select_n3A_19, %lt3A_24 : i32
    %ne3A_26 = arith.xori %lt3A_23, %lt3A_25 : i1
    %and3A_27 = arith.andi %ne3A_26, %ne3A_22 : i1
    %add3A = arith.addi %rem3A_20, %select_n3A_19 : i32
    %select_n3A_28 = arith.select %and3A_27, %add3A, %rem3A_20 : i32
    %mul3A = arith.constant 4 : i32
    %mul3A_29 = arith.muli %mul3A, %select_n3A_28 : i32
    %add3A_30 = arith.constant 1 : i32
    %add3A_31 = arith.addi %mul3A_29, %add3A_30 : i32
    %c0_i32 = arith.constant 0 : i32
    %c0_i32_32 = arith.constant 0 : i32
    return %select_n3A, %c0_i32, %add3A_31 : i32, i32, i32
  }
  func.func @transform_6(%arg0: i32) -> (i32, i32, i32) {
    %jit3A = arith.constant 2 : i32
    %div3A = arith.divsi %arg0, %jit3A : i32
    %sign3A = arith.constant 0 : i32
    %sign3A_0 = arith.cmpi sgt, %arg0, %sign3A : i32
    %sign3A_1 = arith.extui %sign3A_0 : i1 to i32
    %sign3A_2 = arith.constant 0 : i32
    %sign3A_3 = arith.cmpi slt, %arg0, %sign3A_2 : i32
    %sign3A_4 = arith.extui %sign3A_3 : i1 to i32
    %sign3A_5 = arith.subi %sign3A_1, %sign3A_4 : i32
    %sign3A_6 = arith.constant 0 : i32
    %sign3A_7 = arith.cmpi sgt, %jit3A, %sign3A_6 : i32
    %sign3A_8 = arith.extui %sign3A_7 : i1 to i32
    %sign3A_9 = arith.constant 0 : i32
    %sign3A_10 = arith.cmpi slt, %jit3A, %sign3A_9 : i32
    %sign3A_11 = arith.extui %sign3A_10 : i1 to i32
    %sign3A_12 = arith.subi %sign3A_8, %sign3A_11 : i32
    %ne3A = arith.cmpi ne, %sign3A_5, %sign3A_12 : i32
    %rem3A = arith.remsi %arg0, %jit3A : i32
    %ne3A_13 = arith.constant 0 : i32
    %ne3A_14 = arith.cmpi ne, %rem3A, %ne3A_13 : i32
    %and3A = arith.andi %ne3A, %ne3A_14 : i1
    %sub3A = arith.constant 1 : i32
    %sub3A_15 = arith.subi %div3A, %sub3A : i32
    %select_n3A = arith.select %and3A, %sub3A_15, %div3A : i32
    %jit3A_16 = arith.constant 2 : i32
    %eq3A = arith.constant 0 : i32
    %eq3A_17 = arith.cmpi eq, %jit3A_16, %eq3A : i32
    %jit3A_18 = arith.constant 1 : i32
    %select_n3A_19 = arith.select %eq3A_17, %jit3A_18, %jit3A_16 : i32
    %rem3A_20 = arith.remsi %arg0, %select_n3A_19 : i32
    %ne3A_21 = arith.constant 0 : i32
    %ne3A_22 = arith.cmpi ne, %rem3A_20, %ne3A_21 : i32
    %lt3A = arith.constant 0 : i32
    %lt3A_23 = arith.cmpi slt, %rem3A_20, %lt3A : i32
    %lt3A_24 = arith.constant 0 : i32
    %lt3A_25 = arith.cmpi slt, %select_n3A_19, %lt3A_24 : i32
    %ne3A_26 = arith.xori %lt3A_23, %lt3A_25 : i1
    %and3A_27 = arith.andi %ne3A_26, %ne3A_22 : i1
    %add3A = arith.addi %rem3A_20, %select_n3A_19 : i32
    %select_n3A_28 = arith.select %and3A_27, %add3A, %rem3A_20 : i32
    %mul3A = arith.constant 4 : i32
    %mul3A_29 = arith.muli %mul3A, %select_n3A_28 : i32
    %add3A_30 = arith.constant 2 : i32
    %add3A_31 = arith.addi %mul3A_29, %add3A_30 : i32
    %c0_i32 = arith.constant 0 : i32
    %c0_i32_32 = arith.constant 0 : i32
    return %select_n3A, %c0_i32, %add3A_31 : i32, i32, i32
  }
  func.func @transform_7(%arg0: i32) -> (i32, i32, i32) {
    %jit3A = arith.constant 2 : i32
    %div3A = arith.divsi %arg0, %jit3A : i32
    %sign3A = arith.constant 0 : i32
    %sign3A_0 = arith.cmpi sgt, %arg0, %sign3A : i32
    %sign3A_1 = arith.extui %sign3A_0 : i1 to i32
    %sign3A_2 = arith.constant 0 : i32
    %sign3A_3 = arith.cmpi slt, %arg0, %sign3A_2 : i32
    %sign3A_4 = arith.extui %sign3A_3 : i1 to i32
    %sign3A_5 = arith.subi %sign3A_1, %sign3A_4 : i32
    %sign3A_6 = arith.constant 0 : i32
    %sign3A_7 = arith.cmpi sgt, %jit3A, %sign3A_6 : i32
    %sign3A_8 = arith.extui %sign3A_7 : i1 to i32
    %sign3A_9 = arith.constant 0 : i32
    %sign3A_10 = arith.cmpi slt, %jit3A, %sign3A_9 : i32
    %sign3A_11 = arith.extui %sign3A_10 : i1 to i32
    %sign3A_12 = arith.subi %sign3A_8, %sign3A_11 : i32
    %ne3A = arith.cmpi ne, %sign3A_5, %sign3A_12 : i32
    %rem3A = arith.remsi %arg0, %jit3A : i32
    %ne3A_13 = arith.constant 0 : i32
    %ne3A_14 = arith.cmpi ne, %rem3A, %ne3A_13 : i32
    %and3A = arith.andi %ne3A, %ne3A_14 : i1
    %sub3A = arith.constant 1 : i32
    %sub3A_15 = arith.subi %div3A, %sub3A : i32
    %select_n3A = arith.select %and3A, %sub3A_15, %div3A : i32
    %jit3A_16 = arith.constant 2 : i32
    %eq3A = arith.constant 0 : i32
    %eq3A_17 = arith.cmpi eq, %jit3A_16, %eq3A : i32
    %jit3A_18 = arith.constant 1 : i32
    %select_n3A_19 = arith.select %eq3A_17, %jit3A_18, %jit3A_16 : i32
    %rem3A_20 = arith.remsi %arg0, %select_n3A_19 : i32
    %ne3A_21 = arith.constant 0 : i32
    %ne3A_22 = arith.cmpi ne, %rem3A_20, %ne3A_21 : i32
    %lt3A = arith.constant 0 : i32
    %lt3A_23 = arith.cmpi slt, %rem3A_20, %lt3A : i32
    %lt3A_24 = arith.constant 0 : i32
    %lt3A_25 = arith.cmpi slt, %select_n3A_19, %lt3A_24 : i32
    %ne3A_26 = arith.xori %lt3A_23, %lt3A_25 : i1
    %and3A_27 = arith.andi %ne3A_26, %ne3A_22 : i1
    %add3A = arith.addi %rem3A_20, %select_n3A_19 : i32
    %select_n3A_28 = arith.select %and3A_27, %add3A, %rem3A_20 : i32
    %mul3A = arith.constant 4 : i32
    %mul3A_29 = arith.muli %mul3A, %select_n3A_28 : i32
    %add3A_30 = arith.constant 3 : i32
    %add3A_31 = arith.addi %mul3A_29, %add3A_30 : i32
    %c0_i32 = arith.constant 0 : i32
    %c0_i32_32 = arith.constant 0 : i32
    return %select_n3A, %c0_i32, %add3A_31 : i32, i32, i32
  }
  func.func @transform_8(%arg0: i32) -> (i32, i32, i32) {
    %jit3A = arith.constant 2 : i32
    %div3A = arith.divsi %arg0, %jit3A : i32
    %sign3A = arith.constant 0 : i32
    %sign3A_0 = arith.cmpi sgt, %arg0, %sign3A : i32
    %sign3A_1 = arith.extui %sign3A_0 : i1 to i32
    %sign3A_2 = arith.constant 0 : i32
    %sign3A_3 = arith.cmpi slt, %arg0, %sign3A_2 : i32
    %sign3A_4 = arith.extui %sign3A_3 : i1 to i32
    %sign3A_5 = arith.subi %sign3A_1, %sign3A_4 : i32
    %sign3A_6 = arith.constant 0 : i32
    %sign3A_7 = arith.cmpi sgt, %jit3A, %sign3A_6 : i32
    %sign3A_8 = arith.extui %sign3A_7 : i1 to i32
    %sign3A_9 = arith.constant 0 : i32
    %sign3A_10 = arith.cmpi slt, %jit3A, %sign3A_9 : i32
    %sign3A_11 = arith.extui %sign3A_10 : i1 to i32
    %sign3A_12 = arith.subi %sign3A_8, %sign3A_11 : i32
    %ne3A = arith.cmpi ne, %sign3A_5, %sign3A_12 : i32
    %rem3A = arith.remsi %arg0, %jit3A : i32
    %ne3A_13 = arith.constant 0 : i32
    %ne3A_14 = arith.cmpi ne, %rem3A, %ne3A_13 : i32
    %and3A = arith.andi %ne3A, %ne3A_14 : i1
    %sub3A = arith.constant 1 : i32
    %sub3A_15 = arith.subi %div3A, %sub3A : i32
    %select_n3A = arith.select %and3A, %sub3A_15, %div3A : i32
    %jit3A_16 = arith.constant 2 : i32
    %eq3A = arith.constant 0 : i32
    %eq3A_17 = arith.cmpi eq, %jit3A_16, %eq3A : i32
    %jit3A_18 = arith.constant 1 : i32
    %select_n3A_19 = arith.select %eq3A_17, %jit3A_18, %jit3A_16 : i32
    %rem3A_20 = arith.remsi %arg0, %select_n3A_19 : i32
    %ne3A_21 = arith.constant 0 : i32
    %ne3A_22 = arith.cmpi ne, %rem3A_20, %ne3A_21 : i32
    %lt3A = arith.constant 0 : i32
    %lt3A_23 = arith.cmpi slt, %rem3A_20, %lt3A : i32
    %lt3A_24 = arith.constant 0 : i32
    %lt3A_25 = arith.cmpi slt, %select_n3A_19, %lt3A_24 : i32
    %ne3A_26 = arith.xori %lt3A_23, %lt3A_25 : i1
    %and3A_27 = arith.andi %ne3A_26, %ne3A_22 : i1
    %add3A = arith.addi %rem3A_20, %select_n3A_19 : i32
    %select_n3A_28 = arith.select %and3A_27, %add3A, %rem3A_20 : i32
    %c0_i32 = arith.constant 0 : i32
    %c0_i32_29 = arith.constant 0 : i32
    return %select_n3A, %c0_i32, %select_n3A_28 : i32, i32, i32
  }
}

module attributes {stable_mosaic.version = 14 : i64} {
  func.func @_scale_body(%arg0: i32, %arg1: memref<1x768x256xf32, #tpu.memory_space<vmem>>, %arg2: memref<1x768x256xf32, #tpu.memory_space<vmem>>, %arg3: memref<1x768x256xf32, #tpu.memory_space<vmem>>, %arg4: memref<1x768x256xf32, #tpu.memory_space<vmem>>, %arg5: memref<1x768x256xf32, #tpu.memory_space<vmem>>, %arg6: memref<1x768x256xf32, #tpu.memory_space<vmem>>, %arg7: memref<1x768x256xf32, #tpu.memory_space<vmem>>, %arg8: memref<1x768x256xf32, #tpu.memory_space<vmem>>, %arg9: memref<1x1x1024xf32, #tpu.memory_space<vmem>>) attributes {dimension_semantics = [#tpu.dimension_semantics<arbitrary>], iteration_bounds = array<i64: 4>, scalar_prefetch = 0 : i64, scratch_operands = 0 : i64, tpu.core_type = #tpu.core_type<tc>, window_params = [{transform_indices = @transform_0, window_bounds = array<i64: 1, 768, 256>}, {transform_indices = @transform_1, window_bounds = array<i64: 1, 768, 256>}, {transform_indices = @transform_2, window_bounds = array<i64: 1, 768, 256>}, {transform_indices = @transform_3, window_bounds = array<i64: 1, 768, 256>}, {transform_indices = @transform_4, window_bounds = array<i64: 1, 768, 256>}, {transform_indices = @transform_5, window_bounds = array<i64: 1, 768, 256>}, {transform_indices = @transform_6, window_bounds = array<i64: 1, 768, 256>}, {transform_indices = @transform_7, window_bounds = array<i64: 1, 768, 256>}, {transform_indices = @transform_8, window_bounds = array<i64: 1, 1, 1024>}]} {
    %get3A = arith.constant 0 : index
    %get3A_0 = arith.constant 0 : index
    %get3A_1 = arith.constant 0 : index
    %get3A_2 = vector.load %arg1[%get3A, %get3A_0, %get3A_1] : memref<1x768x256xf32, #tpu.memory_space<vmem>>, vector<1x768x256xf32>
    %get3A_3 = vector.shape_cast %get3A_2 : vector<1x768x256xf32> to vector<768x256xf32>
    %get3A_4 = arith.constant 0 : index
    %get3A_5 = arith.constant 0 : index
    %get3A_6 = arith.constant 0 : index
    %get3A_7 = vector.load %arg5[%get3A_4, %get3A_5, %get3A_6] : memref<1x768x256xf32, #tpu.memory_space<vmem>>, vector<1x768x256xf32>
    %get3A_8 = vector.shape_cast %get3A_7 : vector<1x768x256xf32> to vector<768x256xf32>
    %reduce_max3A = arith.constant dense<0xFF800000> : vector<256xf32>
    %reduce_max3A_9 = vector.multi_reduction <maximumf>, %get3A_3, %reduce_max3A [0] : vector<768x256xf32> to vector<256xf32>
    %broadcast_in_dim3A = vector.shape_cast %reduce_max3A_9 : vector<256xf32> to vector<1x256xf32>
    %sub3A = vector.broadcast %broadcast_in_dim3A : vector<1x256xf32> to vector<768x256xf32>
    %sub3A_10 = arith.subf %get3A_3, %sub3A : vector<768x256xf32>
    %exp3A = math.exp %sub3A_10 : vector<768x256xf32>
    %reduce_sum3A = arith.constant dense<0.000000e+00> : vector<256xf32>
    %reduce_sum3A_11 = vector.multi_reduction <add>, %exp3A, %reduce_sum3A [0] : vector<768x256xf32> to vector<256xf32>
    %broadcast_in_dim3A_12 = vector.shape_cast %reduce_sum3A_11 : vector<256xf32> to vector<1x256xf32>
    %reduce_max3A_13 = arith.constant dense<0xFF800000> : vector<256xf32>
    %reduce_max3A_14 = vector.multi_reduction <maximumf>, %get3A_8, %reduce_max3A_13 [0] : vector<768x256xf32> to vector<256xf32>
    %broadcast_in_dim3A_15 = vector.shape_cast %reduce_max3A_14 : vector<256xf32> to vector<1x256xf32>
    %sub3A_16 = vector.broadcast %broadcast_in_dim3A_15 : vector<1x256xf32> to vector<768x256xf32>
    %sub3A_17 = arith.subf %get3A_8, %sub3A_16 : vector<768x256xf32>
    %exp3A_18 = math.exp %sub3A_17 : vector<768x256xf32>
    %reduce_sum3A_19 = arith.constant dense<0.000000e+00> : vector<256xf32>
    %reduce_sum3A_20 = vector.multi_reduction <add>, %exp3A_18, %reduce_sum3A_19 [0] : vector<768x256xf32> to vector<256xf32>
    %broadcast_in_dim3A_21 = vector.shape_cast %reduce_sum3A_20 : vector<256xf32> to vector<1x256xf32>
    %sub3A_22 = arith.subf %get3A_3, %get3A_8 : vector<768x256xf32>
    %mul3A = arith.mulf %exp3A, %sub3A_22 : vector<768x256xf32>
    %reduce_sum3A_23 = arith.constant dense<0.000000e+00> : vector<256xf32>
    %reduce_sum3A_24 = vector.multi_reduction <add>, %mul3A, %reduce_sum3A_23 [0] : vector<768x256xf32> to vector<256xf32>
    %broadcast_in_dim3A_25 = vector.shape_cast %reduce_sum3A_24 : vector<256xf32> to vector<1x256xf32>
    %div3A = arith.divf %broadcast_in_dim3A_25, %broadcast_in_dim3A_12 : vector<1x256xf32>
    %log3A = math.log %broadcast_in_dim3A_12 : vector<1x256xf32>
    %add3A = arith.addf %broadcast_in_dim3A, %log3A : vector<1x256xf32>
    %sub3A_26 = arith.subf %div3A, %add3A : vector<1x256xf32>
    %log3A_27 = math.log %broadcast_in_dim3A_21 : vector<1x256xf32>
    %add3A_28 = arith.addf %broadcast_in_dim3A_15, %log3A_27 : vector<1x256xf32>
    %add3A_29 = arith.addf %sub3A_26, %add3A_28 : vector<1x256xf32>
    %squeeze3A = vector.shape_cast %add3A_29 : vector<1x256xf32> to vector<256xf32>
    %swap3A = arith.constant 0 : index
    %swap3A_30 = arith.constant 0 : index
    %swap3A_31 = arith.constant 0 : index
    %swap3A_32 = vector.load %arg9[%swap3A, %swap3A_30, %swap3A_31] : memref<1x1x1024xf32, #tpu.memory_space<vmem>>, vector<1x1x256xf32>
    %swap3A_33 = vector.shape_cast %swap3A_32 : vector<1x1x256xf32> to vector<256xf32>
    %swap3A_34 = vector.shape_cast %squeeze3A : vector<256xf32> to vector<1x1x256xf32>
    tpu.vector_store %arg9[%swap3A, %swap3A_30, %swap3A_31], %swap3A_34 {strides = array<i32>} : memref<1x1x1024xf32, #tpu.memory_space<vmem>>, vector<1x1x256xf32>,
    %get3A_35 = arith.constant 0 : index
    %get3A_36 = arith.constant 0 : index
    %get3A_37 = arith.constant 0 : index
    %get3A_38 = vector.load %arg2[%get3A_35, %get3A_36, %get3A_37] : memref<1x768x256xf32, #tpu.memory_space<vmem>>, vector<1x768x256xf32>
    %get3A_39 = vector.shape_cast %get3A_38 : vector<1x768x256xf32> to vector<768x256xf32>
    %get3A_40 = arith.constant 0 : index
    %get3A_41 = arith.constant 0 : index
    %get3A_42 = arith.constant 0 : index
    %get3A_43 = vector.load %arg6[%get3A_40, %get3A_41, %get3A_42] : memref<1x768x256xf32, #tpu.memory_space<vmem>>, vector<1x768x256xf32>
    %get3A_44 = vector.shape_cast %get3A_43 : vector<1x768x256xf32> to vector<768x256xf32>
    %reduce_max3A_45 = arith.constant dense<0xFF800000> : vector<256xf32>
    %reduce_max3A_46 = vector.multi_reduction <maximumf>, %get3A_39, %reduce_max3A_45 [0] : vector<768x256xf32> to vector<256xf32>
    %broadcast_in_dim3A_47 = vector.shape_cast %reduce_max3A_46 : vector<256xf32> to vector<1x256xf32>
    %sub3A_48 = vector.broadcast %broadcast_in_dim3A_47 : vector<1x256xf32> to vector<768x256xf32>
    %sub3A_49 = arith.subf %get3A_39, %sub3A_48 : vector<768x256xf32>
    %exp3A_50 = math.exp %sub3A_49 : vector<768x256xf32>
    %reduce_sum3A_51 = arith.constant dense<0.000000e+00> : vector<256xf32>
    %reduce_sum3A_52 = vector.multi_reduction <add>, %exp3A_50, %reduce_sum3A_51 [0] : vector<768x256xf32> to vector<256xf32>
    %broadcast_in_dim3A_53 = vector.shape_cast %reduce_sum3A_52 : vector<256xf32> to vector<1x256xf32>
    %reduce_max3A_54 = arith.constant dense<0xFF800000> : vector<256xf32>
    %reduce_max3A_55 = vector.multi_reduction <maximumf>, %get3A_44, %reduce_max3A_54 [0] : vector<768x256xf32> to vector<256xf32>
    %broadcast_in_dim3A_56 = vector.shape_cast %reduce_max3A_55 : vector<256xf32> to vector<1x256xf32>
    %sub3A_57 = vector.broadcast %broadcast_in_dim3A_56 : vector<1x256xf32> to vector<768x256xf32>
    %sub3A_58 = arith.subf %get3A_44, %sub3A_57 : vector<768x256xf32>
    %exp3A_59 = math.exp %sub3A_58 : vector<768x256xf32>
    %reduce_sum3A_60 = arith.constant dense<0.000000e+00> : vector<256xf32>
    %reduce_sum3A_61 = vector.multi_reduction <add>, %exp3A_59, %reduce_sum3A_60 [0] : vector<768x256xf32> to vector<256xf32>
    %broadcast_in_dim3A_62 = vector.shape_cast %reduce_sum3A_61 : vector<256xf32> to vector<1x256xf32>
    %sub3A_63 = arith.subf %get3A_39, %get3A_44 : vector<768x256xf32>
    %mul3A_64 = arith.mulf %exp3A_50, %sub3A_63 : vector<768x256xf32>
    %reduce_sum3A_65 = arith.constant dense<0.000000e+00> : vector<256xf32>
    %reduce_sum3A_66 = vector.multi_reduction <add>, %mul3A_64, %reduce_sum3A_65 [0] : vector<768x256xf32> to vector<256xf32>
    %broadcast_in_dim3A_67 = vector.shape_cast %reduce_sum3A_66 : vector<256xf32> to vector<1x256xf32>
    %div3A_68 = arith.divf %broadcast_in_dim3A_67, %broadcast_in_dim3A_53 : vector<1x256xf32>
    %log3A_69 = math.log %broadcast_in_dim3A_53 : vector<1x256xf32>
    %add3A_70 = arith.addf %broadcast_in_dim3A_47, %log3A_69 : vector<1x256xf32>
    %sub3A_71 = arith.subf %div3A_68, %add3A_70 : vector<1x256xf32>
    %log3A_72 = math.log %broadcast_in_dim3A_62 : vector<1x256xf32>
    %add3A_73 = arith.addf %broadcast_in_dim3A_56, %log3A_72 : vector<1x256xf32>
    %add3A_74 = arith.addf %sub3A_71, %add3A_73 : vector<1x256xf32>
    %squeeze3A_75 = vector.shape_cast %add3A_74 : vector<1x256xf32> to vector<256xf32>
    %swap3A_76 = arith.constant 0 : index
    %swap3A_77 = arith.constant 0 : index
    %swap3A_78 = arith.constant 256 : index
    %swap3A_79 = vector.load %arg9[%swap3A_76, %swap3A_77, %swap3A_78] : memref<1x1x1024xf32, #tpu.memory_space<vmem>>, vector<1x1x256xf32>
    %swap3A_80 = vector.shape_cast %swap3A_79 : vector<1x1x256xf32> to vector<256xf32>
    %swap3A_81 = vector.shape_cast %squeeze3A_75 : vector<256xf32> to vector<1x1x256xf32>
    tpu.vector_store %arg9[%swap3A_76, %swap3A_77, %swap3A_78], %swap3A_81 {strides = array<i32>} : memref<1x1x1024xf32, #tpu.memory_space<vmem>>, vector<1x1x256xf32>,
    %get3A_82 = arith.constant 0 : index
    %get3A_83 = arith.constant 0 : index
    %get3A_84 = arith.constant 0 : index
    %get3A_85 = vector.load %arg3[%get3A_82, %get3A_83, %get3A_84] : memref<1x768x256xf32, #tpu.memory_space<vmem>>, vector<1x768x256xf32>
    %get3A_86 = vector.shape_cast %get3A_85 : vector<1x768x256xf32> to vector<768x256xf32>
    %get3A_87 = arith.constant 0 : index
    %get3A_88 = arith.constant 0 : index
    %get3A_89 = arith.constant 0 : index
    %get3A_90 = vector.load %arg7[%get3A_87, %get3A_88, %get3A_89] : memref<1x768x256xf32, #tpu.memory_space<vmem>>, vector<1x768x256xf32>
    %get3A_91 = vector.shape_cast %get3A_90 : vector<1x768x256xf32> to vector<768x256xf32>
    %reduce_max3A_92 = arith.constant dense<0xFF800000> : vector<256xf32>
    %reduce_max3A_93 = vector.multi_reduction <maximumf>, %get3A_86, %reduce_max3A_92 [0] : vector<768x256xf32> to vector<256xf32>
    %broadcast_in_dim3A_94 = vector.shape_cast %reduce_max3A_93 : vector<256xf32> to vector<1x256xf32>
    %sub3A_95 = vector.broadcast %broadcast_in_dim3A_94 : vector<1x256xf32> to vector<768x256xf32>
    %sub3A_96 = arith.subf %get3A_86, %sub3A_95 : vector<768x256xf32>
    %exp3A_97 = math.exp %sub3A_96 : vector<768x256xf32>
    %reduce_sum3A_98 = arith.constant dense<0.000000e+00> : vector<256xf32>
    %reduce_sum3A_99 = vector.multi_reduction <add>, %exp3A_97, %reduce_sum3A_98 [0] : vector<768x256xf32> to vector<256xf32>
    %broadcast_in_dim3A_100 = vector.shape_cast %reduce_sum3A_99 : vector<256xf32> to vector<1x256xf32>
    %reduce_max3A_101 = arith.constant dense<0xFF800000> : vector<256xf32>
    %reduce_max3A_102 = vector.multi_reduction <maximumf>, %get3A_91, %reduce_max3A_101 [0] : vector<768x256xf32> to vector<256xf32>
    %broadcast_in_dim3A_103 = vector.shape_cast %reduce_max3A_102 : vector<256xf32> to vector<1x256xf32>
    %sub3A_104 = vector.broadcast %broadcast_in_dim3A_103 : vector<1x256xf32> to vector<768x256xf32>
    %sub3A_105 = arith.subf %get3A_91, %sub3A_104 : vector<768x256xf32>
    %exp3A_106 = math.exp %sub3A_105 : vector<768x256xf32>
    %reduce_sum3A_107 = arith.constant dense<0.000000e+00> : vector<256xf32>
    %reduce_sum3A_108 = vector.multi_reduction <add>, %exp3A_106, %reduce_sum3A_107 [0] : vector<768x256xf32> to vector<256xf32>
    %broadcast_in_dim3A_109 = vector.shape_cast %reduce_sum3A_108 : vector<256xf32> to vector<1x256xf32>
    %sub3A_110 = arith.subf %get3A_86, %get3A_91 : vector<768x256xf32>
    %mul3A_111 = arith.mulf %exp3A_97, %sub3A_110 : vector<768x256xf32>
    %reduce_sum3A_112 = arith.constant dense<0.000000e+00> : vector<256xf32>
    %reduce_sum3A_113 = vector.multi_reduction <add>, %mul3A_111, %reduce_sum3A_112 [0] : vector<768x256xf32> to vector<256xf32>
    %broadcast_in_dim3A_114 = vector.shape_cast %reduce_sum3A_113 : vector<256xf32> to vector<1x256xf32>
    %div3A_115 = arith.divf %broadcast_in_dim3A_114, %broadcast_in_dim3A_100 : vector<1x256xf32>
    %log3A_116 = math.log %broadcast_in_dim3A_100 : vector<1x256xf32>
    %add3A_117 = arith.addf %broadcast_in_dim3A_94, %log3A_116 : vector<1x256xf32>
    %sub3A_118 = arith.subf %div3A_115, %add3A_117 : vector<1x256xf32>
    %log3A_119 = math.log %broadcast_in_dim3A_109 : vector<1x256xf32>
    %add3A_120 = arith.addf %broadcast_in_dim3A_103, %log3A_119 : vector<1x256xf32>
    %add3A_121 = arith.addf %sub3A_118, %add3A_120 : vector<1x256xf32>
    %squeeze3A_122 = vector.shape_cast %add3A_121 : vector<1x256xf32> to vector<256xf32>
    %swap3A_123 = arith.constant 0 : index
    %swap3A_124 = arith.constant 0 : index
    %swap3A_125 = arith.constant 512 : index
    %swap3A_126 = vector.load %arg9[%swap3A_123, %swap3A_124, %swap3A_125] : memref<1x1x1024xf32, #tpu.memory_space<vmem>>, vector<1x1x256xf32>
    %swap3A_127 = vector.shape_cast %swap3A_126 : vector<1x1x256xf32> to vector<256xf32>
    %swap3A_128 = vector.shape_cast %squeeze3A_122 : vector<256xf32> to vector<1x1x256xf32>
    tpu.vector_store %arg9[%swap3A_123, %swap3A_124, %swap3A_125], %swap3A_128 {strides = array<i32>} : memref<1x1x1024xf32, #tpu.memory_space<vmem>>, vector<1x1x256xf32>,
    %get3A_129 = arith.constant 0 : index
    %get3A_130 = arith.constant 0 : index
    %get3A_131 = arith.constant 0 : index
    %get3A_132 = vector.load %arg4[%get3A_129, %get3A_130, %get3A_131] : memref<1x768x256xf32, #tpu.memory_space<vmem>>, vector<1x768x256xf32>
    %get3A_133 = vector.shape_cast %get3A_132 : vector<1x768x256xf32> to vector<768x256xf32>
    %get3A_134 = arith.constant 0 : index
    %get3A_135 = arith.constant 0 : index
    %get3A_136 = arith.constant 0 : index
    %get3A_137 = vector.load %arg8[%get3A_134, %get3A_135, %get3A_136] : memref<1x768x256xf32, #tpu.memory_space<vmem>>, vector<1x768x256xf32>
    %get3A_138 = vector.shape_cast %get3A_137 : vector<1x768x256xf32> to vector<768x256xf32>
    %reduce_max3A_139 = arith.constant dense<0xFF800000> : vector<256xf32>
    %reduce_max3A_140 = vector.multi_reduction <maximumf>, %get3A_133, %reduce_max3A_139 [0] : vector<768x256xf32> to vector<256xf32>
    %broadcast_in_dim3A_141 = vector.shape_cast %reduce_max3A_140 : vector<256xf32> to vector<1x256xf32>
    %sub3A_142 = vector.broadcast %broadcast_in_dim3A_141 : vector<1x256xf32> to vector<768x256xf32>
    %sub3A_143 = arith.subf %get3A_133, %sub3A_142 : vector<768x256xf32>
    %exp3A_144 = math.exp %sub3A_143 : vector<768x256xf32>
    %reduce_sum3A_145 = arith.constant dense<0.000000e+00> : vector<256xf32>
    %reduce_sum3A_146 = vector.multi_reduction <add>, %exp3A_144, %reduce_sum3A_145 [0] : vector<768x256xf32> to vector<256xf32>
    %broadcast_in_dim3A_147 = vector.shape_cast %reduce_sum3A_146 : vector<256xf32> to vector<1x256xf32>
    %reduce_max3A_148 = arith.constant dense<0xFF800000> : vector<256xf32>
    %reduce_max3A_149 = vector.multi_reduction <maximumf>, %get3A_138, %reduce_max3A_148 [0] : vector<768x256xf32> to vector<256xf32>
    %broadcast_in_dim3A_150 = vector.shape_cast %reduce_max3A_149 : vector<256xf32> to vector<1x256xf32>
    %sub3A_151 = vector.broadcast %broadcast_in_dim3A_150 : vector<1x256xf32> to vector<768x256xf32>
    %sub3A_152 = arith.subf %get3A_138, %sub3A_151 : vector<768x256xf32>
    %exp3A_153 = math.exp %sub3A_152 : vector<768x256xf32>
    %reduce_sum3A_154 = arith.constant dense<0.000000e+00> : vector<256xf32>
    %reduce_sum3A_155 = vector.multi_reduction <add>, %exp3A_153, %reduce_sum3A_154 [0] : vector<768x256xf32> to vector<256xf32>
    %broadcast_in_dim3A_156 = vector.shape_cast %reduce_sum3A_155 : vector<256xf32> to vector<1x256xf32>
    %sub3A_157 = arith.subf %get3A_133, %get3A_138 : vector<768x256xf32>
    %mul3A_158 = arith.mulf %exp3A_144, %sub3A_157 : vector<768x256xf32>
    %reduce_sum3A_159 = arith.constant dense<0.000000e+00> : vector<256xf32>
    %reduce_sum3A_160 = vector.multi_reduction <add>, %mul3A_158, %reduce_sum3A_159 [0] : vector<768x256xf32> to vector<256xf32>
    %broadcast_in_dim3A_161 = vector.shape_cast %reduce_sum3A_160 : vector<256xf32> to vector<1x256xf32>
    %div3A_162 = arith.divf %broadcast_in_dim3A_161, %broadcast_in_dim3A_147 : vector<1x256xf32>
    %log3A_163 = math.log %broadcast_in_dim3A_147 : vector<1x256xf32>
    %add3A_164 = arith.addf %broadcast_in_dim3A_141, %log3A_163 : vector<1x256xf32>
    %sub3A_165 = arith.subf %div3A_162, %add3A_164 : vector<1x256xf32>
    %log3A_166 = math.log %broadcast_in_dim3A_156 : vector<1x256xf32>
    %add3A_167 = arith.addf %broadcast_in_dim3A_150, %log3A_166 : vector<1x256xf32>
    %add3A_168 = arith.addf %sub3A_165, %add3A_167 : vector<1x256xf32>
    %squeeze3A_169 = vector.shape_cast %add3A_168 : vector<1x256xf32> to vector<256xf32>
    %swap3A_170 = arith.constant 0 : index
    %swap3A_171 = arith.constant 0 : index
    %swap3A_172 = arith.constant 768 : index
    %swap3A_173 = vector.load %arg9[%swap3A_170, %swap3A_171, %swap3A_172] : memref<1x1x1024xf32, #tpu.memory_space<vmem>>, vector<1x1x256xf32>
    %swap3A_174 = vector.shape_cast %swap3A_173 : vector<1x1x256xf32> to vector<256xf32>
    %swap3A_175 = vector.shape_cast %squeeze3A_169 : vector<256xf32> to vector<1x1x256xf32>
    tpu.vector_store %arg9[%swap3A_170, %swap3A_171, %swap3A_172], %swap3A_175 {strides = array<i32>} : memref<1x1x1024xf32, #tpu.memory_space<vmem>>, vector<1x1x256xf32>,
    return
  }
  func.func @transform_0(%arg0: i32) -> (i32, i32, i32) {
    %jit3A = arith.constant 1 : i32
    %div3A = arith.divsi %arg0, %jit3A : i32
    %sign3A = arith.constant 0 : i32
    %sign3A_0 = arith.cmpi sgt, %arg0, %sign3A : i32
    %sign3A_1 = arith.extui %sign3A_0 : i1 to i32
    %sign3A_2 = arith.constant 0 : i32
    %sign3A_3 = arith.cmpi slt, %arg0, %sign3A_2 : i32
    %sign3A_4 = arith.extui %sign3A_3 : i1 to i32
    %sign3A_5 = arith.subi %sign3A_1, %sign3A_4 : i32
    %sign3A_6 = arith.constant 0 : i32
    %sign3A_7 = arith.cmpi sgt, %jit3A, %sign3A_6 : i32
    %sign3A_8 = arith.extui %sign3A_7 : i1 to i32
    %sign3A_9 = arith.constant 0 : i32
    %sign3A_10 = arith.cmpi slt, %jit3A, %sign3A_9 : i32
    %sign3A_11 = arith.extui %sign3A_10 : i1 to i32
    %sign3A_12 = arith.subi %sign3A_8, %sign3A_11 : i32
    %ne3A = arith.cmpi ne, %sign3A_5, %sign3A_12 : i32
    %rem3A = arith.remsi %arg0, %jit3A : i32
    %ne3A_13 = arith.constant 0 : i32
    %ne3A_14 = arith.cmpi ne, %rem3A, %ne3A_13 : i32
    %and3A = arith.andi %ne3A, %ne3A_14 : i1
    %sub3A = arith.constant 1 : i32
    %sub3A_15 = arith.subi %div3A, %sub3A : i32
    %select_n3A = arith.select %and3A, %sub3A_15, %div3A : i32
    %jit3A_16 = arith.constant 1 : i32
    %eq3A = arith.constant 0 : i32
    %eq3A_17 = arith.cmpi eq, %jit3A_16, %eq3A : i32
    %jit3A_18 = arith.constant 1 : i32
    %select_n3A_19 = arith.select %eq3A_17, %jit3A_18, %jit3A_16 : i32
    %rem3A_20 = arith.remsi %arg0, %select_n3A_19 : i32
    %ne3A_21 = arith.constant 0 : i32
    %ne3A_22 = arith.cmpi ne, %rem3A_20, %ne3A_21 : i32
    %lt3A = arith.constant 0 : i32
    %lt3A_23 = arith.cmpi slt, %rem3A_20, %lt3A : i32
    %lt3A_24 = arith.constant 0 : i32
    %lt3A_25 = arith.cmpi slt, %select_n3A_19, %lt3A_24 : i32
    %ne3A_26 = arith.xori %lt3A_23, %lt3A_25 : i1
    %and3A_27 = arith.andi %ne3A_26, %ne3A_22 : i1
    %add3A = arith.addi %rem3A_20, %select_n3A_19 : i32
    %select_n3A_28 = arith.select %and3A_27, %add3A, %rem3A_20 : i32
    %mul3A = arith.constant 4 : i32
    %mul3A_29 = arith.muli %mul3A, %select_n3A_28 : i32
    %add3A_30 = arith.constant 0 : i32
    %add3A_31 = arith.addi %mul3A_29, %add3A_30 : i32
    %c0_i32 = arith.constant 0 : i32
    %c0_i32_32 = arith.constant 0 : i32
    return %select_n3A, %c0_i32, %add3A_31 : i32, i32, i32
  }
  func.func @transform_1(%arg0: i32) -> (i32, i32, i32) {
    %jit3A = arith.constant 1 : i32
    %div3A = arith.divsi %arg0, %jit3A : i32
    %sign3A = arith.constant 0 : i32
    %sign3A_0 = arith.cmpi sgt, %arg0, %sign3A : i32
    %sign3A_1 = arith.extui %sign3A_0 : i1 to i32
    %sign3A_2 = arith.constant 0 : i32
    %sign3A_3 = arith.cmpi slt, %arg0, %sign3A_2 : i32
    %sign3A_4 = arith.extui %sign3A_3 : i1 to i32
    %sign3A_5 = arith.subi %sign3A_1, %sign3A_4 : i32
    %sign3A_6 = arith.constant 0 : i32
    %sign3A_7 = arith.cmpi sgt, %jit3A, %sign3A_6 : i32
    %sign3A_8 = arith.extui %sign3A_7 : i1 to i32
    %sign3A_9 = arith.constant 0 : i32
    %sign3A_10 = arith.cmpi slt, %jit3A, %sign3A_9 : i32
    %sign3A_11 = arith.extui %sign3A_10 : i1 to i32
    %sign3A_12 = arith.subi %sign3A_8, %sign3A_11 : i32
    %ne3A = arith.cmpi ne, %sign3A_5, %sign3A_12 : i32
    %rem3A = arith.remsi %arg0, %jit3A : i32
    %ne3A_13 = arith.constant 0 : i32
    %ne3A_14 = arith.cmpi ne, %rem3A, %ne3A_13 : i32
    %and3A = arith.andi %ne3A, %ne3A_14 : i1
    %sub3A = arith.constant 1 : i32
    %sub3A_15 = arith.subi %div3A, %sub3A : i32
    %select_n3A = arith.select %and3A, %sub3A_15, %div3A : i32
    %jit3A_16 = arith.constant 1 : i32
    %eq3A = arith.constant 0 : i32
    %eq3A_17 = arith.cmpi eq, %jit3A_16, %eq3A : i32
    %jit3A_18 = arith.constant 1 : i32
    %select_n3A_19 = arith.select %eq3A_17, %jit3A_18, %jit3A_16 : i32
    %rem3A_20 = arith.remsi %arg0, %select_n3A_19 : i32
    %ne3A_21 = arith.constant 0 : i32
    %ne3A_22 = arith.cmpi ne, %rem3A_20, %ne3A_21 : i32
    %lt3A = arith.constant 0 : i32
    %lt3A_23 = arith.cmpi slt, %rem3A_20, %lt3A : i32
    %lt3A_24 = arith.constant 0 : i32
    %lt3A_25 = arith.cmpi slt, %select_n3A_19, %lt3A_24 : i32
    %ne3A_26 = arith.xori %lt3A_23, %lt3A_25 : i1
    %and3A_27 = arith.andi %ne3A_26, %ne3A_22 : i1
    %add3A = arith.addi %rem3A_20, %select_n3A_19 : i32
    %select_n3A_28 = arith.select %and3A_27, %add3A, %rem3A_20 : i32
    %mul3A = arith.constant 4 : i32
    %mul3A_29 = arith.muli %mul3A, %select_n3A_28 : i32
    %add3A_30 = arith.constant 1 : i32
    %add3A_31 = arith.addi %mul3A_29, %add3A_30 : i32
    %c0_i32 = arith.constant 0 : i32
    %c0_i32_32 = arith.constant 0 : i32
    return %select_n3A, %c0_i32, %add3A_31 : i32, i32, i32
  }
  func.func @transform_2(%arg0: i32) -> (i32, i32, i32) {
    %jit3A = arith.constant 1 : i32
    %div3A = arith.divsi %arg0, %jit3A : i32
    %sign3A = arith.constant 0 : i32
    %sign3A_0 = arith.cmpi sgt, %arg0, %sign3A : i32
    %sign3A_1 = arith.extui %sign3A_0 : i1 to i32
    %sign3A_2 = arith.constant 0 : i32
    %sign3A_3 = arith.cmpi slt, %arg0, %sign3A_2 : i32
    %sign3A_4 = arith.extui %sign3A_3 : i1 to i32
    %sign3A_5 = arith.subi %sign3A_1, %sign3A_4 : i32
    %sign3A_6 = arith.constant 0 : i32
    %sign3A_7 = arith.cmpi sgt, %jit3A, %sign3A_6 : i32
    %sign3A_8 = arith.extui %sign3A_7 : i1 to i32
    %sign3A_9 = arith.constant 0 : i32
    %sign3A_10 = arith.cmpi slt, %jit3A, %sign3A_9 : i32
    %sign3A_11 = arith.extui %sign3A_10 : i1 to i32
    %sign3A_12 = arith.subi %sign3A_8, %sign3A_11 : i32
    %ne3A = arith.cmpi ne, %sign3A_5, %sign3A_12 : i32
    %rem3A = arith.remsi %arg0, %jit3A : i32
    %ne3A_13 = arith.constant 0 : i32
    %ne3A_14 = arith.cmpi ne, %rem3A, %ne3A_13 : i32
    %and3A = arith.andi %ne3A, %ne3A_14 : i1
    %sub3A = arith.constant 1 : i32
    %sub3A_15 = arith.subi %div3A, %sub3A : i32
    %select_n3A = arith.select %and3A, %sub3A_15, %div3A : i32
    %jit3A_16 = arith.constant 1 : i32
    %eq3A = arith.constant 0 : i32
    %eq3A_17 = arith.cmpi eq, %jit3A_16, %eq3A : i32
    %jit3A_18 = arith.constant 1 : i32
    %select_n3A_19 = arith.select %eq3A_17, %jit3A_18, %jit3A_16 : i32
    %rem3A_20 = arith.remsi %arg0, %select_n3A_19 : i32
    %ne3A_21 = arith.constant 0 : i32
    %ne3A_22 = arith.cmpi ne, %rem3A_20, %ne3A_21 : i32
    %lt3A = arith.constant 0 : i32
    %lt3A_23 = arith.cmpi slt, %rem3A_20, %lt3A : i32
    %lt3A_24 = arith.constant 0 : i32
    %lt3A_25 = arith.cmpi slt, %select_n3A_19, %lt3A_24 : i32
    %ne3A_26 = arith.xori %lt3A_23, %lt3A_25 : i1
    %and3A_27 = arith.andi %ne3A_26, %ne3A_22 : i1
    %add3A = arith.addi %rem3A_20, %select_n3A_19 : i32
    %select_n3A_28 = arith.select %and3A_27, %add3A, %rem3A_20 : i32
    %mul3A = arith.constant 4 : i32
    %mul3A_29 = arith.muli %mul3A, %select_n3A_28 : i32
    %add3A_30 = arith.constant 2 : i32
    %add3A_31 = arith.addi %mul3A_29, %add3A_30 : i32
    %c0_i32 = arith.constant 0 : i32
    %c0_i32_32 = arith.constant 0 : i32
    return %select_n3A, %c0_i32, %add3A_31 : i32, i32, i32
  }
  func.func @transform_3(%arg0: i32) -> (i32, i32, i32) {
    %jit3A = arith.constant 1 : i32
    %div3A = arith.divsi %arg0, %jit3A : i32
    %sign3A = arith.constant 0 : i32
    %sign3A_0 = arith.cmpi sgt, %arg0, %sign3A : i32
    %sign3A_1 = arith.extui %sign3A_0 : i1 to i32
    %sign3A_2 = arith.constant 0 : i32
    %sign3A_3 = arith.cmpi slt, %arg0, %sign3A_2 : i32
    %sign3A_4 = arith.extui %sign3A_3 : i1 to i32
    %sign3A_5 = arith.subi %sign3A_1, %sign3A_4 : i32
    %sign3A_6 = arith.constant 0 : i32
    %sign3A_7 = arith.cmpi sgt, %jit3A, %sign3A_6 : i32
    %sign3A_8 = arith.extui %sign3A_7 : i1 to i32
    %sign3A_9 = arith.constant 0 : i32
    %sign3A_10 = arith.cmpi slt, %jit3A, %sign3A_9 : i32
    %sign3A_11 = arith.extui %sign3A_10 : i1 to i32
    %sign3A_12 = arith.subi %sign3A_8, %sign3A_11 : i32
    %ne3A = arith.cmpi ne, %sign3A_5, %sign3A_12 : i32
    %rem3A = arith.remsi %arg0, %jit3A : i32
    %ne3A_13 = arith.constant 0 : i32
    %ne3A_14 = arith.cmpi ne, %rem3A, %ne3A_13 : i32
    %and3A = arith.andi %ne3A, %ne3A_14 : i1
    %sub3A = arith.constant 1 : i32
    %sub3A_15 = arith.subi %div3A, %sub3A : i32
    %select_n3A = arith.select %and3A, %sub3A_15, %div3A : i32
    %jit3A_16 = arith.constant 1 : i32
    %eq3A = arith.constant 0 : i32
    %eq3A_17 = arith.cmpi eq, %jit3A_16, %eq3A : i32
    %jit3A_18 = arith.constant 1 : i32
    %select_n3A_19 = arith.select %eq3A_17, %jit3A_18, %jit3A_16 : i32
    %rem3A_20 = arith.remsi %arg0, %select_n3A_19 : i32
    %ne3A_21 = arith.constant 0 : i32
    %ne3A_22 = arith.cmpi ne, %rem3A_20, %ne3A_21 : i32
    %lt3A = arith.constant 0 : i32
    %lt3A_23 = arith.cmpi slt, %rem3A_20, %lt3A : i32
    %lt3A_24 = arith.constant 0 : i32
    %lt3A_25 = arith.cmpi slt, %select_n3A_19, %lt3A_24 : i32
    %ne3A_26 = arith.xori %lt3A_23, %lt3A_25 : i1
    %and3A_27 = arith.andi %ne3A_26, %ne3A_22 : i1
    %add3A = arith.addi %rem3A_20, %select_n3A_19 : i32
    %select_n3A_28 = arith.select %and3A_27, %add3A, %rem3A_20 : i32
    %mul3A = arith.constant 4 : i32
    %mul3A_29 = arith.muli %mul3A, %select_n3A_28 : i32
    %add3A_30 = arith.constant 3 : i32
    %add3A_31 = arith.addi %mul3A_29, %add3A_30 : i32
    %c0_i32 = arith.constant 0 : i32
    %c0_i32_32 = arith.constant 0 : i32
    return %select_n3A, %c0_i32, %add3A_31 : i32, i32, i32
  }
  func.func @transform_4(%arg0: i32) -> (i32, i32, i32) {
    %jit3A = arith.constant 1 : i32
    %div3A = arith.divsi %arg0, %jit3A : i32
    %sign3A = arith.constant 0 : i32
    %sign3A_0 = arith.cmpi sgt, %arg0, %sign3A : i32
    %sign3A_1 = arith.extui %sign3A_0 : i1 to i32
    %sign3A_2 = arith.constant 0 : i32
    %sign3A_3 = arith.cmpi slt, %arg0, %sign3A_2 : i32
    %sign3A_4 = arith.extui %sign3A_3 : i1 to i32
    %sign3A_5 = arith.subi %sign3A_1, %sign3A_4 : i32
    %sign3A_6 = arith.constant 0 : i32
    %sign3A_7 = arith.cmpi sgt, %jit3A, %sign3A_6 : i32
    %sign3A_8 = arith.extui %sign3A_7 : i1 to i32
    %sign3A_9 = arith.constant 0 : i32
    %sign3A_10 = arith.cmpi slt, %jit3A, %sign3A_9 : i32
    %sign3A_11 = arith.extui %sign3A_10 : i1 to i32
    %sign3A_12 = arith.subi %sign3A_8, %sign3A_11 : i32
    %ne3A = arith.cmpi ne, %sign3A_5, %sign3A_12 : i32
    %rem3A = arith.remsi %arg0, %jit3A : i32
    %ne3A_13 = arith.constant 0 : i32
    %ne3A_14 = arith.cmpi ne, %rem3A, %ne3A_13 : i32
    %and3A = arith.andi %ne3A, %ne3A_14 : i1
    %sub3A = arith.constant 1 : i32
    %sub3A_15 = arith.subi %div3A, %sub3A : i32
    %select_n3A = arith.select %and3A, %sub3A_15, %div3A : i32
    %jit3A_16 = arith.constant 1 : i32
    %eq3A = arith.constant 0 : i32
    %eq3A_17 = arith.cmpi eq, %jit3A_16, %eq3A : i32
    %jit3A_18 = arith.constant 1 : i32
    %select_n3A_19 = arith.select %eq3A_17, %jit3A_18, %jit3A_16 : i32
    %rem3A_20 = arith.remsi %arg0, %select_n3A_19 : i32
    %ne3A_21 = arith.constant 0 : i32
    %ne3A_22 = arith.cmpi ne, %rem3A_20, %ne3A_21 : i32
    %lt3A = arith.constant 0 : i32
    %lt3A_23 = arith.cmpi slt, %rem3A_20, %lt3A : i32
    %lt3A_24 = arith.constant 0 : i32
    %lt3A_25 = arith.cmpi slt, %select_n3A_19, %lt3A_24 : i32
    %ne3A_26 = arith.xori %lt3A_23, %lt3A_25 : i1
    %and3A_27 = arith.andi %ne3A_26, %ne3A_22 : i1
    %add3A = arith.addi %rem3A_20, %select_n3A_19 : i32
    %select_n3A_28 = arith.select %and3A_27, %add3A, %rem3A_20 : i32
    %mul3A = arith.constant 4 : i32
    %mul3A_29 = arith.muli %mul3A, %select_n3A_28 : i32
    %add3A_30 = arith.constant 0 : i32
    %add3A_31 = arith.addi %mul3A_29, %add3A_30 : i32
    %c0_i32 = arith.constant 0 : i32
    %c0_i32_32 = arith.constant 0 : i32
    return %select_n3A, %c0_i32, %add3A_31 : i32, i32, i32
  }
  func.func @transform_5(%arg0: i32) -> (i32, i32, i32) {
    %jit3A = arith.constant 1 : i32
    %div3A = arith.divsi %arg0, %jit3A : i32
    %sign3A = arith.constant 0 : i32
    %sign3A_0 = arith.cmpi sgt, %arg0, %sign3A : i32
    %sign3A_1 = arith.extui %sign3A_0 : i1 to i32
    %sign3A_2 = arith.constant 0 : i32
    %sign3A_3 = arith.cmpi slt, %arg0, %sign3A_2 : i32
    %sign3A_4 = arith.extui %sign3A_3 : i1 to i32
    %sign3A_5 = arith.subi %sign3A_1, %sign3A_4 : i32
    %sign3A_6 = arith.constant 0 : i32
    %sign3A_7 = arith.cmpi sgt, %jit3A, %sign3A_6 : i32
    %sign3A_8 = arith.extui %sign3A_7 : i1 to i32
    %sign3A_9 = arith.constant 0 : i32
    %sign3A_10 = arith.cmpi slt, %jit3A, %sign3A_9 : i32
    %sign3A_11 = arith.extui %sign3A_10 : i1 to i32
    %sign3A_12 = arith.subi %sign3A_8, %sign3A_11 : i32
    %ne3A = arith.cmpi ne, %sign3A_5, %sign3A_12 : i32
    %rem3A = arith.remsi %arg0, %jit3A : i32
    %ne3A_13 = arith.constant 0 : i32
    %ne3A_14 = arith.cmpi ne, %rem3A, %ne3A_13 : i32
    %and3A = arith.andi %ne3A, %ne3A_14 : i1
    %sub3A = arith.constant 1 : i32
    %sub3A_15 = arith.subi %div3A, %sub3A : i32
    %select_n3A = arith.select %and3A, %sub3A_15, %div3A : i32
    %jit3A_16 = arith.constant 1 : i32
    %eq3A = arith.constant 0 : i32
    %eq3A_17 = arith.cmpi eq, %jit3A_16, %eq3A : i32
    %jit3A_18 = arith.constant 1 : i32
    %select_n3A_19 = arith.select %eq3A_17, %jit3A_18, %jit3A_16 : i32
    %rem3A_20 = arith.remsi %arg0, %select_n3A_19 : i32
    %ne3A_21 = arith.constant 0 : i32
    %ne3A_22 = arith.cmpi ne, %rem3A_20, %ne3A_21 : i32
    %lt3A = arith.constant 0 : i32
    %lt3A_23 = arith.cmpi slt, %rem3A_20, %lt3A : i32
    %lt3A_24 = arith.constant 0 : i32
    %lt3A_25 = arith.cmpi slt, %select_n3A_19, %lt3A_24 : i32
    %ne3A_26 = arith.xori %lt3A_23, %lt3A_25 : i1
    %and3A_27 = arith.andi %ne3A_26, %ne3A_22 : i1
    %add3A = arith.addi %rem3A_20, %select_n3A_19 : i32
    %select_n3A_28 = arith.select %and3A_27, %add3A, %rem3A_20 : i32
    %mul3A = arith.constant 4 : i32
    %mul3A_29 = arith.muli %mul3A, %select_n3A_28 : i32
    %add3A_30 = arith.constant 1 : i32
    %add3A_31 = arith.addi %mul3A_29, %add3A_30 : i32
    %c0_i32 = arith.constant 0 : i32
    %c0_i32_32 = arith.constant 0 : i32
    return %select_n3A, %c0_i32, %add3A_31 : i32, i32, i32
  }
  func.func @transform_6(%arg0: i32) -> (i32, i32, i32) {
    %jit3A = arith.constant 1 : i32
    %div3A = arith.divsi %arg0, %jit3A : i32
    %sign3A = arith.constant 0 : i32
    %sign3A_0 = arith.cmpi sgt, %arg0, %sign3A : i32
    %sign3A_1 = arith.extui %sign3A_0 : i1 to i32
    %sign3A_2 = arith.constant 0 : i32
    %sign3A_3 = arith.cmpi slt, %arg0, %sign3A_2 : i32
    %sign3A_4 = arith.extui %sign3A_3 : i1 to i32
    %sign3A_5 = arith.subi %sign3A_1, %sign3A_4 : i32
    %sign3A_6 = arith.constant 0 : i32
    %sign3A_7 = arith.cmpi sgt, %jit3A, %sign3A_6 : i32
    %sign3A_8 = arith.extui %sign3A_7 : i1 to i32
    %sign3A_9 = arith.constant 0 : i32
    %sign3A_10 = arith.cmpi slt, %jit3A, %sign3A_9 : i32
    %sign3A_11 = arith.extui %sign3A_10 : i1 to i32
    %sign3A_12 = arith.subi %sign3A_8, %sign3A_11 : i32
    %ne3A = arith.cmpi ne, %sign3A_5, %sign3A_12 : i32
    %rem3A = arith.remsi %arg0, %jit3A : i32
    %ne3A_13 = arith.constant 0 : i32
    %ne3A_14 = arith.cmpi ne, %rem3A, %ne3A_13 : i32
    %and3A = arith.andi %ne3A, %ne3A_14 : i1
    %sub3A = arith.constant 1 : i32
    %sub3A_15 = arith.subi %div3A, %sub3A : i32
    %select_n3A = arith.select %and3A, %sub3A_15, %div3A : i32
    %jit3A_16 = arith.constant 1 : i32
    %eq3A = arith.constant 0 : i32
    %eq3A_17 = arith.cmpi eq, %jit3A_16, %eq3A : i32
    %jit3A_18 = arith.constant 1 : i32
    %select_n3A_19 = arith.select %eq3A_17, %jit3A_18, %jit3A_16 : i32
    %rem3A_20 = arith.remsi %arg0, %select_n3A_19 : i32
    %ne3A_21 = arith.constant 0 : i32
    %ne3A_22 = arith.cmpi ne, %rem3A_20, %ne3A_21 : i32
    %lt3A = arith.constant 0 : i32
    %lt3A_23 = arith.cmpi slt, %rem3A_20, %lt3A : i32
    %lt3A_24 = arith.constant 0 : i32
    %lt3A_25 = arith.cmpi slt, %select_n3A_19, %lt3A_24 : i32
    %ne3A_26 = arith.xori %lt3A_23, %lt3A_25 : i1
    %and3A_27 = arith.andi %ne3A_26, %ne3A_22 : i1
    %add3A = arith.addi %rem3A_20, %select_n3A_19 : i32
    %select_n3A_28 = arith.select %and3A_27, %add3A, %rem3A_20 : i32
    %mul3A = arith.constant 4 : i32
    %mul3A_29 = arith.muli %mul3A, %select_n3A_28 : i32
    %add3A_30 = arith.constant 2 : i32
    %add3A_31 = arith.addi %mul3A_29, %add3A_30 : i32
    %c0_i32 = arith.constant 0 : i32
    %c0_i32_32 = arith.constant 0 : i32
    return %select_n3A, %c0_i32, %add3A_31 : i32, i32, i32
  }
  func.func @transform_7(%arg0: i32) -> (i32, i32, i32) {
    %jit3A = arith.constant 1 : i32
    %div3A = arith.divsi %arg0, %jit3A : i32
    %sign3A = arith.constant 0 : i32
    %sign3A_0 = arith.cmpi sgt, %arg0, %sign3A : i32
    %sign3A_1 = arith.extui %sign3A_0 : i1 to i32
    %sign3A_2 = arith.constant 0 : i32
    %sign3A_3 = arith.cmpi slt, %arg0, %sign3A_2 : i32
    %sign3A_4 = arith.extui %sign3A_3 : i1 to i32
    %sign3A_5 = arith.subi %sign3A_1, %sign3A_4 : i32
    %sign3A_6 = arith.constant 0 : i32
    %sign3A_7 = arith.cmpi sgt, %jit3A, %sign3A_6 : i32
    %sign3A_8 = arith.extui %sign3A_7 : i1 to i32
    %sign3A_9 = arith.constant 0 : i32
    %sign3A_10 = arith.cmpi slt, %jit3A, %sign3A_9 : i32
    %sign3A_11 = arith.extui %sign3A_10 : i1 to i32
    %sign3A_12 = arith.subi %sign3A_8, %sign3A_11 : i32
    %ne3A = arith.cmpi ne, %sign3A_5, %sign3A_12 : i32
    %rem3A = arith.remsi %arg0, %jit3A : i32
    %ne3A_13 = arith.constant 0 : i32
    %ne3A_14 = arith.cmpi ne, %rem3A, %ne3A_13 : i32
    %and3A = arith.andi %ne3A, %ne3A_14 : i1
    %sub3A = arith.constant 1 : i32
    %sub3A_15 = arith.subi %div3A, %sub3A : i32
    %select_n3A = arith.select %and3A, %sub3A_15, %div3A : i32
    %jit3A_16 = arith.constant 1 : i32
    %eq3A = arith.constant 0 : i32
    %eq3A_17 = arith.cmpi eq, %jit3A_16, %eq3A : i32
    %jit3A_18 = arith.constant 1 : i32
    %select_n3A_19 = arith.select %eq3A_17, %jit3A_18, %jit3A_16 : i32
    %rem3A_20 = arith.remsi %arg0, %select_n3A_19 : i32
    %ne3A_21 = arith.constant 0 : i32
    %ne3A_22 = arith.cmpi ne, %rem3A_20, %ne3A_21 : i32
    %lt3A = arith.constant 0 : i32
    %lt3A_23 = arith.cmpi slt, %rem3A_20, %lt3A : i32
    %lt3A_24 = arith.constant 0 : i32
    %lt3A_25 = arith.cmpi slt, %select_n3A_19, %lt3A_24 : i32
    %ne3A_26 = arith.xori %lt3A_23, %lt3A_25 : i1
    %and3A_27 = arith.andi %ne3A_26, %ne3A_22 : i1
    %add3A = arith.addi %rem3A_20, %select_n3A_19 : i32
    %select_n3A_28 = arith.select %and3A_27, %add3A, %rem3A_20 : i32
    %mul3A = arith.constant 4 : i32
    %mul3A_29 = arith.muli %mul3A, %select_n3A_28 : i32
    %add3A_30 = arith.constant 3 : i32
    %add3A_31 = arith.addi %mul3A_29, %add3A_30 : i32
    %c0_i32 = arith.constant 0 : i32
    %c0_i32_32 = arith.constant 0 : i32
    return %select_n3A, %c0_i32, %add3A_31 : i32, i32, i32
  }
  func.func @transform_8(%arg0: i32) -> (i32, i32, i32) {
    %jit3A = arith.constant 1 : i32
    %div3A = arith.divsi %arg0, %jit3A : i32
    %sign3A = arith.constant 0 : i32
    %sign3A_0 = arith.cmpi sgt, %arg0, %sign3A : i32
    %sign3A_1 = arith.extui %sign3A_0 : i1 to i32
    %sign3A_2 = arith.constant 0 : i32
    %sign3A_3 = arith.cmpi slt, %arg0, %sign3A_2 : i32
    %sign3A_4 = arith.extui %sign3A_3 : i1 to i32
    %sign3A_5 = arith.subi %sign3A_1, %sign3A_4 : i32
    %sign3A_6 = arith.constant 0 : i32
    %sign3A_7 = arith.cmpi sgt, %jit3A, %sign3A_6 : i32
    %sign3A_8 = arith.extui %sign3A_7 : i1 to i32
    %sign3A_9 = arith.constant 0 : i32
    %sign3A_10 = arith.cmpi slt, %jit3A, %sign3A_9 : i32
    %sign3A_11 = arith.extui %sign3A_10 : i1 to i32
    %sign3A_12 = arith.subi %sign3A_8, %sign3A_11 : i32
    %ne3A = arith.cmpi ne, %sign3A_5, %sign3A_12 : i32
    %rem3A = arith.remsi %arg0, %jit3A : i32
    %ne3A_13 = arith.constant 0 : i32
    %ne3A_14 = arith.cmpi ne, %rem3A, %ne3A_13 : i32
    %and3A = arith.andi %ne3A, %ne3A_14 : i1
    %sub3A = arith.constant 1 : i32
    %sub3A_15 = arith.subi %div3A, %sub3A : i32
    %select_n3A = arith.select %and3A, %sub3A_15, %div3A : i32
    %jit3A_16 = arith.constant 1 : i32
    %eq3A = arith.constant 0 : i32
    %eq3A_17 = arith.cmpi eq, %jit3A_16, %eq3A : i32
    %jit3A_18 = arith.constant 1 : i32
    %select_n3A_19 = arith.select %eq3A_17, %jit3A_18, %jit3A_16 : i32
    %rem3A_20 = arith.remsi %arg0, %select_n3A_19 : i32
    %ne3A_21 = arith.constant 0 : i32
    %ne3A_22 = arith.cmpi ne, %rem3A_20, %ne3A_21 : i32
    %lt3A = arith.constant 0 : i32
    %lt3A_23 = arith.cmpi slt, %rem3A_20, %lt3A : i32
    %lt3A_24 = arith.constant 0 : i32
    %lt3A_25 = arith.cmpi slt, %select_n3A_19, %lt3A_24 : i32
    %ne3A_26 = arith.xori %lt3A_23, %lt3A_25 : i1
    %and3A_27 = arith.andi %ne3A_26, %ne3A_22 : i1
    %add3A = arith.addi %rem3A_20, %select_n3A_19 : i32
    %select_n3A_28 = arith.select %and3A_27, %add3A, %rem3A_20 : i32
    %c0_i32 = arith.constant 0 : i32
    %c0_i32_29 = arith.constant 0 : i32
    return %select_n3A, %c0_i32, %select_n3A_28 : i32, i32, i32
  }
}

</mosaic_0001>

<sc_bundles>
// kernel: kernel.6.cloned.1.call-start
scs
__scs_entry_jumppad:
0x0: {  	(pc) =	sbr.rel $0x88, $3  }
0x1: {  	(tag) =	ssettag $0x0;
	lr =	simm.s32 $0x1  }
0x2: {  	[smem:$0x3F9A] =	sst lr;
	_ =	strace $0xD0000000  }
0x3: {  	_ = 	snop  }
0x4: {  	_ = 	snop  }
0x5: {  	_ = 	snop  }
0x6: {  	_ = 	snop  }
0x7: {  	_ = 	snop  }
__scs_overlays_trampoline_lowered:
0x8: {  	[smem:$0x3FA9] =	sst s0  }
0x9: {  	[smem:$0x3FAA] =	sst s1  }
0xa: {  	[smem:$0x3FAB] =	sst s2  }
0xb: {  	[smem:$0x3FAC] =	sst s3  }
0xc: {  	[smem:$0x3FAD] =	sst s4  }
0xd: {  	[smem:$0x3FAE] =	sst s5  }
0xe: {  	[smem:$0x3FAF] =	sst s6  }
0xf: {  	[smem:$0x3FB0] =	sst s7  }
0x10: {  	[smem:$0x3FB1] =	sst s8  }
0x11: {  	[smem:$0x3FB2] =	sst s9;
	s0 =	simm.s32 @!p0 $0x0  }
0x12: {  	s1 =	sld [smem:$0x3F98];
	s0 =	simm.s32 @p0 $0x1  }
0x13: {  	[smem:$0x3FB3] =	sst s0;
	s0 =	simm.s32 @!p1 $0x0  }
0x14: {  	s2 =	sld [smem:$0x3F97];
	s0 =	simm.s32 @p1 $0x1  }
0x15: {  	[smem:$0x3FB4] =	sst s0;
	s0 =	simm.s32 @!p2 $0x0  }
0x16: {  	s3 =	sld [smem:$0x3FDB];
	s0 =	simm.s32 @p2 $0x1  }
0x17: {  	s4 =	simm.s32 $0x1BF5;
	[smem:$0x3FB6] =	sst s0  }
0x18: {  	s0 =	sld [smem:$0x3F99];
	_ =	swait.ge [sflag:s4], $0x0  }
0x19: {  	s7 =	sld [smem:$0x3F9A]  }
0x1a: {  	s8 =	sadd.s32 $0xFFFFE003, lr  }
0x1b: {  	s9 =	sadd.s32 $0xFFFFFEF7, lr;
	s5 =	simm.s32 $0xFFFFFFFF;
	p2 =	slt.u32 s8, $0xFFFFF086  }
0x1c: {  	p1 =	slt.u32 s9, $0xF7A;
	s5 =	simm.s32 @!p2 $0x0  }
0x1d: {  	s5 =	simm.s32 @p1 $0x1;
	p0 =	seq.s32 s7, s2  }
0x1e: {  	s7 =	smul.u32 @!p0 $0xF7A, s2;
	p2 =	seq.s32 @!p0 s5, $0x0  }
0x1f: {  	s9 =	smul.u32 $0xF7A, s1;
	s8 =	simm.s32 @!p0 $0x1BF5;
	p2 =	por !p2, p0  }
0x20: {  	[sflag:s8] =	ssyncset.s32 @!p0 $0xFFFFF086;
	s6 =	sadd.s32 @!p0 s3, s7;
	s7 =	simm.s32 @!p0 $0x108  }
0x21: {  	s3 =	sadd.s32 s3, s9;
	s6 =	sadd.s32 @!p0 $0x88, s6;
	s7 =	simm.s32 @p2 $0x1082  }
0x22: {  	[simem:s7], [sflag:s8] =	dma.local @!p0 [hbm:s6], $0xF7A  }
0x23: {  	s9 =	sor.u32 $0xD0000000, s2;
	s6 =	simm.s32 $0x108;
	_ =	swait.ge @!p0 [sflag:s8], $0x0  }
0x24: {  	s3 =	sadd.s32 $0x88, s3;
	s6 =	simm.s32 @!p1 $0x1082;
	[sflag:s4] =	ssyncset.s32 $0xFFFFF086  }
0x25: {  	[simem:s6], [sflag:s4] =	dma.local [hbm:s3], $0xF7A  }
0x26: {  	[smem:$0x3F9A] =	sst s1;
	(tag) =	ssettag s2;
	_ =	strace s9  }
0x27: {  	s1 =	sld [smem:$0x3FAA]  }
0x28: {  	s2 =	sld [smem:$0x3FAB]  }
0x29: {  	s4 =	sld [smem:$0x3FAD]  }
0x2a: {  	p0 =	seq.s32 s5, $0x0;
	s5 =	sld [smem:$0x3FAE]  }
0x2b: {  	s6 =	sld [smem:$0x3FAF]  }
0x2c: {  	s7 =	sld [smem:$0x3FB0]  }
0x2d: {  	s3 =	simm.s32 $0x108;
	s8 =	sld [smem:$0x3FB1]  }
0x2e: {  	s3 =	simm.s32 @!p0 $0x1082;
	s9 =	sld [smem:$0x3FB2]  }
0x2f: {  	lr =	sadd.s32 s0, s3;
	s0 =	sld [smem:$0x3FA9]  }
0x30: {  	s3 =	sld [smem:$0x3FAC]  }
0x31: {  	[smem:$0x3FB5] =	sst s10  }
0x32: {  	s10 =	sld [smem:$0x3FB3];
	_ =	sdelay $0x3  }
0x33: {  	p0 =	seq.s32 s10, $0x1;
	s10 =	sld [smem:$0x3FB5];
	_ =	sdelay $0x3  }
0x34: {  	[smem:$0x3FB5] =	sst s10  }
0x35: {  	s10 =	sld [smem:$0x3FB4];
	_ =	sdelay $0x3  }
0x36: {  	p1 =	seq.s32 s10, $0x1;
	s10 =	sld [smem:$0x3FB5];
	_ =	sdelay $0x3  }
0x37: {  	[smem:$0x3FB5] =	sst s10  }
0x38: {  	s10 =	sld [smem:$0x3FB6]  }
0x39: {  	_ = 	snop;
	(pc) =	sbr.ind lr, $3  }
0x3a: {  	_ = 	snop  }
0x3b: {  	_ = 	snop  }
0x3c: {  	p2 =	seq.s32 s10, $0x1;
	s10 =	sld [smem:$0x3FB5]  }
0x3d: {  	_ =	shalt  }
0x3e: {  	_ =	shalt  }
0x3f: {  	_ =	shalt  }
0x40: {  	_ =	shalt  }
0x41: {  	_ =	shalt  }
0x42: {  	_ =	shalt  }
0x43: {  	_ =	shalt  }
0x44: {  	_ =	shalt  }
0x45: {  	_ =	shalt  }
0x46: {  	_ =	shalt  }
0x47: {  	_ =	shalt  }
0x48: {  	_ =	shalt  }
0x49: {  	_ =	shalt  }
0x4a: {  	_ =	shalt  }
0x4b: {  	_ =	shalt  }
0x4c: {  	_ =	shalt  }
0x4d: {  	_ =	shalt  }
0x4e: {  	_ =	shalt  }
0x4f: {  	_ =	shalt  }
0x50: {  	_ =	shalt  }
0x51: {  	_ =	shalt  }
0x52: {  	_ =	shalt  }
0x53: {  	_ =	shalt  }
0x54: {  	_ =	shalt  }
0x55: {  	_ =	shalt  }
0x56: {  	_ =	shalt  }
0x57: {  	_ =	shalt  }
0x58: {  	_ =	shalt  }
0x59: {  	_ =	shalt  }
0x5a: {  	_ =	shalt  }
0x5b: {  	_ =	shalt  }
0x5c: {  	_ =	shalt  }
0x5d: {  	_ =	shalt  }
0x5e: {  	_ =	shalt  }
0x5f: {  	_ =	shalt  }
0x60: {  	_ =	shalt  }
0x61: {  	_ =	shalt  }
0x62: {  	_ =	shalt  }
0x63: {  	_ =	shalt  }
0x64: {  	_ =	shalt  }
0x65: {  	_ =	shalt  }
0x66: {  	_ =	shalt  }
0x67: {  	_ =	shalt  }
0x68: {  	_ =	shalt  }
0x69: {  	_ =	shalt  }
0x6a: {  	_ =	shalt  }
0x6b: {  	_ =	shalt  }
0x6c: {  	_ =	shalt  }
0x6d: {  	_ =	shalt  }
0x6e: {  	_ =	shalt  }
0x6f: {  	_ =	shalt  }
0x70: {  	_ =	shalt  }
0x71: {  	_ =	shalt  }
0x72: {  	_ =	shalt  }
0x73: {  	_ =	shalt  }
0x74: {  	_ =	shalt  }
0x75: {  	_ =	shalt  }
0x76: {  	_ =	shalt  }
0x77: {  	_ =	shalt  }
0x78: {  	_ =	shalt  }
0x79: {  	_ =	shalt  }
0x7a: {  	_ =	shalt  }
0x7b: {  	_ =	shalt  }
0x7c: {  	_ =	shalt  }
0x7d: {  	_ =	shalt  }
0x7e: {  	_ =	shalt  }
0x7f: {  	_ =	shalt  }
0x80: {  	_ =	shalt  }
0x81: {  	_ =	shalt  }
0x82: {  	_ =	shalt  }
0x83: {  	_ =	shalt  }
0x84: {  	_ =	shalt  }
0x85: {  	_ =	shalt  }
0x86: {  	_ =	shalt  }
0x87: {  	_ =	shalt  }
.Lfunc_end0:
.L_simem_size_0:
called_computation_lowered:
.L_overlay_start_0:
0x88: {  	s0 =	sld [smem:$0x3FD9]  }
0x89: {  	s1 =	sld [smem:$0x3FFE];
	_ =	sdelay $0x3  }
0x8a: {  	s0 =	sadd.s32 s1, s0  }
0x8b: {  	[smem:$0x3FC1] =	sst s0  }
0x8c: {  	_ = 	snop  }
0x8d: {  	(tm) =	ssettm $0x1  }
0x8e: {  	s15 =	sld [smem:$0x3FFB];
	_ =	sdelay $0x3  }
0x8f: {  	_ =	strace s15  }
0x90: {  	s0 =	sld [smem:$0x3FFC];
	_ =	sdelay $0x3  }
0x91: {  	_ =	strace s0  }
0x92: {  	s0 =	sld [smem:$0x3FFD];
	_ =	sdelay $0x3  }
0x93: {  	_ =	strace s0  }
0x94: {  	_ =	strace $0x8FFFFFFF  }
0x95: {  	s16 =	sld [smem:$0x3FDB];
	_ =	sdelay $0x1  }
0x96: {  	s17 =	simm.s32 $_scs_section_size  }
0x97: {  	s2 =	simm.s32 $_size__tile_overlayer_lowered;
	s3 =	simm.s32 $_tile_overlayer_lowered  }
0x98: {  	s20 =	simm.s32 $0x1BFF;
	s19 =	sshll.u32 s3, $0x1;
	s0 =	sadd.s32 s17, s16  }
0x99: {  	s4 =	simm.s32 $0x0;
	s18 =	sshll.u32 s2, $0x1;
	s2 =	sadd.s32 s19, s0  }
0x9a: {  	[timem:s4], [sflag:s20] =	dma.local [hbm:s2], s18  }
0x9b: {  	_ =	swait.ge [sflag:s20], s18  }
0x9c: {  	s1 =	ssub.s32 $0x0, s18;
	[sflag:s20] =	ssyncset.done $0x0  }
0x9d: {  	[sflag:s20] =	ssyncadd.s32 s1;
	_ =	sdelay $0x1  }
0x9e: {  	s21 =	simm.s32 $0x1B8B  }
0x9f: {  	_ =	swait.ge [sflag:s21], $0x1  }
0xa0: {  	[sflag:s21] =	ssyncset.done $0x0  }
0xa1: {  	s23 =	simm.s32 $0x1B8E;
	s22 =	sld [smem:$0x3FFE];
	[sflag:s21] =	ssyncadd.s32 $0xFFFFFFFF  }
0xa2: {  	s24 =	simm.s32 $execute0_lowered;
	[smem:$0x3FD2] =	sst s23  }
0xa3: {  	s2 =	sshll.u32 s24, $0x1;
	_ =	strace $0x80000046;
	[dreg:$0x1] =	wrdreg $0xFFFFFFFF  }
0xa4: {  	s25 =	simm.s32 $_size_execute0_lowered;
	s0 =	sadd.s32 s0, s2;
	[dreg:$0x0] =	wrdreg $0x0  }
0xa5: {  	s2 =	sshll.u32 s25, $0x1;
	[dreg:$0x2] =	wrdreg s0  }
0xa6: {  	[dreg:$0x3] =	wrdreg s2  }
0xa7: {  	[dreg:$0x4] =	wrdreg $0xC0  }
0xa8: {  	_ =	task [dreg:s4], $0x5FFFF  }
0xa9: {  	[dreg:$0x1] =	wrdreg $0xFFFFFFFF  }
0xaa: {  	[dreg:$0x0] =	wrdreg $0x60  }
0xab: {  	[dreg:$0x2] =	wrdreg s22  }
0xac: {  	[dreg:$0x3] =	wrdreg $0x10000  }
0xad: {  	[dreg:$0x4] =	wrdreg $0x9  }
0xae: {  	_ =	task.clear_ibuf [dreg:s4], $0x5FFFF;
	_ =	strace $0x90000046  }
0xaf: {  	s26 =	simm.s32 $0x9;
	_ =	strace $0x80000048  }
0xb0: {  	_ =	swait.ge [sflag:s26], $0x1  }
0xb1: {  	[sflag:s26] =	ssyncadd.s32 $0xFFFFFFFF  }
0xb2: {  	_ =	strace $0x90000048  }
0xb3: {  	_ =	sfence  }
0xb4: {  	s28 =	sld [smem:$0x0];
	_ =	sdelay $0x1  }
0xb5: {  	s29 =	srdreg.scid  }
0xb6: {  	s30 =	sshll.u32 s29, $0xD;
	s31 =	sshrl.u32 s29, $0x2  }
0xb7: {  	s1 =	sand.u32 $0x1, s29;
	s2 =	sand.u32 $0x4000, s30;
	s0 =	sadd.s32 s31, s28  }
0xb8: {  	s1 =	sor.u32 s2, s1;
	s0 =	sshll.u32 s0, $0x11  }
0xb9: {  	s0 =	sor.u32 s0, s1  }
0xba: {  	s0 =	sadd.s32 $0x8F2B, s0  }
0xbb: {  	[sflag:s0] =	ssyncadd.remote.s32 $0x1  }
0xbc: {  	_ =	sfence.sel $0xFFFF  }
0xbd: {  	[dreg:$0x0] =	wrdreg $0xFFFFFFFF;
	(pc) =	sbr.abs _section_cstart, $3  }
0xbe: {  	[dreg:$0x1] =	wrdreg $0xFFFFFFFF  }
0xbf: {  	_ =	task.clear_ibuf [dreg:s4], $0x2FFFF;
	_ =	strace $0x9FFFFFFF  }
0xc0: {  	(tm) =	ssettm $0x7FFFFFFF  }
0xc1: {  	_ =	shalt  }
tec
execute0_lowered:
.L_overlay_start_1:
0x0: {  	(tag) =	ssettag $0x1  }
0x1: {  	s2 =	rddreg [dreg:$0x0];
	s1 =	stileid.u32  }
0x2: {  	s3 =	rddreg [dreg:$0x1];
	s5 =	simm.s32 $0x0;
	s4 =	sshll.u32 s1, $0x7  }
0x3: {  	[smem:$0x7FF] =	sst s5;
	s6 =	sadd.s32 s4, s2  }
0x4: {  	s0 =	rddreg [dreg:$0x2];
	_ =	strace $0x80000047;
	s7 =	sadd.s32 $0x1A00, s6  }
0x5: {  	[tilespmem:s5], [sflag:$0x1] =	stream.linear.gather [hbm4b:s7+s5], $0x400, $0x38;
	[tilespmem:$0x1400] =	vst v63  }
0x6: {  	s29 =	simm.s32 $0x400;
	s30 =	simm.s32 $0x1;
	s6 =	sadd.s32 $0x181A00, s6  }
0x7: {  	[tilespmem:s29], [sflag:$0x1] =	stream.linear.gather [hbm4b:s6+s5], $0x400, $0x38;
	[tilespmem:$0x1400] =	vst v63  }
0x8: {  	_ =	swait.ge [sflag:s30], $0x400  }
0x9: {  	[sflag:s30] =	ssyncset.done $0x0  }
0xa: {  	[sflag:s30] =	ssyncadd.s32 $0xFFFFFC00  }
0xb: {  	_ =	swait.ge [sflag:s30], $0x400  }
0xc: {  	[sflag:s30] =	ssyncset.done $0x0  }
0xd: {  	s31 =	simm.s32 $0x0;
	[sflag:s30] =	ssyncadd.s32 $0xFFFFFC00  }
0xe: {  	v6 =	vld [tilespmem:s31+$0x400]  }
0xf: {  	v0 =	vimm.f32 $0.0e+00  }
0x10: {  	v40 =	vimm.f32 $0.0e+00;
	v33 =	vimm.f32 $0.0e+00;
	v42 =	vimm.f32 $0.0e+00  }
0x11: {  	v37 =	vimm.f32 $0.0e+00;
	v34 =	vimm.f32 $0.0e+00;
	v43 =	vimm.f32 $0.0e+00;
	v3 =	vld [tilespmem:s31+$0x0]  }
0x12: {  	v36 =	vimm.f32 $0.0e+00;
	v41 =	vimm.f32 $0.0e+00;
	v47 =	vimm.f32 $0.0e+00  }
0x13: {  	v44 =	vimm.f32 $0.0e+00;
	vm0 =	veq.s32 v6, $0x0;
	vm2 =	veq.s32 v6, $0x1  }
0x14: {  	vm1 =	veq.s32 v6, $0x6;
	vm6 =	veq.s32 v6, $0x3;
	vm3 =	veq.s32 v6, $0x4  }
0x15: {  	vm4 =	veq.s32 v6, $0x12;
	vm5 =	veq.s32 v6, $0x7;
	v1 =	vsel vm1, $0x3F800000, v0  }
0x16: {  	v7 =	vnsel vm1, $0x0, v3;
	v2 =	vsel vm0, $0x3F800000, v0;
	v8 =	vnsel vm0, $0x0, v3  }
0x17: {  	v4 =	vsel vm4, $0x3F800000, v0;
	v16 =	vnsel vm4, $0x0, v3;
	vm0 =	veq.s32 v6, $0xC  }
0x18: {  	v5 =	vsel vm3, $0x3F800000, v0;
	v19 =	vnsel vm3, $0x0, v3;
	vm3 =	veq.s32 v6, $0xF  }
0x19: {  	vm4 =	veq.s32 v6, $0x9;
	v13 =	vsel vm2, $0x3F800000, v0;
	v27 =	vnsel vm2, $0x0, v3  }
0x1a: {  	vm2 =	veq.s32 v6, $0xE;
	v50 =	vnsel vm6, $0x0, v3;
	v9 =	vsel vm0, $0x3F800000, v0  }
0x1b: {  	v18 =	vnsel vm0, $0x0, v3;
	vm0 =	veq.s32 v6, $0x13;
	v23 =	vsel vm3, $0x3F800000, v0  }
0x1c: {  	v10 =	vnsel vm3, $0x0, v3;
	v20 =	vadd.f32 v13, v0;
	v22 =	vadd.f32 v2, v0  }
0x1d: {  	vm3 =	veq.s32 v6, $0x10;
	v15 =	vadd.f32 v5, v0;
	v13 =	vadd.f32 v1, v0  }
0x1e: {  	v46 =	vsel vm4, $0x3F800000, v0;
	v29 =	vnsel vm4, $0x0, v3;
	v1 =	vadd.f32 v4, v0  }
0x1f: {  	v2 =	vnsel vm5, $0x0, v3;
	v32 =	vadd.f32 v8, v0;
	vm4 =	veq.s32 v6, $0x5  }
0x20: {  	v45 =	vnsel vm2, $0x0, v3;
	v39 =	vadd.f32 v27, v0;
	v35 =	vadd.f32 v19, v0  }
0x21: {  	v16 =	vadd.f32 v16, v0;
	v27 =	vimm.f32 $0.0e+00;
	v19 =	vimm.f32 $0.0e+00  }
0x22: {  	v11 =	vsel vm0, $0x3F800000, v0;
	v28 =	vnsel vm0, $0x0, v3;
	vm0 =	veq.s32 v6, $0x11  }
0x23: {  	v12 =	vnsel vm3, $0x0, v3;
	v21 =	vsel vm3, $0x3F800000, v0;
	v5 =	vadd.f32 v9, v0  }
0x24: {  	vm3 =	veq.s32 v6, $0xD;
	v4 =	vadd.f32 v10, v0;
	v17 =	vadd.f32 v2, v0  }
0x25: {  	v24 =	vsel vm0, $0x3F800000, v0;
	v25 =	vnsel vm0, $0x0, v3;
	v26 =	vnsel vm3, $0x0, v3  }
0x26: {  	v38 =	vsel vm3, $0x3F800000, v0;
	vm0 =	veq.s32 v6, $0xA;
	vm3 =	veq.s32 v6, $0x14  }
0x27: {  	v2 =	vadd.f32 v11, v0;
	v11 =	vadd.f32 v12, v0;
	v30 =	vnsel vm3, $0x0, v3  }
0x28: {  	v31 =	vsel vm3, $0x3F800000, v0;
	vm3 =	veq.s32 v6, $0xB;
	v10 =	vadd.f32 v26, v0  }
0x29: {  	v9 =	vsel vm0, $0x3F800000, v0;
	v26 =	vadd.f32 v7, v0;
	v8 =	vadd.f32 v24, v0  }
0x2a: {  	v52 =	vnsel vm0, $0x0, v3;
	v12 =	vadd.f32 v25, v0;
	v24 =	vadd.f32 v29, v0  }
0x2b: {  	v29 =	vimm.f32 $0.0e+00;
	v25 =	vimm.f32 $0.0e+00;
	v48 =	vnsel vm3, $0x0, v3  }
0x2c: {  	v49 =	vsel vm3, $0x3F800000, v0;
	v14 =	vadd.f32 v9, v0;
	v9 =	vadd.f32 v21, v0  }
0x2d: {  	vm3 =	veq.s32 v6, $0x2;
	v21 =	vadd.f32 v18, v0;
	v7 =	vadd.f32 v31, v0  }
0x2e: {  	v18 =	vadd.f32 v23, v0;
	v23 =	vimm.f32 $0.0e+00;
	v31 =	vimm.f32 $0.0e+00  }
0x2f: {  	v53 =	vnsel vm3, $0x0, v3;
	v54 =	vsel vm3, $0x3F800000, v0;
	vm3 =	veq.s32 v6, $0x8  }
0x30: {  	s2 =	sadd.s32 $0x2200, s2;
	s5 =	simm.s32 $0x40;
	v6 =	vadd.f32 v30, v0;
	v30 =	vimm.f32 $0.0e+00;
	v51 =	vnsel vm3, $0x0, v3  }
.LBB2_1:
0x31: {  	v40 =	vadd.f32 v53, v40;
	v27 =	vadd.f32 v48, v27;
	v62 =	vsel vm2, $0x3F800000, v0  }
0x32: {  	v55 =	vsel vm5, $0x3F800000, v0;
	v33 =	vadd.f32 v51, v33;
	v29 =	vadd.f32 v52, v29  }
0x33: {  	s6 =	sshra.s32 s5, $0x2;
	v42 =	vadd.f32 v54, v42;
	v63 =	vnsel vm4, $0x0, v3;
	v25 =	vadd.f32 v45, v25  }
0x34: {  	v54 =	vsel vm6, $0x3F800000, v0;
	v19 =	vadd.f32 v28, v19;
	v31 =	vadd.f32 v49, v31;
	v53 =	vld [tilespmem:s6+$0x400]  }
0x35: {  	v28 =	vsel vm4, $0x3F800000, v0;
	v47 =	vadd.f32 v50, v47;
	v23 =	vadd.f32 v62, v23  }
0x36: {  	v56 =	vsel vm3, $0x3F800000, v0;
	v37 =	vadd.f32 v55, v37;
	v34 =	vadd.f32 v46, v34  }
0x37: {  	v57 =	vimm.s32 $0x0;
	v43 =	vadd.f32 v54, v43;
	v36 =	vadd.f32 v56, v36  }
0x38: {  	v30 =	vadd.f32 v38, v30;
	v41 =	vadd.f32 v28, v41;
	v28 =	vimm.s32 $0x0  }
0x39: {  	v44 =	vadd.f32 v63, v44;
	vm4 =	veq.s32 v53, $0x0;
	vm6 =	veq.s32 v53, $0x1  }
0x3a: {  	vm0 =	veq.s32 v53, $0x3;
	vm13 =	veq.s32 v53, $0x4;
	vm5 =	veq.s32 v53, $0x7  }
0x3b: {  	vm7 =	veq.s32 v53, $0x9;
	vm1 =	veq.s32 v53, $0xA;
	vm14 =	veq.s32 v53, $0xC  }
0x3c: {  	v3 =	vld [tilespmem:s6+$0x0];
	vm8 =	veq.s32 v53, $0xD;
	vm15 =	veq.s32 v53, $0xF;
	vm2 =	veq.s32 v53, $0xE  }
0x3d: {  	vm11 =	veq.s32 v53, $0x10;
	vm10 =	veq.s32 v53, $0x11;
	vm3 =	veq.s32 v53, $0x8  }
0x3e: {  	vm9 =	veq.s32 v53, $0x2;
	vm12 =	veq.s32 v53, $0xB;
	v45 =	vsel vm0, $0xFFFFFFFF, v57  }
0x3f: {  	vm0 =	veq.s32 v53, $0x6;
	v28 =	vsel vm1, $0xFFFFFFFF, v28;
	vm1 =	veq.s32 v53, $0x12  }
0x40: {  	v58 =	vsel vm6, $0x3F800000, v0;
	v59 =	vsel vm13, $0x3F800000, v0;
	v60 =	vsel vm4, $0x3F800000, v0  }
0x41: {  	v52 =	vsel vm15, $0x3F800000, v0;
	v50 =	vnsel vm11, $0x0, v3;
	v48 =	vnsel vm4, $0x0, v3  }
0x42: {  	v51 =	vsel vm10, $0x3F800000, v0;
	vm4 =	veq.s32 v53, $0x5;
	v56 =	vnsel vm13, $0x0, v3  }
0x43: {  	v57 =	vnsel vm14, $0x0, v3;
	vm13 =	veq.s32 v53, $0x14;
	v63 =	vnsel vm8, $0x0, v3  }
0x44: {  	v46 =	vsel vm7, $0x3F800000, v0;
	v38 =	vsel vm8, $0x3F800000, v0;
	v54 =	vsel vm9, $0x3F800000, v0  }
0x45: {  	[tilespmem:$0x1FFE0] =	vst v28;
	v28 =	vsel vm0, $0x3F800000, v0;
	v49 =	vnsel vm0, $0x0, v3;
	v20 =	vadd.f32 v58, v20  }
0x46: {  	vm0 =	veq.s32 v53, $0x13;
	v22 =	vadd.f32 v60, v22;
	v61 =	vsel vm1, $0x3F800000, v0  }
0x47: {  	[tilespmem:$0x1FFF0] =	vst v45;
	v15 =	vadd.f32 v59, v15;
	v45 =	vnsel vm2, $0x0, v3;
	v55 =	vnsel vm1, $0x0, v3  }
0x48: {  	v58 =	vnsel vm13, $0x0, v3;
	v60 =	vnsel vm5, $0x0, v3;
	v32 =	vadd.f32 v48, v32  }
0x49: {  	v48 =	vnsel vm12, $0x0, v3;
	v10 =	vadd.f32 v63, v10;
	v63 =	vsel vm11, $0x3F800000, v0  }
0x4a: {  	v59 =	vnsel vm10, $0x0, v3;
	v8 =	vadd.f32 v51, v8;
	v1 =	vadd.f32 v61, v1;
	v61 =	vld [tilespmem:$0x1FFE0]  }
0x4b: {  	v51 =	vnsel vm3, $0x0, v3;
	v11 =	vadd.f32 v50, v11;
	v21 =	vadd.f32 v57, v21  }
0x4c: {  	v53 =	vnsel vm9, $0x0, v3;
	v18 =	vadd.f32 v52, v18;
	v35 =	vadd.f32 v56, v35  }
0x4d: {  	v13 =	vadd.f32 v28, v13;
	v62 =	vsel vm0, $0x3F800000, v0;
	v28 =	vsel vm14, $0x3F800000, v0  }
0x4e: {  	v17 =	vadd.f32 v60, v17;
	v5 =	vadd.f32 v28, v5;
	v28 =	vnsel vm15, $0x0, v3  }
0x4f: {  	v4 =	vadd.f32 v28, v4;
	v28 =	vnsel vm0, $0x0, v3;
	vm0 =	vnez.u8 v61;
	v61 =	vld [tilespmem:$0x1FFF0]  }
0x50: {  	p0 =	sne.s32 s5, $0xFC0;
	v26 =	vadd.f32 v49, v26;
	v9 =	vadd.f32 v63, v9;
	v60 =	vnsel vm6, $0x0, v3  }
.Ltmp0:
0x51: {  	v12 =	vadd.f32 v59, v12;
	v6 =	vadd.f32 v58, v6;
	v63 =	vsel vm13, $0x3F800000, v0;
	(pc) =	sbr.rel @p0 .LBB2_1-.Ltmp0, $4  }
0x52: {  	v49 =	vsel vm12, $0x3F800000, v0;
	v16 =	vadd.f32 v55, v16;
	v2 =	vadd.f32 v62, v2  }
0x53: {  	v7 =	vadd.f32 v63, v7;
	v39 =	vadd.f32 v60, v39;
	v62 =	vsel vm0, $0x3F800000, v0  }
0x54: {  	v14 =	vadd.f32 v62, v14;
	v62 =	vnsel vm7, $0x0, v3;
	vm6 =	vnez.u8 v61  }
0x55: {  	s5 =	sadd.s32 $0x40, s5;
	v52 =	vnsel vm0, $0x0, v3;
	v24 =	vadd.f32 v62, v24;
	v50 =	vnsel vm6, $0x0, v3  }
0x56: {  	[tilespmem:$0x800] =	vst v32  }
0x57: {  	[tilespmem:$0xA00] =	vst v22  }
0x58: {  	[tilespmem:$0x810] =	vst v39  }
0x59: {  	[tilespmem:$0xA10] =	vst v20  }
0x5a: {  	[tilespmem:$0x840] =	vst v35  }
0x5b: {  	[tilespmem:$0xA40] =	vst v15  }
0x5c: {  	[tilespmem:$0x860] =	vst v26  }
0x5d: {  	[tilespmem:$0xA60] =	vst v13  }
0x5e: {  	[tilespmem:$0x870] =	vst v17  }
0x5f: {  	[tilespmem:$0xAA0] =	vst v14  }
0x60: {  	[tilespmem:$0x8C0] =	vst v21  }
0x61: {  	[tilespmem:$0xAC0] =	vst v5  }
0x62: {  	[tilespmem:$0x8D0] =	vst v10  }
0x63: {  	[tilespmem:$0x8F0] =	vst v4  }
0x64: {  	[tilespmem:$0xAF0] =	vst v18  }
0x65: {  	[tilespmem:$0x900] =	vst v11  }
0x66: {  	[tilespmem:$0xB00] =	vst v9  }
0x67: {  	[tilespmem:$0x910] =	vst v12  }
0x68: {  	[tilespmem:$0xB10] =	vst v8  }
0x69: {  	[tilespmem:$0x920] =	vst v16  }
0x6a: {  	[tilespmem:$0xB20] =	vst v1  }
0x6b: {  	[tilespmem:$0xB30] =	vst v2  }
0x6c: {  	[tilespmem:$0x940] =	vst v6  }
0x6d: {  	v55 =	vimm.f32 $0.0e+00;
	[tilespmem:$0xB40] =	vst v7  }
0x6e: {  	[tilespmem:$0x950] =	vst v55  }
0x6f: {  	[tilespmem:$0x960] =	vst v55  }
0x70: {  	[tilespmem:$0x970] =	vst v55  }
0x71: {  	[tilespmem:$0x980] =	vst v55  }
0x72: {  	[tilespmem:$0x990] =	vst v55  }
0x73: {  	[tilespmem:$0x9A0] =	vst v55  }
0x74: {  	[tilespmem:$0x9B0] =	vst v55  }
0x75: {  	[tilespmem:$0x9C0] =	vst v55  }
0x76: {  	[tilespmem:$0x9D0] =	vst v55  }
0x77: {  	[tilespmem:$0x9E0] =	vst v55  }
0x78: {  	[tilespmem:$0x9F0] =	vst v55  }
0x79: {  	[tilespmem:$0xB50] =	vst v55  }
0x7a: {  	[tilespmem:$0xB60] =	vst v55  }
0x7b: {  	[tilespmem:$0xB70] =	vst v55  }
0x7c: {  	[tilespmem:$0xB80] =	vst v55  }
0x7d: {  	[tilespmem:$0xB90] =	vst v55  }
0x7e: {  	[tilespmem:$0xBA0] =	vst v55  }
0x7f: {  	[tilespmem:$0xBB0] =	vst v55  }
0x80: {  	[tilespmem:$0xBC0] =	vst v55  }
0x81: {  	[tilespmem:$0xBD0] =	vst v55  }
0x82: {  	[tilespmem:$0xBE0] =	vst v55  }
0x83: {  	v61 =	vadd.f32 v53, v40;
	[tilespmem:$0xBF0] =	vst v55  }
0x84: {  	v62 =	vadd.f32 v54, v42;
	[tilespmem:$0x890] =	vst v24  }
0x85: {  	v42 =	vadd.f32 v50, v47;
	[tilespmem:$0x820] =	vst v61  }
0x86: {  	v50 =	vadd.f32 v51, v33;
	[tilespmem:$0xA20] =	vst v62  }
0x87: {  	v53 =	vadd.f32 v46, v34;
	[tilespmem:$0x830] =	vst v42  }
0x88: {  	v54 =	vadd.f32 v52, v29;
	[tilespmem:$0x880] =	vst v50  }
0x89: {  	v56 =	vadd.f32 v49, v31;
	[tilespmem:$0xA90] =	vst v53  }
0x8a: {  	v57 =	vadd.f32 v38, v30;
	[tilespmem:$0x8A0] =	vst v54  }
0x8b: {  	v59 =	vadd.f32 v45, v25;
	[tilespmem:$0xAB0] =	vst v56  }
0x8c: {  	v63 =	vsel vm6, $0x3F800000, v0;
	v60 =	vadd.f32 v28, v19;
	[tilespmem:$0xAD0] =	vst v57  }
0x8d: {  	v3 =	vnsel vm4, $0x0, v3;
	v20 =	vadd.f32 v63, v43;
	[tilespmem:$0x8E0] =	vst v59  }
0x8e: {  	v51 =	vsel vm3, $0x3F800000, v0;
	v3 =	vadd.f32 v3, v44;
	[tilespmem:$0x930] =	vst v60  }
0x8f: {  	v15 =	vadd.f32 v51, v36;
	[tilespmem:$0xA30] =	vst v20  }
0x90: {  	v58 =	vsel vm2, $0x3F800000, v0;
	v55 =	vadd.f32 v48, v27;
	[tilespmem:$0x850] =	vst v3  }
0x91: {  	v47 =	vsel vm5, $0x3F800000, v0;
	v43 =	vsel vm4, $0x3F800000, v0;
	v0 =	vadd.f32 v58, v23;
	[tilespmem:$0xA80] =	vst v15  }
0x92: {  	s5 =	sshll.u32 s1, $0xA;
	v20 =	vadd.f32 v43, v41;
	[tilespmem:$0x8B0] =	vst v55  }
0x93: {  	s5 =	sand.u32 $0x2000, s5;
	v3 =	vadd.f32 v47, v37;
	[tilespmem:$0xAE0] =	vst v0  }
0x94: {  	s4 =	sand.u32 $0x380, s4;
	s19 =	simm.s32 $0x80;
	s5 =	sadd.s32 s5, s3;
	[tilespmem:$0xA50] =	vst v20  }
0x95: {  	s6 =	simm.s32 $0x400;
	s7 =	simm.s32 $0x800;
	s4 =	sadd.s32 s4, s5;
	[tilespmem:$0xA70] =	vst v3  }
0x96: {  	[spmem:s4] =	stream.strided.scatter [tilespmem:s7], [sflag:$0x2], $0x400, s6, s19, $0x38;
	[tilespmem:$0x1400] =	vst v63  }
0x97: {  	s4 =	simm.s32 $0x2  }
0x98: {  	s20 =	sshll.u32 s1, $0x9;
	_ =	swait.ge [sflag:s4], $0x400  }
0x99: {  	s21 =	sshll.u32 s1, $0x6;
	s22 =	sand.u32 $0x1C00, s20;
	[sflag:s4] =	ssyncset.done $0x0  }
0x9a: {  	s8 =	sand.u32 $0x40, s21;
	s23 =	sadd.s32 s22, s3;
	[sflag:s4] =	ssyncadd.s32 $0xFFFFFC00  }
0x9b: {  	s5 =	simm.s32 $0xC00;
	s6 =	sadd.s32 s8, s23;
	[bflag:$0x0] =	sbarrier.arrive $0xFFFF  }
0x9c: {  	[tilespmem:s5], [sflag:$0x2] =	stream.linear.gather [spmem:s6], $0x40, $0x38;
	[tilespmem:$0x1400] =	vst v63  }
0x9d: {  	_ =	swait.ge [sflag:s4], $0x40  }
0x9e: {  	[sflag:s4] =	ssyncset.done $0x0  }
0x9f: {  	s10 =	simm.s32 $0xC40;
	s9 =	sadd.s32 $0x80, s6;
	[sflag:s4] =	ssyncadd.s32 $0xFFFFFFC0  }
0xa0: {  	[tilespmem:s10], [sflag:$0x2] =	stream.linear.gather [spmem:s9], $0x40, $0x38;
	[tilespmem:$0x1400] =	vst v63  }
0xa1: {  	_ =	swait.ge [sflag:s4], $0x40  }
0xa2: {  	[sflag:s4] =	ssyncset.done $0x0  }
0xa3: {  	s25 =	simm.s32 $0xC80;
	s24 =	sadd.s32 $0x100, s6;
	[sflag:s4] =	ssyncadd.s32 $0xFFFFFFC0  }
0xa4: {  	[tilespmem:s25], [sflag:$0x2] =	stream.linear.gather [spmem:s24], $0x40, $0x38;
	[tilespmem:$0x1400] =	vst v63  }
0xa5: {  	_ =	swait.ge [sflag:s4], $0x40  }
0xa6: {  	[sflag:s4] =	ssyncset.done $0x0  }
0xa7: {  	s28 =	simm.s32 $0xCC0;
	s26 =	sadd.s32 $0x180, s6;
	[sflag:s4] =	ssyncadd.s32 $0xFFFFFFC0  }
0xa8: {  	[tilespmem:s28], [sflag:$0x2] =	stream.linear.gather [spmem:s26], $0x40, $0x38;
	[tilespmem:$0x1400] =	vst v63  }
0xa9: {  	s7 =	sor.u32 s20, s8;
	_ =	swait.ge [sflag:s4], $0x40  }
0xaa: {  	s8 =	sor.u32 $0x200, s7;
	[sflag:s4] =	ssyncset.done $0x0  }
0xab: {  	s29 =	simm.s32 $0xD00;
	s8 =	sadd.s32 s8, s3;
	[sflag:s4] =	ssyncadd.s32 $0xFFFFFFC0  }
0xac: {  	[tilespmem:s29], [sflag:$0x2] =	stream.linear.gather [spmem:s8], $0x40, $0x38;
	[tilespmem:$0x1400] =	vst v63  }
0xad: {  	_ =	swait.ge [sflag:s4], $0x40  }
0xae: {  	s30 =	sor.u32 $0x280, s7;
	[sflag:s4] =	ssyncset.done $0x0  }
0xaf: {  	s31 =	simm.s32 $0xD40;
	s8 =	sadd.s32 s30, s3;
	[sflag:s4] =	ssyncadd.s32 $0xFFFFFFC0  }
0xb0: {  	[tilespmem:s31], [sflag:$0x2] =	stream.linear.gather [spmem:s8], $0x40, $0x38;
	[tilespmem:$0x1400] =	vst v63  }
0xb1: {  	_ =	swait.ge [sflag:s4], $0x40  }
0xb2: {  	s9 =	sor.u32 $0x300, s7;
	[sflag:s4] =	ssyncset.done $0x0  }
0xb3: {  	s10 =	simm.s32 $0xD80;
	s8 =	sadd.s32 s9, s3;
	[sflag:s4] =	ssyncadd.s32 $0xFFFFFFC0  }
0xb4: {  	[tilespmem:s10], [sflag:$0x2] =	stream.linear.gather [spmem:s8], $0x40, $0x38;
	[tilespmem:$0x1400] =	vst v63  }
0xb5: {  	_ =	swait.ge [sflag:s4], $0x40  }
0xb6: {  	s7 =	sor.u32 $0x380, s7;
	[sflag:s4] =	ssyncset.done $0x0  }
0xb7: {  	s12 =	simm.s32 $0xDC0;
	s11 =	sadd.s32 s7, s3;
	[sflag:s4] =	ssyncadd.s32 $0xFFFFFFC0  }
0xb8: {  	[tilespmem:s12], [sflag:$0x2] =	stream.linear.gather [spmem:s11], $0x40, $0x38;
	[tilespmem:$0x1400] =	vst v63  }
0xb9: {  	_ =	swait.ge [sflag:s4], $0x40  }
0xba: {  	[sflag:s4] =	ssyncset.done $0x0  }
0xbb: {  	s14 =	simm.s32 $0xE00;
	s13 =	sadd.s32 $0x2000, s6;
	[sflag:s4] =	ssyncadd.s32 $0xFFFFFFC0  }
0xbc: {  	[tilespmem:s14], [sflag:$0x2] =	stream.linear.gather [spmem:s13], $0x40, $0x38;
	[tilespmem:$0x1400] =	vst v63  }
0xbd: {  	_ =	swait.ge [sflag:s4], $0x40  }
0xbe: {  	[sflag:s4] =	ssyncset.done $0x0  }
0xbf: {  	s16 =	simm.s32 $0xE40;
	s15 =	sadd.s32 $0x2080, s6;
	[sflag:s4] =	ssyncadd.s32 $0xFFFFFFC0  }
0xc0: {  	[tilespmem:s16], [sflag:$0x2] =	stream.linear.gather [spmem:s15], $0x40, $0x38;
	[tilespmem:$0x1400] =	vst v63  }
0xc1: {  	_ =	swait.ge [sflag:s4], $0x40  }
0xc2: {  	[sflag:s4] =	ssyncset.done $0x0  }
0xc3: {  	s18 =	simm.s32 $0xE80;
	s17 =	sadd.s32 $0x2100, s6;
	[sflag:s4] =	ssyncadd.s32 $0xFFFFFFC0  }
0xc4: {  	[tilespmem:s18], [sflag:$0x2] =	stream.linear.gather [spmem:s17], $0x40, $0x38;
	[tilespmem:$0x1400] =	vst v63  }
0xc5: {  	_ =	swait.ge [sflag:s4], $0x40  }
0xc6: {  	[sflag:s4] =	ssyncset.done $0x0  }
0xc7: {  	s20 =	simm.s32 $0xEC0;
	s19 =	sadd.s32 $0x2180, s6;
	[sflag:s4] =	ssyncadd.s32 $0xFFFFFFC0  }
0xc8: {  	[tilespmem:s20], [sflag:$0x2] =	stream.linear.gather [spmem:s19], $0x40, $0x38;
	[tilespmem:$0x1400] =	vst v63  }
0xc9: {  	_ =	swait.ge [sflag:s4], $0x40  }
0xca: {  	[sflag:s4] =	ssyncset.done $0x0  }
0xcb: {  	s22 =	simm.s32 $0xF00;
	s21 =	sadd.s32 $0x2200, s6;
	[sflag:s4] =	ssyncadd.s32 $0xFFFFFFC0  }
0xcc: {  	[tilespmem:s22], [sflag:$0x2] =	stream.linear.gather [spmem:s21], $0x40, $0x38;
	[tilespmem:$0x1400] =	vst v63  }
0xcd: {  	_ =	swait.ge [sflag:s4], $0x40  }
0xce: {  	[sflag:s4] =	ssyncset.done $0x0  }
0xcf: {  	s23 =	sadd.s32 $0x2280, s6;
	s24 =	simm.s32 $0xF40;
	[sflag:s4] =	ssyncadd.s32 $0xFFFFFFC0  }
0xd0: {  	[tilespmem:s24], [sflag:$0x2] =	stream.linear.gather [spmem:s23], $0x40, $0x38;
	[tilespmem:$0x1400] =	vst v63  }
0xd1: {  	_ =	swait.ge [sflag:s4], $0x40  }
0xd2: {  	[sflag:s4] =	ssyncset.done $0x0  }
0xd3: {  	s25 =	sadd.s32 $0x2300, s6;
	s26 =	simm.s32 $0xF80;
	[sflag:s4] =	ssyncadd.s32 $0xFFFFFFC0  }
0xd4: {  	[tilespmem:s26], [sflag:$0x2] =	stream.linear.gather [spmem:s25], $0x40, $0x38;
	[tilespmem:$0x1400] =	vst v63  }
0xd5: {  	_ =	swait.ge [sflag:s4], $0x40  }
0xd6: {  	[sflag:s4] =	ssyncset.done $0x0  }
0xd7: {  	s28 =	sadd.s32 $0x2380, s6;
	s29 =	simm.s32 $0xFC0;
	[sflag:s4] =	ssyncadd.s32 $0xFFFFFFC0  }
0xd8: {  	[tilespmem:s29], [sflag:$0x2] =	stream.linear.gather [spmem:s28], $0x40, $0x38;
	[tilespmem:$0x1400] =	vst v63  }
0xd9: {  	_ =	swait.ge [sflag:s4], $0x40  }
0xda: {  	[sflag:s4] =	ssyncset.done $0x0  }
0xdb: {  	[sflag:s4] =	ssyncadd.s32 $0xFFFFFFC0  }
0xdc: {  	v61 =	vld [tilespmem:$0xC00]  }
0xdd: {  	v62 =	vld [tilespmem:$0xC10]  }
0xde: {  	v2 =	vld [tilespmem:$0xC20]  }
0xdf: {  	v3 =	vld [tilespmem:$0xC30]  }
0xe0: {  	v63 =	vld [tilespmem:$0xC40]  }
0xe1: {  	v5 =	vld [tilespmem:$0xC50]  }
0xe2: {  	v6 =	vld [tilespmem:$0xC60]  }
0xe3: {  	v7 =	vld [tilespmem:$0xC70]  }
0xe4: {  	v8 =	vld [tilespmem:$0xC80]  }
0xe5: {  	v9 =	vld [tilespmem:$0xC90]  }
0xe6: {  	v10 =	vld [tilespmem:$0xCA0]  }
0xe7: {  	v11 =	vld [tilespmem:$0xCB0]  }
0xe8: {  	v40 =	vld [tilespmem:$0xCC0]  }
0xe9: {  	v41 =	vld [tilespmem:$0xCD0]  }
0xea: {  	v14 =	vld [tilespmem:$0xCE0]  }
0xeb: {  	v15 =	vld [tilespmem:$0xCF0]  }
0xec: {  	v42 =	vld [tilespmem:$0xD00]  }
0xed: {  	v43 =	vld [tilespmem:$0xD10]  }
0xee: {  	v44 =	vld [tilespmem:$0xD20]  }
0xef: {  	v45 =	vld [tilespmem:$0xD30]  }
0xf0: {  	v46 =	vld [tilespmem:$0xD40]  }
0xf1: {  	v47 =	vld [tilespmem:$0xD50]  }
0xf2: {  	v48 =	vld [tilespmem:$0xD60]  }
0xf3: {  	v49 =	vld [tilespmem:$0xD70]  }
0xf4: {  	v50 =	vld [tilespmem:$0xD80]  }
0xf5: {  	v51 =	vld [tilespmem:$0xD90]  }
0xf6: {  	v52 =	vld [tilespmem:$0xDA0]  }
0xf7: {  	v53 =	vld [tilespmem:$0xDB0]  }
0xf8: {  	v54 =	vld [tilespmem:$0xDC0]  }
0xf9: {  	v55 =	vld [tilespmem:$0xDD0]  }
0xfa: {  	v56 =	vld [tilespmem:$0xDE0]  }
0xfb: {  	v57 =	vld [tilespmem:$0xDF0]  }
0xfc: {  	v58 =	vld [tilespmem:$0xE00]  }
0xfd: {  	v59 =	vld [tilespmem:$0xE10]  }
0xfe: {  	v60 =	vld [tilespmem:$0xE20]  }
0xff: {  	v37 =	vld [tilespmem:$0xE60];
	v0 =	vadd.f32 $0.0e+00, v61  }
0x100: {  	v38 =	vld [tilespmem:$0xE70];
	v1 =	vadd.f32 $0.0e+00, v62  }
0x101: {  	v39 =	vld [tilespmem:$0xE80];
	v2 =	vadd.f32 $0.0e+00, v2;
	v0 =	vadd.f32 v63, v0  }
0x102: {  	v61 =	vld [tilespmem:$0xE30];
	v3 =	vadd.f32 $0.0e+00, v3;
	v1 =	vadd.f32 v5, v1  }
0x103: {  	v62 =	vld [tilespmem:$0xE40];
	v2 =	vadd.f32 v6, v2;
	v0 =	vadd.f32 v8, v0  }
0x104: {  	v63 =	vld [tilespmem:$0xE50];
	v3 =	vadd.f32 v7, v3;
	v1 =	vadd.f32 v9, v1  }
0x105: {  	v2 =	vadd.f32 v10, v2;
	v0 =	vadd.f32 v40, v0;
	v40 =	vld [tilespmem:$0xE90]  }
0x106: {  	v3 =	vadd.f32 v11, v3;
	v1 =	vadd.f32 v41, v1;
	v41 =	vld [tilespmem:$0xEA0]  }
0x107: {  	v2 =	vadd.f32 v14, v2;
	v0 =	vadd.f32 v42, v0;
	v42 =	vld [tilespmem:$0xEB0]  }
0x108: {  	v3 =	vadd.f32 v15, v3;
	v1 =	vadd.f32 v43, v1;
	v43 =	vld [tilespmem:$0xEC0]  }
0x109: {  	v2 =	vadd.f32 v44, v2;
	v44 =	vld [tilespmem:$0xED0];
	v0 =	vadd.f32 v46, v0  }
0x10a: {  	v3 =	vadd.f32 v45, v3;
	v45 =	vld [tilespmem:$0xEE0];
	v1 =	vadd.f32 v47, v1  }
0x10b: {  	v2 =	vadd.f32 v48, v2;
	v46 =	vld [tilespmem:$0xEF0];
	v0 =	vadd.f32 v50, v0  }
0x10c: {  	v3 =	vadd.f32 v49, v3;
	v47 =	vld [tilespmem:$0xF00];
	v1 =	vadd.f32 v51, v1  }
0x10d: {  	v48 =	vld [tilespmem:$0xF10];
	v2 =	vadd.f32 v52, v2;
	v0 =	vadd.f32 v54, v0  }
0x10e: {  	v49 =	vld [tilespmem:$0xF20];
	v3 =	vadd.f32 v53, v3;
	v1 =	vadd.f32 v55, v1  }
0x10f: {  	v50 =	vld [tilespmem:$0xF30];
	v2 =	vadd.f32 v56, v2;
	v0 =	vadd.f32 v58, v0  }
0x110: {  	v51 =	vld [tilespmem:$0xF40];
	v3 =	vadd.f32 v57, v3;
	v1 =	vadd.f32 v59, v1  }
0x111: {  	v52 =	vld [tilespmem:$0xF50];
	v2 =	vadd.f32 v60, v2;
	v0 =	vadd.f32 v62, v0  }
0x112: {  	v53 =	vld [tilespmem:$0xF60];
	v3 =	vadd.f32 v61, v3;
	v1 =	vadd.f32 v63, v1  }
0x113: {  	v54 =	vld [tilespmem:$0xF70];
	v2 =	vadd.f32 v37, v2;
	v0 =	vadd.f32 v39, v0  }
0x114: {  	v55 =	vld [tilespmem:$0xF80];
	v3 =	vadd.f32 v38, v3;
	v1 =	vadd.f32 v40, v1  }
0x115: {  	v56 =	vld [tilespmem:$0xF90];
	v2 =	vadd.f32 v41, v2;
	v0 =	vadd.f32 v43, v0  }
0x116: {  	v57 =	vld [tilespmem:$0xFA0];
	v3 =	vadd.f32 v42, v3;
	v1 =	vadd.f32 v44, v1  }
0x117: {  	v58 =	vld [tilespmem:$0xFB0];
	v2 =	vadd.f32 v45, v2;
	v0 =	vadd.f32 v47, v0  }
0x118: {  	v59 =	vld [tilespmem:$0xFC0];
	v3 =	vadd.f32 v46, v3;
	v1 =	vadd.f32 v48, v1  }
0x119: {  	v60 =	vld [tilespmem:$0xFD0];
	v2 =	vadd.f32 v49, v2;
	v0 =	vadd.f32 v51, v0  }
0x11a: {  	v61 =	vld [tilespmem:$0xFE0];
	v3 =	vadd.f32 v50, v3;
	v1 =	vadd.f32 v52, v1  }
0x11b: {  	v62 =	vld [tilespmem:$0xFF0];
	v2 =	vadd.f32 v53, v2;
	v0 =	vadd.f32 v55, v0  }
0x11c: {  	v3 =	vadd.f32 v54, v3;
	v1 =	vadd.f32 v56, v1  }
0x11d: {  	v2 =	vadd.f32 v57, v2;
	v0 =	vadd.f32 v59, v0  }
0x11e: {  	v3 =	vadd.f32 v58, v3;
	v1 =	vadd.f32 v60, v1  }
0x11f: {  	v2 =	vadd.f32 v61, v2;
	[tilespmem:$0xC00] =	vst v0  }
0x120: {  	v63 =	vadd.f32 v62, v3;
	[tilespmem:$0xC10] =	vst v1  }
0x121: {  	s30 =	sshll.u32 s1, $0x3;
	[tilespmem:$0xC20] =	vst v2  }
0x122: {  	s2 =	sadd.s32 s2, s30;
	s31 =	simm.s32 $0x0;
	[tilespmem:$0xC30] =	vst v63  }
0x123: {  	[hbm4b:s2+s31] =	stream.linear.scatter [tilespmem:s5], [sflag:$0x2], $0x40, $0x38;
	[tilespmem:$0x1400] =	vst v63  }
0x124: {  	_ =	swait.ge [sflag:s4], $0x40  }
0x125: {  	[sflag:s4] =	ssyncset.done $0x0  }
0x126: {  	[sflag:s4] =	ssyncadd.s32 $0xFFFFFFC0  }
0x127: {  	_ =	sfence.sel $0x180000  }
0x128: {  	[bflag:$0x0] =	sbarrier.arrive $0xFFFF  }
0x129: {  	p0 =	sne.s32 s1, $0x0;
	_ =	strace $0x90000047  }
0x12a: {  	s0 =	sadd.s32 @!p0 $0x100000, s0;
	[bflag:$0x2] =	sbarrier.arrive $0xFFFF  }
0x12b: {  	[sflag:s0] =	ssyncadd.tile.s32 @!p0 $0x1;
	_ =	shalt  }
.Lfunc_end2:
_tile_overlayer_lowered:
.L_overlay_start_2:
0x12c: {  	(tag) =	ssettag $0x2  }
0x12d: {  	s0 =	rddreg [dreg:$0x0];
	s2 =	stileid.u32  }
0x12e: {  	s1 =	rddreg [dreg:$0x1];
	p0 =	sne.s32 s2, $0x0  }
0x12f: {  	s3 =	rddreg [dreg:$0x2];
	[bflag:$0x3] =	sbarrier.arrive $0xFFFF;
	s2 =	simm.s32 @!p0 $0x1C02  }
0x130: {  	[timem:s3], [sflag:s2] =	dma.local @!p0 [hbm:s0], s1  }
0x131: {  	s0 =	simm.s32 @!p0 $0x2  }
0x132: {  	_ =	swait.ge @!p0 [sflag:s0], s1  }
0x133: {  	s1 =	ssub.s32 @!p0 $0x0, s1;
	[sflag:s0] =	ssyncset.done @!p0 $0x0  }
0x134: {  	[sflag:s0] =	ssyncadd.s32 @!p0 s1  }
0x135: {  	[bflag:$0x3] =	sbarrier.arrive $0xFFFF  }
0x136: {  	_ =	shalt  }

// kernel: kernel.9.cloned.1.call-start
scs
__scs_entry_jumppad:
0x0: {  	(pc) =	sbr.rel $0x88, $3  }
0x1: {  	(tag) =	ssettag $0x0;
	lr =	simm.s32 $0x1  }
0x2: {  	[smem:$0x3F9A] =	sst lr;
	_ =	strace $0xD0000000  }
0x3: {  	_ = 	snop  }
0x4: {  	_ = 	snop  }
0x5: {  	_ = 	snop  }
0x6: {  	_ = 	snop  }
0x7: {  	_ = 	snop  }
__scs_overlays_trampoline_lowered:
0x8: {  	[smem:$0x3FA9] =	sst s0  }
0x9: {  	[smem:$0x3FAA] =	sst s1  }
0xa: {  	[smem:$0x3FAB] =	sst s2  }
0xb: {  	[smem:$0x3FAC] =	sst s3  }
0xc: {  	[smem:$0x3FAD] =	sst s4  }
0xd: {  	[smem:$0x3FAE] =	sst s5  }
0xe: {  	[smem:$0x3FAF] =	sst s6  }
0xf: {  	[smem:$0x3FB0] =	sst s7  }
0x10: {  	[smem:$0x3FB1] =	sst s8  }
0x11: {  	[smem:$0x3FB2] =	sst s9;
	s0 =	simm.s32 @!p0 $0x0  }
0x12: {  	s1 =	sld [smem:$0x3F98];
	s0 =	simm.s32 @p0 $0x1  }
0x13: {  	[smem:$0x3FB3] =	sst s0;
	s0 =	simm.s32 @!p1 $0x0  }
0x14: {  	s2 =	sld [smem:$0x3F97];
	s0 =	simm.s32 @p1 $0x1  }
0x15: {  	[smem:$0x3FB4] =	sst s0;
	s0 =	simm.s32 @!p2 $0x0  }
0x16: {  	s3 =	sld [smem:$0x3FDB];
	s0 =	simm.s32 @p2 $0x1  }
0x17: {  	s4 =	simm.s32 $0x1BF5;
	[smem:$0x3FB6] =	sst s0  }
0x18: {  	s0 =	sld [smem:$0x3F99];
	_ =	swait.ge [sflag:s4], $0x0  }
0x19: {  	s7 =	sld [smem:$0x3F9A]  }
0x1a: {  	s8 =	sadd.s32 $0xFFFFE003, lr  }
0x1b: {  	s9 =	sadd.s32 $0xFFFFFEF7, lr;
	s5 =	simm.s32 $0xFFFFFFFF;
	p2 =	slt.u32 s8, $0xFFFFF086  }
0x1c: {  	p1 =	slt.u32 s9, $0xF7A;
	s5 =	simm.s32 @!p2 $0x0  }
0x1d: {  	s5 =	simm.s32 @p1 $0x1;
	p0 =	seq.s32 s7, s2  }
0x1e: {  	s7 =	smul.u32 @!p0 $0xF7A, s2;
	p2 =	seq.s32 @!p0 s5, $0x0  }
0x1f: {  	s9 =	smul.u32 $0xF7A, s1;
	s8 =	simm.s32 @!p0 $0x1BF5;
	p2 =	por !p2, p0  }
0x20: {  	[sflag:s8] =	ssyncset.s32 @!p0 $0xFFFFF086;
	s6 =	sadd.s32 @!p0 s3, s7;
	s7 =	simm.s32 @!p0 $0x108  }
0x21: {  	s3 =	sadd.s32 s3, s9;
	s6 =	sadd.s32 @!p0 $0x88, s6;
	s7 =	simm.s32 @p2 $0x1082  }
0x22: {  	[simem:s7], [sflag:s8] =	dma.local @!p0 [hbm:s6], $0xF7A  }
0x23: {  	s9 =	sor.u32 $0xD0000000, s2;
	s6 =	simm.s32 $0x108;
	_ =	swait.ge @!p0 [sflag:s8], $0x0  }
0x24: {  	s3 =	sadd.s32 $0x88, s3;
	s6 =	simm.s32 @!p1 $0x1082;
	[sflag:s4] =	ssyncset.s32 $0xFFFFF086  }
0x25: {  	[simem:s6], [sflag:s4] =	dma.local [hbm:s3], $0xF7A  }
0x26: {  	[smem:$0x3F9A] =	sst s1;
	(tag) =	ssettag s2;
	_ =	strace s9  }
0x27: {  	s1 =	sld [smem:$0x3FAA]  }
0x28: {  	s2 =	sld [smem:$0x3FAB]  }
0x29: {  	s4 =	sld [smem:$0x3FAD]  }
0x2a: {  	p0 =	seq.s32 s5, $0x0;
	s5 =	sld [smem:$0x3FAE]  }
0x2b: {  	s6 =	sld [smem:$0x3FAF]  }
0x2c: {  	s7 =	sld [smem:$0x3FB0]  }
0x2d: {  	s3 =	simm.s32 $0x108;
	s8 =	sld [smem:$0x3FB1]  }
0x2e: {  	s3 =	simm.s32 @!p0 $0x1082;
	s9 =	sld [smem:$0x3FB2]  }
0x2f: {  	lr =	sadd.s32 s0, s3;
	s0 =	sld [smem:$0x3FA9]  }
0x30: {  	s3 =	sld [smem:$0x3FAC]  }
0x31: {  	[smem:$0x3FB5] =	sst s10  }
0x32: {  	s10 =	sld [smem:$0x3FB3];
	_ =	sdelay $0x3  }
0x33: {  	p0 =	seq.s32 s10, $0x1;
	s10 =	sld [smem:$0x3FB5];
	_ =	sdelay $0x3  }
0x34: {  	[smem:$0x3FB5] =	sst s10  }
0x35: {  	s10 =	sld [smem:$0x3FB4];
	_ =	sdelay $0x3  }
0x36: {  	p1 =	seq.s32 s10, $0x1;
	s10 =	sld [smem:$0x3FB5];
	_ =	sdelay $0x3  }
0x37: {  	[smem:$0x3FB5] =	sst s10  }
0x38: {  	s10 =	sld [smem:$0x3FB6]  }
0x39: {  	_ = 	snop;
	(pc) =	sbr.ind lr, $3  }
0x3a: {  	_ = 	snop  }
0x3b: {  	_ = 	snop  }
0x3c: {  	p2 =	seq.s32 s10, $0x1;
	s10 =	sld [smem:$0x3FB5]  }
0x3d: {  	_ =	shalt  }
0x3e: {  	_ =	shalt  }
0x3f: {  	_ =	shalt  }
0x40: {  	_ =	shalt  }
0x41: {  	_ =	shalt  }
0x42: {  	_ =	shalt  }
0x43: {  	_ =	shalt  }
0x44: {  	_ =	shalt  }
0x45: {  	_ =	shalt  }
0x46: {  	_ =	shalt  }
0x47: {  	_ =	shalt  }
0x48: {  	_ =	shalt  }
0x49: {  	_ =	shalt  }
0x4a: {  	_ =	shalt  }
0x4b: {  	_ =	shalt  }
0x4c: {  	_ =	shalt  }
0x4d: {  	_ =	shalt  }
0x4e: {  	_ =	shalt  }
0x4f: {  	_ =	shalt  }
0x50: {  	_ =	shalt  }
0x51: {  	_ =	shalt  }
0x52: {  	_ =	shalt  }
0x53: {  	_ =	shalt  }
0x54: {  	_ =	shalt  }
0x55: {  	_ =	shalt  }
0x56: {  	_ =	shalt  }
0x57: {  	_ =	shalt  }
0x58: {  	_ =	shalt  }
0x59: {  	_ =	shalt  }
0x5a: {  	_ =	shalt  }
0x5b: {  	_ =	shalt  }
0x5c: {  	_ =	shalt  }
0x5d: {  	_ =	shalt  }
0x5e: {  	_ =	shalt  }
0x5f: {  	_ =	shalt  }
0x60: {  	_ =	shalt  }
0x61: {  	_ =	shalt  }
0x62: {  	_ =	shalt  }
0x63: {  	_ =	shalt  }
0x64: {  	_ =	shalt  }
0x65: {  	_ =	shalt  }
0x66: {  	_ =	shalt  }
0x67: {  	_ =	shalt  }
0x68: {  	_ =	shalt  }
0x69: {  	_ =	shalt  }
0x6a: {  	_ =	shalt  }
0x6b: {  	_ =	shalt  }
0x6c: {  	_ =	shalt  }
0x6d: {  	_ =	shalt  }
0x6e: {  	_ =	shalt  }
0x6f: {  	_ =	shalt  }
0x70: {  	_ =	shalt  }
0x71: {  	_ =	shalt  }
0x72: {  	_ =	shalt  }
0x73: {  	_ =	shalt  }
0x74: {  	_ =	shalt  }
0x75: {  	_ =	shalt  }
0x76: {  	_ =	shalt  }
0x77: {  	_ =	shalt  }
0x78: {  	_ =	shalt  }
0x79: {  	_ =	shalt  }
0x7a: {  	_ =	shalt  }
0x7b: {  	_ =	shalt  }
0x7c: {  	_ =	shalt  }
0x7d: {  	_ =	shalt  }
0x7e: {  	_ =	shalt  }
0x7f: {  	_ =	shalt  }
0x80: {  	_ =	shalt  }
0x81: {  	_ =	shalt  }
0x82: {  	_ =	shalt  }
0x83: {  	_ =	shalt  }
0x84: {  	_ =	shalt  }
0x85: {  	_ =	shalt  }
0x86: {  	_ =	shalt  }
0x87: {  	_ =	shalt  }
.Lfunc_end0:
.L_simem_size_0:
called_computation.1_lowered:
.L_overlay_start_0:
0x88: {  	s0 =	sld [smem:$0x3FD9]  }
0x89: {  	s1 =	sld [smem:$0x3FFE];
	_ =	sdelay $0x3  }
0x8a: {  	s0 =	sadd.s32 s1, s0  }
0x8b: {  	[smem:$0x3FC1] =	sst s0  }
0x8c: {  	_ = 	snop  }
0x8d: {  	s0 =	sld [smem:$0x3FD0];
	(tm) =	ssettm $0x1  }
0x8e: {  	s16 =	sld [smem:$0x3FFB];
	_ =	sdelay $0x3  }
0x8f: {  	_ =	strace s16  }
0x90: {  	s1 =	sld [smem:$0x3FFC];
	_ =	sdelay $0x3  }
0x91: {  	_ =	strace s1  }
0x92: {  	s1 =	sld [smem:$0x3FFD];
	_ =	sdelay $0x3  }
0x93: {  	_ =	strace s1  }
0x94: {  	_ =	strace $0x8FFFFFFF  }
0x95: {  	s17 =	sld [smem:$0x3FDB];
	_ =	sdelay $0x1  }
0x96: {  	s2 =	simm.s32 $_scs_section_size  }
0x97: {  	s3 =	simm.s32 $_size__tile_overlayer_lowered;
	s4 =	simm.s32 $_tile_overlayer_lowered  }
0x98: {  	s20 =	simm.s32 $0x1BFF;
	s19 =	sshll.u32 s4, $0x1;
	s1 =	sadd.s32 s2, s17  }
0x99: {  	s5 =	simm.s32 $0x0;
	s18 =	sshll.u32 s3, $0x1;
	s3 =	sadd.s32 s19, s1  }
0x9a: {  	[timem:s5], [sflag:s20] =	dma.local [hbm:s3], s18  }
0x9b: {  	_ =	swait.ge [sflag:s20], s18  }
0x9c: {  	s2 =	ssub.s32 $0x0, s18;
	[sflag:s20] =	ssyncset.done $0x0  }
0x9d: {  	[sflag:s20] =	ssyncadd.s32 s2;
	_ =	sdelay $0x1  }
0x9e: {  	s21 =	simm.s32 $0x1B8B  }
0x9f: {  	_ =	swait.ge [sflag:s21], $0x1  }
0xa0: {  	[sflag:s21] =	ssyncset.done $0x0  }
0xa1: {  	s23 =	simm.s32 $0x1B8E;
	s22 =	sld [smem:$0x3FFE];
	[sflag:s21] =	ssyncadd.s32 $0xFFFFFFFF  }
0xa2: {  	s24 =	simm.s32 $execute0_lowered;
	[smem:$0x3FD2] =	sst s23  }
0xa3: {  	s3 =	sshll.u32 s24, $0x1;
	_ =	strace $0x80000049;
	[dreg:$0x1] =	wrdreg $0xFFFFFFFF  }
0xa4: {  	s25 =	simm.s32 $_size_execute0_lowered;
	s1 =	sadd.s32 s1, s3;
	[dreg:$0x0] =	wrdreg $0x0  }
0xa5: {  	s3 =	sshll.u32 s25, $0x1;
	[dreg:$0x2] =	wrdreg s1  }
0xa6: {  	[dreg:$0x3] =	wrdreg s3  }
0xa7: {  	[dreg:$0x4] =	wrdreg $0xC0  }
0xa8: {  	_ =	task [dreg:s5], $0x5FFFF  }
0xa9: {  	[dreg:$0x1] =	wrdreg $0xFFFFFFFF  }
0xaa: {  	[dreg:$0x0] =	wrdreg $0x60  }
0xab: {  	[dreg:$0x2] =	wrdreg s22  }
0xac: {  	[dreg:$0x3] =	wrdreg s0  }
0xad: {  	[dreg:$0x4] =	wrdreg $0x13000  }
0xae: {  	[dreg:$0x5] =	wrdreg $0x17000  }
0xaf: {  	[dreg:$0x6] =	wrdreg $0x9  }
0xb0: {  	_ =	task.clear_ibuf [dreg:s5], $0x7FFFF;
	_ =	strace $0x90000049  }
0xb1: {  	s26 =	simm.s32 $0x9;
	_ =	strace $0x8000004B  }
0xb2: {  	_ =	swait.ge [sflag:s26], $0x1  }
0xb3: {  	[sflag:s26] =	ssyncadd.s32 $0xFFFFFFFF  }
0xb4: {  	_ =	strace $0x9000004B  }
0xb5: {  	_ =	sfence  }
0xb6: {  	s28 =	sld [smem:$0x0];
	_ =	sdelay $0x1  }
0xb7: {  	s29 =	srdreg.scid  }
0xb8: {  	s30 =	sshll.u32 s29, $0xD;
	s31 =	sshrl.u32 s29, $0x2  }
0xb9: {  	s2 =	sand.u32 $0x4000, s30;
	s1 =	sand.u32 $0x1, s29;
	s0 =	sadd.s32 s31, s28  }
0xba: {  	s1 =	sor.u32 s2, s1;
	s0 =	sshll.u32 s0, $0x11  }
0xbb: {  	s0 =	sor.u32 s0, s1  }
0xbc: {  	s0 =	sadd.s32 $0x8F2B, s0  }
0xbd: {  	[sflag:s0] =	ssyncadd.remote.s32 $0x1  }
0xbe: {  	_ =	sfence.sel $0xFFFF  }
0xbf: {  	[dreg:$0x0] =	wrdreg $0xFFFFFFFF;
	(pc) =	sbr.abs _section_cstart, $3  }
0xc0: {  	[dreg:$0x1] =	wrdreg $0xFFFFFFFF  }
0xc1: {  	_ =	task.clear_ibuf [dreg:s5], $0x2FFFF;
	_ =	strace $0x9FFFFFFF  }
0xc2: {  	(tm) =	ssettm $0x7FFFFFFF  }
0xc3: {  	_ =	shalt  }
tec
execute0_lowered:
.L_overlay_start_1:
0x0: {  	(tag) =	ssettag $0x1  }
0x1: {  	s2 =	rddreg [dreg:$0x0]  }
0x2: {  	s1 =	rddreg [dreg:$0x1]  }
0x3: {  	s7 =	rddreg [dreg:$0x2];
	s4 =	stileid.u32  }
0x4: {  	s3 =	rddreg [dreg:$0x3];
	s5 =	simm.s32 $0x0;
	s6 =	sshll.u32 s4, $0x5  }
0x5: {  	[smem:$0x7FF] =	sst s5;
	s6 =	sadd.s32 s6, s2  }
0x6: {  	s0 =	rddreg [dreg:$0x4];
	_ =	strace $0x8000004A;
	s8 =	sadd.s32 $0x2400, s6  }
0x7: {  	[tilespmem:s5], [sflag:$0x1] =	stream.linear.gather [hbm4b:s8+s5], $0x100, $0x38;
	[tilespmem:$0x1740] =	vst v63  }
0x8: {  	s29 =	simm.s32 $0x100;
	s30 =	simm.s32 $0x1;
	s6 =	sadd.s32 $0x62400, s6  }
0x9: {  	[tilespmem:s29], [sflag:$0x1] =	stream.linear.gather [hbm4b:s6+s5], $0x100, $0x38;
	[tilespmem:$0x1740] =	vst v63  }
0xa: {  	_ =	swait.ge [sflag:s30], $0x100  }
0xb: {  	[sflag:s30] =	ssyncset.done $0x0  }
0xc: {  	[sflag:s30] =	ssyncadd.s32 $0xFFFFFF00  }
0xd: {  	_ =	swait.ge [sflag:s30], $0x100  }
0xe: {  	[sflag:s30] =	ssyncset.done $0x0  }
0xf: {  	s31 =	simm.s32 $0x0;
	[sflag:s30] =	ssyncadd.s32 $0xFFFFFF00  }
0x10: {  	v6 =	vld [tilespmem:s31+$0x100]  }
0x11: {  	v0 =	vimm.f32 $0.0e+00  }
0x12: {  	v40 =	vimm.f32 $0.0e+00;
	v33 =	vimm.f32 $0.0e+00;
	v41 =	vimm.f32 $0.0e+00  }
0x13: {  	v37 =	vimm.f32 $0.0e+00;
	v34 =	vimm.f32 $0.0e+00;
	v43 =	vimm.f32 $0.0e+00;
	v3 =	vld [tilespmem:s31+$0x0]  }
0x14: {  	v36 =	vimm.f32 $0.0e+00;
	v42 =	vimm.f32 $0.0e+00;
	v47 =	vimm.f32 $0.0e+00  }
0x15: {  	v44 =	vimm.f32 $0.0e+00;
	vm0 =	veq.s32 v6, $0x0;
	vm2 =	veq.s32 v6, $0x1  }
0x16: {  	vm1 =	veq.s32 v6, $0x6;
	vm6 =	veq.s32 v6, $0x3;
	vm3 =	veq.s32 v6, $0x4  }
0x17: {  	vm4 =	veq.s32 v6, $0x12;
	vm5 =	veq.s32 v6, $0x7;
	v1 =	vsel vm1, $0x3F800000, v0  }
0x18: {  	v7 =	vnsel vm1, $0x0, v3;
	v2 =	vsel vm0, $0x3F800000, v0;
	v8 =	vnsel vm0, $0x0, v3  }
0x19: {  	v4 =	vsel vm4, $0x3F800000, v0;
	v16 =	vnsel vm4, $0x0, v3;
	vm0 =	veq.s32 v6, $0xC  }
0x1a: {  	v5 =	vsel vm3, $0x3F800000, v0;
	v19 =	vnsel vm3, $0x0, v3;
	vm3 =	veq.s32 v6, $0xF  }
0x1b: {  	vm4 =	veq.s32 v6, $0x9;
	v13 =	vsel vm2, $0x3F800000, v0;
	v27 =	vnsel vm2, $0x0, v3  }
0x1c: {  	vm2 =	veq.s32 v6, $0xE;
	v50 =	vnsel vm6, $0x0, v3;
	v9 =	vsel vm0, $0x3F800000, v0  }
0x1d: {  	v18 =	vnsel vm0, $0x0, v3;
	vm0 =	veq.s32 v6, $0x13;
	v23 =	vsel vm3, $0x3F800000, v0  }
0x1e: {  	v10 =	vnsel vm3, $0x0, v3;
	v20 =	vadd.f32 v13, v0;
	v22 =	vadd.f32 v2, v0  }
0x1f: {  	vm3 =	veq.s32 v6, $0x10;
	v15 =	vadd.f32 v5, v0;
	v13 =	vadd.f32 v1, v0  }
0x20: {  	v46 =	vsel vm4, $0x3F800000, v0;
	v29 =	vnsel vm4, $0x0, v3;
	v1 =	vadd.f32 v4, v0  }
0x21: {  	v2 =	vnsel vm5, $0x0, v3;
	v32 =	vadd.f32 v8, v0;
	vm4 =	veq.s32 v6, $0x5  }
0x22: {  	v45 =	vnsel vm2, $0x0, v3;
	v39 =	vadd.f32 v27, v0;
	v35 =	vadd.f32 v19, v0  }
0x23: {  	v16 =	vadd.f32 v16, v0;
	v27 =	vimm.f32 $0.0e+00;
	v19 =	vimm.f32 $0.0e+00  }
0x24: {  	v11 =	vsel vm0, $0x3F800000, v0;
	v28 =	vnsel vm0, $0x0, v3;
	vm0 =	veq.s32 v6, $0x11  }
0x25: {  	v12 =	vnsel vm3, $0x0, v3;
	v21 =	vsel vm3, $0x3F800000, v0;
	v5 =	vadd.f32 v9, v0  }
0x26: {  	vm3 =	veq.s32 v6, $0xD;
	v4 =	vadd.f32 v10, v0;
	v17 =	vadd.f32 v2, v0  }
0x27: {  	v24 =	vsel vm0, $0x3F800000, v0;
	v25 =	vnsel vm0, $0x0, v3;
	v26 =	vnsel vm3, $0x0, v3  }
0x28: {  	v38 =	vsel vm3, $0x3F800000, v0;
	vm0 =	veq.s32 v6, $0xA;
	vm3 =	veq.s32 v6, $0x14  }
0x29: {  	v2 =	vadd.f32 v11, v0;
	v11 =	vadd.f32 v12, v0;
	v30 =	vnsel vm3, $0x0, v3  }
0x2a: {  	v31 =	vsel vm3, $0x3F800000, v0;
	vm3 =	veq.s32 v6, $0xB;
	v10 =	vadd.f32 v26, v0  }
0x2b: {  	v9 =	vsel vm0, $0x3F800000, v0;
	v26 =	vadd.f32 v7, v0;
	v8 =	vadd.f32 v24, v0  }
0x2c: {  	v52 =	vnsel vm0, $0x0, v3;
	v12 =	vadd.f32 v25, v0;
	v24 =	vadd.f32 v29, v0  }
0x2d: {  	v29 =	vimm.f32 $0.0e+00;
	v25 =	vimm.f32 $0.0e+00;
	v48 =	vnsel vm3, $0x0, v3  }
0x2e: {  	v49 =	vsel vm3, $0x3F800000, v0;
	v14 =	vadd.f32 v9, v0;
	v9 =	vadd.f32 v21, v0  }
0x2f: {  	vm3 =	veq.s32 v6, $0x2;
	v21 =	vadd.f32 v18, v0;
	v7 =	vadd.f32 v31, v0  }
0x30: {  	v18 =	vadd.f32 v23, v0;
	v23 =	vimm.f32 $0.0e+00;
	v31 =	vimm.f32 $0.0e+00  }
0x31: {  	v53 =	vnsel vm3, $0x0, v3;
	v54 =	vsel vm3, $0x3F800000, v0;
	vm3 =	veq.s32 v6, $0x8  }
0x32: {  	s5 =	sadd.s32 $0x2200, s2;
	s6 =	sadd.s32 $0x2600, s2;
	s2 =	simm.s32 $0x40;
	v6 =	vadd.f32 v30, v0;
	v30 =	vimm.f32 $0.0e+00;
	v51 =	vnsel vm3, $0x0, v3  }
.LBB2_1:
0x33: {  	v40 =	vadd.f32 v53, v40;
	v27 =	vadd.f32 v48, v27;
	v62 =	vsel vm2, $0x3F800000, v0  }
0x34: {  	v55 =	vsel vm5, $0x3F800000, v0;
	v33 =	vadd.f32 v51, v33;
	v29 =	vadd.f32 v52, v29  }
0x35: {  	s8 =	sshra.s32 s2, $0x2;
	v41 =	vadd.f32 v54, v41;
	v63 =	vnsel vm4, $0x0, v3;
	v25 =	vadd.f32 v45, v25  }
0x36: {  	v54 =	vsel vm6, $0x3F800000, v0;
	v19 =	vadd.f32 v28, v19;
	v31 =	vadd.f32 v49, v31;
	v53 =	vld [tilespmem:s8+$0x100]  }
0x37: {  	v28 =	vsel vm4, $0x3F800000, v0;
	v47 =	vadd.f32 v50, v47;
	v23 =	vadd.f32 v62, v23  }
0x38: {  	v56 =	vsel vm3, $0x3F800000, v0;
	v37 =	vadd.f32 v55, v37;
	v34 =	vadd.f32 v46, v34  }
0x39: {  	v57 =	vimm.s32 $0x0;
	v43 =	vadd.f32 v54, v43;
	v36 =	vadd.f32 v56, v36  }
0x3a: {  	v30 =	vadd.f32 v38, v30;
	v42 =	vadd.f32 v28, v42;
	v28 =	vimm.s32 $0x0  }
0x3b: {  	v44 =	vadd.f32 v63, v44;
	vm4 =	veq.s32 v53, $0x0;
	vm6 =	veq.s32 v53, $0x1  }
0x3c: {  	vm0 =	veq.s32 v53, $0x3;
	vm13 =	veq.s32 v53, $0x4;
	vm5 =	veq.s32 v53, $0x7  }
0x3d: {  	vm7 =	veq.s32 v53, $0x9;
	vm1 =	veq.s32 v53, $0xA;
	vm14 =	veq.s32 v53, $0xC  }
0x3e: {  	v3 =	vld [tilespmem:s8+$0x0];
	vm8 =	veq.s32 v53, $0xD;
	vm15 =	veq.s32 v53, $0xF;
	vm2 =	veq.s32 v53, $0xE  }
0x3f: {  	vm11 =	veq.s32 v53, $0x10;
	vm10 =	veq.s32 v53, $0x11;
	vm3 =	veq.s32 v53, $0x8  }
0x40: {  	vm9 =	veq.s32 v53, $0x2;
	vm12 =	veq.s32 v53, $0xB;
	v45 =	vsel vm0, $0xFFFFFFFF, v57  }
0x41: {  	vm0 =	veq.s32 v53, $0x6;
	v28 =	vsel vm1, $0xFFFFFFFF, v28;
	vm1 =	veq.s32 v53, $0x12  }
0x42: {  	v58 =	vsel vm6, $0x3F800000, v0;
	v59 =	vsel vm13, $0x3F800000, v0;
	v60 =	vsel vm4, $0x3F800000, v0  }
0x43: {  	v52 =	vsel vm15, $0x3F800000, v0;
	v50 =	vnsel vm11, $0x0, v3;
	v48 =	vnsel vm4, $0x0, v3  }
0x44: {  	v51 =	vsel vm10, $0x3F800000, v0;
	vm4 =	veq.s32 v53, $0x5;
	v56 =	vnsel vm13, $0x0, v3  }
0x45: {  	v57 =	vnsel vm14, $0x0, v3;
	vm13 =	veq.s32 v53, $0x14;
	v63 =	vnsel vm8, $0x0, v3  }
0x46: {  	v46 =	vsel vm7, $0x3F800000, v0;
	v38 =	vsel vm8, $0x3F800000, v0;
	v54 =	vsel vm9, $0x3F800000, v0  }
0x47: {  	[tilespmem:$0x1FFE0] =	vst v28;
	v28 =	vsel vm0, $0x3F800000, v0;
	v49 =	vnsel vm0, $0x0, v3;
	v20 =	vadd.f32 v58, v20  }
0x48: {  	vm0 =	veq.s32 v53, $0x13;
	v22 =	vadd.f32 v60, v22;
	v61 =	vsel vm1, $0x3F800000, v0  }
0x49: {  	[tilespmem:$0x1FFF0] =	vst v45;
	v15 =	vadd.f32 v59, v15;
	v45 =	vnsel vm2, $0x0, v3;
	v55 =	vnsel vm1, $0x0, v3  }
0x4a: {  	v58 =	vnsel vm13, $0x0, v3;
	v60 =	vnsel vm5, $0x0, v3;
	v32 =	vadd.f32 v48, v32  }
0x4b: {  	v48 =	vnsel vm12, $0x0, v3;
	v10 =	vadd.f32 v63, v10;
	v63 =	vsel vm11, $0x3F800000, v0  }
0x4c: {  	v59 =	vnsel vm10, $0x0, v3;
	v8 =	vadd.f32 v51, v8;
	v1 =	vadd.f32 v61, v1;
	v61 =	vld [tilespmem:$0x1FFE0]  }
0x4d: {  	v51 =	vnsel vm3, $0x0, v3;
	v11 =	vadd.f32 v50, v11;
	v21 =	vadd.f32 v57, v21  }
0x4e: {  	v53 =	vnsel vm9, $0x0, v3;
	v18 =	vadd.f32 v52, v18;
	v35 =	vadd.f32 v56, v35  }
0x4f: {  	v13 =	vadd.f32 v28, v13;
	v62 =	vsel vm0, $0x3F800000, v0;
	v28 =	vsel vm14, $0x3F800000, v0  }
0x50: {  	v17 =	vadd.f32 v60, v17;
	v5 =	vadd.f32 v28, v5;
	v28 =	vnsel vm15, $0x0, v3  }
0x51: {  	v4 =	vadd.f32 v28, v4;
	v28 =	vnsel vm0, $0x0, v3;
	vm0 =	vnez.u8 v61;
	v61 =	vld [tilespmem:$0x1FFF0]  }
0x52: {  	p0 =	sne.s32 s2, $0x3C0;
	v26 =	vadd.f32 v49, v26;
	v9 =	vadd.f32 v63, v9;
	v60 =	vnsel vm6, $0x0, v3  }
.Ltmp0:
0x53: {  	v12 =	vadd.f32 v59, v12;
	v6 =	vadd.f32 v58, v6;
	v63 =	vsel vm13, $0x3F800000, v0;
	(pc) =	sbr.rel @p0 .LBB2_1-.Ltmp0, $4  }
0x54: {  	v49 =	vsel vm12, $0x3F800000, v0;
	v16 =	vadd.f32 v55, v16;
	v2 =	vadd.f32 v62, v2  }
0x55: {  	v7 =	vadd.f32 v63, v7;
	v39 =	vadd.f32 v60, v39;
	v62 =	vsel vm0, $0x3F800000, v0  }
0x56: {  	v14 =	vadd.f32 v62, v14;
	v62 =	vnsel vm7, $0x0, v3;
	vm6 =	vnez.u8 v61  }
0x57: {  	s2 =	sadd.s32 $0x40, s2;
	v52 =	vnsel vm0, $0x0, v3;
	v24 =	vadd.f32 v62, v24;
	v50 =	vnsel vm6, $0x0, v3  }
0x58: {  	[tilespmem:$0x200] =	vst v32  }
0x59: {  	[tilespmem:$0x400] =	vst v22  }
0x5a: {  	[tilespmem:$0x210] =	vst v39  }
0x5b: {  	[tilespmem:$0x410] =	vst v20  }
0x5c: {  	[tilespmem:$0x240] =	vst v35  }
0x5d: {  	[tilespmem:$0x440] =	vst v15  }
0x5e: {  	[tilespmem:$0x260] =	vst v26  }
0x5f: {  	[tilespmem:$0x460] =	vst v13  }
0x60: {  	[tilespmem:$0x270] =	vst v17  }
0x61: {  	[tilespmem:$0x4A0] =	vst v14  }
0x62: {  	[tilespmem:$0x2C0] =	vst v21  }
0x63: {  	[tilespmem:$0x4C0] =	vst v5  }
0x64: {  	[tilespmem:$0x2D0] =	vst v10  }
0x65: {  	[tilespmem:$0x2F0] =	vst v4  }
0x66: {  	[tilespmem:$0x4F0] =	vst v18  }
0x67: {  	[tilespmem:$0x300] =	vst v11  }
0x68: {  	[tilespmem:$0x500] =	vst v9  }
0x69: {  	[tilespmem:$0x310] =	vst v12  }
0x6a: {  	[tilespmem:$0x510] =	vst v8  }
0x6b: {  	[tilespmem:$0x320] =	vst v16  }
0x6c: {  	[tilespmem:$0x520] =	vst v1  }
0x6d: {  	[tilespmem:$0x530] =	vst v2  }
0x6e: {  	[tilespmem:$0x340] =	vst v6  }
0x6f: {  	v55 =	vimm.f32 $0.0e+00;
	[tilespmem:$0x540] =	vst v7  }
0x70: {  	[tilespmem:$0x350] =	vst v55  }
0x71: {  	[tilespmem:$0x360] =	vst v55  }
0x72: {  	[tilespmem:$0x370] =	vst v55  }
0x73: {  	[tilespmem:$0x380] =	vst v55  }
0x74: {  	[tilespmem:$0x390] =	vst v55  }
0x75: {  	[tilespmem:$0x3A0] =	vst v55  }
0x76: {  	[tilespmem:$0x3B0] =	vst v55  }
0x77: {  	[tilespmem:$0x3C0] =	vst v55  }
0x78: {  	[tilespmem:$0x3D0] =	vst v55  }
0x79: {  	[tilespmem:$0x3E0] =	vst v55  }
0x7a: {  	[tilespmem:$0x3F0] =	vst v55  }
0x7b: {  	[tilespmem:$0x550] =	vst v55  }
0x7c: {  	[tilespmem:$0x560] =	vst v55  }
0x7d: {  	[tilespmem:$0x570] =	vst v55  }
0x7e: {  	[tilespmem:$0x580] =	vst v55  }
0x7f: {  	[tilespmem:$0x590] =	vst v55  }
0x80: {  	[tilespmem:$0x5A0] =	vst v55  }
0x81: {  	[tilespmem:$0x5B0] =	vst v55  }
0x82: {  	[tilespmem:$0x5C0] =	vst v55  }
0x83: {  	[tilespmem:$0x5D0] =	vst v55  }
0x84: {  	[tilespmem:$0x5E0] =	vst v55  }
0x85: {  	v60 =	vadd.f32 v53, v40;
	[tilespmem:$0x5F0] =	vst v55  }
0x86: {  	v61 =	vadd.f32 v54, v41;
	[tilespmem:$0x290] =	vst v24  }
0x87: {  	v63 =	vadd.f32 v50, v47;
	[tilespmem:$0x220] =	vst v60  }
0x88: {  	v50 =	vadd.f32 v51, v33;
	[tilespmem:$0x420] =	vst v61  }
0x89: {  	v53 =	vadd.f32 v46, v34;
	[tilespmem:$0x230] =	vst v63  }
0x8a: {  	v54 =	vadd.f32 v52, v29;
	[tilespmem:$0x280] =	vst v50  }
0x8b: {  	v56 =	vadd.f32 v49, v31;
	[tilespmem:$0x490] =	vst v53  }
0x8c: {  	v57 =	vadd.f32 v38, v30;
	[tilespmem:$0x2A0] =	vst v54  }
0x8d: {  	v62 =	vsel vm6, $0x3F800000, v0;
	v59 =	vadd.f32 v45, v25;
	[tilespmem:$0x4B0] =	vst v56  }
0x8e: {  	v3 =	vnsel vm4, $0x0, v3;
	v20 =	vadd.f32 v62, v43;
	[tilespmem:$0x4D0] =	vst v57  }
0x8f: {  	v51 =	vsel vm3, $0x3F800000, v0;
	v3 =	vadd.f32 v3, v44;
	[tilespmem:$0x2E0] =	vst v59  }
0x90: {  	v15 =	vadd.f32 v51, v36;
	[tilespmem:$0x430] =	vst v20  }
0x91: {  	v58 =	vsel vm2, $0x3F800000, v0;
	v55 =	vadd.f32 v48, v27;
	[tilespmem:$0x250] =	vst v3  }
0x92: {  	v47 =	vsel vm5, $0x3F800000, v0;
	v43 =	vsel vm4, $0x3F800000, v0;
	v0 =	vadd.f32 v58, v23;
	[tilespmem:$0x480] =	vst v15  }
0x93: {  	v60 =	vadd.f32 v28, v19;
	[tilespmem:$0x2B0] =	vst v55  }
0x94: {  	s2 =	sshll.u32 s4, $0xA;
	v20 =	vadd.f32 v43, v42;
	[tilespmem:$0x4E0] =	vst v0  }
0x95: {  	s8 =	sshll.u32 s4, $0x7;
	s2 =	sand.u32 $0x2000, s2;
	v3 =	vadd.f32 v47, v37;
	[tilespmem:$0x330] =	vst v60  }
0x96: {  	s20 =	simm.s32 $0x80;
	s8 =	sand.u32 $0x380, s8;
	s2 =	sadd.s32 s2, s7;
	[tilespmem:$0x450] =	vst v20  }
0x97: {  	s9 =	simm.s32 $0x400;
	s10 =	simm.s32 $0x200;
	s2 =	sadd.s32 s8, s2;
	[tilespmem:$0x470] =	vst v3  }
0x98: {  	[spmem:s2] =	stream.strided.scatter [tilespmem:s10], [sflag:$0x2], $0x400, s9, s20, $0x38;
	[tilespmem:$0x1740] =	vst v63  }
0x99: {  	s2 =	simm.s32 $0x2  }
0x9a: {  	s11 =	sshll.u32 s4, $0x9;
	_ =	swait.ge [sflag:s2], $0x400  }
0x9b: {  	s21 =	sand.u32 $0x1C00, s11;
	s8 =	sshll.u32 s4, $0x6;
	[sflag:s2] =	ssyncset.done $0x0  }
0x9c: {  	s12 =	sand.u32 $0x40, s8;
	s9 =	sadd.s32 s21, s7;
	[sflag:s2] =	ssyncadd.s32 $0xFFFFFC00  }
0x9d: {  	s10 =	sadd.s32 s12, s9;
	s9 =	simm.s32 $0x600;
	[bflag:$0x0] =	sbarrier.arrive $0xFFFF  }
0x9e: {  	[tilespmem:s9], [sflag:$0x2] =	stream.linear.gather [spmem:s10], $0x40, $0x38;
	[tilespmem:$0x1740] =	vst v63  }
0x9f: {  	_ =	swait.ge [sflag:s2], $0x40  }
0xa0: {  	[sflag:s2] =	ssyncset.done $0x0  }
0xa1: {  	s14 =	simm.s32 $0x640;
	s13 =	sadd.s32 $0x80, s10;
	[sflag:s2] =	ssyncadd.s32 $0xFFFFFFC0  }
0xa2: {  	[tilespmem:s14], [sflag:$0x2] =	stream.linear.gather [spmem:s13], $0x40, $0x38;
	[tilespmem:$0x1740] =	vst v63  }
0xa3: {  	_ =	swait.ge [sflag:s2], $0x40  }
0xa4: {  	[sflag:s2] =	ssyncset.done $0x0  }
0xa5: {  	s23 =	simm.s32 $0x680;
	s22 =	sadd.s32 $0x100, s10;
	[sflag:s2] =	ssyncadd.s32 $0xFFFFFFC0  }
0xa6: {  	[tilespmem:s23], [sflag:$0x2] =	stream.linear.gather [spmem:s22], $0x40, $0x38;
	[tilespmem:$0x1740] =	vst v63  }
0xa7: {  	_ =	swait.ge [sflag:s2], $0x40  }
0xa8: {  	[sflag:s2] =	ssyncset.done $0x0  }
0xa9: {  	s25 =	simm.s32 $0x6C0;
	s24 =	sadd.s32 $0x180, s10;
	[sflag:s2] =	ssyncadd.s32 $0xFFFFFFC0  }
0xaa: {  	[tilespmem:s25], [sflag:$0x2] =	stream.linear.gather [spmem:s24], $0x40, $0x38;
	[tilespmem:$0x1740] =	vst v63  }
0xab: {  	s11 =	sor.u32 s11, s12;
	_ =	swait.ge [sflag:s2], $0x40  }
0xac: {  	s12 =	sor.u32 $0x200, s11;
	[sflag:s2] =	ssyncset.done $0x0  }
0xad: {  	s26 =	simm.s32 $0x700;
	s12 =	sadd.s32 s12, s7;
	[sflag:s2] =	ssyncadd.s32 $0xFFFFFFC0  }
0xae: {  	[tilespmem:s26], [sflag:$0x2] =	stream.linear.gather [spmem:s12], $0x40, $0x38;
	[tilespmem:$0x1740] =	vst v63  }
0xaf: {  	_ =	swait.ge [sflag:s2], $0x40  }
0xb0: {  	s28 =	sor.u32 $0x280, s11;
	[sflag:s2] =	ssyncset.done $0x0  }
0xb1: {  	s29 =	simm.s32 $0x740;
	s12 =	sadd.s32 s28, s7;
	[sflag:s2] =	ssyncadd.s32 $0xFFFFFFC0  }
0xb2: {  	[tilespmem:s29], [sflag:$0x2] =	stream.linear.gather [spmem:s12], $0x40, $0x38;
	[tilespmem:$0x1740] =	vst v63  }
0xb3: {  	_ =	swait.ge [sflag:s2], $0x40  }
0xb4: {  	s30 =	sor.u32 $0x300, s11;
	[sflag:s2] =	ssyncset.done $0x0  }
0xb5: {  	s31 =	simm.s32 $0x780;
	s12 =	sadd.s32 s30, s7;
	[sflag:s2] =	ssyncadd.s32 $0xFFFFFFC0  }
0xb6: {  	[tilespmem:s31], [sflag:$0x2] =	stream.linear.gather [spmem:s12], $0x40, $0x38;
	[tilespmem:$0x1740] =	vst v63  }
0xb7: {  	_ =	swait.ge [sflag:s2], $0x40  }
0xb8: {  	s11 =	sor.u32 $0x380, s11;
	[sflag:s2] =	ssyncset.done $0x0  }
0xb9: {  	s13 =	simm.s32 $0x7C0;
	s12 =	sadd.s32 s11, s7;
	[sflag:s2] =	ssyncadd.s32 $0xFFFFFFC0  }
0xba: {  	[tilespmem:s13], [sflag:$0x2] =	stream.linear.gather [spmem:s12], $0x40, $0x38;
	[tilespmem:$0x1740] =	vst v63  }
0xbb: {  	_ =	swait.ge [sflag:s2], $0x40  }
0xbc: {  	[sflag:s2] =	ssyncset.done $0x0  }
0xbd: {  	s15 =	simm.s32 $0x800;
	s14 =	sadd.s32 $0x2000, s10;
	[sflag:s2] =	ssyncadd.s32 $0xFFFFFFC0  }
0xbe: {  	[tilespmem:s15], [sflag:$0x2] =	stream.linear.gather [spmem:s14], $0x40, $0x38;
	[tilespmem:$0x1740] =	vst v63  }
0xbf: {  	_ =	swait.ge [sflag:s2], $0x40  }
0xc0: {  	[sflag:s2] =	ssyncset.done $0x0  }
0xc1: {  	s17 =	simm.s32 $0x840;
	s16 =	sadd.s32 $0x2080, s10;
	[sflag:s2] =	ssyncadd.s32 $0xFFFFFFC0  }
0xc2: {  	[tilespmem:s17], [sflag:$0x2] =	stream.linear.gather [spmem:s16], $0x40, $0x38;
	[tilespmem:$0x1740] =	vst v63  }
0xc3: {  	_ =	swait.ge [sflag:s2], $0x40  }
0xc4: {  	[sflag:s2] =	ssyncset.done $0x0  }
0xc5: {  	s19 =	simm.s32 $0x880;
	s18 =	sadd.s32 $0x2100, s10;
	[sflag:s2] =	ssyncadd.s32 $0xFFFFFFC0  }
0xc6: {  	[tilespmem:s19], [sflag:$0x2] =	stream.linear.gather [spmem:s18], $0x40, $0x38;
	[tilespmem:$0x1740] =	vst v63  }
0xc7: {  	_ =	swait.ge [sflag:s2], $0x40  }
0xc8: {  	[sflag:s2] =	ssyncset.done $0x0  }
0xc9: {  	s21 =	simm.s32 $0x8C0;
	s20 =	sadd.s32 $0x2180, s10;
	[sflag:s2] =	ssyncadd.s32 $0xFFFFFFC0  }
0xca: {  	[tilespmem:s21], [sflag:$0x2] =	stream.linear.gather [spmem:s20], $0x40, $0x38;
	[tilespmem:$0x1740] =	vst v63  }
0xcb: {  	_ =	swait.ge [sflag:s2], $0x40  }
0xcc: {  	[sflag:s2] =	ssyncset.done $0x0  }
0xcd: {  	s22 =	sadd.s32 $0x2200, s10;
	s23 =	simm.s32 $0x900;
	[sflag:s2] =	ssyncadd.s32 $0xFFFFFFC0  }
0xce: {  	[tilespmem:s23], [sflag:$0x2] =	stream.linear.gather [spmem:s22], $0x40, $0x38;
	[tilespmem:$0x1740] =	vst v63  }
0xcf: {  	_ =	swait.ge [sflag:s2], $0x40  }
0xd0: {  	[sflag:s2] =	ssyncset.done $0x0  }
0xd1: {  	s24 =	sadd.s32 $0x2280, s10;
	s25 =	simm.s32 $0x940;
	[sflag:s2] =	ssyncadd.s32 $0xFFFFFFC0  }
0xd2: {  	[tilespmem:s25], [sflag:$0x2] =	stream.linear.gather [spmem:s24], $0x40, $0x38;
	[tilespmem:$0x1740] =	vst v63  }
0xd3: {  	_ =	swait.ge [sflag:s2], $0x40  }
0xd4: {  	[sflag:s2] =	ssyncset.done $0x0  }
0xd5: {  	s26 =	sadd.s32 $0x2300, s10;
	s28 =	simm.s32 $0x980;
	[sflag:s2] =	ssyncadd.s32 $0xFFFFFFC0  }
0xd6: {  	[tilespmem:s28], [sflag:$0x2] =	stream.linear.gather [spmem:s26], $0x40, $0x38;
	[tilespmem:$0x1740] =	vst v63  }
0xd7: {  	_ =	swait.ge [sflag:s2], $0x40  }
0xd8: {  	[sflag:s2] =	ssyncset.done $0x0  }
0xd9: {  	s29 =	sadd.s32 $0x2380, s10;
	s30 =	simm.s32 $0x9C0;
	[sflag:s2] =	ssyncadd.s32 $0xFFFFFFC0  }
0xda: {  	[tilespmem:s30], [sflag:$0x2] =	stream.linear.gather [spmem:s29], $0x40, $0x38;
	[tilespmem:$0x1740] =	vst v63  }
0xdb: {  	_ =	swait.ge [sflag:s2], $0x40  }
0xdc: {  	[sflag:s2] =	ssyncset.done $0x0  }
0xdd: {  	[sflag:s2] =	ssyncadd.s32 $0xFFFFFFC0  }
0xde: {  	v61 =	vld [tilespmem:$0x600]  }
0xdf: {  	v62 =	vld [tilespmem:$0x610]  }
0xe0: {  	v2 =	vld [tilespmem:$0x620]  }
0xe1: {  	v3 =	vld [tilespmem:$0x630]  }
0xe2: {  	v63 =	vld [tilespmem:$0x640]  }
0xe3: {  	v5 =	vld [tilespmem:$0x650]  }
0xe4: {  	v6 =	vld [tilespmem:$0x660]  }
0xe5: {  	v7 =	vld [tilespmem:$0x670]  }
0xe6: {  	v8 =	vld [tilespmem:$0x680]  }
0xe7: {  	v9 =	vld [tilespmem:$0x690]  }
0xe8: {  	v10 =	vld [tilespmem:$0x6A0]  }
0xe9: {  	v11 =	vld [tilespmem:$0x6B0]  }
0xea: {  	v40 =	vld [tilespmem:$0x6C0]  }
0xeb: {  	v41 =	vld [tilespmem:$0x6D0]  }
0xec: {  	v14 =	vld [tilespmem:$0x6E0]  }
0xed: {  	v15 =	vld [tilespmem:$0x6F0]  }
0xee: {  	v42 =	vld [tilespmem:$0x700]  }
0xef: {  	v43 =	vld [tilespmem:$0x710]  }
0xf0: {  	v44 =	vld [tilespmem:$0x720]  }
0xf1: {  	v45 =	vld [tilespmem:$0x730]  }
0xf2: {  	v46 =	vld [tilespmem:$0x740]  }
0xf3: {  	v47 =	vld [tilespmem:$0x750]  }
0xf4: {  	v48 =	vld [tilespmem:$0x760]  }
0xf5: {  	v49 =	vld [tilespmem:$0x770]  }
0xf6: {  	v50 =	vld [tilespmem:$0x780]  }
0xf7: {  	v51 =	vld [tilespmem:$0x790]  }
0xf8: {  	v52 =	vld [tilespmem:$0x7A0]  }
0xf9: {  	v53 =	vld [tilespmem:$0x7B0]  }
0xfa: {  	v54 =	vld [tilespmem:$0x7C0]  }
0xfb: {  	v55 =	vld [tilespmem:$0x7D0]  }
0xfc: {  	v56 =	vld [tilespmem:$0x7E0]  }
0xfd: {  	v57 =	vld [tilespmem:$0x7F0]  }
0xfe: {  	v58 =	vld [tilespmem:$0x800]  }
0xff: {  	v59 =	vld [tilespmem:$0x810]  }
0x100: {  	v60 =	vld [tilespmem:$0x820]  }
0x101: {  	v37 =	vld [tilespmem:$0x860];
	v0 =	vadd.f32 $0.0e+00, v61  }
0x102: {  	v38 =	vld [tilespmem:$0x870];
	v1 =	vadd.f32 $0.0e+00, v62  }
0x103: {  	v39 =	vld [tilespmem:$0x880];
	v2 =	vadd.f32 $0.0e+00, v2;
	v0 =	vadd.f32 v63, v0  }
0x104: {  	v61 =	vld [tilespmem:$0x830];
	v3 =	vadd.f32 $0.0e+00, v3;
	v1 =	vadd.f32 v5, v1  }
0x105: {  	v62 =	vld [tilespmem:$0x840];
	v2 =	vadd.f32 v6, v2;
	v0 =	vadd.f32 v8, v0  }
0x106: {  	v63 =	vld [tilespmem:$0x850];
	v3 =	vadd.f32 v7, v3;
	v1 =	vadd.f32 v9, v1  }
0x107: {  	v2 =	vadd.f32 v10, v2;
	v0 =	vadd.f32 v40, v0;
	v40 =	vld [tilespmem:$0x890]  }
0x108: {  	v3 =	vadd.f32 v11, v3;
	v1 =	vadd.f32 v41, v1;
	v41 =	vld [tilespmem:$0x8A0]  }
0x109: {  	v2 =	vadd.f32 v14, v2;
	v0 =	vadd.f32 v42, v0;
	v42 =	vld [tilespmem:$0x8B0]  }
0x10a: {  	v3 =	vadd.f32 v15, v3;
	v1 =	vadd.f32 v43, v1;
	v43 =	vld [tilespmem:$0x8C0]  }
0x10b: {  	v2 =	vadd.f32 v44, v2;
	v44 =	vld [tilespmem:$0x8D0];
	v0 =	vadd.f32 v46, v0  }
0x10c: {  	v3 =	vadd.f32 v45, v3;
	v45 =	vld [tilespmem:$0x8E0];
	v1 =	vadd.f32 v47, v1  }
0x10d: {  	v2 =	vadd.f32 v48, v2;
	v46 =	vld [tilespmem:$0x8F0];
	v0 =	vadd.f32 v50, v0  }
0x10e: {  	v3 =	vadd.f32 v49, v3;
	v47 =	vld [tilespmem:$0x900];
	v1 =	vadd.f32 v51, v1  }
0x10f: {  	v48 =	vld [tilespmem:$0x910];
	v2 =	vadd.f32 v52, v2;
	v0 =	vadd.f32 v54, v0  }
0x110: {  	v49 =	vld [tilespmem:$0x920];
	v3 =	vadd.f32 v53, v3;
	v1 =	vadd.f32 v55, v1  }
0x111: {  	v50 =	vld [tilespmem:$0x930];
	v2 =	vadd.f32 v56, v2;
	v0 =	vadd.f32 v58, v0  }
0x112: {  	v51 =	vld [tilespmem:$0x940];
	v3 =	vadd.f32 v57, v3;
	v1 =	vadd.f32 v59, v1  }
0x113: {  	v52 =	vld [tilespmem:$0x950];
	v2 =	vadd.f32 v60, v2;
	v0 =	vadd.f32 v62, v0  }
0x114: {  	v53 =	vld [tilespmem:$0x960];
	v3 =	vadd.f32 v61, v3;
	v1 =	vadd.f32 v63, v1  }
0x115: {  	v54 =	vld [tilespmem:$0x970];
	v2 =	vadd.f32 v37, v2;
	v0 =	vadd.f32 v39, v0  }
0x116: {  	v55 =	vld [tilespmem:$0x980];
	v3 =	vadd.f32 v38, v3;
	v1 =	vadd.f32 v40, v1  }
0x117: {  	v56 =	vld [tilespmem:$0x990];
	v2 =	vadd.f32 v41, v2;
	v0 =	vadd.f32 v43, v0  }
0x118: {  	v57 =	vld [tilespmem:$0x9A0];
	v3 =	vadd.f32 v42, v3;
	v1 =	vadd.f32 v44, v1  }
0x119: {  	v58 =	vld [tilespmem:$0x9B0];
	v2 =	vadd.f32 v45, v2;
	v0 =	vadd.f32 v47, v0  }
0x11a: {  	v59 =	vld [tilespmem:$0x9C0];
	v3 =	vadd.f32 v46, v3;
	v1 =	vadd.f32 v48, v1  }
0x11b: {  	v60 =	vld [tilespmem:$0x9D0];
	v2 =	vadd.f32 v49, v2;
	v0 =	vadd.f32 v51, v0  }
0x11c: {  	v61 =	vld [tilespmem:$0x9E0];
	v3 =	vadd.f32 v50, v3;
	v1 =	vadd.f32 v52, v1  }
0x11d: {  	v62 =	vld [tilespmem:$0x9F0];
	v2 =	vadd.f32 v53, v2;
	v0 =	vadd.f32 v55, v0  }
0x11e: {  	v3 =	vadd.f32 v54, v3;
	v1 =	vadd.f32 v56, v1  }
0x11f: {  	v2 =	vadd.f32 v57, v2;
	v0 =	vadd.f32 v59, v0  }
0x120: {  	v3 =	vadd.f32 v58, v3;
	v1 =	vadd.f32 v60, v1  }
0x121: {  	v2 =	vadd.f32 v61, v2;
	[tilespmem:$0x600] =	vst v0  }
0x122: {  	v63 =	vadd.f32 v62, v3;
	[tilespmem:$0x610] =	vst v1  }
0x123: {  	[tilespmem:$0x620] =	vst v2  }
0x124: {  	s31 =	sadd.s32 s8, s3;
	[tilespmem:$0x630] =	vst v63  }
0x125: {  	[spmem:s31] =	stream.linear.scatter [tilespmem:s9], [sflag:$0x2], $0x40, $0x38;
	[tilespmem:$0x1740] =	vst v63  }
0x126: {  	_ =	swait.ge [sflag:s2], $0x40  }
0x127: {  	[sflag:s2] =	ssyncset.done $0x0  }
0x128: {  	[sflag:s2] =	ssyncadd.s32 $0xFFFFFFC0  }
0x129: {  	p0 =	sne.s32 s4, $0x0;
	[bflag:$0x0] =	sbarrier.arrive $0xFFFF  }
0x12a: {  	_ =	sfence.sel @p0 $0x180000  }
0x12b: {  	[bflag:$0x0] =	sbarrier.arrive @p0 $0xFFFF  }
0x12c: {  	_ =	strace @p0 $0x9000004A  }
0x12d: {  	[bflag:$0x2] =	sbarrier.arrive @p0 $0xFFFF  }
0x12e: {  	_ =	shalt @p0  }
.LBB2_3:
0x12f: {  	s4 =	simm.s32 $0x0;
	s7 =	simm.s32 $0x1200  }
0x130: {  	[tilespmem:s7], [sflag:$0x2] =	stream.linear.gather [hbm4b:s6+s4], $0x80, $0x38;
	[tilespmem:$0x1740] =	vst v63  }
0x131: {  	_ =	swait.ge [sflag:s2], $0x80  }
0x132: {  	[sflag:s2] =	ssyncset.done $0x0  }
0x133: {  	s23 =	simm.s32 $0xA00;
	[sflag:s2] =	ssyncadd.s32 $0xFFFFFF80  }
0x134: {  	[tilespmem:s23], [sflag:$0x2] =	stream.linear.gather [hbm4b:s5+s4], $0x400, $0x38;
	[tilespmem:$0x1740] =	vst v63  }
0x135: {  	_ =	swait.ge [sflag:s2], $0x400  }
0x136: {  	[sflag:s2] =	ssyncset.done $0x0  }
0x137: {  	s24 =	simm.s32 $0xE00;
	[sflag:s2] =	ssyncadd.s32 $0xFFFFFC00  }
0x138: {  	[tilespmem:s24], [sflag:$0x2] =	stream.linear.gather [spmem:s3], $0x400, $0x38;
	[tilespmem:$0x1740] =	vst v63  }
0x139: {  	_ =	swait.ge [sflag:s2], $0x400  }
0x13a: {  	[sflag:s2] =	ssyncset.done $0x0  }
0x13b: {  	[sflag:s2] =	ssyncadd.s32 $0xFFFFFC00  }
0x13c: {  	v0 =	vld [tilespmem:$0xA00]  }
0x13d: {  	v1 =	vld [tilespmem:$0xA10]  }
0x13e: {  	v2 =	vld [tilespmem:$0xA20]  }
0x13f: {  	v3 =	vld [tilespmem:$0xA30]  }
0x140: {  	v4 =	vld [tilespmem:$0xA40]  }
0x141: {  	v34 =	vld [tilespmem:$0xA50];
	(xrf2) =	vadd.scan.msk.f32 $0xffff, v0  }
0x142: {  	v35 =	vld [tilespmem:$0xA60];
	(xrf2) =	vadd.scan.msk.f32 $0xffff, v1  }
0x143: {  	v36 =	vld [tilespmem:$0xA70];
	(xrf2) =	vadd.scan.msk.f32 $0xffff, v2  }
0x144: {  	v37 =	vld [tilespmem:$0xA80];
	(xrf2) =	vadd.scan.msk.f32 $0xffff, v3  }
0x145: {  	v38 =	vld [tilespmem:$0xA90];
	(xrf2) =	vadd.scan.msk.f32 $0xffff, v4  }
0x146: {  	v39 =	vld [tilespmem:$0xAA0];
	(xrf2) =	vadd.scan.msk.f32 $0xffff, v34  }
0x147: {  	v40 =	vld [tilespmem:$0xAB0];
	(xrf2) =	vadd.scan.msk.f32 $0xffff, v35  }
0x148: {  	v41 =	vld [tilespmem:$0xAC0];
	(xrf2) =	vadd.scan.msk.f32 $0xffff, v36  }
0x149: {  	v42 =	vld [tilespmem:$0xAD0];
	(xrf2) =	vadd.scan.msk.f32 $0xffff, v37  }
0x14a: {  	v43 =	vld [tilespmem:$0xAE0];
	(xrf2) =	vadd.scan.msk.f32 $0xffff, v38  }
0x14b: {  	v44 =	vld [tilespmem:$0xAF0];
	v11, _, _ =	vpop (xrf2);
	(xrf2) =	vadd.scan.msk.f32 $0xffff, v39  }
0x14c: {  	v45 =	vld [tilespmem:$0xB00];
	v12, _, _ =	vpop (xrf2);
	(xrf2) =	vadd.scan.msk.f32 $0xffff, v40  }
0x14d: {  	v46 =	vld [tilespmem:$0xB10];
	v13, _, _ =	vpop (xrf2);
	(xrf2) =	vadd.scan.msk.f32 $0xffff, v41  }
0x14e: {  	v47 =	vld [tilespmem:$0xB20];
	v14, _, _ =	vpop (xrf2);
	(xrf2) =	vadd.scan.msk.f32 $0xffff, v42  }
0x14f: {  	v6 =	vld [tilespmem:$0xB30];
	v15, _, _ =	vpop (xrf2);
	(xrf2) =	vadd.scan.msk.f32 $0xffff, v43  }
0x150: {  	v7 =	vld [tilespmem:$0xB40];
	v16, _, _ =	vpop (xrf2);
	(xrf2) =	vadd.scan.msk.f32 $0xffff, v44  }
0x151: {  	v48 =	vld [tilespmem:$0xC00];
	v17, _, _ =	vpop (xrf2);
	(xrf2) =	vadd.scan.msk.f32 $0xffff, v45  }
0x152: {  	v8 =	vld [tilespmem:$0xC10];
	v18, _, _ =	vpop (xrf2);
	(xrf2) =	vadd.scan.msk.f32 $0xffff, v46  }
0x153: {  	v9 =	vld [tilespmem:$0xC20];
	v4, _, _ =	vpop (xrf2);
	(xrf2) =	vadd.scan.msk.f32 $0xffff, v47  }
0x154: {  	v10 =	vld [tilespmem:$0xC30];
	v5, _, _ =	vpop (xrf2);
	(xrf2) =	vadd.scan.msk.f32 $0xffff, v6  }
0x155: {  	v19 =	vld [tilespmem:$0xC40];
	v0, _, _ =	vpop (xrf2);
	(xrf2) =	vadd.scan.msk.f32 $0xffff, v7  }
0x156: {  	v20 =	vld [tilespmem:$0xC50];
	v2, _, _ =	vpop (xrf2);
	(xrf2) =	vadd.scan.msk.f32 $0xffff, v48  }
0x157: {  	v21 =	vld [tilespmem:$0xC60];
	v6, _, _ =	vpop (xrf2);
	(xrf2) =	vadd.scan.msk.f32 $0xffff, v8  }
0x158: {  	v22 =	vld [tilespmem:$0xC70];
	v3, _, _ =	vpop (xrf2);
	(xrf2) =	vadd.scan.msk.f32 $0xffff, v9  }
0x159: {  	v23 =	vld [tilespmem:$0xC80];
	v7, _, _ =	vpop (xrf2);
	(xrf2) =	vadd.scan.msk.f32 $0xffff, v10  }
0x15a: {  	v49 =	vld [tilespmem:$0xC90];
	v1, _, _ =	vpop (xrf2);
	(xrf2) =	vadd.scan.msk.f32 $0xffff, v19  }
0x15b: {  	vm8 =	vmmov $0x1;
	v50 =	vld [tilespmem:$0xCA0];
	v8, _, _ =	vpop (xrf2);
	(xrf2) =	vadd.scan.msk.f32 $0xffff, v20  }
0x15c: {  	vm14 =	vmmov $0x3;
	vm1 =	vmmov $0x7;
	v59 =	vimm.s32 $0x0;
	v51 =	vld [tilespmem:$0xCB0];
	v9, _, _ =	vpop (xrf2);
	(xrf2) =	vadd.scan.msk.f32 $0xffff, v21  }
0x15d: {  	vm10 =	vmmov $0xf;
	vm3 =	vmmov $0x1f;
	v29 =	vimm.s32 $0x0;
	v10, _, _ =	vpop (xrf2);
	(xrf2) =	vadd.scan.msk.f32 $0xffff, v22  }
0x15e: {  	vm7 =	vmmov $0x3f;
	vm0 =	vmmov $0x7f;
	v52 =	vld [tilespmem:$0xCC0];
	v24 =	vbroadcast v11, $0xF;
	v11, _, _ =	vpop (xrf2);
	(xrf2) =	vadd.scan.msk.f32 $0xffff, v23  }
0x15f: {  	vm2 =	vmmov $0x1ff;
	vm4 =	vmmov $0x7ff;
	v53 =	vld [tilespmem:$0xCD0];
	v25 =	vbroadcast v12, $0xF;
	v12, _, _ =	vpop (xrf2);
	(xrf2) =	vadd.scan.msk.f32 $0xffff, v49  }
0x160: {  	vm13 =	vmmov $0xfff;
	vm11 =	vmmov $0x1fff;
	vm12 =	vmmov $0x3fff;
	v54 =	vld [tilespmem:$0xCE0];
	v55, _, _ =	vpop (xrf2);
	(xrf2) =	vadd.scan.msk.f32 $0xffff, v50  }
0x161: {  	vm6 =	vcmask $0x314;
	vm5 =	vcmask $0x714;
	v56 =	vld [tilespmem:$0xCF0];
	v13 =	vbroadcast v13, $0xF;
	v57, _, _ =	vpop (xrf2);
	(xrf2) =	vadd.scan.msk.f32 $0xffff, v51  }
0x162: {  	vm9 =	vmmov $0x7fff;
	v58 =	vld [tilespmem:$0xD00];
	v24 =	vsel vm8, v24, v25;
	v14 =	vbroadcast v14, $0xF;
	v61, _, _ =	vpop (xrf2)  }
0x163: {  	v62 =	vld [tilespmem:$0xD10];
	v40 =	vimm.s32 $0x0;
	v13 =	vsel vm14, v24, v13;
	v15 =	vbroadcast v15, $0xF;
	(xrf2) =	vadd.scan.msk.f32 $0xffff, v52;
	v63, _, _ =	vpop (xrf2)  }
0x164: {  	v28 =	vld [tilespmem:$0xD20];
	v13 =	vsel vm1, v13, v14;
	v14 =	vsel vm1, $0xFFFFFFFF, v59;
	v60 =	vbroadcast v16, $0xF;
	(xrf2) =	vadd.scan.msk.f32 $0xffff, v53;
	v31, _, _ =	vpop (xrf2)  }
0x165: {  	v34 =	vld [tilespmem:$0xD30];
	[tilespmem:$0x1FF90] =	vst v14;
	v13 =	vsel vm10, v13, v15;
	v30 =	vbroadcast v17, $0xF;
	(xrf2) =	vadd.scan.msk.f32 $0xffff, v54;
	v33, _, _ =	vpop (xrf2)  }
0x166: {  	v37 =	vld [tilespmem:$0xD40];
	v14 =	vsel vm3, $0xFFFFFFFF, v29;
	v32 =	vbroadcast v55, $0xF;
	v24 =	vbroadcast v57, $0xF;
	(xrf2) =	vadd.scan.msk.f32 $0xffff, v56;
	v36, _, _ =	vpop (xrf2)  }
0x167: {  	v13 =	vsel vm3, v13, v60;
	[tilespmem:$0x1FFA0] =	vst v14;
	v35 =	vbroadcast v61, $0xF;
	(xrf2) =	vadd.scan.msk.f32 $0xffff, v58;
	v38, _, _ =	vpop (xrf2)  }
0x168: {  	v18 =	vbroadcast v18, $0xF;
	v19 =	vsel vm8, v32, v24;
	v15 =	vbroadcast v63, $0xF;
	(xrf2) =	vadd.scan.msk.f32 $0xffff, v62;
	v39, _, _ =	vpop (xrf2)  }
0x169: {  	v13 =	vsel vm7, v13, v30;
	v14 =	vsel vm14, v19, v35;
	v17 =	vbroadcast v31, $0xF;
	(xrf2) =	vadd.scan.msk.f32 $0xffff, v28;
	v42, _, _ =	vpop (xrf2)  }
0x16a: {  	v13 =	vsel vm0, v13, v18;
	v14 =	vsel vm1, v14, v15;
	v41 =	vbroadcast v33, $0xF;
	v43, _, _ =	vpop (xrf2);
	(xrf2) =	vadd.scan.msk.f32 $0xffff, v34  }
0x16b: {  	v18 =	vsel vm0, $0xFFFFFFFF, v40;
	v14 =	vsel vm10, v14, v17;
	v16 =	vbroadcast v36, $0xF;
	v45, _, _ =	vpop (xrf2);
	(xrf2) =	vadd.scan.msk.f32 $0xffff, v37  }
0x16c: {  	v52 =	vimm.s32 $0x0;
	v14 =	vsel vm3, v14, v41;
	v44 =	vbroadcast v38, $0xF  }
0x16d: {  	v57 =	vimm.s32 $0x0;
	v14 =	vsel vm7, v14, v16;
	v46 =	vbroadcast v39, $0xF;
	v47, _, _ =	vpop (xrf2)  }
0x16e: {  	vm1 =	vmmov $0xff;
	v14 =	vsel vm0, v14, v44;
	v48 =	vbroadcast v42, $0xF;
	v49, _, _ =	vpop (xrf2)  }
0x16f: {  	v15 =	vsel vm2, $0xFFFFFFFF, v52;
	v14 =	vsel vm1, v14, v46;
	v50 =	vbroadcast v43, $0xF;
	v51, _, _ =	vpop (xrf2)  }
0x170: {  	vm3 =	vmmov $0x3ff;
	v14 =	vsel vm2, v14, v48;
	v53 =	vbroadcast v45, $0xF;
	v54, _, _ =	vpop (xrf2)  }
0x171: {  	[tilespmem:$0x1FFC0] =	vst v15;
	v15 =	vsel vm4, $0xFFFFFFFF, v57;
	v14 =	vsel vm3, v14, v50;
	v55 =	vbroadcast v47, $0xF;
	v56, _, _ =	vpop (xrf2)  }
0x172: {  	vm0 =	vcmask $0xB14;
	v14 =	vsel vm4, v14, v53;
	v58 =	vbroadcast v56, $0xF;
	v59, _, _ =	vpop (xrf2)  }
0x173: {  	v60 =	vbroadcast v49, $0xF;
	v14 =	vsel vm13, v14, v55;
	v61 =	vbroadcast v59, $0xF;
	v62, _, _ =	vpop (xrf2)  }
0x174: {  	[tilespmem:$0x1FFD0] =	vst v15;
	v17 =	vbroadcast v51, $0xF;
	v15 =	vnsel vm8, $0x0, v58;
	v19 =	vbroadcast v62, $0xF;
	v63, _, _ =	vpop (xrf2)  }
0x175: {  	v14 =	vsel vm11, v14, v60;
	v15 =	vsel vm6, v15, v61;
	v16 =	vbroadcast v63, $0xF;
	v21, _, _ =	vpop (xrf2)  }
0x176: {  	v14 =	vsel vm12, v14, v17;
	v15 =	vsel vm5, v15, v19;
	v17 =	vbroadcast v21, $0xF  }
0x177: {  	vm15 =	vcmask $0xF14;
	v14 =	vsel vm9, v14, v54;
	v15 =	vsel vm0, v15, v16  }
0x178: {  	v22 =	vmax.f32 v14, $1.000000000e+00;
	v15 =	vsel vm15, v15, v17  }
0x179: {  	v4 =	vbroadcast v4, $0xF;
	(erf) = vrcp.f32 v22;
	v23 =	vmax.f32 v15, $1.000000000e+00  }
0x17a: {  	v5 =	vbroadcast v5, $0xF;
	(erf) = vrcp.f32 v23  }
0x17b: {  	v0 =	vbroadcast v0, $0xF;
	v4 =	vsel vm1, v13, v4  }
0x17c: {  	v2 =	vbroadcast v2, $0xF;
	v3 =	vbroadcast v3, $0xF;
	v4 =	vsel vm2, v4, v5  }
0x17d: {  	v25 =	vbroadcast v8, $0xF;
	v24 =	vbroadcast v6, $0xF;
	v0 =	vsel vm3, v4, v0  }
0x17e: {  	v27 =	vbroadcast v7, $0xF;
	v26 =	vbroadcast v9, $0xF;
	v0 =	vsel vm4, v0, v2  }
0x17f: {  	v28 =	vbroadcast v10, $0xF;
	v2 =	vnsel vm8, $0x0, v25;
	v0 =	vsel vm13, v0, v24  }
0x180: {  	v29 =	vbroadcast v11, $0xF;
	v2 =	vsel vm6, v2, v26;
	v0 =	vsel vm11, v0, v3  }
0x181: {  	v31 =	vbroadcast v12, $0xF;
	v2 =	vsel vm5, v2, v28;
	v30 =	vsel vm12, v0, v27;
	v0 =	vld [tilespmem:$0x1200]  }
0x182: {  	v2 =	vsel vm0, v2, v29;
	v4 =	vsel vm9, v30, v1;
	v1 =	vld [tilespmem:$0x1210];
	v32 =	vpop (erf)  }
0x183: {  	v40 =	vld [tilespmem:$0xE60];
	v2 =	vsel vm15, v2, v31;
	v3 =	vmul.f32 v32, v4;
	v33 =	vpop (erf)  }
0x184: {  	v35 =	vld [tilespmem:$0xE10];
	vm4 =	vmmov vm6;
	vm2 =	vgt.f32 v14, $0.0e+00;
	v2 =	vmul.f32 v33, v2  }
0x185: {  	v34 =	vld [tilespmem:$0xE00];
	vm6 =	vmmov vm5;
	vm5 =	vgt.f32 v15, $0.0e+00;
	v3 =	vnsel vm2, $0x0, v3  }
0x186: {  	v52 =	vld [tilespmem:$0xF00];
	v3 =	vmul.f32 v3, v0;
	v2 =	vnsel vm5, $0x0, v2  }
0x187: {  	v36 =	vld [tilespmem:$0xE20];
	v2 =	vmul.f32 v2, v1  }
0x188: {  	v37 =	vld [tilespmem:$0xE30];
	(xrf2) =	vadd.scan.msk.f32 $0xffff, v3  }
0x189: {  	v38 =	vld [tilespmem:$0xE40];
	(xrf2) =	vadd.scan.msk.f32 $0xffff, v2  }
0x18a: {  	v39 =	vld [tilespmem:$0xE50];
	(xrf2) =	vadd.scan.msk.f32 $0xffff, v34  }
0x18b: {  	v41 =	vld [tilespmem:$0xE70];
	(xrf2) =	vadd.scan.msk.f32 $0xffff, v35  }
0x18c: {  	v42 =	vld [tilespmem:$0xE80];
	(xrf2) =	vadd.scan.msk.f32 $0xffff, v36  }
0x18d: {  	v44 =	vld [tilespmem:$0xEA0];
	(xrf2) =	vadd.scan.msk.f32 $0xffff, v37  }
0x18e: {  	v43 =	vld [tilespmem:$0xE90];
	(xrf2) =	vadd.scan.msk.f32 $0xffff, v38  }
0x18f: {  	v46 =	vld [tilespmem:$0xEC0];
	(xrf2) =	vadd.scan.msk.f32 $0xffff, v39  }
0x190: {  	v45 =	vld [tilespmem:$0xEB0];
	(xrf2) =	vadd.scan.msk.f32 $0xffff, v40  }
0x191: {  	v48 =	vld [tilespmem:$0xEE0];
	(xrf2) =	vadd.scan.msk.f32 $0xffff, v41  }
0x192: {  	v47 =	vld [tilespmem:$0xED0];
	v2, _, _ =	vpop (xrf2);
	(xrf2) =	vadd.scan.msk.f32 $0xffff, v42  }
0x193: {  	v28 =	vld [tilespmem:$0x1040];
	v3, _, _ =	vpop (xrf2);
	(xrf2) =	vadd.scan.msk.f32 $0xffff, v43  }
0x194: {  	v50 =	vld [tilespmem:$0xEF0];
	v49, _, _ =	vpop (xrf2);
	(xrf2) =	vadd.scan.msk.f32 $0xffff, v44  }
0x195: {  	v29 =	vld [tilespmem:$0x1050];
	v51, _, _ =	vpop (xrf2);
	(xrf2) =	vadd.scan.msk.f32 $0xffff, v45  }
0x196: {  	v54 =	vld [tilespmem:$0xF10];
	v53, _, _ =	vpop (xrf2);
	(xrf2) =	vadd.scan.msk.f32 $0xffff, v46  }
0x197: {  	v56 =	vld [tilespmem:$0xF20];
	v55, _, _ =	vpop (xrf2);
	(xrf2) =	vadd.scan.msk.f32 $0xffff, v47  }
0x198: {  	v58 =	vld [tilespmem:$0xF30];
	v57, _, _ =	vpop (xrf2);
	(xrf2) =	vadd.scan.msk.f32 $0xffff, v48  }
0x199: {  	[tilespmem:$0x1FFB0] =	vst v18;
	v59 =	vld [tilespmem:$0xF40];
	v18, _, _ =	vpop (xrf2);
	(xrf2) =	vadd.scan.msk.f32 $0xffff, v50  }
0x19a: {  	v60 =	vld [tilespmem:$0x1000];
	v19, _, _ =	vpop (xrf2);
	(xrf2) =	vadd.scan.msk.f32 $0xffff, v52  }
0x19b: {  	v61 =	vld [tilespmem:$0x1010];
	v9, _, _ =	vpop (xrf2);
	(xrf2) =	vadd.scan.msk.f32 $0xffff, v54  }
0x19c: {  	v62 =	vld [tilespmem:$0x1020];
	v5, _, _ =	vpop (xrf2);
	(xrf2) =	vadd.scan.msk.f32 $0xffff, v56  }
0x19d: {  	v63 =	vld [tilespmem:$0x1030];
	v7, _, _ =	vpop (xrf2);
	(xrf2) =	vadd.scan.msk.f32 $0xffff, v58  }
0x19e: {  	v30 =	vld [tilespmem:$0x1060];
	v6, _, _ =	vpop (xrf2);
	(xrf2) =	vadd.scan.msk.f32 $0xffff, v59  }
0x19f: {  	v31 =	vld [tilespmem:$0x1070];
	v8, _, _ =	vpop (xrf2);
	(xrf2) =	vadd.scan.msk.f32 $0xffff, v60  }
0x1a0: {  	v32 =	vld [tilespmem:$0x1080];
	v10, _, _ =	vpop (xrf2);
	(xrf2) =	vadd.scan.msk.f32 $0xffff, v61  }
0x1a1: {  	v33 =	vld [tilespmem:$0x1090];
	v11, _, _ =	vpop (xrf2);
	(xrf2) =	vadd.scan.msk.f32 $0xffff, v62  }
0x1a2: {  	v34 =	vld [tilespmem:$0x10A0];
	v12, _, _ =	vpop (xrf2);
	(xrf2) =	vadd.scan.msk.f32 $0xffff, v63  }
0x1a3: {  	v35 =	vld [tilespmem:$0x10B0];
	v4, _, _ =	vpop (xrf2);
	(xrf2) =	vadd.scan.msk.f32 $0xffff, v28  }
0x1a4: {  	v36 =	vld [tilespmem:$0x10C0];
	v25, _, _ =	vpop (xrf2);
	(xrf2) =	vadd.scan.msk.f32 $0xffff, v29  }
0x1a5: {  	v37 =	vld [tilespmem:$0x10D0];
	v26, _, _ =	vpop (xrf2);
	(xrf2) =	vadd.scan.msk.f32 $0xffff, v30  }
0x1a6: {  	v38 =	vld [tilespmem:$0x10E0];
	v27, _, _ =	vpop (xrf2);
	(xrf2) =	vadd.scan.msk.f32 $0xffff, v31  }
0x1a7: {  	v39 =	vld [tilespmem:$0x10F0];
	v28, _, _ =	vpop (xrf2);
	(xrf2) =	vadd.scan.msk.f32 $0xffff, v32  }
0x1a8: {  	v40 =	vld [tilespmem:$0x1100];
	v29, _, _ =	vpop (xrf2);
	(xrf2) =	vadd.scan.msk.f32 $0xffff, v33  }
0x1a9: {  	v14 =	vbroadcast v51, $0xF;
	v51 =	vld [tilespmem:$0x1FF90];
	v30, _, _ =	vpop (xrf2);
	(xrf2) =	vadd.scan.msk.f32 $0xffff, v34  }
0x1aa: {  	v41 =	vld [tilespmem:$0x1110];
	v13 =	vbroadcast v49, $0xF;
	v31, _, _ =	vpop (xrf2);
	(xrf2) =	vadd.scan.msk.f32 $0xffff, v35  }
0x1ab: {  	v42 =	vld [tilespmem:$0x1120];
	v15 =	vbroadcast v53, $0xF;
	v32, _, _ =	vpop (xrf2);
	(xrf2) =	vadd.scan.msk.f32 $0xffff, v36  }
0x1ac: {  	v43 =	vld [tilespmem:$0x1130];
	v13 =	vsel vm8, v13, v14;
	v33, _, _ =	vpop (xrf2);
	(xrf2) =	vadd.scan.msk.f32 $0xffff, v37  }
0x1ad: {  	v44 =	vld [tilespmem:$0x1140];
	v16 =	vbroadcast v55, $0xF;
	v13 =	vsel vm14, v13, v15;
	v17 =	vbroadcast v57, $0xF;
	v34, _, _ =	vpop (xrf2);
	(xrf2) =	vadd.scan.msk.f32 $0xffff, v38  }
0x1ae: {  	v57 =	vld [tilespmem:$0x1FFA0];
	vm15 =	vnez.u8 v51;
	v30 =	vbroadcast v30, $0xF;
	v31 =	vbroadcast v31, $0xF;
	v35, _, _ =	vpop (xrf2);
	(xrf2) =	vadd.scan.msk.f32 $0xffff, v39  }
0x1af: {  	v18 =	vbroadcast v18, $0xF;
	v13 =	vsel vm15, v13, v16;
	v45 =	vbroadcast v32, $0xF;
	v36, _, _ =	vpop (xrf2);
	(xrf2) =	vadd.scan.msk.f32 $0xffff, v40  }
0x1b0: {  	v9 =	vbroadcast v9, $0xF;
	v61 =	vld [tilespmem:$0x1FFB0];
	v46 =	vsel vm8, v30, v31;
	v48 =	vbroadcast v33, $0xF;
	v47, _, _ =	vpop (xrf2);
	(xrf2) =	vadd.scan.msk.f32 $0xffff, v41  }
0x1b1: {  	v13 =	vsel vm10, v13, v17;
	v14 =	vsel vm14, v46, v45;
	v50 =	vbroadcast v34, $0xF;
	v49, _, _ =	vpop (xrf2);
	(xrf2) =	vadd.scan.msk.f32 $0xffff, v42  }
0x1b2: {  	v5 =	vbroadcast v5, $0xF;
	v31 =	vld [tilespmem:$0x1FFC0];
	v14 =	vsel vm15, v14, v48;
	v53 =	vbroadcast v35, $0xF;
	v52, _, _ =	vpop (xrf2);
	(xrf2) =	vadd.scan.msk.f32 $0xffff, v43  }
0x1b3: {  	vm5 =	vnez.u8 v57;
	v14 =	vsel vm10, v14, v50;
	v55 =	vbroadcast v36, $0xF;
	v54, _, _ =	vpop (xrf2);
	(xrf2) =	vadd.scan.msk.f32 $0xffff, v44  }
0x1b4: {  	v13 =	vsel vm5, v13, v18;
	v34 =	vld [tilespmem:$0x1FFD0];
	v14 =	vsel vm5, v14, v53;
	v58 =	vbroadcast v47, $0xF;
	v56, _, _ =	vpop (xrf2)  }
0x1b5: {  	vm0 =	vnez.u8 v61;
	v14 =	vsel vm7, v14, v55;
	v15 =	vbroadcast v49, $0xF;
	v59, _, _ =	vpop (xrf2)  }
0x1b6: {  	v63 =	vbroadcast v19, $0xF;
	v14 =	vsel vm0, v14, v58;
	v20 =	vbroadcast v52, $0xF;
	v60, _, _ =	vpop (xrf2)  }
0x1b7: {  	vm2 =	vnez.u8 v31;
	v14 =	vsel vm1, v14, v15;
	v24 =	vbroadcast v54, $0xF;
	v62, _, _ =	vpop (xrf2)  }
0x1b8: {  	vm14 =	vcmask $0xB14;
	v14 =	vsel vm2, v14, v20;
	v16 =	vbroadcast v56, $0xF;
	v30, _, _ =	vpop (xrf2)  }
0x1b9: {  	vm5 =	vnez.u8 v34;
	v14 =	vsel vm3, v14, v24;
	v17 =	vbroadcast v59, $0xF;
	v32, _, _ =	vpop (xrf2)  }
0x1ba: {  	v14 =	vsel vm5, v14, v16;
	v35 =	vbroadcast v60, $0xF;
	v33, _, _ =	vpop (xrf2);
	v15 =	vbroadcast v32, $0xF  }
0x1bb: {  	v14 =	vsel vm13, v14, v17;
	v37 =	vbroadcast v62, $0xF;
	v36, _, _ =	vpop (xrf2);
	v19 =	vbroadcast v33, $0xF  }
0x1bc: {  	v14 =	vsel vm11, v14, v35;
	v15 =	vnsel vm8, $0x0, v15;
	v38 =	vbroadcast v36, $0xF;
	v39, _, _ =	vpop (xrf2)  }
0x1bd: {  	v14 =	vsel vm12, v14, v37;
	v15 =	vsel vm4, v15, v19;
	v40 =	vbroadcast v39, $0xF;
	v41, _, _ =	vpop (xrf2)  }
0x1be: {  	v14 =	vsel vm9, v14, v30;
	v15 =	vsel vm6, v15, v38;
	v42 =	vbroadcast v41, $0xF  }
0x1bf: {  	vm15 =	vcmask $0xF14;
	v43 =	vmax.f32 v14, $1.000000000e+00;
	v15 =	vsel vm14, v15, v40  }
0x1c0: {  	v13 =	vsel vm7, v13, v63;
	(erf) = vrcp.f32 v43;
	v15 =	vsel vm15, v15, v42  }
0x1c1: {  	v7 =	vbroadcast v7, $0xF;
	v9 =	vsel vm0, v13, v9;
	v44 =	vmax.f32 v15, $1.000000000e+00  }
0x1c2: {  	v6 =	vbroadcast v6, $0xF;
	v5 =	vsel vm1, v9, v5;
	(erf) = vrcp.f32 v44  }
0x1c3: {  	v45 =	vbroadcast v8, $0xF;
	v5 =	vsel vm2, v5, v7  }
0x1c4: {  	v46 =	vbroadcast v10, $0xF;
	v5 =	vsel vm3, v5, v6  }
0x1c5: {  	v48 =	vbroadcast v25, $0xF;
	v47 =	vbroadcast v11, $0xF;
	v5 =	vsel vm5, v5, v45  }
0x1c6: {  	v50 =	vbroadcast v26, $0xF;
	v49 =	vbroadcast v12, $0xF;
	v5 =	vsel vm13, v5, v46  }
0x1c7: {  	v51 =	vnsel vm8, $0x0, v48;
	v52 =	vbroadcast v27, $0xF;
	v5 =	vsel vm11, v5, v47  }
0x1c8: {  	v53 =	vsel vm4, v51, v50;
	v54 =	vbroadcast v28, $0xF;
	v5 =	vsel vm12, v5, v49  }
0x1c9: {  	v57 =	vbroadcast v29, $0xF;
	v55 =	vsel vm6, v53, v52;
	v4 =	vsel vm9, v5, v4;
	v56 =	vpop (erf)  }
0x1ca: {  	v5 =	vsel vm14, v55, v54;
	v4 =	vmul.f32 v56, v4  }
0x1cb: {  	v5 =	vsel vm15, v5, v57;
	vm14 =	vgt.f32 v14, $0.0e+00;
	v58 =	vpop (erf)  }
0x1cc: {  	v4 =	vnsel vm14, $0x0, v4;
	v5 =	vmul.f32 v58, v5  }
0x1cd: {  	vm15 =	vgt.f32 v15, $0.0e+00;
	v0 =	vmul.f32 v4, v0  }
0x1ce: {  	v59 =	vnsel vm15, $0x0, v5  }
0x1cf: {  	(xrf2) =	vadd.scan.msk.f32 $0xffff, v0;
	v60 =	vmul.f32 v59, v1;
	_ =	sdelay $0x1  }
0x1d0: {  	(xrf2) =	vadd.scan.msk.f32 $0xffff, v60;
	_ =	sdelay $0x6  }
0x1d1: {  	(v2sf) =	vpush v2, $0xF  }
0x1d2: {  	(v2sf) =	vpush v3, $0xF;
	v61, _, _ =	vpop (xrf2)  }
0x1d3: {  	(v2sf) =	vpush v61, $0xF  }
0x1d4: {  	v62, _, _ =	vpop (xrf2)  }
0x1d5: {  	(v2sf) =	vpush v62, $0xF;
	_ =	sdelay $0xa  }
0x1d6: {  	s25 =	spop (v2sf)  }
0x1d7: {  	s26 =	spop (v2sf)  }
0x1d8: {  	s28 =	spop (v2sf)  }
0x1d9: {  	s6 =	sadd.f32 $0.0e+00, s28  }
0x1da: {  	s3 =	sadd.f32 $0.0e+00, s25;
	s29 =	spop (v2sf)  }
0x1db: {  	s6 =	sadd.f32 s29, s6  }
0x1dc: {  	s3 =	sadd.f32 s26, s3  }
0x1dd: {  	s30 =	sadd.f32 s6, s6;
	_ =	sdelay $0x1  }
0x1de: {  	s3 =	sadd.f32 s30, s3;
	_ =	sdelay $0x1  }
0x1df: {  	v63 =	vmov s3  }
0x1e0: {  	s31 =	simm.s32 $0x1280;
	[tilespmem:$0x1280] =	vst v63  }
0x1e1: {  	[hbm4b:s1+s4] =	stream.linear.scatter [tilespmem:s31], [sflag:$0x2], $0x80, $0x38;
	[tilespmem:$0x1740] =	vst v63  }
0x1e2: {  	_ =	swait.ge [sflag:s2], $0x80  }
0x1e3: {  	[sflag:s2] =	ssyncset.done $0x0  }
0x1e4: {  	[sflag:s2] =	ssyncadd.s32 $0xFFFFFF80  }
0x1e5: {  	_ =	sfence.sel $0x180000  }
0x1e6: {  	[bflag:$0x0] =	sbarrier.arrive $0xFFFF  }
0x1e7: {  	_ =	strace $0x9000004A  }
0x1e8: {  	s0 =	sadd.s32 $0x100000, s0;
	[bflag:$0x2] =	sbarrier.arrive $0xFFFF  }
0x1e9: {  	[sflag:s0] =	ssyncadd.tile.s32 $0x1;
	_ =	shalt  }
.Lfunc_end2:
_tile_overlayer_lowered:
.L_overlay_start_2:
0x1ea: {  	(tag) =	ssettag $0x2  }
0x1eb: {  	s0 =	rddreg [dreg:$0x0];
	s2 =	stileid.u32  }
0x1ec: {  	s1 =	rddreg [dreg:$0x1];
	p0 =	sne.s32 s2, $0x0  }
0x1ed: {  	s3 =	rddreg [dreg:$0x2];
	[bflag:$0x3] =	sbarrier.arrive $0xFFFF;
	s2 =	simm.s32 @!p0 $0x1C02  }
0x1ee: {  	[timem:s3], [sflag:s2] =	dma.local @!p0 [hbm:s0], s1  }
0x1ef: {  	s0 =	simm.s32 @!p0 $0x2  }
0x1f0: {  	_ =	swait.ge @!p0 [sflag:s0], s1  }
0x1f1: {  	s1 =	ssub.s32 @!p0 $0x0, s1;
	[sflag:s0] =	ssyncset.done @!p0 $0x0  }
0x1f2: {  	[sflag:s0] =	ssyncadd.s32 @!p0 s1  }
0x1f3: {  	[bflag:$0x3] =	sbarrier.arrive $0xFFFF  }
0x1f4: {  	_ =	shalt  }

</sc_bundles>
